<compile_context>
chip_gen: v7x
topology: tpu7x:2x2x1
jax: 0.10.2.dev20260603
libtpu: 0.0.44.dev20260713+nightly
codegen_flags: <defaults>
</compile_context>

<pallas_src>
import functools

import jax
import jax.numpy as jnp
from jax import lax
from jax.experimental import pallas as pl
from jax.experimental.pallas import tpu as pltpu
from jax.experimental.pallas import tpu_sc as plsc

NUM_ENTS = 10000
H = 128
N_EDGES = 320000
NR2 = 400

NC = 2
NS = 16
NW = NC * NS
CH = 80
EPW = N_EDGES // NW
NCHUNK = EPW // CH
BI = 10

AGGN = 10240
AGG_PT = AGGN // NS
RELN = 512
REL_PT = RELN // NS
CNTN = 10400

_RRELU_SLOPE = (1.0 / 8.0 + 1.0 / 3.0) / 2.0

_MESH = plsc.VectorSubcoreMesh(
    core_axis_name="c", subcore_axis_name="s", num_cores=NC, num_subcores=NS)


def _zero_vmem_f32(ref, nrows, ncols):
    z = jnp.zeros((16,), jnp.float32)

    @pl.loop(0, nrows * (ncols // 16))
    def _(t):
        i = t // (ncols // 16)
        k = (t % (ncols // 16)) * 16
        ref[i, pl.ds(k, 16)] = z


@functools.partial(
    pl.kernel,
    out_type=(
        jax.ShapeDtypeStruct((NC, AGGN, H), jnp.float32),
        jax.ShapeDtypeStruct((NC, RELN, H), jnp.float32),
        jax.ShapeDtypeStruct((NC, NS, CNTN), jnp.float32),
    ),
    mesh=_MESH,
    compiler_params=pltpu.CompilerParams(use_tc_tiling_on_sc=False, needs_layout_passes=False),
    scratch_types=[
        pltpu.VMEM((BI, CH), jnp.int32),
        pltpu.VMEM((BI, CH), jnp.int32),
        pltpu.VMEM((BI, CH), jnp.int32),
        pltpu.VMEM((CH, H), jnp.float32),
        pltpu.VMEM((CH, H), jnp.float32),
        pltpu.VMEM((CH, H), jnp.float32),
        pltpu.VMEM((CNTN,), jnp.float32),
        pltpu.VMEM_SHARED((AGGN, H), jnp.float32),
        pltpu.VMEM_SHARED((RELN, H), jnp.float32),
        pltpu.SemaphoreType.DMA,
        pltpu.SemaphoreType.DMA,
        pltpu.SemaphoreType.DMA,
        pltpu.SemaphoreType.DMA,
        pltpu.SemaphoreType.DMA,
        pltpu.SemaphoreType.DMA,
    ],
)
def _stage_a(h_hbm, src_hbm, dst_hbm, et_hbm,
             agg_out, rel_out, cnt_out,
             idx_src, idx_dst, idx_et, rows, rows1, rows2, cnt_v,
             agg_sh, rel_sh, sem_g0, sem_g1, sem_g2,
             sem_s0, sem_s1, sem_s2):
    c = lax.axis_index("c")
    s = lax.axis_index("s")
    wid = s * NC + c

    _zero_vmem_f32(rows, CH, H)
    for j in range(AGG_PT // CH):
        pltpu.sync_copy(rows, agg_sh.at[pl.ds(s * AGG_PT + j * CH, CH), :])
    pltpu.sync_copy(rows.at[pl.ds(0, REL_PT), :],
                    rel_sh.at[pl.ds(s * REL_PT, REL_PT), :])

    z = jnp.zeros((16,), jnp.float32)

    @pl.loop(0, CNTN // 16)
    def _(t):
        cnt_v[pl.ds(t * 16, 16)] = z

    plsc.subcore_barrier()

    ones16 = jnp.full((16,), 1.0, jnp.float32)

    def _count(buf_row):
        for v in range(CH // 16):
            d = idx_dst[buf_row, pl.ds(v * 16, 16)]
            plsc.addupdate_scatter(cnt_v, [d], ones16)
            e = idx_et[buf_row, pl.ds(v * 16, 16)] + NUM_ENTS
            plsc.addupdate_scatter(cnt_v, [e], ones16)

    rbufs = (rows, rows1, rows2)
    gsems = (sem_g0, sem_g1, sem_g2)
    ssems = (sem_s0, sem_s1, sem_s2)

    def _batch(nch):
        gath, scat = {}, {}
        for k in range(nch + 2):
            if k < nch:
                b = k % 3
                for p in scat.pop(b, ()):
                    p.wait()
                gath[b] = pltpu.async_copy(h_hbm.at[idx_src.at[k]],
                                           rbufs[b], gsems[b])
            if k >= 2:
                j = k - 2
                b = j % 3
                gath.pop(b).wait()
                scat[b] = (
                    pltpu.async_copy(rbufs[b], agg_sh.at[idx_dst.at[j]],
                                     ssems[b], add=True),
                    pltpu.async_copy(rbufs[b], rel_sh.at[idx_et.at[j]],
                                     ssems[b], add=True),
                )
                _count(j)
        for b in scat:
            for p in scat[b]:
                p.wait()

    @pl.loop(0, NCHUNK // BI)
    def _(o):
        j0 = o * BI
        pltpu.sync_copy(src_hbm.at[wid, pl.ds(j0, BI), :], idx_src)
        pltpu.sync_copy(dst_hbm.at[wid, pl.ds(j0, BI), :], idx_dst)
        pltpu.sync_copy(et_hbm.at[wid, pl.ds(j0, BI), :], idx_et)
        _batch(BI)

    jt = (NCHUNK // BI) * BI
    pltpu.sync_copy(src_hbm.at[wid, pl.ds(jt, NCHUNK - jt), :],
                    idx_src.at[pl.ds(0, NCHUNK - jt)])
    pltpu.sync_copy(dst_hbm.at[wid, pl.ds(jt, NCHUNK - jt), :],
                    idx_dst.at[pl.ds(0, NCHUNK - jt)])
    pltpu.sync_copy(et_hbm.at[wid, pl.ds(jt, NCHUNK - jt), :],
                    idx_et.at[pl.ds(0, NCHUNK - jt)])
    _batch(NCHUNK - jt)

    plsc.subcore_barrier()
    pltpu.sync_copy(agg_sh.at[pl.ds(s * AGG_PT, AGG_PT), :],
                    agg_out.at[c, pl.ds(s * AGG_PT, AGG_PT), :])
    pltpu.sync_copy(rel_sh.at[pl.ds(s * REL_PT, REL_PT), :],
                    rel_out.at[c, pl.ds(s * REL_PT, REL_PT), :])
    pltpu.sync_copy(cnt_v, cnt_out.at[c, s, :])


@functools.partial(
    pl.kernel,
    out_type=jax.ShapeDtypeStruct((NC, AGGN, H), jnp.float32),
    mesh=_MESH,
    compiler_params=pltpu.CompilerParams(use_tc_tiling_on_sc=False, needs_layout_passes=False),
    scratch_types=[
        pltpu.VMEM((BI, CH), jnp.int32),
        pltpu.VMEM((BI, CH), jnp.int32),
        pltpu.VMEM((CH, H), jnp.float32),
        pltpu.VMEM((CH, H), jnp.float32),
        pltpu.VMEM((CH, H), jnp.float32),
        pltpu.VMEM((CH, H), jnp.float32),
        pltpu.VMEM_SHARED((AGGN, H), jnp.float32),
        pltpu.VMEM_SHARED((NR2, H), jnp.float32),
        pltpu.SemaphoreType.DMA,
        pltpu.SemaphoreType.DMA,
        pltpu.SemaphoreType.DMA,
        pltpu.SemaphoreType.DMA,
        pltpu.SemaphoreType.DMA,
        pltpu.SemaphoreType.DMA,
        pltpu.SemaphoreType.DMA,
        pltpu.SemaphoreType.DMA,
    ],
)
def _stage_c(rel_hbm, dst_hbm, et_hbm, agg1_hbm, agg_out,
             idx_dst, idx_et, rows, rows1, rows2, rows3, agg_sh, rel_sh,
             sem_g0, sem_g1, sem_g2, sem_g3, sem_s0, sem_s1, sem_s2, sem_s3):
    c = lax.axis_index("c")
    s = lax.axis_index("s")
    wid = s * NC + c

    pltpu.sync_copy(agg1_hbm.at[c, pl.ds(s * AGG_PT, AGG_PT), :],
                    agg_sh.at[pl.ds(s * AGG_PT, AGG_PT), :])
    nrel_pt = NR2 // NS
    pltpu.sync_copy(rel_hbm.at[pl.ds(s * nrel_pt, nrel_pt), :],
                    rel_sh.at[pl.ds(s * nrel_pt, nrel_pt), :])
    plsc.subcore_barrier()

    rbufs = (rows, rows1, rows2, rows3)
    gsems = (sem_g0, sem_g1, sem_g2, sem_g3)
    ssems = (sem_s0, sem_s1, sem_s2, sem_s3)

    def _batch(nch):
        gath, scat = {}, {}
        for k in range(nch + 2):
            if k < nch:
                b = k % 4
                if b in scat:
                    scat.pop(b).wait()
                gath[b] = pltpu.async_copy(rel_sh.at[idx_et.at[k]],
                                           rbufs[b], gsems[b])
            if k >= 2:
                j = k - 2
                b = j % 4
                gath.pop(b).wait()
                scat[b] = pltpu.async_copy(rbufs[b], agg_sh.at[idx_dst.at[j]],
                                           ssems[b], add=True)
        for b in scat:
            scat[b].wait()

    @pl.loop(0, NCHUNK // BI)
    def _(o):
        j0 = o * BI
        pltpu.sync_copy(dst_hbm.at[wid, pl.ds(j0, BI), :], idx_dst)
        pltpu.sync_copy(et_hbm.at[wid, pl.ds(j0, BI), :], idx_et)
        _batch(BI)

    jt = (NCHUNK // BI) * BI
    pltpu.sync_copy(dst_hbm.at[wid, pl.ds(jt, NCHUNK - jt), :],
                    idx_dst.at[pl.ds(0, NCHUNK - jt)])
    pltpu.sync_copy(et_hbm.at[wid, pl.ds(jt, NCHUNK - jt), :],
                    idx_et.at[pl.ds(0, NCHUNK - jt)])
    _batch(NCHUNK - jt)

    plsc.subcore_barrier()
    pltpu.sync_copy(agg_sh.at[pl.ds(s * AGG_PT, AGG_PT), :],
                    agg_out.at[c, pl.ds(s * AGG_PT, AGG_PT), :])


def _gru_body(emb_rel_ref, relsum_ref, relcnt_ref, w_ih_ref, w_hh_ref,
              b_ih_ref, b_hh_ref, out_ref):
    emb_rel = emb_rel_ref[...]
    rs = relsum_ref[0] + relsum_ref[1]
    rc = jnp.sum(relcnt_ref[...], axis=1)
    x_input = rs / jnp.maximum(rc, 1.0)[:, None]
    x_cat = jnp.concatenate([emb_rel, x_input], axis=1)
    gi = lax.dot_general(x_cat, w_ih_ref[...], (((1,), (1,)), ((), ())),
                         preferred_element_type=jnp.float32) + b_ih_ref[...]
    gh = lax.dot_general(emb_rel, w_hh_ref[...], (((1,), (1,)), ((), ())),
                         preferred_element_type=jnp.float32) + b_hh_ref[...]
    r = jax.nn.sigmoid(gi[:, :H] + gh[:, :H])
    z = jax.nn.sigmoid(gi[:, H:2 * H] + gh[:, H:2 * H])
    n = jnp.tanh(gi[:, 2 * H:] + r * gh[:, 2 * H:])
    out_ref[...] = (1.0 - z) * n + z * emb_rel


_FINAL_R = 1000


def _final_body(agg2_ref, cnt_ref, h_ref, w_ref, tgw_ref, tgb_ref, out_ref):
    deg = jnp.sum(cnt_ref[...], axis=1)
    agg = (agg2_ref[0] + agg2_ref[1]) / jnp.maximum(deg, 1.0)[:, None]
    hn = lax.dot_general(agg, w_ref[...], (((1,), (0,)), ((), ())),
                         preferred_element_type=jnp.float32)
    hn = jnp.where(hn >= 0, hn, _RRELU_SLOPE * hn)
    gate = jax.nn.sigmoid(
        lax.dot_general(hn, tgw_ref[...], (((1,), (0,)), ((), ())),
                        preferred_element_type=jnp.float32) + tgb_ref[...])
    out_ref[...] = gate * hn + (1.0 - gate) * h_ref[...]


def kernel(edge_index, edge_type, dynamic_emb, emb_rel, W_ih, W_hh, b_ih, b_hh,
           rgcn_W, time_gate_weight, time_gate_bias):
    src = edge_index[0].reshape(NW, NCHUNK, CH)
    dst = edge_index[1].reshape(NW, NCHUNK, CH)
    et = edge_type.reshape(NW, NCHUNK, CH)
    agg1, relsum, cnt = _stage_a(dynamic_emb, src, dst, et)
    cnt_t = cnt.reshape(NW, CNTN).T

    rel_evolved = pl.pallas_call(
        _gru_body,
        out_shape=jax.ShapeDtypeStruct((NR2, H), jnp.float32),
    )(emb_rel, relsum[:, :NR2, :], cnt_t[NUM_ENTS:, :],
      W_ih, W_hh, b_ih.reshape(1, 3 * H), b_hh.reshape(1, 3 * H))

    agg2 = _stage_c(rel_evolved, dst, et, agg1)

    out = pl.pallas_call(
        _final_body,
        grid=(NUM_ENTS // _FINAL_R,),
        in_specs=[
            pl.BlockSpec((NC, _FINAL_R, H), lambda i: (0, i, 0)),
            pl.BlockSpec((_FINAL_R, NW), lambda i: (i, 0)),
            pl.BlockSpec((_FINAL_R, H), lambda i: (i, 0)),
            pl.BlockSpec((H, H), lambda i: (0, 0)),
            pl.BlockSpec((H, H), lambda i: (0, 0)),
            pl.BlockSpec((1, H), lambda i: (0, 0)),
        ],
        out_specs=pl.BlockSpec((_FINAL_R, H), lambda i: (i, 0)),
        out_shape=jax.ShapeDtypeStruct((NUM_ENTS, H), jnp.float32),
    )(agg2, cnt_t[:NUM_ENTS, :], dynamic_emb, rgcn_W, time_gate_weight,
      time_gate_bias.reshape(1, H))
    return out

# --- scband reference (transcript-rebuilt; emitter-appended) ---
"""Pipeline reference for scband-recurrent-rgcn-28595892256813 (READ-ONLY COPY).

The authoritative reference and input builder live on the scoring server;
editing this copy changes nothing except your own understanding.
"""

import jax, jax.numpy as jnp
import numpy as np

NUM_ENTS = 10000
NUM_RELS = 200
H_DIM = 128
N_EDGES = 320000


def _rrelu(x):
    # F.rrelu in eval mode: leaky relu with slope = (lower+upper)/2 = (1/8 + 1/3)/2
    slope = (1.0 / 8.0 + 1.0 / 3.0) / 2.0
    return jnp.where(x >= 0, x, slope * x)


def _gru_cell(x, h, W_ih, W_hh, b_ih, b_hh):
    # Faithful nn.GRUCell math
    gi = x @ W_ih.T + b_ih
    gh = h @ W_hh.T + b_hh
    i_r, i_z, i_n = jnp.split(gi, 3, axis=1)
    h_r, h_z, h_n = jnp.split(gh, 3, axis=1)
    r = jax.nn.sigmoid(i_r + h_r)
    z = jax.nn.sigmoid(i_z + h_z)
    n = jnp.tanh(i_n + r * h_n)
    return (1.0 - z) * n + z * h


def setup_inputs(seed: int = 0) -> dict:
    key = jax.random.key(seed)
    ks = jax.random.split(key, 12)
    edge_index = jax.random.randint(ks[0], (2, N_EDGES), 0, NUM_ENTS, dtype=jnp.int32)
    edge_type = jnp.sort(jax.random.randint(ks[1], (N_EDGES,), 0, 2 * NUM_RELS, dtype=jnp.int32))
    dynamic_emb = jax.random.normal(ks[2], (NUM_ENTS, H_DIM), dtype=jnp.float32)
    emb_rel = jax.random.normal(ks[3], (2 * NUM_RELS, H_DIM), dtype=jnp.float32) * 0.1
    W_ih = jax.random.normal(ks[4], (3 * H_DIM, 2 * H_DIM), dtype=jnp.float32) * 0.05
    W_hh = jax.random.normal(ks[5], (3 * H_DIM, H_DIM), dtype=jnp.float32) * 0.05
    b_ih = jnp.zeros((3 * H_DIM,), dtype=jnp.float32)
    b_hh = jnp.zeros((3 * H_DIM,), dtype=jnp.float32)
    rgcn_W = jax.random.normal(ks[6], (H_DIM, H_DIM), dtype=jnp.float32) * 0.05
    time_gate_weight = jax.random.normal(ks[7], (H_DIM, H_DIM), dtype=jnp.float32) * 0.05
    time_gate_bias = jnp.zeros((H_DIM,), dtype=jnp.float32)
    return {
        "edge_index": edge_index,
        "edge_type": edge_type,
        "dynamic_emb": dynamic_emb,
        "emb_rel": emb_rel,
        "W_ih": W_ih,
        "W_hh": W_hh,
        "b_ih": b_ih,
        "b_hh": b_hh,
        "rgcn_W": rgcn_W,
        "time_gate_weight": time_gate_weight,
        "time_gate_bias": time_gate_bias,
    }


def reference(edge_index, edge_type, dynamic_emb, emb_rel, W_ih, W_hh, b_ih, b_hh,
              rgcn_W, time_gate_weight, time_gate_bias):
    # One recurrent step of RecurrentRGCN (layer_norm=False, use_static=False):
    # self.h = dynamic_emb
    h = dynamic_emb
    src = edge_index[0]
    dst = edge_index[1]
    num_rel2 = emb_rel.shape[0]

    # --- relation-input construction: temp_e = h[g.r_to_e]; per-relation mean ---
    temp_e = jnp.take(h, src, axis=0)
    rel_sums = jax.ops.segment_sum(temp_e, edge_type, num_segments=num_rel2)
    rel_counts = jax.ops.segment_sum(
        jnp.ones((edge_type.shape[0], 1), dtype=jnp.float32), edge_type, num_segments=num_rel2)
    x_input = rel_sums / jnp.maximum(rel_counts, 1.0)

    # --- relation evolution: GRUCell(h_dim*2 -> h_dim) on cat([emb_rel, x_mean]) ---
    x_cat = jnp.concatenate([emb_rel, x_input], axis=1)
    rel_evolved = _gru_cell(x_cat, emb_rel, W_ih, W_hh, b_ih, b_hh)

    # --- UnionRGCN message passing: msg = h[src] + rel_emb[etype]; sum to dst; deg-norm; linear; rrelu ---
    msg = jnp.take(h, src, axis=0) + jnp.take(rel_evolved, edge_type, axis=0)
    agg = jax.ops.segment_sum(msg, dst, num_segments=h.shape[0])
    deg = jax.ops.segment_sum(jnp.ones((dst.shape[0],), dtype=jnp.float32), dst,
                              num_segments=h.shape[0])
    agg = agg / jnp.maximum(deg, 1.0)[:, None]
    h_new = _rrelu(agg @ rgcn_W)

    # --- time gate: h = gate * h_new + (1-gate) * h ---
    gate = jax.nn.sigmoid(h_new @ time_gate_weight + time_gate_bias)
    h_out = gate * h_new + (1.0 - gate) * h
    return h_out

if __name__ == "__main__":
    import jax
    _d = setup_inputs()
    print(jax.jit(kernel)(*tuple(_d.values())))

</pallas_src>

<mosaic_0001>
#map = affine_map<(d0, d1) -> (0, 0)>
#map1 = affine_map<(d0, d1) -> (0, 0, 0)>
module attributes {stable_mosaic.version = 14 : i64} {
  func.func @_stage_a(%arg0: i32, %arg1: i32, %arg2: memref<10000x128xf32, #tpu.memory_space<hbm>>, %arg3: memref<32x125x80xi32, #tpu.memory_space<hbm>>, %arg4: memref<32x125x80xi32, #tpu.memory_space<hbm>>, %arg5: memref<32x125x80xi32, #tpu.memory_space<hbm>>, %arg6: memref<2x10240x128xf32, #tpu.memory_space<hbm>>, %arg7: memref<2x512x128xf32, #tpu.memory_space<hbm>>, %arg8: memref<2x16x10400xf32, #tpu.memory_space<hbm>>, %arg9: memref<10x80xi32, #tpu.memory_space<vmem>>, %arg10: memref<10x80xi32, #tpu.memory_space<vmem>>, %arg11: memref<10x80xi32, #tpu.memory_space<vmem>>, %arg12: memref<80x128xf32, #tpu.memory_space<vmem>>, %arg13: memref<80x128xf32, #tpu.memory_space<vmem>>, %arg14: memref<80x128xf32, #tpu.memory_space<vmem>>, %arg15: memref<10400xf32, #tpu.memory_space<vmem>>, %arg16: memref<10240x128xf32, #tpu.memory_space<vmem_shared>>, %arg17: memref<512x128xf32, #tpu.memory_space<vmem_shared>>, %arg18: memref<!tpu.dma_semaphore, #tpu.memory_space<semaphore_mem>>, %arg19: memref<!tpu.dma_semaphore, #tpu.memory_space<semaphore_mem>>, %arg20: memref<!tpu.dma_semaphore, #tpu.memory_space<semaphore_mem>>, %arg21: memref<!tpu.dma_semaphore, #tpu.memory_space<semaphore_mem>>, %arg22: memref<!tpu.dma_semaphore, #tpu.memory_space<semaphore_mem>>, %arg23: memref<!tpu.dma_semaphore, #tpu.memory_space<semaphore_mem>>) attributes {dimension_semantics = [#tpu.dimension_semantics<core_parallel>, #tpu.dimension_semantics<subcore_parallel>], iteration_bounds = array<i64: 2, 16>, scalar_prefetch = 0 : i64, scratch_operands = 15 : i64, tpu.core_type = #tpu.core_type<sc_vector_subcore>, window_params = [{transform_indices = #map}, {transform_indices = #map1}, {transform_indices = #map1}, {transform_indices = #map1}, {transform_indices = #map1}, {transform_indices = #map1}, {transform_indices = #map1}]} {
    %mul3A = arith.constant 2 : i32
    %mul3A_0 = arith.muli %arg1, %mul3A : i32
    %add3A = arith.addi %mul3A_0, %arg0 : i32
    %broadcast_in_dim3A = arith.constant 0.000000e+00 : f32
    %broadcast_in_dim3A_1 = vector.broadcast %broadcast_in_dim3A : f32 to vector<16xf32>
    %scan3A = arith.constant 0 : i32
    %scan3A_2 = arith.constant 640 : i32
    %scan3A_3 = arith.addi %scan3A, %scan3A_2 : i32
    %scan3A_4 = arith.constant 1 : i32
    scf.for %scan3A_545 = %scan3A to %scan3A_3 step %scan3A_4  : i32 {
      %mul3A_546 = arith.constant 1 : i32
      %mul3A_547 = arith.muli %scan3A_545, %mul3A_546 : i32
      %add3A_548 = arith.constant 0 : i32
      %add3A_549 = arith.addi %add3A_548, %mul3A_547 : i32
      %jit3A = arith.constant 8 : i32
      %div3A = arith.divsi %add3A_549, %jit3A : i32
      %sign3A = arith.constant 0 : i32
      %sign3A_550 = arith.cmpi sgt, %add3A_549, %sign3A : i32
      %sign3A_551 = arith.extui %sign3A_550 : i1 to i32
      %sign3A_552 = arith.constant 0 : i32
      %sign3A_553 = arith.cmpi slt, %add3A_549, %sign3A_552 : i32
      %sign3A_554 = arith.extui %sign3A_553 : i1 to i32
      %sign3A_555 = arith.subi %sign3A_551, %sign3A_554 : i32
      %sign3A_556 = arith.constant 0 : i32
      %sign3A_557 = arith.cmpi sgt, %jit3A, %sign3A_556 : i32
      %sign3A_558 = arith.extui %sign3A_557 : i1 to i32
      %sign3A_559 = arith.constant 0 : i32
      %sign3A_560 = arith.cmpi slt, %jit3A, %sign3A_559 : i32
      %sign3A_561 = arith.extui %sign3A_560 : i1 to i32
      %sign3A_562 = arith.subi %sign3A_558, %sign3A_561 : i32
      %ne3A = arith.cmpi ne, %sign3A_555, %sign3A_562 : i32
      %rem3A = arith.remsi %add3A_549, %jit3A : i32
      %ne3A_563 = arith.constant 0 : i32
      %ne3A_564 = arith.cmpi ne, %rem3A, %ne3A_563 : i32
      %and3A = arith.andi %ne3A, %ne3A_564 : i1
      %sub3A = arith.constant 1 : i32
      %sub3A_565 = arith.subi %div3A, %sub3A : i32
      %select_n3A = arith.select %and3A, %sub3A_565, %div3A : i32
      %jit3A_566 = arith.constant 8 : i32
      %eq3A = arith.constant 0 : i32
      %eq3A_567 = arith.cmpi eq, %jit3A_566, %eq3A : i32
      %jit3A_568 = arith.constant 1 : i32
      %select_n3A_569 = arith.select %eq3A_567, %jit3A_568, %jit3A_566 : i32
      %rem3A_570 = arith.remsi %add3A_549, %select_n3A_569 : i32
      %ne3A_571 = arith.constant 0 : i32
      %ne3A_572 = arith.cmpi ne, %rem3A_570, %ne3A_571 : i32
      %lt3A = arith.constant 0 : i32
      %lt3A_573 = arith.cmpi slt, %rem3A_570, %lt3A : i32
      %lt3A_574 = arith.constant 0 : i32
      %lt3A_575 = arith.cmpi slt, %select_n3A_569, %lt3A_574 : i32
      %ne3A_576 = arith.xori %lt3A_573, %lt3A_575 : i1
      %and3A_577 = arith.andi %ne3A_576, %ne3A_572 : i1
      %add3A_578 = arith.addi %rem3A_570, %select_n3A_569 : i32
      %select_n3A_579 = arith.select %and3A_577, %add3A_578, %rem3A_570 : i32
      %mul3A_580 = arith.constant 16 : i32
      %mul3A_581 = arith.muli %select_n3A_579, %mul3A_580 : i32
      %swap3A = arith.index_cast %select_n3A : i32 to index
      %swap3A_582 = arith.index_cast %mul3A_581 : i32 to index
      %swap3A_583 = tpu.vector_load %arg12[%swap3A, %swap3A_582] {strides = array<i32>} : memref<80x128xf32, #tpu.memory_space<vmem>>, vector<16xf32>,
      tpu.vector_store %arg12[%swap3A, %swap3A_582], %broadcast_in_dim3A_1 {strides = array<i32>} : memref<80x128xf32, #tpu.memory_space<vmem>>, vector<16xf32>,
    }
    %scan3A_5 = arith.constant 640 : i32
    %mul3A_6 = arith.constant 640 : i32
    %mul3A_7 = arith.muli %arg1, %mul3A_6 : i32
    %add3A_8 = arith.constant 0 : i32
    %add3A_9 = arith.addi %mul3A_7, %add3A_8 : i32
    "tpu.region"() ({
      %run_scoped3A = tpu.sem_alloc : memref<!tpu.dma_semaphore, #tpu.memory_space<semaphore_mem>>
      %dma_start3A_545 = arith.constant 0 : i32
      %dma_start3A_546 = tpu.memref_slice %arg16[%add3A_9, %dma_start3A_545] : memref<10240x128xf32, #tpu.memory_space<vmem_shared>> -> memref<80x128xf32, #tpu.memory_space<vmem_shared>>
      %dma_start3A_547 = arith.constant 0 : i32
      %dma_start3A_548 = tpu.memref_slice %arg16[%add3A_9, %dma_start3A_547] : memref<10240x128xf32, #tpu.memory_space<vmem_shared>> -> memref<80x128xf32, #tpu.memory_space<vmem_shared>>
      tpu.enqueue_dma source(%arg12 : memref<80x128xf32, #tpu.memory_space<vmem>>) target(%dma_start3A_548 : memref<80x128xf32, #tpu.memory_space<vmem_shared>>) target_semaphore(%run_scoped3A : memref<!tpu.dma_semaphore, #tpu.memory_space<semaphore_mem>>)
      %dma_wait3A_549 = arith.constant 0 : i32
      %dma_wait3A_550 = tpu.memref_slice %arg16[%add3A_9, %dma_wait3A_549] : memref<10240x128xf32, #tpu.memory_space<vmem_shared>> -> memref<80x128xf32, #tpu.memory_space<vmem_shared>>
      %dma_wait3A_551 = arith.constant 0 : i32
      %dma_wait3A_552 = tpu.memref_slice %arg16[%add3A_9, %dma_wait3A_551] : memref<10240x128xf32, #tpu.memory_space<vmem_shared>> -> memref<80x128xf32, #tpu.memory_space<vmem_shared>>
      tpu.wait_dma2 semaphore(%run_scoped3A : memref<!tpu.dma_semaphore, #tpu.memory_space<semaphore_mem>>) src(%arg12 : memref<80x128xf32, #tpu.memory_space<vmem>>) dst(%dma_wait3A_552 : memref<80x128xf32, #tpu.memory_space<vmem_shared>>)
      tpu.yield
    }) : () -> ()
    %mul3A_10 = arith.constant 640 : i32
    %mul3A_11 = arith.muli %arg1, %mul3A_10 : i32
    %add3A_12 = arith.constant 80 : i32
    %add3A_13 = arith.addi %mul3A_11, %add3A_12 : i32
    "tpu.region"() ({
      %run_scoped3A = tpu.sem_alloc : memref<!tpu.dma_semaphore, #tpu.memory_space<semaphore_mem>>
      %dma_start3A_545 = arith.constant 0 : i32
      %dma_start3A_546 = tpu.memref_slice %arg16[%add3A_13, %dma_start3A_545] : memref<10240x128xf32, #tpu.memory_space<vmem_shared>> -> memref<80x128xf32, #tpu.memory_space<vmem_shared>>
      %dma_start3A_547 = arith.constant 0 : i32
      %dma_start3A_548 = tpu.memref_slice %arg16[%add3A_13, %dma_start3A_547] : memref<10240x128xf32, #tpu.memory_space<vmem_shared>> -> memref<80x128xf32, #tpu.memory_space<vmem_shared>>
      tpu.enqueue_dma source(%arg12 : memref<80x128xf32, #tpu.memory_space<vmem>>) target(%dma_start3A_548 : memref<80x128xf32, #tpu.memory_space<vmem_shared>>) target_semaphore(%run_scoped3A : memref<!tpu.dma_semaphore, #tpu.memory_space<semaphore_mem>>)
      %dma_wait3A_549 = arith.constant 0 : i32
      %dma_wait3A_550 = tpu.memref_slice %arg16[%add3A_13, %dma_wait3A_549] : memref<10240x128xf32, #tpu.memory_space<vmem_shared>> -> memref<80x128xf32, #tpu.memory_space<vmem_shared>>
      %dma_wait3A_551 = arith.constant 0 : i32
      %dma_wait3A_552 = tpu.memref_slice %arg16[%add3A_13, %dma_wait3A_551] : memref<10240x128xf32, #tpu.memory_space<vmem_shared>> -> memref<80x128xf32, #tpu.memory_space<vmem_shared>>
      tpu.wait_dma2 semaphore(%run_scoped3A : memref<!tpu.dma_semaphore, #tpu.memory_space<semaphore_mem>>) src(%arg12 : memref<80x128xf32, #tpu.memory_space<vmem>>) dst(%dma_wait3A_552 : memref<80x128xf32, #tpu.memory_space<vmem_shared>>)
      tpu.yield
    }) : () -> ()
    %mul3A_14 = arith.constant 640 : i32
    %mul3A_15 = arith.muli %arg1, %mul3A_14 : i32
    %add3A_16 = arith.constant 160 : i32
    %add3A_17 = arith.addi %mul3A_15, %add3A_16 : i32
    "tpu.region"() ({
      %run_scoped3A = tpu.sem_alloc : memref<!tpu.dma_semaphore, #tpu.memory_space<semaphore_mem>>
      %dma_start3A_545 = arith.constant 0 : i32
      %dma_start3A_546 = tpu.memref_slice %arg16[%add3A_17, %dma_start3A_545] : memref<10240x128xf32, #tpu.memory_space<vmem_shared>> -> memref<80x128xf32, #tpu.memory_space<vmem_shared>>
      %dma_start3A_547 = arith.constant 0 : i32
      %dma_start3A_548 = tpu.memref_slice %arg16[%add3A_17, %dma_start3A_547] : memref<10240x128xf32, #tpu.memory_space<vmem_shared>> -> memref<80x128xf32, #tpu.memory_space<vmem_shared>>
      tpu.enqueue_dma source(%arg12 : memref<80x128xf32, #tpu.memory_space<vmem>>) target(%dma_start3A_548 : memref<80x128xf32, #tpu.memory_space<vmem_shared>>) target_semaphore(%run_scoped3A : memref<!tpu.dma_semaphore, #tpu.memory_space<semaphore_mem>>)
      %dma_wait3A_549 = arith.constant 0 : i32
      %dma_wait3A_550 = tpu.memref_slice %arg16[%add3A_17, %dma_wait3A_549] : memref<10240x128xf32, #tpu.memory_space<vmem_shared>> -> memref<80x128xf32, #tpu.memory_space<vmem_shared>>
      %dma_wait3A_551 = arith.constant 0 : i32
      %dma_wait3A_552 = tpu.memref_slice %arg16[%add3A_17, %dma_wait3A_551] : memref<10240x128xf32, #tpu.memory_space<vmem_shared>> -> memref<80x128xf32, #tpu.memory_space<vmem_shared>>
      tpu.wait_dma2 semaphore(%run_scoped3A : memref<!tpu.dma_semaphore, #tpu.memory_space<semaphore_mem>>) src(%arg12 : memref<80x128xf32, #tpu.memory_space<vmem>>) dst(%dma_wait3A_552 : memref<80x128xf32, #tpu.memory_space<vmem_shared>>)
      tpu.yield
    }) : () -> ()
    %mul3A_18 = arith.constant 640 : i32
    %mul3A_19 = arith.muli %arg1, %mul3A_18 : i32
    %add3A_20 = arith.constant 240 : i32
    %add3A_21 = arith.addi %mul3A_19, %add3A_20 : i32
    "tpu.region"() ({
      %run_scoped3A = tpu.sem_alloc : memref<!tpu.dma_semaphore, #tpu.memory_space<semaphore_mem>>
      %dma_start3A_545 = arith.constant 0 : i32
      %dma_start3A_546 = tpu.memref_slice %arg16[%add3A_21, %dma_start3A_545] : memref<10240x128xf32, #tpu.memory_space<vmem_shared>> -> memref<80x128xf32, #tpu.memory_space<vmem_shared>>
      %dma_start3A_547 = arith.constant 0 : i32
      %dma_start3A_548 = tpu.memref_slice %arg16[%add3A_21, %dma_start3A_547] : memref<10240x128xf32, #tpu.memory_space<vmem_shared>> -> memref<80x128xf32, #tpu.memory_space<vmem_shared>>
      tpu.enqueue_dma source(%arg12 : memref<80x128xf32, #tpu.memory_space<vmem>>) target(%dma_start3A_548 : memref<80x128xf32, #tpu.memory_space<vmem_shared>>) target_semaphore(%run_scoped3A : memref<!tpu.dma_semaphore, #tpu.memory_space<semaphore_mem>>)
      %dma_wait3A_549 = arith.constant 0 : i32
      %dma_wait3A_550 = tpu.memref_slice %arg16[%add3A_21, %dma_wait3A_549] : memref<10240x128xf32, #tpu.memory_space<vmem_shared>> -> memref<80x128xf32, #tpu.memory_space<vmem_shared>>
      %dma_wait3A_551 = arith.constant 0 : i32
      %dma_wait3A_552 = tpu.memref_slice %arg16[%add3A_21, %dma_wait3A_551] : memref<10240x128xf32, #tpu.memory_space<vmem_shared>> -> memref<80x128xf32, #tpu.memory_space<vmem_shared>>
      tpu.wait_dma2 semaphore(%run_scoped3A : memref<!tpu.dma_semaphore, #tpu.memory_space<semaphore_mem>>) src(%arg12 : memref<80x128xf32, #tpu.memory_space<vmem>>) dst(%dma_wait3A_552 : memref<80x128xf32, #tpu.memory_space<vmem_shared>>)
      tpu.yield
    }) : () -> ()
    %mul3A_22 = arith.constant 640 : i32
    %mul3A_23 = arith.muli %arg1, %mul3A_22 : i32
    %add3A_24 = arith.constant 320 : i32
    %add3A_25 = arith.addi %mul3A_23, %add3A_24 : i32
    "tpu.region"() ({
      %run_scoped3A = tpu.sem_alloc : memref<!tpu.dma_semaphore, #tpu.memory_space<semaphore_mem>>
      %dma_start3A_545 = arith.constant 0 : i32
      %dma_start3A_546 = tpu.memref_slice %arg16[%add3A_25, %dma_start3A_545] : memref<10240x128xf32, #tpu.memory_space<vmem_shared>> -> memref<80x128xf32, #tpu.memory_space<vmem_shared>>
      %dma_start3A_547 = arith.constant 0 : i32
      %dma_start3A_548 = tpu.memref_slice %arg16[%add3A_25, %dma_start3A_547] : memref<10240x128xf32, #tpu.memory_space<vmem_shared>> -> memref<80x128xf32, #tpu.memory_space<vmem_shared>>
      tpu.enqueue_dma source(%arg12 : memref<80x128xf32, #tpu.memory_space<vmem>>) target(%dma_start3A_548 : memref<80x128xf32, #tpu.memory_space<vmem_shared>>) target_semaphore(%run_scoped3A : memref<!tpu.dma_semaphore, #tpu.memory_space<semaphore_mem>>)
      %dma_wait3A_549 = arith.constant 0 : i32
      %dma_wait3A_550 = tpu.memref_slice %arg16[%add3A_25, %dma_wait3A_549] : memref<10240x128xf32, #tpu.memory_space<vmem_shared>> -> memref<80x128xf32, #tpu.memory_space<vmem_shared>>
      %dma_wait3A_551 = arith.constant 0 : i32
      %dma_wait3A_552 = tpu.memref_slice %arg16[%add3A_25, %dma_wait3A_551] : memref<10240x128xf32, #tpu.memory_space<vmem_shared>> -> memref<80x128xf32, #tpu.memory_space<vmem_shared>>
      tpu.wait_dma2 semaphore(%run_scoped3A : memref<!tpu.dma_semaphore, #tpu.memory_space<semaphore_mem>>) src(%arg12 : memref<80x128xf32, #tpu.memory_space<vmem>>) dst(%dma_wait3A_552 : memref<80x128xf32, #tpu.memory_space<vmem_shared>>)
      tpu.yield
    }) : () -> ()
    %mul3A_26 = arith.constant 640 : i32
    %mul3A_27 = arith.muli %arg1, %mul3A_26 : i32
    %add3A_28 = arith.constant 400 : i32
    %add3A_29 = arith.addi %mul3A_27, %add3A_28 : i32
    "tpu.region"() ({
      %run_scoped3A = tpu.sem_alloc : memref<!tpu.dma_semaphore, #tpu.memory_space<semaphore_mem>>
      %dma_start3A_545 = arith.constant 0 : i32
      %dma_start3A_546 = tpu.memref_slice %arg16[%add3A_29, %dma_start3A_545] : memref<10240x128xf32, #tpu.memory_space<vmem_shared>> -> memref<80x128xf32, #tpu.memory_space<vmem_shared>>
      %dma_start3A_547 = arith.constant 0 : i32
      %dma_start3A_548 = tpu.memref_slice %arg16[%add3A_29, %dma_start3A_547] : memref<10240x128xf32, #tpu.memory_space<vmem_shared>> -> memref<80x128xf32, #tpu.memory_space<vmem_shared>>
      tpu.enqueue_dma source(%arg12 : memref<80x128xf32, #tpu.memory_space<vmem>>) target(%dma_start3A_548 : memref<80x128xf32, #tpu.memory_space<vmem_shared>>) target_semaphore(%run_scoped3A : memref<!tpu.dma_semaphore, #tpu.memory_space<semaphore_mem>>)
      %dma_wait3A_549 = arith.constant 0 : i32
      %dma_wait3A_550 = tpu.memref_slice %arg16[%add3A_29, %dma_wait3A_549] : memref<10240x128xf32, #tpu.memory_space<vmem_shared>> -> memref<80x128xf32, #tpu.memory_space<vmem_shared>>
      %dma_wait3A_551 = arith.constant 0 : i32
      %dma_wait3A_552 = tpu.memref_slice %arg16[%add3A_29, %dma_wait3A_551] : memref<10240x128xf32, #tpu.memory_space<vmem_shared>> -> memref<80x128xf32, #tpu.memory_space<vmem_shared>>
      tpu.wait_dma2 semaphore(%run_scoped3A : memref<!tpu.dma_semaphore, #tpu.memory_space<semaphore_mem>>) src(%arg12 : memref<80x128xf32, #tpu.memory_space<vmem>>) dst(%dma_wait3A_552 : memref<80x128xf32, #tpu.memory_space<vmem_shared>>)
      tpu.yield
    }) : () -> ()
    %mul3A_30 = arith.constant 640 : i32
    %mul3A_31 = arith.muli %arg1, %mul3A_30 : i32
    %add3A_32 = arith.constant 480 : i32
    %add3A_33 = arith.addi %mul3A_31, %add3A_32 : i32
    "tpu.region"() ({
      %run_scoped3A = tpu.sem_alloc : memref<!tpu.dma_semaphore, #tpu.memory_space<semaphore_mem>>
      %dma_start3A_545 = arith.constant 0 : i32
      %dma_start3A_546 = tpu.memref_slice %arg16[%add3A_33, %dma_start3A_545] : memref<10240x128xf32, #tpu.memory_space<vmem_shared>> -> memref<80x128xf32, #tpu.memory_space<vmem_shared>>
      %dma_start3A_547 = arith.constant 0 : i32
      %dma_start3A_548 = tpu.memref_slice %arg16[%add3A_33, %dma_start3A_547] : memref<10240x128xf32, #tpu.memory_space<vmem_shared>> -> memref<80x128xf32, #tpu.memory_space<vmem_shared>>
      tpu.enqueue_dma source(%arg12 : memref<80x128xf32, #tpu.memory_space<vmem>>) target(%dma_start3A_548 : memref<80x128xf32, #tpu.memory_space<vmem_shared>>) target_semaphore(%run_scoped3A : memref<!tpu.dma_semaphore, #tpu.memory_space<semaphore_mem>>)
      %dma_wait3A_549 = arith.constant 0 : i32
      %dma_wait3A_550 = tpu.memref_slice %arg16[%add3A_33, %dma_wait3A_549] : memref<10240x128xf32, #tpu.memory_space<vmem_shared>> -> memref<80x128xf32, #tpu.memory_space<vmem_shared>>
      %dma_wait3A_551 = arith.constant 0 : i32
      %dma_wait3A_552 = tpu.memref_slice %arg16[%add3A_33, %dma_wait3A_551] : memref<10240x128xf32, #tpu.memory_space<vmem_shared>> -> memref<80x128xf32, #tpu.memory_space<vmem_shared>>
      tpu.wait_dma2 semaphore(%run_scoped3A : memref<!tpu.dma_semaphore, #tpu.memory_space<semaphore_mem>>) src(%arg12 : memref<80x128xf32, #tpu.memory_space<vmem>>) dst(%dma_wait3A_552 : memref<80x128xf32, #tpu.memory_space<vmem_shared>>)
      tpu.yield
    }) : () -> ()
    %mul3A_34 = arith.constant 640 : i32
    %mul3A_35 = arith.muli %arg1, %mul3A_34 : i32
    %add3A_36 = arith.constant 560 : i32
    %add3A_37 = arith.addi %mul3A_35, %add3A_36 : i32
    "tpu.region"() ({
      %run_scoped3A = tpu.sem_alloc : memref<!tpu.dma_semaphore, #tpu.memory_space<semaphore_mem>>
      %dma_start3A_545 = arith.constant 0 : i32
      %dma_start3A_546 = tpu.memref_slice %arg16[%add3A_37, %dma_start3A_545] : memref<10240x128xf32, #tpu.memory_space<vmem_shared>> -> memref<80x128xf32, #tpu.memory_space<vmem_shared>>
      %dma_start3A_547 = arith.constant 0 : i32
      %dma_start3A_548 = tpu.memref_slice %arg16[%add3A_37, %dma_start3A_547] : memref<10240x128xf32, #tpu.memory_space<vmem_shared>> -> memref<80x128xf32, #tpu.memory_space<vmem_shared>>
      tpu.enqueue_dma source(%arg12 : memref<80x128xf32, #tpu.memory_space<vmem>>) target(%dma_start3A_548 : memref<80x128xf32, #tpu.memory_space<vmem_shared>>) target_semaphore(%run_scoped3A : memref<!tpu.dma_semaphore, #tpu.memory_space<semaphore_mem>>)
      %dma_wait3A_549 = arith.constant 0 : i32
      %dma_wait3A_550 = tpu.memref_slice %arg16[%add3A_37, %dma_wait3A_549] : memref<10240x128xf32, #tpu.memory_space<vmem_shared>> -> memref<80x128xf32, #tpu.memory_space<vmem_shared>>
      %dma_wait3A_551 = arith.constant 0 : i32
      %dma_wait3A_552 = tpu.memref_slice %arg16[%add3A_37, %dma_wait3A_551] : memref<10240x128xf32, #tpu.memory_space<vmem_shared>> -> memref<80x128xf32, #tpu.memory_space<vmem_shared>>
      tpu.wait_dma2 semaphore(%run_scoped3A : memref<!tpu.dma_semaphore, #tpu.memory_space<semaphore_mem>>) src(%arg12 : memref<80x128xf32, #tpu.memory_space<vmem>>) dst(%dma_wait3A_552 : memref<80x128xf32, #tpu.memory_space<vmem_shared>>)
      tpu.yield
    }) : () -> ()
    %mul3A_38 = arith.constant 32 : i32
    %mul3A_39 = arith.muli %arg1, %mul3A_38 : i32
    "tpu.region"() ({
      %run_scoped3A = tpu.sem_alloc : memref<!tpu.dma_semaphore, #tpu.memory_space<semaphore_mem>>
      %dma_start3A_545 = arith.constant 0 : i32
      %dma_start3A_546 = arith.constant 0 : i32
      %dma_start3A_547 = tpu.memref_slice %arg12[%dma_start3A_545, %dma_start3A_546] : memref<80x128xf32, #tpu.memory_space<vmem>> -> memref<32x128xf32, #tpu.memory_space<vmem>>
      %dma_start3A_548 = arith.constant 0 : i32
      %dma_start3A_549 = tpu.memref_slice %arg17[%mul3A_39, %dma_start3A_548] : memref<512x128xf32, #tpu.memory_space<vmem_shared>> -> memref<32x128xf32, #tpu.memory_space<vmem_shared>>
      %dma_start3A_550 = arith.constant 0 : i32
      %dma_start3A_551 = tpu.memref_slice %arg17[%mul3A_39, %dma_start3A_550] : memref<512x128xf32, #tpu.memory_space<vmem_shared>> -> memref<32x128xf32, #tpu.memory_space<vmem_shared>>
      %dma_start3A_552 = arith.constant 0 : i32
      %dma_start3A_553 = arith.constant 0 : i32
      %dma_start3A_554 = tpu.memref_slice %arg12[%dma_start3A_552, %dma_start3A_553] : memref<80x128xf32, #tpu.memory_space<vmem>> -> memref<32x128xf32, #tpu.memory_space<vmem>>
      tpu.enqueue_dma source(%dma_start3A_554 : memref<32x128xf32, #tpu.memory_space<vmem>>) target(%dma_start3A_551 : memref<32x128xf32, #tpu.memory_space<vmem_shared>>) target_semaphore(%run_scoped3A : memref<!tpu.dma_semaphore, #tpu.memory_space<semaphore_mem>>)
      %dma_wait3A_555 = arith.constant 0 : i32
      %dma_wait3A_556 = arith.constant 0 : i32
      %dma_wait3A_557 = tpu.memref_slice %arg12[%dma_wait3A_555, %dma_wait3A_556] : memref<80x128xf32, #tpu.memory_space<vmem>> -> memref<32x128xf32, #tpu.memory_space<vmem>>
      %dma_wait3A_558 = arith.constant 0 : i32
      %dma_wait3A_559 = tpu.memref_slice %arg17[%mul3A_39, %dma_wait3A_558] : memref<512x128xf32, #tpu.memory_space<vmem_shared>> -> memref<32x128xf32, #tpu.memory_space<vmem_shared>>
      %dma_wait3A_560 = arith.constant 0 : i32
      %dma_wait3A_561 = tpu.memref_slice %arg17[%mul3A_39, %dma_wait3A_560] : memref<512x128xf32, #tpu.memory_space<vmem_shared>> -> memref<32x128xf32, #tpu.memory_space<vmem_shared>>
      %dma_wait3A_562 = arith.constant 0 : i32
      %dma_wait3A_563 = arith.constant 0 : i32
      %dma_wait3A_564 = tpu.memref_slice %arg12[%dma_wait3A_562, %dma_wait3A_563] : memref<80x128xf32, #tpu.memory_space<vmem>> -> memref<32x128xf32, #tpu.memory_space<vmem>>
      tpu.wait_dma2 semaphore(%run_scoped3A : memref<!tpu.dma_semaphore, #tpu.memory_space<semaphore_mem>>) src(%dma_wait3A_564 : memref<32x128xf32, #tpu.memory_space<vmem>>) dst(%dma_wait3A_561 : memref<32x128xf32, #tpu.memory_space<vmem_shared>>)
      tpu.yield
    }) : () -> ()
    %broadcast_in_dim3A_40 = arith.constant 0.000000e+00 : f32
    %broadcast_in_dim3A_41 = vector.broadcast %broadcast_in_dim3A_40 : f32 to vector<16xf32>
    %scan3A_42 = arith.constant 0 : i32
    %scan3A_43 = arith.constant 650 : i32
    %scan3A_44 = arith.addi %scan3A_42, %scan3A_43 : i32
    %scan3A_45 = arith.constant 1 : i32
    scf.for %scan3A_545 = %scan3A_42 to %scan3A_44 step %scan3A_45  : i32 {
      %mul3A_546 = arith.constant 1 : i32
      %mul3A_547 = arith.muli %scan3A_545, %mul3A_546 : i32
      %add3A_548 = arith.constant 0 : i32
      %add3A_549 = arith.addi %add3A_548, %mul3A_547 : i32
      %mul3A_550 = arith.constant 16 : i32
      %mul3A_551 = arith.muli %add3A_549, %mul3A_550 : i32
      %swap3A = arith.index_cast %mul3A_551 : i32 to index
      %swap3A_552 = tpu.vector_load %arg15[%swap3A] {strides = array<i32>} : memref<10400xf32, #tpu.memory_space<vmem>>, vector<16xf32>,
      tpu.vector_store %arg15[%swap3A], %broadcast_in_dim3A_41 {strides = array<i32>} : memref<10400xf32, #tpu.memory_space<vmem>>, vector<16xf32>,
    }
    %scan3A_46 = arith.constant 650 : i32
    %barrier3A = arith.constant 0 : index
    tpu.barrier barrier_id(%barrier3A)
    %broadcast_in_dim3A_47 = arith.constant 1.000000e+00 : f32
    %broadcast_in_dim3A_48 = vector.broadcast %broadcast_in_dim3A_47 : f32 to vector<16xf32>
    %scan3A_49 = arith.constant 0 : i32
    %scan3A_50 = arith.constant 12 : i32
    %scan3A_51 = arith.addi %scan3A_49, %scan3A_50 : i32
    %scan3A_52 = arith.constant 1 : i32
    scf.for %scan3A_545 = %scan3A_49 to %scan3A_51 step %scan3A_52  : i32 {
      %mul3A_546 = arith.constant 1 : i32
      %mul3A_547 = arith.muli %scan3A_545, %mul3A_546 : i32
      %add3A_548 = arith.constant 0 : i32
      %add3A_549 = arith.addi %add3A_548, %mul3A_547 : i32
      %mul3A_550 = arith.constant 10 : i32
      %mul3A_551 = arith.muli %add3A_549, %mul3A_550 : i32
      "tpu.region"() ({
        %run_scoped3A = tpu.sem_alloc : memref<!tpu.dma_semaphore, #tpu.memory_space<semaphore_mem>>
        %dma_start3A_1522 = arith.constant 0 : i32
        %dma_start3A_1523 = tpu.memref_slice %arg3[%add3A, %mul3A_551, %dma_start3A_1522] : memref<32x125x80xi32, #tpu.memory_space<hbm>> -> memref<1x10x80xi32, #tpu.memory_space<hbm>>
        %dma_start3A_1524 = tpu.memref_squeeze %dma_start3A_1523 : memref<1x10x80xi32, #tpu.memory_space<hbm>> -> memref<10x80xi32, #tpu.memory_space<hbm>>
        %dma_start3A_1525 = arith.constant 0 : i32
        %dma_start3A_1526 = tpu.memref_slice %arg3[%add3A, %mul3A_551, %dma_start3A_1525] : memref<32x125x80xi32, #tpu.memory_space<hbm>> -> memref<1x10x80xi32, #tpu.memory_space<hbm>>
        %dma_start3A_1527 = tpu.memref_squeeze %dma_start3A_1526 : memref<1x10x80xi32, #tpu.memory_space<hbm>> -> memref<10x80xi32, #tpu.memory_space<hbm>>
        tpu.enqueue_dma source(%dma_start3A_1527 : memref<10x80xi32, #tpu.memory_space<hbm>>) target(%arg9 : memref<10x80xi32, #tpu.memory_space<vmem>>) target_semaphore(%run_scoped3A : memref<!tpu.dma_semaphore, #tpu.memory_space<semaphore_mem>>)
        %dma_wait3A_1528 = arith.constant 0 : i32
        %dma_wait3A_1529 = tpu.memref_slice %arg3[%add3A, %mul3A_551, %dma_wait3A_1528] : memref<32x125x80xi32, #tpu.memory_space<hbm>> -> memref<1x10x80xi32, #tpu.memory_space<hbm>>
        %dma_wait3A_1530 = tpu.memref_squeeze %dma_wait3A_1529 : memref<1x10x80xi32, #tpu.memory_space<hbm>> -> memref<10x80xi32, #tpu.memory_space<hbm>>
        %dma_wait3A_1531 = arith.constant 0 : i32
        %dma_wait3A_1532 = tpu.memref_slice %arg3[%add3A, %mul3A_551, %dma_wait3A_1531] : memref<32x125x80xi32, #tpu.memory_space<hbm>> -> memref<1x10x80xi32, #tpu.memory_space<hbm>>
        %dma_wait3A_1533 = tpu.memref_squeeze %dma_wait3A_1532 : memref<1x10x80xi32, #tpu.memory_space<hbm>> -> memref<10x80xi32, #tpu.memory_space<hbm>>
        tpu.wait_dma2 semaphore(%run_scoped3A : memref<!tpu.dma_semaphore, #tpu.memory_space<semaphore_mem>>) src(%dma_wait3A_1533 : memref<10x80xi32, #tpu.memory_space<hbm>>) dst(%arg9 : memref<10x80xi32, #tpu.memory_space<vmem>>)
        tpu.yield
      }) : () -> ()
      "tpu.region"() ({
        %run_scoped3A = tpu.sem_alloc : memref<!tpu.dma_semaphore, #tpu.memory_space<semaphore_mem>>
        %dma_start3A_1522 = arith.constant 0 : i32
        %dma_start3A_1523 = tpu.memref_slice %arg4[%add3A, %mul3A_551, %dma_start3A_1522] : memref<32x125x80xi32, #tpu.memory_space<hbm>> -> memref<1x10x80xi32, #tpu.memory_space<hbm>>
        %dma_start3A_1524 = tpu.memref_squeeze %dma_start3A_1523 : memref<1x10x80xi32, #tpu.memory_space<hbm>> -> memref<10x80xi32, #tpu.memory_space<hbm>>
        %dma_start3A_1525 = arith.constant 0 : i32
        %dma_start3A_1526 = tpu.memref_slice %arg4[%add3A, %mul3A_551, %dma_start3A_1525] : memref<32x125x80xi32, #tpu.memory_space<hbm>> -> memref<1x10x80xi32, #tpu.memory_space<hbm>>
        %dma_start3A_1527 = tpu.memref_squeeze %dma_start3A_1526 : memref<1x10x80xi32, #tpu.memory_space<hbm>> -> memref<10x80xi32, #tpu.memory_space<hbm>>
        tpu.enqueue_dma source(%dma_start3A_1527 : memref<10x80xi32, #tpu.memory_space<hbm>>) target(%arg10 : memref<10x80xi32, #tpu.memory_space<vmem>>) target_semaphore(%run_scoped3A : memref<!tpu.dma_semaphore, #tpu.memory_space<semaphore_mem>>)
        %dma_wait3A_1528 = arith.constant 0 : i32
        %dma_wait3A_1529 = tpu.memref_slice %arg4[%add3A, %mul3A_551, %dma_wait3A_1528] : memref<32x125x80xi32, #tpu.memory_space<hbm>> -> memref<1x10x80xi32, #tpu.memory_space<hbm>>
        %dma_wait3A_1530 = tpu.memref_squeeze %dma_wait3A_1529 : memref<1x10x80xi32, #tpu.memory_space<hbm>> -> memref<10x80xi32, #tpu.memory_space<hbm>>
        %dma_wait3A_1531 = arith.constant 0 : i32
        %dma_wait3A_1532 = tpu.memref_slice %arg4[%add3A, %mul3A_551, %dma_wait3A_1531] : memref<32x125x80xi32, #tpu.memory_space<hbm>> -> memref<1x10x80xi32, #tpu.memory_space<hbm>>
        %dma_wait3A_1533 = tpu.memref_squeeze %dma_wait3A_1532 : memref<1x10x80xi32, #tpu.memory_space<hbm>> -> memref<10x80xi32, #tpu.memory_space<hbm>>
        tpu.wait_dma2 semaphore(%run_scoped3A : memref<!tpu.dma_semaphore, #tpu.memory_space<semaphore_mem>>) src(%dma_wait3A_1533 : memref<10x80xi32, #tpu.memory_space<hbm>>) dst(%arg10 : memref<10x80xi32, #tpu.memory_space<vmem>>)
        tpu.yield
      }) : () -> ()
      "tpu.region"() ({
        %run_scoped3A = tpu.sem_alloc : memref<!tpu.dma_semaphore, #tpu.memory_space<semaphore_mem>>
        %dma_start3A_1522 = arith.constant 0 : i32
        %dma_start3A_1523 = tpu.memref_slice %arg5[%add3A, %mul3A_551, %dma_start3A_1522] : memref<32x125x80xi32, #tpu.memory_space<hbm>> -> memref<1x10x80xi32, #tpu.memory_space<hbm>>
        %dma_start3A_1524 = tpu.memref_squeeze %dma_start3A_1523 : memref<1x10x80xi32, #tpu.memory_space<hbm>> -> memref<10x80xi32, #tpu.memory_space<hbm>>
        %dma_start3A_1525 = arith.constant 0 : i32
        %dma_start3A_1526 = tpu.memref_slice %arg5[%add3A, %mul3A_551, %dma_start3A_1525] : memref<32x125x80xi32, #tpu.memory_space<hbm>> -> memref<1x10x80xi32, #tpu.memory_space<hbm>>
        %dma_start3A_1527 = tpu.memref_squeeze %dma_start3A_1526 : memref<1x10x80xi32, #tpu.memory_space<hbm>> -> memref<10x80xi32, #tpu.memory_space<hbm>>
        tpu.enqueue_dma source(%dma_start3A_1527 : memref<10x80xi32, #tpu.memory_space<hbm>>) target(%arg11 : memref<10x80xi32, #tpu.memory_space<vmem>>) target_semaphore(%run_scoped3A : memref<!tpu.dma_semaphore, #tpu.memory_space<semaphore_mem>>)
        %dma_wait3A_1528 = arith.constant 0 : i32
        %dma_wait3A_1529 = tpu.memref_slice %arg5[%add3A, %mul3A_551, %dma_wait3A_1528] : memref<32x125x80xi32, #tpu.memory_space<hbm>> -> memref<1x10x80xi32, #tpu.memory_space<hbm>>
        %dma_wait3A_1530 = tpu.memref_squeeze %dma_wait3A_1529 : memref<1x10x80xi32, #tpu.memory_space<hbm>> -> memref<10x80xi32, #tpu.memory_space<hbm>>
        %dma_wait3A_1531 = arith.constant 0 : i32
        %dma_wait3A_1532 = tpu.memref_slice %arg5[%add3A, %mul3A_551, %dma_wait3A_1531] : memref<32x125x80xi32, #tpu.memory_space<hbm>> -> memref<1x10x80xi32, #tpu.memory_space<hbm>>
        %dma_wait3A_1533 = tpu.memref_squeeze %dma_wait3A_1532 : memref<1x10x80xi32, #tpu.memory_space<hbm>> -> memref<10x80xi32, #tpu.memory_space<hbm>>
        tpu.wait_dma2 semaphore(%run_scoped3A : memref<!tpu.dma_semaphore, #tpu.memory_space<semaphore_mem>>) src(%dma_wait3A_1533 : memref<10x80xi32, #tpu.memory_space<hbm>>) dst(%arg11 : memref<10x80xi32, #tpu.memory_space<vmem>>)
        tpu.yield
      }) : () -> ()
      %dma_start3A_552 = arith.constant 0 : i32
      %dma_start3A_553 = arith.constant 0 : i32
      %dma_start3A_554 = tpu.memref_slice %arg9[%dma_start3A_552, %dma_start3A_553] : memref<10x80xi32, #tpu.memory_space<vmem>> -> memref<1x80xi32, #tpu.memory_space<vmem>>
      %dma_start3A_555 = tpu.memref_squeeze %dma_start3A_554 : memref<1x80xi32, #tpu.memory_space<vmem>> -> memref<80xi32, #tpu.memory_space<vmem>>
      %dma_start3A_556 = arith.constant 0 : i32
      %dma_start3A_557 = arith.constant 0 : i32
      %dma_start3A_558 = tpu.memref_slice %arg2[%dma_start3A_556, %dma_start3A_557] : memref<10000x128xf32, #tpu.memory_space<hbm>> -> memref<10000x128xf32, #tpu.memory_space<hbm>>
      tpu.enqueue_indirect_dma source(%dma_start3A_558 : memref<10000x128xf32, #tpu.memory_space<hbm>>) target(%arg12 : memref<80x128xf32, #tpu.memory_space<vmem>>) offsets(%dma_start3A_555 : memref<80xi32, #tpu.memory_space<vmem>>) semaphore(%arg18 : memref<!tpu.dma_semaphore, #tpu.memory_space<semaphore_mem>>)
      %dma_start3A_559 = arith.constant 1 : i32
      %dma_start3A_560 = arith.constant 0 : i32
      %dma_start3A_561 = tpu.memref_slice %arg9[%dma_start3A_559, %dma_start3A_560] : memref<10x80xi32, #tpu.memory_space<vmem>> -> memref<1x80xi32, #tpu.memory_space<vmem>>
      %dma_start3A_562 = tpu.memref_squeeze %dma_start3A_561 : memref<1x80xi32, #tpu.memory_space<vmem>> -> memref<80xi32, #tpu.memory_space<vmem>>
      %dma_start3A_563 = arith.constant 0 : i32
      %dma_start3A_564 = arith.constant 0 : i32
      %dma_start3A_565 = tpu.memref_slice %arg2[%dma_start3A_563, %dma_start3A_564] : memref<10000x128xf32, #tpu.memory_space<hbm>> -> memref<10000x128xf32, #tpu.memory_space<hbm>>
      tpu.enqueue_indirect_dma source(%dma_start3A_565 : memref<10000x128xf32, #tpu.memory_space<hbm>>) target(%arg13 : memref<80x128xf32, #tpu.memory_space<vmem>>) offsets(%dma_start3A_562 : memref<80xi32, #tpu.memory_space<vmem>>) semaphore(%arg19 : memref<!tpu.dma_semaphore, #tpu.memory_space<semaphore_mem>>)
      %dma_start3A_566 = arith.constant 2 : i32
      %dma_start3A_567 = arith.constant 0 : i32
      %dma_start3A_568 = tpu.memref_slice %arg9[%dma_start3A_566, %dma_start3A_567] : memref<10x80xi32, #tpu.memory_space<vmem>> -> memref<1x80xi32, #tpu.memory_space<vmem>>
      %dma_start3A_569 = tpu.memref_squeeze %dma_start3A_568 : memref<1x80xi32, #tpu.memory_space<vmem>> -> memref<80xi32, #tpu.memory_space<vmem>>
      %dma_start3A_570 = arith.constant 0 : i32
      %dma_start3A_571 = arith.constant 0 : i32
      %dma_start3A_572 = tpu.memref_slice %arg2[%dma_start3A_570, %dma_start3A_571] : memref<10000x128xf32, #tpu.memory_space<hbm>> -> memref<10000x128xf32, #tpu.memory_space<hbm>>
      tpu.enqueue_indirect_dma source(%dma_start3A_572 : memref<10000x128xf32, #tpu.memory_space<hbm>>) target(%arg14 : memref<80x128xf32, #tpu.memory_space<vmem>>) offsets(%dma_start3A_569 : memref<80xi32, #tpu.memory_space<vmem>>) semaphore(%arg20 : memref<!tpu.dma_semaphore, #tpu.memory_space<semaphore_mem>>)
      %dma_wait3A_573 = arith.constant 0 : i32
      %dma_wait3A_574 = arith.constant 0 : i32
      %dma_wait3A_575 = tpu.memref_slice %arg9[%dma_wait3A_573, %dma_wait3A_574] : memref<10x80xi32, #tpu.memory_space<vmem>> -> memref<1x80xi32, #tpu.memory_space<vmem>>
      %dma_wait3A_576 = tpu.memref_squeeze %dma_wait3A_575 : memref<1x80xi32, #tpu.memory_space<vmem>> -> memref<80xi32, #tpu.memory_space<vmem>>
      %dma_wait3A_577 = arith.constant 0 : i32
      %dma_wait3A_578 = arith.constant 0 : i32
      %dma_wait3A_579 = tpu.memref_slice %arg2[%dma_wait3A_577, %dma_wait3A_578] : memref<10000x128xf32, #tpu.memory_space<hbm>> -> memref<10000x128xf32, #tpu.memory_space<hbm>>
      tpu.wait_indirect_dma semaphore(%arg18 : memref<!tpu.dma_semaphore, #tpu.memory_space<semaphore_mem>>) src(%dma_wait3A_579 : memref<10000x128xf32, #tpu.memory_space<hbm>>) dst(%arg12 : memref<80x128xf32, #tpu.memory_space<vmem>>)
      %dma_start3A_580 = arith.constant 0 : i32
      %dma_start3A_581 = arith.constant 0 : i32
      %dma_start3A_582 = tpu.memref_slice %arg10[%dma_start3A_580, %dma_start3A_581] : memref<10x80xi32, #tpu.memory_space<vmem>> -> memref<1x80xi32, #tpu.memory_space<vmem>>
      %dma_start3A_583 = tpu.memref_squeeze %dma_start3A_582 : memref<1x80xi32, #tpu.memory_space<vmem>> -> memref<80xi32, #tpu.memory_space<vmem>>
      %dma_start3A_584 = arith.constant 0 : i32
      %dma_start3A_585 = arith.constant 0 : i32
      %dma_start3A_586 = tpu.memref_slice %arg16[%dma_start3A_584, %dma_start3A_585] : memref<10240x128xf32, #tpu.memory_space<vmem_shared>> -> memref<10240x128xf32, #tpu.memory_space<vmem_shared>>
      tpu.enqueue_indirect_dma source(%arg12 : memref<80x128xf32, #tpu.memory_space<vmem>>) target(%dma_start3A_586 : memref<10240x128xf32, #tpu.memory_space<vmem_shared>>) offsets(%dma_start3A_583 : memref<80xi32, #tpu.memory_space<vmem>>) semaphore(%arg21 : memref<!tpu.dma_semaphore, #tpu.memory_space<semaphore_mem>>) {add = true}
      %dma_start3A_587 = arith.constant 0 : i32
      %dma_start3A_588 = arith.constant 0 : i32
      %dma_start3A_589 = tpu.memref_slice %arg11[%dma_start3A_587, %dma_start3A_588] : memref<10x80xi32, #tpu.memory_space<vmem>> -> memref<1x80xi32, #tpu.memory_space<vmem>>
      %dma_start3A_590 = tpu.memref_squeeze %dma_start3A_589 : memref<1x80xi32, #tpu.memory_space<vmem>> -> memref<80xi32, #tpu.memory_space<vmem>>
      %dma_start3A_591 = arith.constant 0 : i32
      %dma_start3A_592 = arith.constant 0 : i32
      %dma_start3A_593 = tpu.memref_slice %arg17[%dma_start3A_591, %dma_start3A_592] : memref<512x128xf32, #tpu.memory_space<vmem_shared>> -> memref<512x128xf32, #tpu.memory_space<vmem_shared>>
      tpu.enqueue_indirect_dma source(%arg12 : memref<80x128xf32, #tpu.memory_space<vmem>>) target(%dma_start3A_593 : memref<512x128xf32, #tpu.memory_space<vmem_shared>>) offsets(%dma_start3A_590 : memref<80xi32, #tpu.memory_space<vmem>>) semaphore(%arg21 : memref<!tpu.dma_semaphore, #tpu.memory_space<semaphore_mem>>) {add = true}
      %get3A_594 = arith.constant 0 : i32
      %get3A_595 = arith.index_cast %get3A_594 : i32 to index
      %get3A_596 = arith.constant 0 : index
      %get3A_597 = tpu.vector_load %arg10[%get3A_595, %get3A_596] {strides = array<i32>} : memref<10x80xi32, #tpu.memory_space<vmem>>, vector<16xi32>,
      tpu.vector_store_idx %arg15[%get3A_597], %broadcast_in_dim3A_48 {add = true} : memref<10400xf32, #tpu.memory_space<vmem>>[vector<16xi32>], vector<16xf32>,
      %get3A_598 = arith.constant 0 : i32
      %get3A_599 = arith.index_cast %get3A_598 : i32 to index
      %get3A_600 = arith.constant 0 : index
      %get3A_601 = tpu.vector_load %arg11[%get3A_599, %get3A_600] {strides = array<i32>} : memref<10x80xi32, #tpu.memory_space<vmem>>, vector<16xi32>,
      %add3A_602 = arith.constant 10000 : i32
      %add3A_603 = vector.broadcast %add3A_602 : i32 to vector<16xi32>
      %add3A_604 = arith.addi %get3A_601, %add3A_603 : vector<16xi32>
      tpu.vector_store_idx %arg15[%add3A_604], %broadcast_in_dim3A_48 {add = true} : memref<10400xf32, #tpu.memory_space<vmem>>[vector<16xi32>], vector<16xf32>,
      %get3A_605 = arith.constant 0 : i32
      %get3A_606 = arith.index_cast %get3A_605 : i32 to index
      %get3A_607 = arith.constant 16 : index
      %get3A_608 = tpu.vector_load %arg10[%get3A_606, %get3A_607] {strides = array<i32>} : memref<10x80xi32, #tpu.memory_space<vmem>>, vector<16xi32>,
      tpu.vector_store_idx %arg15[%get3A_608], %broadcast_in_dim3A_48 {add = true} : memref<10400xf32, #tpu.memory_space<vmem>>[vector<16xi32>], vector<16xf32>,
      %get3A_609 = arith.constant 0 : i32
      %get3A_610 = arith.index_cast %get3A_609 : i32 to index
      %get3A_611 = arith.constant 16 : index
      %get3A_612 = tpu.vector_load %arg11[%get3A_610, %get3A_611] {strides = array<i32>} : memref<10x80xi32, #tpu.memory_space<vmem>>, vector<16xi32>,
      %add3A_613 = arith.constant 10000 : i32
      %add3A_614 = vector.broadcast %add3A_613 : i32 to vector<16xi32>
      %add3A_615 = arith.addi %get3A_612, %add3A_614 : vector<16xi32>
      tpu.vector_store_idx %arg15[%add3A_615], %broadcast_in_dim3A_48 {add = true} : memref<10400xf32, #tpu.memory_space<vmem>>[vector<16xi32>], vector<16xf32>,
      %get3A_616 = arith.constant 0 : i32
      %get3A_617 = arith.index_cast %get3A_616 : i32 to index
      %get3A_618 = arith.constant 32 : index
      %get3A_619 = tpu.vector_load %arg10[%get3A_617, %get3A_618] {strides = array<i32>} : memref<10x80xi32, #tpu.memory_space<vmem>>, vector<16xi32>,
      tpu.vector_store_idx %arg15[%get3A_619], %broadcast_in_dim3A_48 {add = true} : memref<10400xf32, #tpu.memory_space<vmem>>[vector<16xi32>], vector<16xf32>,
      %get3A_620 = arith.constant 0 : i32
      %get3A_621 = arith.index_cast %get3A_620 : i32 to index
      %get3A_622 = arith.constant 32 : index
      %get3A_623 = tpu.vector_load %arg11[%get3A_621, %get3A_622] {strides = array<i32>} : memref<10x80xi32, #tpu.memory_space<vmem>>, vector<16xi32>,
      %add3A_624 = arith.constant 10000 : i32
      %add3A_625 = vector.broadcast %add3A_624 : i32 to vector<16xi32>
      %add3A_626 = arith.addi %get3A_623, %add3A_625 : vector<16xi32>
      tpu.vector_store_idx %arg15[%add3A_626], %broadcast_in_dim3A_48 {add = true} : memref<10400xf32, #tpu.memory_space<vmem>>[vector<16xi32>], vector<16xf32>,
      %get3A_627 = arith.constant 0 : i32
      %get3A_628 = arith.index_cast %get3A_627 : i32 to index
      %get3A_629 = arith.constant 48 : index
      %get3A_630 = tpu.vector_load %arg10[%get3A_628, %get3A_629] {strides = array<i32>} : memref<10x80xi32, #tpu.memory_space<vmem>>, vector<16xi32>,
      tpu.vector_store_idx %arg15[%get3A_630], %broadcast_in_dim3A_48 {add = true} : memref<10400xf32, #tpu.memory_space<vmem>>[vector<16xi32>], vector<16xf32>,
      %get3A_631 = arith.constant 0 : i32
      %get3A_632 = arith.index_cast %get3A_631 : i32 to index
      %get3A_633 = arith.constant 48 : index
      %get3A_634 = tpu.vector_load %arg11[%get3A_632, %get3A_633] {strides = array<i32>} : memref<10x80xi32, #tpu.memory_space<vmem>>, vector<16xi32>,
      %add3A_635 = arith.constant 10000 : i32
      %add3A_636 = vector.broadcast %add3A_635 : i32 to vector<16xi32>
      %add3A_637 = arith.addi %get3A_634, %add3A_636 : vector<16xi32>
      tpu.vector_store_idx %arg15[%add3A_637], %broadcast_in_dim3A_48 {add = true} : memref<10400xf32, #tpu.memory_space<vmem>>[vector<16xi32>], vector<16xf32>,
      %get3A_638 = arith.constant 0 : i32
      %get3A_639 = arith.index_cast %get3A_638 : i32 to index
      %get3A_640 = arith.constant 64 : index
      %get3A_641 = tpu.vector_load %arg10[%get3A_639, %get3A_640] {strides = array<i32>} : memref<10x80xi32, #tpu.memory_space<vmem>>, vector<16xi32>,
      tpu.vector_store_idx %arg15[%get3A_641], %broadcast_in_dim3A_48 {add = true} : memref<10400xf32, #tpu.memory_space<vmem>>[vector<16xi32>], vector<16xf32>,
      %get3A_642 = arith.constant 0 : i32
      %get3A_643 = arith.index_cast %get3A_642 : i32 to index
      %get3A_644 = arith.constant 64 : index
      %get3A_645 = tpu.vector_load %arg11[%get3A_643, %get3A_644] {strides = array<i32>} : memref<10x80xi32, #tpu.memory_space<vmem>>, vector<16xi32>,
      %add3A_646 = arith.constant 10000 : i32
      %add3A_647 = vector.broadcast %add3A_646 : i32 to vector<16xi32>
      %add3A_648 = arith.addi %get3A_645, %add3A_647 : vector<16xi32>
      tpu.vector_store_idx %arg15[%add3A_648], %broadcast_in_dim3A_48 {add = true} : memref<10400xf32, #tpu.memory_space<vmem>>[vector<16xi32>], vector<16xf32>,
      %dma_wait3A_649 = arith.constant 0 : i32
      %dma_wait3A_650 = arith.constant 0 : i32
      %dma_wait3A_651 = tpu.memref_slice %arg10[%dma_wait3A_649, %dma_wait3A_650] : memref<10x80xi32, #tpu.memory_space<vmem>> -> memref<1x80xi32, #tpu.memory_space<vmem>>
      %dma_wait3A_652 = tpu.memref_squeeze %dma_wait3A_651 : memref<1x80xi32, #tpu.memory_space<vmem>> -> memref<80xi32, #tpu.memory_space<vmem>>
      %dma_wait3A_653 = arith.constant 0 : i32
      %dma_wait3A_654 = arith.constant 0 : i32
      %dma_wait3A_655 = tpu.memref_slice %arg16[%dma_wait3A_653, %dma_wait3A_654] : memref<10240x128xf32, #tpu.memory_space<vmem_shared>> -> memref<10240x128xf32, #tpu.memory_space<vmem_shared>>
      tpu.wait_indirect_dma semaphore(%arg21 : memref<!tpu.dma_semaphore, #tpu.memory_space<semaphore_mem>>) src(%arg12 : memref<80x128xf32, #tpu.memory_space<vmem>>) dst(%dma_wait3A_655 : memref<10240x128xf32, #tpu.memory_space<vmem_shared>>)
      %dma_wait3A_656 = arith.constant 0 : i32
      %dma_wait3A_657 = arith.constant 0 : i32
      %dma_wait3A_658 = tpu.memref_slice %arg11[%dma_wait3A_656, %dma_wait3A_657] : memref<10x80xi32, #tpu.memory_space<vmem>> -> memref<1x80xi32, #tpu.memory_space<vmem>>
      %dma_wait3A_659 = tpu.memref_squeeze %dma_wait3A_658 : memref<1x80xi32, #tpu.memory_space<vmem>> -> memref<80xi32, #tpu.memory_space<vmem>>
      %dma_wait3A_660 = arith.constant 0 : i32
      %dma_wait3A_661 = arith.constant 0 : i32
      %dma_wait3A_662 = tpu.memref_slice %arg17[%dma_wait3A_660, %dma_wait3A_661] : memref<512x128xf32, #tpu.memory_space<vmem_shared>> -> memref<512x128xf32, #tpu.memory_space<vmem_shared>>
      tpu.wait_indirect_dma semaphore(%arg21 : memref<!tpu.dma_semaphore, #tpu.memory_space<semaphore_mem>>) src(%arg12 : memref<80x128xf32, #tpu.memory_space<vmem>>) dst(%dma_wait3A_662 : memref<512x128xf32, #tpu.memory_space<vmem_shared>>)
      %dma_start3A_663 = arith.constant 3 : i32
      %dma_start3A_664 = arith.constant 0 : i32
      %dma_start3A_665 = tpu.memref_slice %arg9[%dma_start3A_663, %dma_start3A_664] : memref<10x80xi32, #tpu.memory_space<vmem>> -> memref<1x80xi32, #tpu.memory_space<vmem>>
      %dma_start3A_666 = tpu.memref_squeeze %dma_start3A_665 : memref<1x80xi32, #tpu.memory_space<vmem>> -> memref<80xi32, #tpu.memory_space<vmem>>
      %dma_start3A_667 = arith.constant 0 : i32
      %dma_start3A_668 = arith.constant 0 : i32
      %dma_start3A_669 = tpu.memref_slice %arg2[%dma_start3A_667, %dma_start3A_668] : memref<10000x128xf32, #tpu.memory_space<hbm>> -> memref<10000x128xf32, #tpu.memory_space<hbm>>
      tpu.enqueue_indirect_dma source(%dma_start3A_669 : memref<10000x128xf32, #tpu.memory_space<hbm>>) target(%arg12 : memref<80x128xf32, #tpu.memory_space<vmem>>) offsets(%dma_start3A_666 : memref<80xi32, #tpu.memory_space<vmem>>) semaphore(%arg18 : memref<!tpu.dma_semaphore, #tpu.memory_space<semaphore_mem>>)
      %dma_wait3A_670 = arith.constant 1 : i32
      %dma_wait3A_671 = arith.constant 0 : i32
      %dma_wait3A_672 = tpu.memref_slice %arg9[%dma_wait3A_670, %dma_wait3A_671] : memref<10x80xi32, #tpu.memory_space<vmem>> -> memref<1x80xi32, #tpu.memory_space<vmem>>
      %dma_wait3A_673 = tpu.memref_squeeze %dma_wait3A_672 : memref<1x80xi32, #tpu.memory_space<vmem>> -> memref<80xi32, #tpu.memory_space<vmem>>
      %dma_wait3A_674 = arith.constant 0 : i32
      %dma_wait3A_675 = arith.constant 0 : i32
      %dma_wait3A_676 = tpu.memref_slice %arg2[%dma_wait3A_674, %dma_wait3A_675] : memref<10000x128xf32, #tpu.memory_space<hbm>> -> memref<10000x128xf32, #tpu.memory_space<hbm>>
      tpu.wait_indirect_dma semaphore(%arg19 : memref<!tpu.dma_semaphore, #tpu.memory_space<semaphore_mem>>) src(%dma_wait3A_676 : memref<10000x128xf32, #tpu.memory_space<hbm>>) dst(%arg13 : memref<80x128xf32, #tpu.memory_space<vmem>>)
      %dma_start3A_677 = arith.constant 1 : i32
      %dma_start3A_678 = arith.constant 0 : i32
      %dma_start3A_679 = tpu.memref_slice %arg10[%dma_start3A_677, %dma_start3A_678] : memref<10x80xi32, #tpu.memory_space<vmem>> -> memref<1x80xi32, #tpu.memory_space<vmem>>
      %dma_start3A_680 = tpu.memref_squeeze %dma_start3A_679 : memref<1x80xi32, #tpu.memory_space<vmem>> -> memref<80xi32, #tpu.memory_space<vmem>>
      %dma_start3A_681 = arith.constant 0 : i32
      %dma_start3A_682 = arith.constant 0 : i32
      %dma_start3A_683 = tpu.memref_slice %arg16[%dma_start3A_681, %dma_start3A_682] : memref<10240x128xf32, #tpu.memory_space<vmem_shared>> -> memref<10240x128xf32, #tpu.memory_space<vmem_shared>>
      tpu.enqueue_indirect_dma source(%arg13 : memref<80x128xf32, #tpu.memory_space<vmem>>) target(%dma_start3A_683 : memref<10240x128xf32, #tpu.memory_space<vmem_shared>>) offsets(%dma_start3A_680 : memref<80xi32, #tpu.memory_space<vmem>>) semaphore(%arg22 : memref<!tpu.dma_semaphore, #tpu.memory_space<semaphore_mem>>) {add = true}
      %dma_start3A_684 = arith.constant 1 : i32
      %dma_start3A_685 = arith.constant 0 : i32
      %dma_start3A_686 = tpu.memref_slice %arg11[%dma_start3A_684, %dma_start3A_685] : memref<10x80xi32, #tpu.memory_space<vmem>> -> memref<1x80xi32, #tpu.memory_space<vmem>>
      %dma_start3A_687 = tpu.memref_squeeze %dma_start3A_686 : memref<1x80xi32, #tpu.memory_space<vmem>> -> memref<80xi32, #tpu.memory_space<vmem>>
      %dma_start3A_688 = arith.constant 0 : i32
      %dma_start3A_689 = arith.constant 0 : i32
      %dma_start3A_690 = tpu.memref_slice %arg17[%dma_start3A_688, %dma_start3A_689] : memref<512x128xf32, #tpu.memory_space<vmem_shared>> -> memref<512x128xf32, #tpu.memory_space<vmem_shared>>
      tpu.enqueue_indirect_dma source(%arg13 : memref<80x128xf32, #tpu.memory_space<vmem>>) target(%dma_start3A_690 : memref<512x128xf32, #tpu.memory_space<vmem_shared>>) offsets(%dma_start3A_687 : memref<80xi32, #tpu.memory_space<vmem>>) semaphore(%arg22 : memref<!tpu.dma_semaphore, #tpu.memory_space<semaphore_mem>>) {add = true}
      %get3A_691 = arith.constant 1 : i32
      %get3A_692 = arith.index_cast %get3A_691 : i32 to index
      %get3A_693 = arith.constant 0 : index
      %get3A_694 = tpu.vector_load %arg10[%get3A_692, %get3A_693] {strides = array<i32>} : memref<10x80xi32, #tpu.memory_space<vmem>>, vector<16xi32>,
      tpu.vector_store_idx %arg15[%get3A_694], %broadcast_in_dim3A_48 {add = true} : memref<10400xf32, #tpu.memory_space<vmem>>[vector<16xi32>], vector<16xf32>,
      %get3A_695 = arith.constant 1 : i32
      %get3A_696 = arith.index_cast %get3A_695 : i32 to index
      %get3A_697 = arith.constant 0 : index
      %get3A_698 = tpu.vector_load %arg11[%get3A_696, %get3A_697] {strides = array<i32>} : memref<10x80xi32, #tpu.memory_space<vmem>>, vector<16xi32>,
      %add3A_699 = arith.constant 10000 : i32
      %add3A_700 = vector.broadcast %add3A_699 : i32 to vector<16xi32>
      %add3A_701 = arith.addi %get3A_698, %add3A_700 : vector<16xi32>
      tpu.vector_store_idx %arg15[%add3A_701], %broadcast_in_dim3A_48 {add = true} : memref<10400xf32, #tpu.memory_space<vmem>>[vector<16xi32>], vector<16xf32>,
      %get3A_702 = arith.constant 1 : i32
      %get3A_703 = arith.index_cast %get3A_702 : i32 to index
      %get3A_704 = arith.constant 16 : index
      %get3A_705 = tpu.vector_load %arg10[%get3A_703, %get3A_704] {strides = array<i32>} : memref<10x80xi32, #tpu.memory_space<vmem>>, vector<16xi32>,
      tpu.vector_store_idx %arg15[%get3A_705], %broadcast_in_dim3A_48 {add = true} : memref<10400xf32, #tpu.memory_space<vmem>>[vector<16xi32>], vector<16xf32>,
      %get3A_706 = arith.constant 1 : i32
      %get3A_707 = arith.index_cast %get3A_706 : i32 to index
      %get3A_708 = arith.constant 16 : index
      %get3A_709 = tpu.vector_load %arg11[%get3A_707, %get3A_708] {strides = array<i32>} : memref<10x80xi32, #tpu.memory_space<vmem>>, vector<16xi32>,
      %add3A_710 = arith.constant 10000 : i32
      %add3A_711 = vector.broadcast %add3A_710 : i32 to vector<16xi32>
      %add3A_712 = arith.addi %get3A_709, %add3A_711 : vector<16xi32>
      tpu.vector_store_idx %arg15[%add3A_712], %broadcast_in_dim3A_48 {add = true} : memref<10400xf32, #tpu.memory_space<vmem>>[vector<16xi32>], vector<16xf32>,
      %get3A_713 = arith.constant 1 : i32
      %get3A_714 = arith.index_cast %get3A_713 : i32 to index
      %get3A_715 = arith.constant 32 : index
      %get3A_716 = tpu.vector_load %arg10[%get3A_714, %get3A_715] {strides = array<i32>} : memref<10x80xi32, #tpu.memory_space<vmem>>, vector<16xi32>,
      tpu.vector_store_idx %arg15[%get3A_716], %broadcast_in_dim3A_48 {add = true} : memref<10400xf32, #tpu.memory_space<vmem>>[vector<16xi32>], vector<16xf32>,
      %get3A_717 = arith.constant 1 : i32
      %get3A_718 = arith.index_cast %get3A_717 : i32 to index
      %get3A_719 = arith.constant 32 : index
      %get3A_720 = tpu.vector_load %arg11[%get3A_718, %get3A_719] {strides = array<i32>} : memref<10x80xi32, #tpu.memory_space<vmem>>, vector<16xi32>,
      %add3A_721 = arith.constant 10000 : i32
      %add3A_722 = vector.broadcast %add3A_721 : i32 to vector<16xi32>
      %add3A_723 = arith.addi %get3A_720, %add3A_722 : vector<16xi32>
      tpu.vector_store_idx %arg15[%add3A_723], %broadcast_in_dim3A_48 {add = true} : memref<10400xf32, #tpu.memory_space<vmem>>[vector<16xi32>], vector<16xf32>,
      %get3A_724 = arith.constant 1 : i32
      %get3A_725 = arith.index_cast %get3A_724 : i32 to index
      %get3A_726 = arith.constant 48 : index
      %get3A_727 = tpu.vector_load %arg10[%get3A_725, %get3A_726] {strides = array<i32>} : memref<10x80xi32, #tpu.memory_space<vmem>>, vector<16xi32>,
      tpu.vector_store_idx %arg15[%get3A_727], %broadcast_in_dim3A_48 {add = true} : memref<10400xf32, #tpu.memory_space<vmem>>[vector<16xi32>], vector<16xf32>,
      %get3A_728 = arith.constant 1 : i32
      %get3A_729 = arith.index_cast %get3A_728 : i32 to index
      %get3A_730 = arith.constant 48 : index
      %get3A_731 = tpu.vector_load %arg11[%get3A_729, %get3A_730] {strides = array<i32>} : memref<10x80xi32, #tpu.memory_space<vmem>>, vector<16xi32>,
      %add3A_732 = arith.constant 10000 : i32
      %add3A_733 = vector.broadcast %add3A_732 : i32 to vector<16xi32>
      %add3A_734 = arith.addi %get3A_731, %add3A_733 : vector<16xi32>
      tpu.vector_store_idx %arg15[%add3A_734], %broadcast_in_dim3A_48 {add = true} : memref<10400xf32, #tpu.memory_space<vmem>>[vector<16xi32>], vector<16xf32>,
      %get3A_735 = arith.constant 1 : i32
      %get3A_736 = arith.index_cast %get3A_735 : i32 to index
      %get3A_737 = arith.constant 64 : index
      %get3A_738 = tpu.vector_load %arg10[%get3A_736, %get3A_737] {strides = array<i32>} : memref<10x80xi32, #tpu.memory_space<vmem>>, vector<16xi32>,
      tpu.vector_store_idx %arg15[%get3A_738], %broadcast_in_dim3A_48 {add = true} : memref<10400xf32, #tpu.memory_space<vmem>>[vector<16xi32>], vector<16xf32>,
      %get3A_739 = arith.constant 1 : i32
      %get3A_740 = arith.index_cast %get3A_739 : i32 to index
      %get3A_741 = arith.constant 64 : index
      %get3A_742 = tpu.vector_load %arg11[%get3A_740, %get3A_741] {strides = array<i32>} : memref<10x80xi32, #tpu.memory_space<vmem>>, vector<16xi32>,
      %add3A_743 = arith.constant 10000 : i32
      %add3A_744 = vector.broadcast %add3A_743 : i32 to vector<16xi32>
      %add3A_745 = arith.addi %get3A_742, %add3A_744 : vector<16xi32>
      tpu.vector_store_idx %arg15[%add3A_745], %broadcast_in_dim3A_48 {add = true} : memref<10400xf32, #tpu.memory_space<vmem>>[vector<16xi32>], vector<16xf32>,
      %dma_wait3A_746 = arith.constant 1 : i32
      %dma_wait3A_747 = arith.constant 0 : i32
      %dma_wait3A_748 = tpu.memref_slice %arg10[%dma_wait3A_746, %dma_wait3A_747] : memref<10x80xi32, #tpu.memory_space<vmem>> -> memref<1x80xi32, #tpu.memory_space<vmem>>
      %dma_wait3A_749 = tpu.memref_squeeze %dma_wait3A_748 : memref<1x80xi32, #tpu.memory_space<vmem>> -> memref<80xi32, #tpu.memory_space<vmem>>
      %dma_wait3A_750 = arith.constant 0 : i32
      %dma_wait3A_751 = arith.constant 0 : i32
      %dma_wait3A_752 = tpu.memref_slice %arg16[%dma_wait3A_750, %dma_wait3A_751] : memref<10240x128xf32, #tpu.memory_space<vmem_shared>> -> memref<10240x128xf32, #tpu.memory_space<vmem_shared>>
      tpu.wait_indirect_dma semaphore(%arg22 : memref<!tpu.dma_semaphore, #tpu.memory_space<semaphore_mem>>) src(%arg13 : memref<80x128xf32, #tpu.memory_space<vmem>>) dst(%dma_wait3A_752 : memref<10240x128xf32, #tpu.memory_space<vmem_shared>>)
      %dma_wait3A_753 = arith.constant 1 : i32
      %dma_wait3A_754 = arith.constant 0 : i32
      %dma_wait3A_755 = tpu.memref_slice %arg11[%dma_wait3A_753, %dma_wait3A_754] : memref<10x80xi32, #tpu.memory_space<vmem>> -> memref<1x80xi32, #tpu.memory_space<vmem>>
      %dma_wait3A_756 = tpu.memref_squeeze %dma_wait3A_755 : memref<1x80xi32, #tpu.memory_space<vmem>> -> memref<80xi32, #tpu.memory_space<vmem>>
      %dma_wait3A_757 = arith.constant 0 : i32
      %dma_wait3A_758 = arith.constant 0 : i32
      %dma_wait3A_759 = tpu.memref_slice %arg17[%dma_wait3A_757, %dma_wait3A_758] : memref<512x128xf32, #tpu.memory_space<vmem_shared>> -> memref<512x128xf32, #tpu.memory_space<vmem_shared>>
      tpu.wait_indirect_dma semaphore(%arg22 : memref<!tpu.dma_semaphore, #tpu.memory_space<semaphore_mem>>) src(%arg13 : memref<80x128xf32, #tpu.memory_space<vmem>>) dst(%dma_wait3A_759 : memref<512x128xf32, #tpu.memory_space<vmem_shared>>)
      %dma_start3A_760 = arith.constant 4 : i32
      %dma_start3A_761 = arith.constant 0 : i32
      %dma_start3A_762 = tpu.memref_slice %arg9[%dma_start3A_760, %dma_start3A_761] : memref<10x80xi32, #tpu.memory_space<vmem>> -> memref<1x80xi32, #tpu.memory_space<vmem>>
      %dma_start3A_763 = tpu.memref_squeeze %dma_start3A_762 : memref<1x80xi32, #tpu.memory_space<vmem>> -> memref<80xi32, #tpu.memory_space<vmem>>
      %dma_start3A_764 = arith.constant 0 : i32
      %dma_start3A_765 = arith.constant 0 : i32
      %dma_start3A_766 = tpu.memref_slice %arg2[%dma_start3A_764, %dma_start3A_765] : memref<10000x128xf32, #tpu.memory_space<hbm>> -> memref<10000x128xf32, #tpu.memory_space<hbm>>
      tpu.enqueue_indirect_dma source(%dma_start3A_766 : memref<10000x128xf32, #tpu.memory_space<hbm>>) target(%arg13 : memref<80x128xf32, #tpu.memory_space<vmem>>) offsets(%dma_start3A_763 : memref<80xi32, #tpu.memory_space<vmem>>) semaphore(%arg19 : memref<!tpu.dma_semaphore, #tpu.memory_space<semaphore_mem>>)
      %dma_wait3A_767 = arith.constant 2 : i32
      %dma_wait3A_768 = arith.constant 0 : i32
      %dma_wait3A_769 = tpu.memref_slice %arg9[%dma_wait3A_767, %dma_wait3A_768] : memref<10x80xi32, #tpu.memory_space<vmem>> -> memref<1x80xi32, #tpu.memory_space<vmem>>
      %dma_wait3A_770 = tpu.memref_squeeze %dma_wait3A_769 : memref<1x80xi32, #tpu.memory_space<vmem>> -> memref<80xi32, #tpu.memory_space<vmem>>
      %dma_wait3A_771 = arith.constant 0 : i32
      %dma_wait3A_772 = arith.constant 0 : i32
      %dma_wait3A_773 = tpu.memref_slice %arg2[%dma_wait3A_771, %dma_wait3A_772] : memref<10000x128xf32, #tpu.memory_space<hbm>> -> memref<10000x128xf32, #tpu.memory_space<hbm>>
      tpu.wait_indirect_dma semaphore(%arg20 : memref<!tpu.dma_semaphore, #tpu.memory_space<semaphore_mem>>) src(%dma_wait3A_773 : memref<10000x128xf32, #tpu.memory_space<hbm>>) dst(%arg14 : memref<80x128xf32, #tpu.memory_space<vmem>>)
      %dma_start3A_774 = arith.constant 2 : i32
      %dma_start3A_775 = arith.constant 0 : i32
      %dma_start3A_776 = tpu.memref_slice %arg10[%dma_start3A_774, %dma_start3A_775] : memref<10x80xi32, #tpu.memory_space<vmem>> -> memref<1x80xi32, #tpu.memory_space<vmem>>
      %dma_start3A_777 = tpu.memref_squeeze %dma_start3A_776 : memref<1x80xi32, #tpu.memory_space<vmem>> -> memref<80xi32, #tpu.memory_space<vmem>>
      %dma_start3A_778 = arith.constant 0 : i32
      %dma_start3A_779 = arith.constant 0 : i32
      %dma_start3A_780 = tpu.memref_slice %arg16[%dma_start3A_778, %dma_start3A_779] : memref<10240x128xf32, #tpu.memory_space<vmem_shared>> -> memref<10240x128xf32, #tpu.memory_space<vmem_shared>>
      tpu.enqueue_indirect_dma source(%arg14 : memref<80x128xf32, #tpu.memory_space<vmem>>) target(%dma_start3A_780 : memref<10240x128xf32, #tpu.memory_space<vmem_shared>>) offsets(%dma_start3A_777 : memref<80xi32, #tpu.memory_space<vmem>>) semaphore(%arg23 : memref<!tpu.dma_semaphore, #tpu.memory_space<semaphore_mem>>) {add = true}
      %dma_start3A_781 = arith.constant 2 : i32
      %dma_start3A_782 = arith.constant 0 : i32
      %dma_start3A_783 = tpu.memref_slice %arg11[%dma_start3A_781, %dma_start3A_782] : memref<10x80xi32, #tpu.memory_space<vmem>> -> memref<1x80xi32, #tpu.memory_space<vmem>>
      %dma_start3A_784 = tpu.memref_squeeze %dma_start3A_783 : memref<1x80xi32, #tpu.memory_space<vmem>> -> memref<80xi32, #tpu.memory_space<vmem>>
      %dma_start3A_785 = arith.constant 0 : i32
      %dma_start3A_786 = arith.constant 0 : i32
      %dma_start3A_787 = tpu.memref_slice %arg17[%dma_start3A_785, %dma_start3A_786] : memref<512x128xf32, #tpu.memory_space<vmem_shared>> -> memref<512x128xf32, #tpu.memory_space<vmem_shared>>
      tpu.enqueue_indirect_dma source(%arg14 : memref<80x128xf32, #tpu.memory_space<vmem>>) target(%dma_start3A_787 : memref<512x128xf32, #tpu.memory_space<vmem_shared>>) offsets(%dma_start3A_784 : memref<80xi32, #tpu.memory_space<vmem>>) semaphore(%arg23 : memref<!tpu.dma_semaphore, #tpu.memory_space<semaphore_mem>>) {add = true}
      %get3A_788 = arith.constant 2 : i32
      %get3A_789 = arith.index_cast %get3A_788 : i32 to index
      %get3A_790 = arith.constant 0 : index
      %get3A_791 = tpu.vector_load %arg10[%get3A_789, %get3A_790] {strides = array<i32>} : memref<10x80xi32, #tpu.memory_space<vmem>>, vector<16xi32>,
      tpu.vector_store_idx %arg15[%get3A_791], %broadcast_in_dim3A_48 {add = true} : memref<10400xf32, #tpu.memory_space<vmem>>[vector<16xi32>], vector<16xf32>,
      %get3A_792 = arith.constant 2 : i32
      %get3A_793 = arith.index_cast %get3A_792 : i32 to index
      %get3A_794 = arith.constant 0 : index
      %get3A_795 = tpu.vector_load %arg11[%get3A_793, %get3A_794] {strides = array<i32>} : memref<10x80xi32, #tpu.memory_space<vmem>>, vector<16xi32>,
      %add3A_796 = arith.constant 10000 : i32
      %add3A_797 = vector.broadcast %add3A_796 : i32 to vector<16xi32>
      %add3A_798 = arith.addi %get3A_795, %add3A_797 : vector<16xi32>
      tpu.vector_store_idx %arg15[%add3A_798], %broadcast_in_dim3A_48 {add = true} : memref<10400xf32, #tpu.memory_space<vmem>>[vector<16xi32>], vector<16xf32>,
      %get3A_799 = arith.constant 2 : i32
      %get3A_800 = arith.index_cast %get3A_799 : i32 to index
      %get3A_801 = arith.constant 16 : index
      %get3A_802 = tpu.vector_load %arg10[%get3A_800, %get3A_801] {strides = array<i32>} : memref<10x80xi32, #tpu.memory_space<vmem>>, vector<16xi32>,
      tpu.vector_store_idx %arg15[%get3A_802], %broadcast_in_dim3A_48 {add = true} : memref<10400xf32, #tpu.memory_space<vmem>>[vector<16xi32>], vector<16xf32>,
      %get3A_803 = arith.constant 2 : i32
      %get3A_804 = arith.index_cast %get3A_803 : i32 to index
      %get3A_805 = arith.constant 16 : index
      %get3A_806 = tpu.vector_load %arg11[%get3A_804, %get3A_805] {strides = array<i32>} : memref<10x80xi32, #tpu.memory_space<vmem>>, vector<16xi32>,
      %add3A_807 = arith.constant 10000 : i32
      %add3A_808 = vector.broadcast %add3A_807 : i32 to vector<16xi32>
      %add3A_809 = arith.addi %get3A_806, %add3A_808 : vector<16xi32>
      tpu.vector_store_idx %arg15[%add3A_809], %broadcast_in_dim3A_48 {add = true} : memref<10400xf32, #tpu.memory_space<vmem>>[vector<16xi32>], vector<16xf32>,
      %get3A_810 = arith.constant 2 : i32
      %get3A_811 = arith.index_cast %get3A_810 : i32 to index
      %get3A_812 = arith.constant 32 : index
      %get3A_813 = tpu.vector_load %arg10[%get3A_811, %get3A_812] {strides = array<i32>} : memref<10x80xi32, #tpu.memory_space<vmem>>, vector<16xi32>,
      tpu.vector_store_idx %arg15[%get3A_813], %broadcast_in_dim3A_48 {add = true} : memref<10400xf32, #tpu.memory_space<vmem>>[vector<16xi32>], vector<16xf32>,
      %get3A_814 = arith.constant 2 : i32
      %get3A_815 = arith.index_cast %get3A_814 : i32 to index
      %get3A_816 = arith.constant 32 : index
      %get3A_817 = tpu.vector_load %arg11[%get3A_815, %get3A_816] {strides = array<i32>} : memref<10x80xi32, #tpu.memory_space<vmem>>, vector<16xi32>,
      %add3A_818 = arith.constant 10000 : i32
      %add3A_819 = vector.broadcast %add3A_818 : i32 to vector<16xi32>
      %add3A_820 = arith.addi %get3A_817, %add3A_819 : vector<16xi32>
      tpu.vector_store_idx %arg15[%add3A_820], %broadcast_in_dim3A_48 {add = true} : memref<10400xf32, #tpu.memory_space<vmem>>[vector<16xi32>], vector<16xf32>,
      %get3A_821 = arith.constant 2 : i32
      %get3A_822 = arith.index_cast %get3A_821 : i32 to index
      %get3A_823 = arith.constant 48 : index
      %get3A_824 = tpu.vector_load %arg10[%get3A_822, %get3A_823] {strides = array<i32>} : memref<10x80xi32, #tpu.memory_space<vmem>>, vector<16xi32>,
      tpu.vector_store_idx %arg15[%get3A_824], %broadcast_in_dim3A_48 {add = true} : memref<10400xf32, #tpu.memory_space<vmem>>[vector<16xi32>], vector<16xf32>,
      %get3A_825 = arith.constant 2 : i32
      %get3A_826 = arith.index_cast %get3A_825 : i32 to index
      %get3A_827 = arith.constant 48 : index
      %get3A_828 = tpu.vector_load %arg11[%get3A_826, %get3A_827] {strides = array<i32>} : memref<10x80xi32, #tpu.memory_space<vmem>>, vector<16xi32>,
      %add3A_829 = arith.constant 10000 : i32
      %add3A_830 = vector.broadcast %add3A_829 : i32 to vector<16xi32>
      %add3A_831 = arith.addi %get3A_828, %add3A_830 : vector<16xi32>
      tpu.vector_store_idx %arg15[%add3A_831], %broadcast_in_dim3A_48 {add = true} : memref<10400xf32, #tpu.memory_space<vmem>>[vector<16xi32>], vector<16xf32>,
      %get3A_832 = arith.constant 2 : i32
      %get3A_833 = arith.index_cast %get3A_832 : i32 to index
      %get3A_834 = arith.constant 64 : index
      %get3A_835 = tpu.vector_load %arg10[%get3A_833, %get3A_834] {strides = array<i32>} : memref<10x80xi32, #tpu.memory_space<vmem>>, vector<16xi32>,
      tpu.vector_store_idx %arg15[%get3A_835], %broadcast_in_dim3A_48 {add = true} : memref<10400xf32, #tpu.memory_space<vmem>>[vector<16xi32>], vector<16xf32>,
      %get3A_836 = arith.constant 2 : i32
      %get3A_837 = arith.index_cast %get3A_836 : i32 to index
      %get3A_838 = arith.constant 64 : index
      %get3A_839 = tpu.vector_load %arg11[%get3A_837, %get3A_838] {strides = array<i32>} : memref<10x80xi32, #tpu.memory_space<vmem>>, vector<16xi32>,
      %add3A_840 = arith.constant 10000 : i32
      %add3A_841 = vector.broadcast %add3A_840 : i32 to vector<16xi32>
      %add3A_842 = arith.addi %get3A_839, %add3A_841 : vector<16xi32>
      tpu.vector_store_idx %arg15[%add3A_842], %broadcast_in_dim3A_48 {add = true} : memref<10400xf32, #tpu.memory_space<vmem>>[vector<16xi32>], vector<16xf32>,
      %dma_wait3A_843 = arith.constant 2 : i32
      %dma_wait3A_844 = arith.constant 0 : i32
      %dma_wait3A_845 = tpu.memref_slice %arg10[%dma_wait3A_843, %dma_wait3A_844] : memref<10x80xi32, #tpu.memory_space<vmem>> -> memref<1x80xi32, #tpu.memory_space<vmem>>
      %dma_wait3A_846 = tpu.memref_squeeze %dma_wait3A_845 : memref<1x80xi32, #tpu.memory_space<vmem>> -> memref<80xi32, #tpu.memory_space<vmem>>
      %dma_wait3A_847 = arith.constant 0 : i32
      %dma_wait3A_848 = arith.constant 0 : i32
      %dma_wait3A_849 = tpu.memref_slice %arg16[%dma_wait3A_847, %dma_wait3A_848] : memref<10240x128xf32, #tpu.memory_space<vmem_shared>> -> memref<10240x128xf32, #tpu.memory_space<vmem_shared>>
      tpu.wait_indirect_dma semaphore(%arg23 : memref<!tpu.dma_semaphore, #tpu.memory_space<semaphore_mem>>) src(%arg14 : memref<80x128xf32, #tpu.memory_space<vmem>>) dst(%dma_wait3A_849 : memref<10240x128xf32, #tpu.memory_space<vmem_shared>>)
      %dma_wait3A_850 = arith.constant 2 : i32
      %dma_wait3A_851 = arith.constant 0 : i32
      %dma_wait3A_852 = tpu.memref_slice %arg11[%dma_wait3A_850, %dma_wait3A_851] : memref<10x80xi32, #tpu.memory_space<vmem>> -> memref<1x80xi32, #tpu.memory_space<vmem>>
      %dma_wait3A_853 = tpu.memref_squeeze %dma_wait3A_852 : memref<1x80xi32, #tpu.memory_space<vmem>> -> memref<80xi32, #tpu.memory_space<vmem>>
      %dma_wait3A_854 = arith.constant 0 : i32
      %dma_wait3A_855 = arith.constant 0 : i32
      %dma_wait3A_856 = tpu.memref_slice %arg17[%dma_wait3A_854, %dma_wait3A_855] : memref<512x128xf32, #tpu.memory_space<vmem_shared>> -> memref<512x128xf32, #tpu.memory_space<vmem_shared>>
      tpu.wait_indirect_dma semaphore(%arg23 : memref<!tpu.dma_semaphore, #tpu.memory_space<semaphore_mem>>) src(%arg14 : memref<80x128xf32, #tpu.memory_space<vmem>>) dst(%dma_wait3A_856 : memref<512x128xf32, #tpu.memory_space<vmem_shared>>)
      %dma_start3A_857 = arith.constant 5 : i32
      %dma_start3A_858 = arith.constant 0 : i32
      %dma_start3A_859 = tpu.memref_slice %arg9[%dma_start3A_857, %dma_start3A_858] : memref<10x80xi32, #tpu.memory_space<vmem>> -> memref<1x80xi32, #tpu.memory_space<vmem>>
      %dma_start3A_860 = tpu.memref_squeeze %dma_start3A_859 : memref<1x80xi32, #tpu.memory_space<vmem>> -> memref<80xi32, #tpu.memory_space<vmem>>
      %dma_start3A_861 = arith.constant 0 : i32
      %dma_start3A_862 = arith.constant 0 : i32
      %dma_start3A_863 = tpu.memref_slice %arg2[%dma_start3A_861, %dma_start3A_862] : memref<10000x128xf32, #tpu.memory_space<hbm>> -> memref<10000x128xf32, #tpu.memory_space<hbm>>
      tpu.enqueue_indirect_dma source(%dma_start3A_863 : memref<10000x128xf32, #tpu.memory_space<hbm>>) target(%arg14 : memref<80x128xf32, #tpu.memory_space<vmem>>) offsets(%dma_start3A_860 : memref<80xi32, #tpu.memory_space<vmem>>) semaphore(%arg20 : memref<!tpu.dma_semaphore, #tpu.memory_space<semaphore_mem>>)
      %dma_wait3A_864 = arith.constant 3 : i32
      %dma_wait3A_865 = arith.constant 0 : i32
      %dma_wait3A_866 = tpu.memref_slice %arg9[%dma_wait3A_864, %dma_wait3A_865] : memref<10x80xi32, #tpu.memory_space<vmem>> -> memref<1x80xi32, #tpu.memory_space<vmem>>
      %dma_wait3A_867 = tpu.memref_squeeze %dma_wait3A_866 : memref<1x80xi32, #tpu.memory_space<vmem>> -> memref<80xi32, #tpu.memory_space<vmem>>
      %dma_wait3A_868 = arith.constant 0 : i32
      %dma_wait3A_869 = arith.constant 0 : i32
      %dma_wait3A_870 = tpu.memref_slice %arg2[%dma_wait3A_868, %dma_wait3A_869] : memref<10000x128xf32, #tpu.memory_space<hbm>> -> memref<10000x128xf32, #tpu.memory_space<hbm>>
      tpu.wait_indirect_dma semaphore(%arg18 : memref<!tpu.dma_semaphore, #tpu.memory_space<semaphore_mem>>) src(%dma_wait3A_870 : memref<10000x128xf32, #tpu.memory_space<hbm>>) dst(%arg12 : memref<80x128xf32, #tpu.memory_space<vmem>>)
      %dma_start3A_871 = arith.constant 3 : i32
      %dma_start3A_872 = arith.constant 0 : i32
      %dma_start3A_873 = tpu.memref_slice %arg10[%dma_start3A_871, %dma_start3A_872] : memref<10x80xi32, #tpu.memory_space<vmem>> -> memref<1x80xi32, #tpu.memory_space<vmem>>
      %dma_start3A_874 = tpu.memref_squeeze %dma_start3A_873 : memref<1x80xi32, #tpu.memory_space<vmem>> -> memref<80xi32, #tpu.memory_space<vmem>>
      %dma_start3A_875 = arith.constant 0 : i32
      %dma_start3A_876 = arith.constant 0 : i32
      %dma_start3A_877 = tpu.memref_slice %arg16[%dma_start3A_875, %dma_start3A_876] : memref<10240x128xf32, #tpu.memory_space<vmem_shared>> -> memref<10240x128xf32, #tpu.memory_space<vmem_shared>>
      tpu.enqueue_indirect_dma source(%arg12 : memref<80x128xf32, #tpu.memory_space<vmem>>) target(%dma_start3A_877 : memref<10240x128xf32, #tpu.memory_space<vmem_shared>>) offsets(%dma_start3A_874 : memref<80xi32, #tpu.memory_space<vmem>>) semaphore(%arg21 : memref<!tpu.dma_semaphore, #tpu.memory_space<semaphore_mem>>) {add = true}
      %dma_start3A_878 = arith.constant 3 : i32
      %dma_start3A_879 = arith.constant 0 : i32
      %dma_start3A_880 = tpu.memref_slice %arg11[%dma_start3A_878, %dma_start3A_879] : memref<10x80xi32, #tpu.memory_space<vmem>> -> memref<1x80xi32, #tpu.memory_space<vmem>>
      %dma_start3A_881 = tpu.memref_squeeze %dma_start3A_880 : memref<1x80xi32, #tpu.memory_space<vmem>> -> memref<80xi32, #tpu.memory_space<vmem>>
      %dma_start3A_882 = arith.constant 0 : i32
      %dma_start3A_883 = arith.constant 0 : i32
      %dma_start3A_884 = tpu.memref_slice %arg17[%dma_start3A_882, %dma_start3A_883] : memref<512x128xf32, #tpu.memory_space<vmem_shared>> -> memref<512x128xf32, #tpu.memory_space<vmem_shared>>
      tpu.enqueue_indirect_dma source(%arg12 : memref<80x128xf32, #tpu.memory_space<vmem>>) target(%dma_start3A_884 : memref<512x128xf32, #tpu.memory_space<vmem_shared>>) offsets(%dma_start3A_881 : memref<80xi32, #tpu.memory_space<vmem>>) semaphore(%arg21 : memref<!tpu.dma_semaphore, #tpu.memory_space<semaphore_mem>>) {add = true}
      %get3A_885 = arith.constant 3 : i32
      %get3A_886 = arith.index_cast %get3A_885 : i32 to index
      %get3A_887 = arith.constant 0 : index
      %get3A_888 = tpu.vector_load %arg10[%get3A_886, %get3A_887] {strides = array<i32>} : memref<10x80xi32, #tpu.memory_space<vmem>>, vector<16xi32>,
      tpu.vector_store_idx %arg15[%get3A_888], %broadcast_in_dim3A_48 {add = true} : memref<10400xf32, #tpu.memory_space<vmem>>[vector<16xi32>], vector<16xf32>,
      %get3A_889 = arith.constant 3 : i32
      %get3A_890 = arith.index_cast %get3A_889 : i32 to index
      %get3A_891 = arith.constant 0 : index
      %get3A_892 = tpu.vector_load %arg11[%get3A_890, %get3A_891] {strides = array<i32>} : memref<10x80xi32, #tpu.memory_space<vmem>>, vector<16xi32>,
      %add3A_893 = arith.constant 10000 : i32
      %add3A_894 = vector.broadcast %add3A_893 : i32 to vector<16xi32>
      %add3A_895 = arith.addi %get3A_892, %add3A_894 : vector<16xi32>
      tpu.vector_store_idx %arg15[%add3A_895], %broadcast_in_dim3A_48 {add = true} : memref<10400xf32, #tpu.memory_space<vmem>>[vector<16xi32>], vector<16xf32>,
      %get3A_896 = arith.constant 3 : i32
      %get3A_897 = arith.index_cast %get3A_896 : i32 to index
      %get3A_898 = arith.constant 16 : index
      %get3A_899 = tpu.vector_load %arg10[%get3A_897, %get3A_898] {strides = array<i32>} : memref<10x80xi32, #tpu.memory_space<vmem>>, vector<16xi32>,
      tpu.vector_store_idx %arg15[%get3A_899], %broadcast_in_dim3A_48 {add = true} : memref<10400xf32, #tpu.memory_space<vmem>>[vector<16xi32>], vector<16xf32>,
      %get3A_900 = arith.constant 3 : i32
      %get3A_901 = arith.index_cast %get3A_900 : i32 to index
      %get3A_902 = arith.constant 16 : index
      %get3A_903 = tpu.vector_load %arg11[%get3A_901, %get3A_902] {strides = array<i32>} : memref<10x80xi32, #tpu.memory_space<vmem>>, vector<16xi32>,
      %add3A_904 = arith.constant 10000 : i32
      %add3A_905 = vector.broadcast %add3A_904 : i32 to vector<16xi32>
      %add3A_906 = arith.addi %get3A_903, %add3A_905 : vector<16xi32>
      tpu.vector_store_idx %arg15[%add3A_906], %broadcast_in_dim3A_48 {add = true} : memref<10400xf32, #tpu.memory_space<vmem>>[vector<16xi32>], vector<16xf32>,
      %get3A_907 = arith.constant 3 : i32
      %get3A_908 = arith.index_cast %get3A_907 : i32 to index
      %get3A_909 = arith.constant 32 : index
      %get3A_910 = tpu.vector_load %arg10[%get3A_908, %get3A_909] {strides = array<i32>} : memref<10x80xi32, #tpu.memory_space<vmem>>, vector<16xi32>,
      tpu.vector_store_idx %arg15[%get3A_910], %broadcast_in_dim3A_48 {add = true} : memref<10400xf32, #tpu.memory_space<vmem>>[vector<16xi32>], vector<16xf32>,
      %get3A_911 = arith.constant 3 : i32
      %get3A_912 = arith.index_cast %get3A_911 : i32 to index
      %get3A_913 = arith.constant 32 : index
      %get3A_914 = tpu.vector_load %arg11[%get3A_912, %get3A_913] {strides = array<i32>} : memref<10x80xi32, #tpu.memory_space<vmem>>, vector<16xi32>,
      %add3A_915 = arith.constant 10000 : i32
      %add3A_916 = vector.broadcast %add3A_915 : i32 to vector<16xi32>
      %add3A_917 = arith.addi %get3A_914, %add3A_916 : vector<16xi32>
      tpu.vector_store_idx %arg15[%add3A_917], %broadcast_in_dim3A_48 {add = true} : memref<10400xf32, #tpu.memory_space<vmem>>[vector<16xi32>], vector<16xf32>,
      %get3A_918 = arith.constant 3 : i32
      %get3A_919 = arith.index_cast %get3A_918 : i32 to index
      %get3A_920 = arith.constant 48 : index
      %get3A_921 = tpu.vector_load %arg10[%get3A_919, %get3A_920] {strides = array<i32>} : memref<10x80xi32, #tpu.memory_space<vmem>>, vector<16xi32>,
      tpu.vector_store_idx %arg15[%get3A_921], %broadcast_in_dim3A_48 {add = true} : memref<10400xf32, #tpu.memory_space<vmem>>[vector<16xi32>], vector<16xf32>,
      %get3A_922 = arith.constant 3 : i32
      %get3A_923 = arith.index_cast %get3A_922 : i32 to index
      %get3A_924 = arith.constant 48 : index
      %get3A_925 = tpu.vector_load %arg11[%get3A_923, %get3A_924] {strides = array<i32>} : memref<10x80xi32, #tpu.memory_space<vmem>>, vector<16xi32>,
      %add3A_926 = arith.constant 10000 : i32
      %add3A_927 = vector.broadcast %add3A_926 : i32 to vector<16xi32>
      %add3A_928 = arith.addi %get3A_925, %add3A_927 : vector<16xi32>
      tpu.vector_store_idx %arg15[%add3A_928], %broadcast_in_dim3A_48 {add = true} : memref<10400xf32, #tpu.memory_space<vmem>>[vector<16xi32>], vector<16xf32>,
      %get3A_929 = arith.constant 3 : i32
      %get3A_930 = arith.index_cast %get3A_929 : i32 to index
      %get3A_931 = arith.constant 64 : index
      %get3A_932 = tpu.vector_load %arg10[%get3A_930, %get3A_931] {strides = array<i32>} : memref<10x80xi32, #tpu.memory_space<vmem>>, vector<16xi32>,
      tpu.vector_store_idx %arg15[%get3A_932], %broadcast_in_dim3A_48 {add = true} : memref<10400xf32, #tpu.memory_space<vmem>>[vector<16xi32>], vector<16xf32>,
      %get3A_933 = arith.constant 3 : i32
      %get3A_934 = arith.index_cast %get3A_933 : i32 to index
      %get3A_935 = arith.constant 64 : index
      %get3A_936 = tpu.vector_load %arg11[%get3A_934, %get3A_935] {strides = array<i32>} : memref<10x80xi32, #tpu.memory_space<vmem>>, vector<16xi32>,
      %add3A_937 = arith.constant 10000 : i32
      %add3A_938 = vector.broadcast %add3A_937 : i32 to vector<16xi32>
      %add3A_939 = arith.addi %get3A_936, %add3A_938 : vector<16xi32>
      tpu.vector_store_idx %arg15[%add3A_939], %broadcast_in_dim3A_48 {add = true} : memref<10400xf32, #tpu.memory_space<vmem>>[vector<16xi32>], vector<16xf32>,
      %dma_wait3A_940 = arith.constant 3 : i32
      %dma_wait3A_941 = arith.constant 0 : i32
      %dma_wait3A_942 = tpu.memref_slice %arg10[%dma_wait3A_940, %dma_wait3A_941] : memref<10x80xi32, #tpu.memory_space<vmem>> -> memref<1x80xi32, #tpu.memory_space<vmem>>
      %dma_wait3A_943 = tpu.memref_squeeze %dma_wait3A_942 : memref<1x80xi32, #tpu.memory_space<vmem>> -> memref<80xi32, #tpu.memory_space<vmem>>
      %dma_wait3A_944 = arith.constant 0 : i32
      %dma_wait3A_945 = arith.constant 0 : i32
      %dma_wait3A_946 = tpu.memref_slice %arg16[%dma_wait3A_944, %dma_wait3A_945] : memref<10240x128xf32, #tpu.memory_space<vmem_shared>> -> memref<10240x128xf32, #tpu.memory_space<vmem_shared>>
      tpu.wait_indirect_dma semaphore(%arg21 : memref<!tpu.dma_semaphore, #tpu.memory_space<semaphore_mem>>) src(%arg12 : memref<80x128xf32, #tpu.memory_space<vmem>>) dst(%dma_wait3A_946 : memref<10240x128xf32, #tpu.memory_space<vmem_shared>>)
      %dma_wait3A_947 = arith.constant 3 : i32
      %dma_wait3A_948 = arith.constant 0 : i32
      %dma_wait3A_949 = tpu.memref_slice %arg11[%dma_wait3A_947, %dma_wait3A_948] : memref<10x80xi32, #tpu.memory_space<vmem>> -> memref<1x80xi32, #tpu.memory_space<vmem>>
      %dma_wait3A_950 = tpu.memref_squeeze %dma_wait3A_949 : memref<1x80xi32, #tpu.memory_space<vmem>> -> memref<80xi32, #tpu.memory_space<vmem>>
      %dma_wait3A_951 = arith.constant 0 : i32
      %dma_wait3A_952 = arith.constant 0 : i32
      %dma_wait3A_953 = tpu.memref_slice %arg17[%dma_wait3A_951, %dma_wait3A_952] : memref<512x128xf32, #tpu.memory_space<vmem_shared>> -> memref<512x128xf32, #tpu.memory_space<vmem_shared>>
      tpu.wait_indirect_dma semaphore(%arg21 : memref<!tpu.dma_semaphore, #tpu.memory_space<semaphore_mem>>) src(%arg12 : memref<80x128xf32, #tpu.memory_space<vmem>>) dst(%dma_wait3A_953 : memref<512x128xf32, #tpu.memory_space<vmem_shared>>)
      %dma_start3A_954 = arith.constant 6 : i32
      %dma_start3A_955 = arith.constant 0 : i32
      %dma_start3A_956 = tpu.memref_slice %arg9[%dma_start3A_954, %dma_start3A_955] : memref<10x80xi32, #tpu.memory_space<vmem>> -> memref<1x80xi32, #tpu.memory_space<vmem>>
      %dma_start3A_957 = tpu.memref_squeeze %dma_start3A_956 : memref<1x80xi32, #tpu.memory_space<vmem>> -> memref<80xi32, #tpu.memory_space<vmem>>
      %dma_start3A_958 = arith.constant 0 : i32
      %dma_start3A_959 = arith.constant 0 : i32
      %dma_start3A_960 = tpu.memref_slice %arg2[%dma_start3A_958, %dma_start3A_959] : memref<10000x128xf32, #tpu.memory_space<hbm>> -> memref<10000x128xf32, #tpu.memory_space<hbm>>
      tpu.enqueue_indirect_dma source(%dma_start3A_960 : memref<10000x128xf32, #tpu.memory_space<hbm>>) target(%arg12 : memref<80x128xf32, #tpu.memory_space<vmem>>) offsets(%dma_start3A_957 : memref<80xi32, #tpu.memory_space<vmem>>) semaphore(%arg18 : memref<!tpu.dma_semaphore, #tpu.memory_space<semaphore_mem>>)
      %dma_wait3A_961 = arith.constant 4 : i32
      %dma_wait3A_962 = arith.constant 0 : i32
      %dma_wait3A_963 = tpu.memref_slice %arg9[%dma_wait3A_961, %dma_wait3A_962] : memref<10x80xi32, #tpu.memory_space<vmem>> -> memref<1x80xi32, #tpu.memory_space<vmem>>
      %dma_wait3A_964 = tpu.memref_squeeze %dma_wait3A_963 : memref<1x80xi32, #tpu.memory_space<vmem>> -> memref<80xi32, #tpu.memory_space<vmem>>
      %dma_wait3A_965 = arith.constant 0 : i32
      %dma_wait3A_966 = arith.constant 0 : i32
      %dma_wait3A_967 = tpu.memref_slice %arg2[%dma_wait3A_965, %dma_wait3A_966] : memref<10000x128xf32, #tpu.memory_space<hbm>> -> memref<10000x128xf32, #tpu.memory_space<hbm>>
      tpu.wait_indirect_dma semaphore(%arg19 : memref<!tpu.dma_semaphore, #tpu.memory_space<semaphore_mem>>) src(%dma_wait3A_967 : memref<10000x128xf32, #tpu.memory_space<hbm>>) dst(%arg13 : memref<80x128xf32, #tpu.memory_space<vmem>>)
      %dma_start3A_968 = arith.constant 4 : i32
      %dma_start3A_969 = arith.constant 0 : i32
      %dma_start3A_970 = tpu.memref_slice %arg10[%dma_start3A_968, %dma_start3A_969] : memref<10x80xi32, #tpu.memory_space<vmem>> -> memref<1x80xi32, #tpu.memory_space<vmem>>
      %dma_start3A_971 = tpu.memref_squeeze %dma_start3A_970 : memref<1x80xi32, #tpu.memory_space<vmem>> -> memref<80xi32, #tpu.memory_space<vmem>>
      %dma_start3A_972 = arith.constant 0 : i32
      %dma_start3A_973 = arith.constant 0 : i32
      %dma_start3A_974 = tpu.memref_slice %arg16[%dma_start3A_972, %dma_start3A_973] : memref<10240x128xf32, #tpu.memory_space<vmem_shared>> -> memref<10240x128xf32, #tpu.memory_space<vmem_shared>>
      tpu.enqueue_indirect_dma source(%arg13 : memref<80x128xf32, #tpu.memory_space<vmem>>) target(%dma_start3A_974 : memref<10240x128xf32, #tpu.memory_space<vmem_shared>>) offsets(%dma_start3A_971 : memref<80xi32, #tpu.memory_space<vmem>>) semaphore(%arg22 : memref<!tpu.dma_semaphore, #tpu.memory_space<semaphore_mem>>) {add = true}
      %dma_start3A_975 = arith.constant 4 : i32
      %dma_start3A_976 = arith.constant 0 : i32
      %dma_start3A_977 = tpu.memref_slice %arg11[%dma_start3A_975, %dma_start3A_976] : memref<10x80xi32, #tpu.memory_space<vmem>> -> memref<1x80xi32, #tpu.memory_space<vmem>>
      %dma_start3A_978 = tpu.memref_squeeze %dma_start3A_977 : memref<1x80xi32, #tpu.memory_space<vmem>> -> memref<80xi32, #tpu.memory_space<vmem>>
      %dma_start3A_979 = arith.constant 0 : i32
      %dma_start3A_980 = arith.constant 0 : i32
      %dma_start3A_981 = tpu.memref_slice %arg17[%dma_start3A_979, %dma_start3A_980] : memref<512x128xf32, #tpu.memory_space<vmem_shared>> -> memref<512x128xf32, #tpu.memory_space<vmem_shared>>
      tpu.enqueue_indirect_dma source(%arg13 : memref<80x128xf32, #tpu.memory_space<vmem>>) target(%dma_start3A_981 : memref<512x128xf32, #tpu.memory_space<vmem_shared>>) offsets(%dma_start3A_978 : memref<80xi32, #tpu.memory_space<vmem>>) semaphore(%arg22 : memref<!tpu.dma_semaphore, #tpu.memory_space<semaphore_mem>>) {add = true}
      %get3A_982 = arith.constant 4 : i32
      %get3A_983 = arith.index_cast %get3A_982 : i32 to index
      %get3A_984 = arith.constant 0 : index
      %get3A_985 = tpu.vector_load %arg10[%get3A_983, %get3A_984] {strides = array<i32>} : memref<10x80xi32, #tpu.memory_space<vmem>>, vector<16xi32>,
      tpu.vector_store_idx %arg15[%get3A_985], %broadcast_in_dim3A_48 {add = true} : memref<10400xf32, #tpu.memory_space<vmem>>[vector<16xi32>], vector<16xf32>,
      %get3A_986 = arith.constant 4 : i32
      %get3A_987 = arith.index_cast %get3A_986 : i32 to index
      %get3A_988 = arith.constant 0 : index
      %get3A_989 = tpu.vector_load %arg11[%get3A_987, %get3A_988] {strides = array<i32>} : memref<10x80xi32, #tpu.memory_space<vmem>>, vector<16xi32>,
      %add3A_990 = arith.constant 10000 : i32
      %add3A_991 = vector.broadcast %add3A_990 : i32 to vector<16xi32>
      %add3A_992 = arith.addi %get3A_989, %add3A_991 : vector<16xi32>
      tpu.vector_store_idx %arg15[%add3A_992], %broadcast_in_dim3A_48 {add = true} : memref<10400xf32, #tpu.memory_space<vmem>>[vector<16xi32>], vector<16xf32>,
      %get3A_993 = arith.constant 4 : i32
      %get3A_994 = arith.index_cast %get3A_993 : i32 to index
      %get3A_995 = arith.constant 16 : index
      %get3A_996 = tpu.vector_load %arg10[%get3A_994, %get3A_995] {strides = array<i32>} : memref<10x80xi32, #tpu.memory_space<vmem>>, vector<16xi32>,
      tpu.vector_store_idx %arg15[%get3A_996], %broadcast_in_dim3A_48 {add = true} : memref<10400xf32, #tpu.memory_space<vmem>>[vector<16xi32>], vector<16xf32>,
      %get3A_997 = arith.constant 4 : i32
      %get3A_998 = arith.index_cast %get3A_997 : i32 to index
      %get3A_999 = arith.constant 16 : index
      %get3A_1000 = tpu.vector_load %arg11[%get3A_998, %get3A_999] {strides = array<i32>} : memref<10x80xi32, #tpu.memory_space<vmem>>, vector<16xi32>,
      %add3A_1001 = arith.constant 10000 : i32
      %add3A_1002 = vector.broadcast %add3A_1001 : i32 to vector<16xi32>
      %add3A_1003 = arith.addi %get3A_1000, %add3A_1002 : vector<16xi32>
      tpu.vector_store_idx %arg15[%add3A_1003], %broadcast_in_dim3A_48 {add = true} : memref<10400xf32, #tpu.memory_space<vmem>>[vector<16xi32>], vector<16xf32>,
      %get3A_1004 = arith.constant 4 : i32
      %get3A_1005 = arith.index_cast %get3A_1004 : i32 to index
      %get3A_1006 = arith.constant 32 : index
      %get3A_1007 = tpu.vector_load %arg10[%get3A_1005, %get3A_1006] {strides = array<i32>} : memref<10x80xi32, #tpu.memory_space<vmem>>, vector<16xi32>,
      tpu.vector_store_idx %arg15[%get3A_1007], %broadcast_in_dim3A_48 {add = true} : memref<10400xf32, #tpu.memory_space<vmem>>[vector<16xi32>], vector<16xf32>,
      %get3A_1008 = arith.constant 4 : i32
      %get3A_1009 = arith.index_cast %get3A_1008 : i32 to index
      %get3A_1010 = arith.constant 32 : index
      %get3A_1011 = tpu.vector_load %arg11[%get3A_1009, %get3A_1010] {strides = array<i32>} : memref<10x80xi32, #tpu.memory_space<vmem>>, vector<16xi32>,
      %add3A_1012 = arith.constant 10000 : i32
      %add3A_1013 = vector.broadcast %add3A_1012 : i32 to vector<16xi32>
      %add3A_1014 = arith.addi %get3A_1011, %add3A_1013 : vector<16xi32>
      tpu.vector_store_idx %arg15[%add3A_1014], %broadcast_in_dim3A_48 {add = true} : memref<10400xf32, #tpu.memory_space<vmem>>[vector<16xi32>], vector<16xf32>,
      %get3A_1015 = arith.constant 4 : i32
      %get3A_1016 = arith.index_cast %get3A_1015 : i32 to index
      %get3A_1017 = arith.constant 48 : index
      %get3A_1018 = tpu.vector_load %arg10[%get3A_1016, %get3A_1017] {strides = array<i32>} : memref<10x80xi32, #tpu.memory_space<vmem>>, vector<16xi32>,
      tpu.vector_store_idx %arg15[%get3A_1018], %broadcast_in_dim3A_48 {add = true} : memref<10400xf32, #tpu.memory_space<vmem>>[vector<16xi32>], vector<16xf32>,
      %get3A_1019 = arith.constant 4 : i32
      %get3A_1020 = arith.index_cast %get3A_1019 : i32 to index
      %get3A_1021 = arith.constant 48 : index
      %get3A_1022 = tpu.vector_load %arg11[%get3A_1020, %get3A_1021] {strides = array<i32>} : memref<10x80xi32, #tpu.memory_space<vmem>>, vector<16xi32>,
      %add3A_1023 = arith.constant 10000 : i32
      %add3A_1024 = vector.broadcast %add3A_1023 : i32 to vector<16xi32>
      %add3A_1025 = arith.addi %get3A_1022, %add3A_1024 : vector<16xi32>
      tpu.vector_store_idx %arg15[%add3A_1025], %broadcast_in_dim3A_48 {add = true} : memref<10400xf32, #tpu.memory_space<vmem>>[vector<16xi32>], vector<16xf32>,
      %get3A_1026 = arith.constant 4 : i32
      %get3A_1027 = arith.index_cast %get3A_1026 : i32 to index
      %get3A_1028 = arith.constant 64 : index
      %get3A_1029 = tpu.vector_load %arg10[%get3A_1027, %get3A_1028] {strides = array<i32>} : memref<10x80xi32, #tpu.memory_space<vmem>>, vector<16xi32>,
      tpu.vector_store_idx %arg15[%get3A_1029], %broadcast_in_dim3A_48 {add = true} : memref<10400xf32, #tpu.memory_space<vmem>>[vector<16xi32>], vector<16xf32>,
      %get3A_1030 = arith.constant 4 : i32
      %get3A_1031 = arith.index_cast %get3A_1030 : i32 to index
      %get3A_1032 = arith.constant 64 : index
      %get3A_1033 = tpu.vector_load %arg11[%get3A_1031, %get3A_1032] {strides = array<i32>} : memref<10x80xi32, #tpu.memory_space<vmem>>, vector<16xi32>,
      %add3A_1034 = arith.constant 10000 : i32
      %add3A_1035 = vector.broadcast %add3A_1034 : i32 to vector<16xi32>
      %add3A_1036 = arith.addi %get3A_1033, %add3A_1035 : vector<16xi32>
      tpu.vector_store_idx %arg15[%add3A_1036], %broadcast_in_dim3A_48 {add = true} : memref<10400xf32, #tpu.memory_space<vmem>>[vector<16xi32>], vector<16xf32>,
      %dma_wait3A_1037 = arith.constant 4 : i32
      %dma_wait3A_1038 = arith.constant 0 : i32
      %dma_wait3A_1039 = tpu.memref_slice %arg10[%dma_wait3A_1037, %dma_wait3A_1038] : memref<10x80xi32, #tpu.memory_space<vmem>> -> memref<1x80xi32, #tpu.memory_space<vmem>>
      %dma_wait3A_1040 = tpu.memref_squeeze %dma_wait3A_1039 : memref<1x80xi32, #tpu.memory_space<vmem>> -> memref<80xi32, #tpu.memory_space<vmem>>
      %dma_wait3A_1041 = arith.constant 0 : i32
      %dma_wait3A_1042 = arith.constant 0 : i32
      %dma_wait3A_1043 = tpu.memref_slice %arg16[%dma_wait3A_1041, %dma_wait3A_1042] : memref<10240x128xf32, #tpu.memory_space<vmem_shared>> -> memref<10240x128xf32, #tpu.memory_space<vmem_shared>>
      tpu.wait_indirect_dma semaphore(%arg22 : memref<!tpu.dma_semaphore, #tpu.memory_space<semaphore_mem>>) src(%arg13 : memref<80x128xf32, #tpu.memory_space<vmem>>) dst(%dma_wait3A_1043 : memref<10240x128xf32, #tpu.memory_space<vmem_shared>>)
      %dma_wait3A_1044 = arith.constant 4 : i32
      %dma_wait3A_1045 = arith.constant 0 : i32
      %dma_wait3A_1046 = tpu.memref_slice %arg11[%dma_wait3A_1044, %dma_wait3A_1045] : memref<10x80xi32, #tpu.memory_space<vmem>> -> memref<1x80xi32, #tpu.memory_space<vmem>>
      %dma_wait3A_1047 = tpu.memref_squeeze %dma_wait3A_1046 : memref<1x80xi32, #tpu.memory_space<vmem>> -> memref<80xi32, #tpu.memory_space<vmem>>
      %dma_wait3A_1048 = arith.constant 0 : i32
      %dma_wait3A_1049 = arith.constant 0 : i32
      %dma_wait3A_1050 = tpu.memref_slice %arg17[%dma_wait3A_1048, %dma_wait3A_1049] : memref<512x128xf32, #tpu.memory_space<vmem_shared>> -> memref<512x128xf32, #tpu.memory_space<vmem_shared>>
      tpu.wait_indirect_dma semaphore(%arg22 : memref<!tpu.dma_semaphore, #tpu.memory_space<semaphore_mem>>) src(%arg13 : memref<80x128xf32, #tpu.memory_space<vmem>>) dst(%dma_wait3A_1050 : memref<512x128xf32, #tpu.memory_space<vmem_shared>>)
      %dma_start3A_1051 = arith.constant 7 : i32
      %dma_start3A_1052 = arith.constant 0 : i32
      %dma_start3A_1053 = tpu.memref_slice %arg9[%dma_start3A_1051, %dma_start3A_1052] : memref<10x80xi32, #tpu.memory_space<vmem>> -> memref<1x80xi32, #tpu.memory_space<vmem>>
      %dma_start3A_1054 = tpu.memref_squeeze %dma_start3A_1053 : memref<1x80xi32, #tpu.memory_space<vmem>> -> memref<80xi32, #tpu.memory_space<vmem>>
      %dma_start3A_1055 = arith.constant 0 : i32
      %dma_start3A_1056 = arith.constant 0 : i32
      %dma_start3A_1057 = tpu.memref_slice %arg2[%dma_start3A_1055, %dma_start3A_1056] : memref<10000x128xf32, #tpu.memory_space<hbm>> -> memref<10000x128xf32, #tpu.memory_space<hbm>>
      tpu.enqueue_indirect_dma source(%dma_start3A_1057 : memref<10000x128xf32, #tpu.memory_space<hbm>>) target(%arg13 : memref<80x128xf32, #tpu.memory_space<vmem>>) offsets(%dma_start3A_1054 : memref<80xi32, #tpu.memory_space<vmem>>) semaphore(%arg19 : memref<!tpu.dma_semaphore, #tpu.memory_space<semaphore_mem>>)
      %dma_wait3A_1058 = arith.constant 5 : i32
      %dma_wait3A_1059 = arith.constant 0 : i32
      %dma_wait3A_1060 = tpu.memref_slice %arg9[%dma_wait3A_1058, %dma_wait3A_1059] : memref<10x80xi32, #tpu.memory_space<vmem>> -> memref<1x80xi32, #tpu.memory_space<vmem>>
      %dma_wait3A_1061 = tpu.memref_squeeze %dma_wait3A_1060 : memref<1x80xi32, #tpu.memory_space<vmem>> -> memref<80xi32, #tpu.memory_space<vmem>>
      %dma_wait3A_1062 = arith.constant 0 : i32
      %dma_wait3A_1063 = arith.constant 0 : i32
      %dma_wait3A_1064 = tpu.memref_slice %arg2[%dma_wait3A_1062, %dma_wait3A_1063] : memref<10000x128xf32, #tpu.memory_space<hbm>> -> memref<10000x128xf32, #tpu.memory_space<hbm>>
      tpu.wait_indirect_dma semaphore(%arg20 : memref<!tpu.dma_semaphore, #tpu.memory_space<semaphore_mem>>) src(%dma_wait3A_1064 : memref<10000x128xf32, #tpu.memory_space<hbm>>) dst(%arg14 : memref<80x128xf32, #tpu.memory_space<vmem>>)
      %dma_start3A_1065 = arith.constant 5 : i32
      %dma_start3A_1066 = arith.constant 0 : i32
      %dma_start3A_1067 = tpu.memref_slice %arg10[%dma_start3A_1065, %dma_start3A_1066] : memref<10x80xi32, #tpu.memory_space<vmem>> -> memref<1x80xi32, #tpu.memory_space<vmem>>
      %dma_start3A_1068 = tpu.memref_squeeze %dma_start3A_1067 : memref<1x80xi32, #tpu.memory_space<vmem>> -> memref<80xi32, #tpu.memory_space<vmem>>
      %dma_start3A_1069 = arith.constant 0 : i32
      %dma_start3A_1070 = arith.constant 0 : i32
      %dma_start3A_1071 = tpu.memref_slice %arg16[%dma_start3A_1069, %dma_start3A_1070] : memref<10240x128xf32, #tpu.memory_space<vmem_shared>> -> memref<10240x128xf32, #tpu.memory_space<vmem_shared>>
      tpu.enqueue_indirect_dma source(%arg14 : memref<80x128xf32, #tpu.memory_space<vmem>>) target(%dma_start3A_1071 : memref<10240x128xf32, #tpu.memory_space<vmem_shared>>) offsets(%dma_start3A_1068 : memref<80xi32, #tpu.memory_space<vmem>>) semaphore(%arg23 : memref<!tpu.dma_semaphore, #tpu.memory_space<semaphore_mem>>) {add = true}
      %dma_start3A_1072 = arith.constant 5 : i32
      %dma_start3A_1073 = arith.constant 0 : i32
      %dma_start3A_1074 = tpu.memref_slice %arg11[%dma_start3A_1072, %dma_start3A_1073] : memref<10x80xi32, #tpu.memory_space<vmem>> -> memref<1x80xi32, #tpu.memory_space<vmem>>
      %dma_start3A_1075 = tpu.memref_squeeze %dma_start3A_1074 : memref<1x80xi32, #tpu.memory_space<vmem>> -> memref<80xi32, #tpu.memory_space<vmem>>
      %dma_start3A_1076 = arith.constant 0 : i32
      %dma_start3A_1077 = arith.constant 0 : i32
      %dma_start3A_1078 = tpu.memref_slice %arg17[%dma_start3A_1076, %dma_start3A_1077] : memref<512x128xf32, #tpu.memory_space<vmem_shared>> -> memref<512x128xf32, #tpu.memory_space<vmem_shared>>
      tpu.enqueue_indirect_dma source(%arg14 : memref<80x128xf32, #tpu.memory_space<vmem>>) target(%dma_start3A_1078 : memref<512x128xf32, #tpu.memory_space<vmem_shared>>) offsets(%dma_start3A_1075 : memref<80xi32, #tpu.memory_space<vmem>>) semaphore(%arg23 : memref<!tpu.dma_semaphore, #tpu.memory_space<semaphore_mem>>) {add = true}
      %get3A_1079 = arith.constant 5 : i32
      %get3A_1080 = arith.index_cast %get3A_1079 : i32 to index
      %get3A_1081 = arith.constant 0 : index
      %get3A_1082 = tpu.vector_load %arg10[%get3A_1080, %get3A_1081] {strides = array<i32>} : memref<10x80xi32, #tpu.memory_space<vmem>>, vector<16xi32>,
      tpu.vector_store_idx %arg15[%get3A_1082], %broadcast_in_dim3A_48 {add = true} : memref<10400xf32, #tpu.memory_space<vmem>>[vector<16xi32>], vector<16xf32>,
      %get3A_1083 = arith.constant 5 : i32
      %get3A_1084 = arith.index_cast %get3A_1083 : i32 to index
      %get3A_1085 = arith.constant 0 : index
      %get3A_1086 = tpu.vector_load %arg11[%get3A_1084, %get3A_1085] {strides = array<i32>} : memref<10x80xi32, #tpu.memory_space<vmem>>, vector<16xi32>,
      %add3A_1087 = arith.constant 10000 : i32
      %add3A_1088 = vector.broadcast %add3A_1087 : i32 to vector<16xi32>
      %add3A_1089 = arith.addi %get3A_1086, %add3A_1088 : vector<16xi32>
      tpu.vector_store_idx %arg15[%add3A_1089], %broadcast_in_dim3A_48 {add = true} : memref<10400xf32, #tpu.memory_space<vmem>>[vector<16xi32>], vector<16xf32>,
      %get3A_1090 = arith.constant 5 : i32
      %get3A_1091 = arith.index_cast %get3A_1090 : i32 to index
      %get3A_1092 = arith.constant 16 : index
      %get3A_1093 = tpu.vector_load %arg10[%get3A_1091, %get3A_1092] {strides = array<i32>} : memref<10x80xi32, #tpu.memory_space<vmem>>, vector<16xi32>,
      tpu.vector_store_idx %arg15[%get3A_1093], %broadcast_in_dim3A_48 {add = true} : memref<10400xf32, #tpu.memory_space<vmem>>[vector<16xi32>], vector<16xf32>,
      %get3A_1094 = arith.constant 5 : i32
      %get3A_1095 = arith.index_cast %get3A_1094 : i32 to index
      %get3A_1096 = arith.constant 16 : index
      %get3A_1097 = tpu.vector_load %arg11[%get3A_1095, %get3A_1096] {strides = array<i32>} : memref<10x80xi32, #tpu.memory_space<vmem>>, vector<16xi32>,
      %add3A_1098 = arith.constant 10000 : i32
      %add3A_1099 = vector.broadcast %add3A_1098 : i32 to vector<16xi32>
      %add3A_1100 = arith.addi %get3A_1097, %add3A_1099 : vector<16xi32>
      tpu.vector_store_idx %arg15[%add3A_1100], %broadcast_in_dim3A_48 {add = true} : memref<10400xf32, #tpu.memory_space<vmem>>[vector<16xi32>], vector<16xf32>,
      %get3A_1101 = arith.constant 5 : i32
      %get3A_1102 = arith.index_cast %get3A_1101 : i32 to index
      %get3A_1103 = arith.constant 32 : index
      %get3A_1104 = tpu.vector_load %arg10[%get3A_1102, %get3A_1103] {strides = array<i32>} : memref<10x80xi32, #tpu.memory_space<vmem>>, vector<16xi32>,
      tpu.vector_store_idx %arg15[%get3A_1104], %broadcast_in_dim3A_48 {add = true} : memref<10400xf32, #tpu.memory_space<vmem>>[vector<16xi32>], vector<16xf32>,
      %get3A_1105 = arith.constant 5 : i32
      %get3A_1106 = arith.index_cast %get3A_1105 : i32 to index
      %get3A_1107 = arith.constant 32 : index
      %get3A_1108 = tpu.vector_load %arg11[%get3A_1106, %get3A_1107] {strides = array<i32>} : memref<10x80xi32, #tpu.memory_space<vmem>>, vector<16xi32>,
      %add3A_1109 = arith.constant 10000 : i32
      %add3A_1110 = vector.broadcast %add3A_1109 : i32 to vector<16xi32>
      %add3A_1111 = arith.addi %get3A_1108, %add3A_1110 : vector<16xi32>
      tpu.vector_store_idx %arg15[%add3A_1111], %broadcast_in_dim3A_48 {add = true} : memref<10400xf32, #tpu.memory_space<vmem>>[vector<16xi32>], vector<16xf32>,
      %get3A_1112 = arith.constant 5 : i32
      %get3A_1113 = arith.index_cast %get3A_1112 : i32 to index
      %get3A_1114 = arith.constant 48 : index
      %get3A_1115 = tpu.vector_load %arg10[%get3A_1113, %get3A_1114] {strides = array<i32>} : memref<10x80xi32, #tpu.memory_space<vmem>>, vector<16xi32>,
      tpu.vector_store_idx %arg15[%get3A_1115], %broadcast_in_dim3A_48 {add = true} : memref<10400xf32, #tpu.memory_space<vmem>>[vector<16xi32>], vector<16xf32>,
      %get3A_1116 = arith.constant 5 : i32
      %get3A_1117 = arith.index_cast %get3A_1116 : i32 to index
      %get3A_1118 = arith.constant 48 : index
      %get3A_1119 = tpu.vector_load %arg11[%get3A_1117, %get3A_1118] {strides = array<i32>} : memref<10x80xi32, #tpu.memory_space<vmem>>, vector<16xi32>,
      %add3A_1120 = arith.constant 10000 : i32
      %add3A_1121 = vector.broadcast %add3A_1120 : i32 to vector<16xi32>
      %add3A_1122 = arith.addi %get3A_1119, %add3A_1121 : vector<16xi32>
      tpu.vector_store_idx %arg15[%add3A_1122], %broadcast_in_dim3A_48 {add = true} : memref<10400xf32, #tpu.memory_space<vmem>>[vector<16xi32>], vector<16xf32>,
      %get3A_1123 = arith.constant 5 : i32
      %get3A_1124 = arith.index_cast %get3A_1123 : i32 to index
      %get3A_1125 = arith.constant 64 : index
      %get3A_1126 = tpu.vector_load %arg10[%get3A_1124, %get3A_1125] {strides = array<i32>} : memref<10x80xi32, #tpu.memory_space<vmem>>, vector<16xi32>,
      tpu.vector_store_idx %arg15[%get3A_1126], %broadcast_in_dim3A_48 {add = true} : memref<10400xf32, #tpu.memory_space<vmem>>[vector<16xi32>], vector<16xf32>,
      %get3A_1127 = arith.constant 5 : i32
      %get3A_1128 = arith.index_cast %get3A_1127 : i32 to index
      %get3A_1129 = arith.constant 64 : index
      %get3A_1130 = tpu.vector_load %arg11[%get3A_1128, %get3A_1129] {strides = array<i32>} : memref<10x80xi32, #tpu.memory_space<vmem>>, vector<16xi32>,
      %add3A_1131 = arith.constant 10000 : i32
      %add3A_1132 = vector.broadcast %add3A_1131 : i32 to vector<16xi32>
      %add3A_1133 = arith.addi %get3A_1130, %add3A_1132 : vector<16xi32>
      tpu.vector_store_idx %arg15[%add3A_1133], %broadcast_in_dim3A_48 {add = true} : memref<10400xf32, #tpu.memory_space<vmem>>[vector<16xi32>], vector<16xf32>,
      %dma_wait3A_1134 = arith.constant 5 : i32
      %dma_wait3A_1135 = arith.constant 0 : i32
      %dma_wait3A_1136 = tpu.memref_slice %arg10[%dma_wait3A_1134, %dma_wait3A_1135] : memref<10x80xi32, #tpu.memory_space<vmem>> -> memref<1x80xi32, #tpu.memory_space<vmem>>
      %dma_wait3A_1137 = tpu.memref_squeeze %dma_wait3A_1136 : memref<1x80xi32, #tpu.memory_space<vmem>> -> memref<80xi32, #tpu.memory_space<vmem>>
      %dma_wait3A_1138 = arith.constant 0 : i32
      %dma_wait3A_1139 = arith.constant 0 : i32
      %dma_wait3A_1140 = tpu.memref_slice %arg16[%dma_wait3A_1138, %dma_wait3A_1139] : memref<10240x128xf32, #tpu.memory_space<vmem_shared>> -> memref<10240x128xf32, #tpu.memory_space<vmem_shared>>
      tpu.wait_indirect_dma semaphore(%arg23 : memref<!tpu.dma_semaphore, #tpu.memory_space<semaphore_mem>>) src(%arg14 : memref<80x128xf32, #tpu.memory_space<vmem>>) dst(%dma_wait3A_1140 : memref<10240x128xf32, #tpu.memory_space<vmem_shared>>)
      %dma_wait3A_1141 = arith.constant 5 : i32
      %dma_wait3A_1142 = arith.constant 0 : i32
      %dma_wait3A_1143 = tpu.memref_slice %arg11[%dma_wait3A_1141, %dma_wait3A_1142] : memref<10x80xi32, #tpu.memory_space<vmem>> -> memref<1x80xi32, #tpu.memory_space<vmem>>
      %dma_wait3A_1144 = tpu.memref_squeeze %dma_wait3A_1143 : memref<1x80xi32, #tpu.memory_space<vmem>> -> memref<80xi32, #tpu.memory_space<vmem>>
      %dma_wait3A_1145 = arith.constant 0 : i32
      %dma_wait3A_1146 = arith.constant 0 : i32
      %dma_wait3A_1147 = tpu.memref_slice %arg17[%dma_wait3A_1145, %dma_wait3A_1146] : memref<512x128xf32, #tpu.memory_space<vmem_shared>> -> memref<512x128xf32, #tpu.memory_space<vmem_shared>>
      tpu.wait_indirect_dma semaphore(%arg23 : memref<!tpu.dma_semaphore, #tpu.memory_space<semaphore_mem>>) src(%arg14 : memref<80x128xf32, #tpu.memory_space<vmem>>) dst(%dma_wait3A_1147 : memref<512x128xf32, #tpu.memory_space<vmem_shared>>)
      %dma_start3A_1148 = arith.constant 8 : i32
      %dma_start3A_1149 = arith.constant 0 : i32
      %dma_start3A_1150 = tpu.memref_slice %arg9[%dma_start3A_1148, %dma_start3A_1149] : memref<10x80xi32, #tpu.memory_space<vmem>> -> memref<1x80xi32, #tpu.memory_space<vmem>>
      %dma_start3A_1151 = tpu.memref_squeeze %dma_start3A_1150 : memref<1x80xi32, #tpu.memory_space<vmem>> -> memref<80xi32, #tpu.memory_space<vmem>>
      %dma_start3A_1152 = arith.constant 0 : i32
      %dma_start3A_1153 = arith.constant 0 : i32
      %dma_start3A_1154 = tpu.memref_slice %arg2[%dma_start3A_1152, %dma_start3A_1153] : memref<10000x128xf32, #tpu.memory_space<hbm>> -> memref<10000x128xf32, #tpu.memory_space<hbm>>
      tpu.enqueue_indirect_dma source(%dma_start3A_1154 : memref<10000x128xf32, #tpu.memory_space<hbm>>) target(%arg14 : memref<80x128xf32, #tpu.memory_space<vmem>>) offsets(%dma_start3A_1151 : memref<80xi32, #tpu.memory_space<vmem>>) semaphore(%arg20 : memref<!tpu.dma_semaphore, #tpu.memory_space<semaphore_mem>>)
      %dma_wait3A_1155 = arith.constant 6 : i32
      %dma_wait3A_1156 = arith.constant 0 : i32
      %dma_wait3A_1157 = tpu.memref_slice %arg9[%dma_wait3A_1155, %dma_wait3A_1156] : memref<10x80xi32, #tpu.memory_space<vmem>> -> memref<1x80xi32, #tpu.memory_space<vmem>>
      %dma_wait3A_1158 = tpu.memref_squeeze %dma_wait3A_1157 : memref<1x80xi32, #tpu.memory_space<vmem>> -> memref<80xi32, #tpu.memory_space<vmem>>
      %dma_wait3A_1159 = arith.constant 0 : i32
      %dma_wait3A_1160 = arith.constant 0 : i32
      %dma_wait3A_1161 = tpu.memref_slice %arg2[%dma_wait3A_1159, %dma_wait3A_1160] : memref<10000x128xf32, #tpu.memory_space<hbm>> -> memref<10000x128xf32, #tpu.memory_space<hbm>>
      tpu.wait_indirect_dma semaphore(%arg18 : memref<!tpu.dma_semaphore, #tpu.memory_space<semaphore_mem>>) src(%dma_wait3A_1161 : memref<10000x128xf32, #tpu.memory_space<hbm>>) dst(%arg12 : memref<80x128xf32, #tpu.memory_space<vmem>>)
      %dma_start3A_1162 = arith.constant 6 : i32
      %dma_start3A_1163 = arith.constant 0 : i32
      %dma_start3A_1164 = tpu.memref_slice %arg10[%dma_start3A_1162, %dma_start3A_1163] : memref<10x80xi32, #tpu.memory_space<vmem>> -> memref<1x80xi32, #tpu.memory_space<vmem>>
      %dma_start3A_1165 = tpu.memref_squeeze %dma_start3A_1164 : memref<1x80xi32, #tpu.memory_space<vmem>> -> memref<80xi32, #tpu.memory_space<vmem>>
      %dma_start3A_1166 = arith.constant 0 : i32
      %dma_start3A_1167 = arith.constant 0 : i32
      %dma_start3A_1168 = tpu.memref_slice %arg16[%dma_start3A_1166, %dma_start3A_1167] : memref<10240x128xf32, #tpu.memory_space<vmem_shared>> -> memref<10240x128xf32, #tpu.memory_space<vmem_shared>>
      tpu.enqueue_indirect_dma source(%arg12 : memref<80x128xf32, #tpu.memory_space<vmem>>) target(%dma_start3A_1168 : memref<10240x128xf32, #tpu.memory_space<vmem_shared>>) offsets(%dma_start3A_1165 : memref<80xi32, #tpu.memory_space<vmem>>) semaphore(%arg21 : memref<!tpu.dma_semaphore, #tpu.memory_space<semaphore_mem>>) {add = true}
      %dma_start3A_1169 = arith.constant 6 : i32
      %dma_start3A_1170 = arith.constant 0 : i32
      %dma_start3A_1171 = tpu.memref_slice %arg11[%dma_start3A_1169, %dma_start3A_1170] : memref<10x80xi32, #tpu.memory_space<vmem>> -> memref<1x80xi32, #tpu.memory_space<vmem>>
      %dma_start3A_1172 = tpu.memref_squeeze %dma_start3A_1171 : memref<1x80xi32, #tpu.memory_space<vmem>> -> memref<80xi32, #tpu.memory_space<vmem>>
      %dma_start3A_1173 = arith.constant 0 : i32
      %dma_start3A_1174 = arith.constant 0 : i32
      %dma_start3A_1175 = tpu.memref_slice %arg17[%dma_start3A_1173, %dma_start3A_1174] : memref<512x128xf32, #tpu.memory_space<vmem_shared>> -> memref<512x128xf32, #tpu.memory_space<vmem_shared>>
      tpu.enqueue_indirect_dma source(%arg12 : memref<80x128xf32, #tpu.memory_space<vmem>>) target(%dma_start3A_1175 : memref<512x128xf32, #tpu.memory_space<vmem_shared>>) offsets(%dma_start3A_1172 : memref<80xi32, #tpu.memory_space<vmem>>) semaphore(%arg21 : memref<!tpu.dma_semaphore, #tpu.memory_space<semaphore_mem>>) {add = true}
      %get3A_1176 = arith.constant 6 : i32
      %get3A_1177 = arith.index_cast %get3A_1176 : i32 to index
      %get3A_1178 = arith.constant 0 : index
      %get3A_1179 = tpu.vector_load %arg10[%get3A_1177, %get3A_1178] {strides = array<i32>} : memref<10x80xi32, #tpu.memory_space<vmem>>, vector<16xi32>,
      tpu.vector_store_idx %arg15[%get3A_1179], %broadcast_in_dim3A_48 {add = true} : memref<10400xf32, #tpu.memory_space<vmem>>[vector<16xi32>], vector<16xf32>,
      %get3A_1180 = arith.constant 6 : i32
      %get3A_1181 = arith.index_cast %get3A_1180 : i32 to index
      %get3A_1182 = arith.constant 0 : index
      %get3A_1183 = tpu.vector_load %arg11[%get3A_1181, %get3A_1182] {strides = array<i32>} : memref<10x80xi32, #tpu.memory_space<vmem>>, vector<16xi32>,
      %add3A_1184 = arith.constant 10000 : i32
      %add3A_1185 = vector.broadcast %add3A_1184 : i32 to vector<16xi32>
      %add3A_1186 = arith.addi %get3A_1183, %add3A_1185 : vector<16xi32>
      tpu.vector_store_idx %arg15[%add3A_1186], %broadcast_in_dim3A_48 {add = true} : memref<10400xf32, #tpu.memory_space<vmem>>[vector<16xi32>], vector<16xf32>,
      %get3A_1187 = arith.constant 6 : i32
      %get3A_1188 = arith.index_cast %get3A_1187 : i32 to index
      %get3A_1189 = arith.constant 16 : index
      %get3A_1190 = tpu.vector_load %arg10[%get3A_1188, %get3A_1189] {strides = array<i32>} : memref<10x80xi32, #tpu.memory_space<vmem>>, vector<16xi32>,
      tpu.vector_store_idx %arg15[%get3A_1190], %broadcast_in_dim3A_48 {add = true} : memref<10400xf32, #tpu.memory_space<vmem>>[vector<16xi32>], vector<16xf32>,
      %get3A_1191 = arith.constant 6 : i32
      %get3A_1192 = arith.index_cast %get3A_1191 : i32 to index
      %get3A_1193 = arith.constant 16 : index
      %get3A_1194 = tpu.vector_load %arg11[%get3A_1192, %get3A_1193] {strides = array<i32>} : memref<10x80xi32, #tpu.memory_space<vmem>>, vector<16xi32>,
      %add3A_1195 = arith.constant 10000 : i32
      %add3A_1196 = vector.broadcast %add3A_1195 : i32 to vector<16xi32>
      %add3A_1197 = arith.addi %get3A_1194, %add3A_1196 : vector<16xi32>
      tpu.vector_store_idx %arg15[%add3A_1197], %broadcast_in_dim3A_48 {add = true} : memref<10400xf32, #tpu.memory_space<vmem>>[vector<16xi32>], vector<16xf32>,
      %get3A_1198 = arith.constant 6 : i32
      %get3A_1199 = arith.index_cast %get3A_1198 : i32 to index
      %get3A_1200 = arith.constant 32 : index
      %get3A_1201 = tpu.vector_load %arg10[%get3A_1199, %get3A_1200] {strides = array<i32>} : memref<10x80xi32, #tpu.memory_space<vmem>>, vector<16xi32>,
      tpu.vector_store_idx %arg15[%get3A_1201], %broadcast_in_dim3A_48 {add = true} : memref<10400xf32, #tpu.memory_space<vmem>>[vector<16xi32>], vector<16xf32>,
      %get3A_1202 = arith.constant 6 : i32
      %get3A_1203 = arith.index_cast %get3A_1202 : i32 to index
      %get3A_1204 = arith.constant 32 : index
      %get3A_1205 = tpu.vector_load %arg11[%get3A_1203, %get3A_1204] {strides = array<i32>} : memref<10x80xi32, #tpu.memory_space<vmem>>, vector<16xi32>,
      %add3A_1206 = arith.constant 10000 : i32
      %add3A_1207 = vector.broadcast %add3A_1206 : i32 to vector<16xi32>
      %add3A_1208 = arith.addi %get3A_1205, %add3A_1207 : vector<16xi32>
      tpu.vector_store_idx %arg15[%add3A_1208], %broadcast_in_dim3A_48 {add = true} : memref<10400xf32, #tpu.memory_space<vmem>>[vector<16xi32>], vector<16xf32>,
      %get3A_1209 = arith.constant 6 : i32
      %get3A_1210 = arith.index_cast %get3A_1209 : i32 to index
      %get3A_1211 = arith.constant 48 : index
      %get3A_1212 = tpu.vector_load %arg10[%get3A_1210, %get3A_1211] {strides = array<i32>} : memref<10x80xi32, #tpu.memory_space<vmem>>, vector<16xi32>,
      tpu.vector_store_idx %arg15[%get3A_1212], %broadcast_in_dim3A_48 {add = true} : memref<10400xf32, #tpu.memory_space<vmem>>[vector<16xi32>], vector<16xf32>,
      %get3A_1213 = arith.constant 6 : i32
      %get3A_1214 = arith.index_cast %get3A_1213 : i32 to index
      %get3A_1215 = arith.constant 48 : index
      %get3A_1216 = tpu.vector_load %arg11[%get3A_1214, %get3A_1215] {strides = array<i32>} : memref<10x80xi32, #tpu.memory_space<vmem>>, vector<16xi32>,
      %add3A_1217 = arith.constant 10000 : i32
      %add3A_1218 = vector.broadcast %add3A_1217 : i32 to vector<16xi32>
      %add3A_1219 = arith.addi %get3A_1216, %add3A_1218 : vector<16xi32>
      tpu.vector_store_idx %arg15[%add3A_1219], %broadcast_in_dim3A_48 {add = true} : memref<10400xf32, #tpu.memory_space<vmem>>[vector<16xi32>], vector<16xf32>,
      %get3A_1220 = arith.constant 6 : i32
      %get3A_1221 = arith.index_cast %get3A_1220 : i32 to index
      %get3A_1222 = arith.constant 64 : index
      %get3A_1223 = tpu.vector_load %arg10[%get3A_1221, %get3A_1222] {strides = array<i32>} : memref<10x80xi32, #tpu.memory_space<vmem>>, vector<16xi32>,
      tpu.vector_store_idx %arg15[%get3A_1223], %broadcast_in_dim3A_48 {add = true} : memref<10400xf32, #tpu.memory_space<vmem>>[vector<16xi32>], vector<16xf32>,
      %get3A_1224 = arith.constant 6 : i32
      %get3A_1225 = arith.index_cast %get3A_1224 : i32 to index
      %get3A_1226 = arith.constant 64 : index
      %get3A_1227 = tpu.vector_load %arg11[%get3A_1225, %get3A_1226] {strides = array<i32>} : memref<10x80xi32, #tpu.memory_space<vmem>>, vector<16xi32>,
      %add3A_1228 = arith.constant 10000 : i32
      %add3A_1229 = vector.broadcast %add3A_1228 : i32 to vector<16xi32>
      %add3A_1230 = arith.addi %get3A_1227, %add3A_1229 : vector<16xi32>
      tpu.vector_store_idx %arg15[%add3A_1230], %broadcast_in_dim3A_48 {add = true} : memref<10400xf32, #tpu.memory_space<vmem>>[vector<16xi32>], vector<16xf32>,
      %dma_wait3A_1231 = arith.constant 6 : i32
      %dma_wait3A_1232 = arith.constant 0 : i32
      %dma_wait3A_1233 = tpu.memref_slice %arg10[%dma_wait3A_1231, %dma_wait3A_1232] : memref<10x80xi32, #tpu.memory_space<vmem>> -> memref<1x80xi32, #tpu.memory_space<vmem>>
      %dma_wait3A_1234 = tpu.memref_squeeze %dma_wait3A_1233 : memref<1x80xi32, #tpu.memory_space<vmem>> -> memref<80xi32, #tpu.memory_space<vmem>>
      %dma_wait3A_1235 = arith.constant 0 : i32
      %dma_wait3A_1236 = arith.constant 0 : i32
      %dma_wait3A_1237 = tpu.memref_slice %arg16[%dma_wait3A_1235, %dma_wait3A_1236] : memref<10240x128xf32, #tpu.memory_space<vmem_shared>> -> memref<10240x128xf32, #tpu.memory_space<vmem_shared>>
      tpu.wait_indirect_dma semaphore(%arg21 : memref<!tpu.dma_semaphore, #tpu.memory_space<semaphore_mem>>) src(%arg12 : memref<80x128xf32, #tpu.memory_space<vmem>>) dst(%dma_wait3A_1237 : memref<10240x128xf32, #tpu.memory_space<vmem_shared>>)
      %dma_wait3A_1238 = arith.constant 6 : i32
      %dma_wait3A_1239 = arith.constant 0 : i32
      %dma_wait3A_1240 = tpu.memref_slice %arg11[%dma_wait3A_1238, %dma_wait3A_1239] : memref<10x80xi32, #tpu.memory_space<vmem>> -> memref<1x80xi32, #tpu.memory_space<vmem>>
      %dma_wait3A_1241 = tpu.memref_squeeze %dma_wait3A_1240 : memref<1x80xi32, #tpu.memory_space<vmem>> -> memref<80xi32, #tpu.memory_space<vmem>>
      %dma_wait3A_1242 = arith.constant 0 : i32
      %dma_wait3A_1243 = arith.constant 0 : i32
      %dma_wait3A_1244 = tpu.memref_slice %arg17[%dma_wait3A_1242, %dma_wait3A_1243] : memref<512x128xf32, #tpu.memory_space<vmem_shared>> -> memref<512x128xf32, #tpu.memory_space<vmem_shared>>
      tpu.wait_indirect_dma semaphore(%arg21 : memref<!tpu.dma_semaphore, #tpu.memory_space<semaphore_mem>>) src(%arg12 : memref<80x128xf32, #tpu.memory_space<vmem>>) dst(%dma_wait3A_1244 : memref<512x128xf32, #tpu.memory_space<vmem_shared>>)
      %dma_start3A_1245 = arith.constant 9 : i32
      %dma_start3A_1246 = arith.constant 0 : i32
      %dma_start3A_1247 = tpu.memref_slice %arg9[%dma_start3A_1245, %dma_start3A_1246] : memref<10x80xi32, #tpu.memory_space<vmem>> -> memref<1x80xi32, #tpu.memory_space<vmem>>
      %dma_start3A_1248 = tpu.memref_squeeze %dma_start3A_1247 : memref<1x80xi32, #tpu.memory_space<vmem>> -> memref<80xi32, #tpu.memory_space<vmem>>
      %dma_start3A_1249 = arith.constant 0 : i32
      %dma_start3A_1250 = arith.constant 0 : i32
      %dma_start3A_1251 = tpu.memref_slice %arg2[%dma_start3A_1249, %dma_start3A_1250] : memref<10000x128xf32, #tpu.memory_space<hbm>> -> memref<10000x128xf32, #tpu.memory_space<hbm>>
      tpu.enqueue_indirect_dma source(%dma_start3A_1251 : memref<10000x128xf32, #tpu.memory_space<hbm>>) target(%arg12 : memref<80x128xf32, #tpu.memory_space<vmem>>) offsets(%dma_start3A_1248 : memref<80xi32, #tpu.memory_space<vmem>>) semaphore(%arg18 : memref<!tpu.dma_semaphore, #tpu.memory_space<semaphore_mem>>)
      %dma_wait3A_1252 = arith.constant 7 : i32
      %dma_wait3A_1253 = arith.constant 0 : i32
      %dma_wait3A_1254 = tpu.memref_slice %arg9[%dma_wait3A_1252, %dma_wait3A_1253] : memref<10x80xi32, #tpu.memory_space<vmem>> -> memref<1x80xi32, #tpu.memory_space<vmem>>
      %dma_wait3A_1255 = tpu.memref_squeeze %dma_wait3A_1254 : memref<1x80xi32, #tpu.memory_space<vmem>> -> memref<80xi32, #tpu.memory_space<vmem>>
      %dma_wait3A_1256 = arith.constant 0 : i32
      %dma_wait3A_1257 = arith.constant 0 : i32
      %dma_wait3A_1258 = tpu.memref_slice %arg2[%dma_wait3A_1256, %dma_wait3A_1257] : memref<10000x128xf32, #tpu.memory_space<hbm>> -> memref<10000x128xf32, #tpu.memory_space<hbm>>
      tpu.wait_indirect_dma semaphore(%arg19 : memref<!tpu.dma_semaphore, #tpu.memory_space<semaphore_mem>>) src(%dma_wait3A_1258 : memref<10000x128xf32, #tpu.memory_space<hbm>>) dst(%arg13 : memref<80x128xf32, #tpu.memory_space<vmem>>)
      %dma_start3A_1259 = arith.constant 7 : i32
      %dma_start3A_1260 = arith.constant 0 : i32
      %dma_start3A_1261 = tpu.memref_slice %arg10[%dma_start3A_1259, %dma_start3A_1260] : memref<10x80xi32, #tpu.memory_space<vmem>> -> memref<1x80xi32, #tpu.memory_space<vmem>>
      %dma_start3A_1262 = tpu.memref_squeeze %dma_start3A_1261 : memref<1x80xi32, #tpu.memory_space<vmem>> -> memref<80xi32, #tpu.memory_space<vmem>>
      %dma_start3A_1263 = arith.constant 0 : i32
      %dma_start3A_1264 = arith.constant 0 : i32
      %dma_start3A_1265 = tpu.memref_slice %arg16[%dma_start3A_1263, %dma_start3A_1264] : memref<10240x128xf32, #tpu.memory_space<vmem_shared>> -> memref<10240x128xf32, #tpu.memory_space<vmem_shared>>
      tpu.enqueue_indirect_dma source(%arg13 : memref<80x128xf32, #tpu.memory_space<vmem>>) target(%dma_start3A_1265 : memref<10240x128xf32, #tpu.memory_space<vmem_shared>>) offsets(%dma_start3A_1262 : memref<80xi32, #tpu.memory_space<vmem>>) semaphore(%arg22 : memref<!tpu.dma_semaphore, #tpu.memory_space<semaphore_mem>>) {add = true}
      %dma_start3A_1266 = arith.constant 7 : i32
      %dma_start3A_1267 = arith.constant 0 : i32
      %dma_start3A_1268 = tpu.memref_slice %arg11[%dma_start3A_1266, %dma_start3A_1267] : memref<10x80xi32, #tpu.memory_space<vmem>> -> memref<1x80xi32, #tpu.memory_space<vmem>>
      %dma_start3A_1269 = tpu.memref_squeeze %dma_start3A_1268 : memref<1x80xi32, #tpu.memory_space<vmem>> -> memref<80xi32, #tpu.memory_space<vmem>>
      %dma_start3A_1270 = arith.constant 0 : i32
      %dma_start3A_1271 = arith.constant 0 : i32
      %dma_start3A_1272 = tpu.memref_slice %arg17[%dma_start3A_1270, %dma_start3A_1271] : memref<512x128xf32, #tpu.memory_space<vmem_shared>> -> memref<512x128xf32, #tpu.memory_space<vmem_shared>>
      tpu.enqueue_indirect_dma source(%arg13 : memref<80x128xf32, #tpu.memory_space<vmem>>) target(%dma_start3A_1272 : memref<512x128xf32, #tpu.memory_space<vmem_shared>>) offsets(%dma_start3A_1269 : memref<80xi32, #tpu.memory_space<vmem>>) semaphore(%arg22 : memref<!tpu.dma_semaphore, #tpu.memory_space<semaphore_mem>>) {add = true}
      %get3A_1273 = arith.constant 7 : i32
      %get3A_1274 = arith.index_cast %get3A_1273 : i32 to index
      %get3A_1275 = arith.constant 0 : index
      %get3A_1276 = tpu.vector_load %arg10[%get3A_1274, %get3A_1275] {strides = array<i32>} : memref<10x80xi32, #tpu.memory_space<vmem>>, vector<16xi32>,
      tpu.vector_store_idx %arg15[%get3A_1276], %broadcast_in_dim3A_48 {add = true} : memref<10400xf32, #tpu.memory_space<vmem>>[vector<16xi32>], vector<16xf32>,
      %get3A_1277 = arith.constant 7 : i32
      %get3A_1278 = arith.index_cast %get3A_1277 : i32 to index
      %get3A_1279 = arith.constant 0 : index
      %get3A_1280 = tpu.vector_load %arg11[%get3A_1278, %get3A_1279] {strides = array<i32>} : memref<10x80xi32, #tpu.memory_space<vmem>>, vector<16xi32>,
      %add3A_1281 = arith.constant 10000 : i32
      %add3A_1282 = vector.broadcast %add3A_1281 : i32 to vector<16xi32>
      %add3A_1283 = arith.addi %get3A_1280, %add3A_1282 : vector<16xi32>
      tpu.vector_store_idx %arg15[%add3A_1283], %broadcast_in_dim3A_48 {add = true} : memref<10400xf32, #tpu.memory_space<vmem>>[vector<16xi32>], vector<16xf32>,
      %get3A_1284 = arith.constant 7 : i32
      %get3A_1285 = arith.index_cast %get3A_1284 : i32 to index
      %get3A_1286 = arith.constant 16 : index
      %get3A_1287 = tpu.vector_load %arg10[%get3A_1285, %get3A_1286] {strides = array<i32>} : memref<10x80xi32, #tpu.memory_space<vmem>>, vector<16xi32>,
      tpu.vector_store_idx %arg15[%get3A_1287], %broadcast_in_dim3A_48 {add = true} : memref<10400xf32, #tpu.memory_space<vmem>>[vector<16xi32>], vector<16xf32>,
      %get3A_1288 = arith.constant 7 : i32
      %get3A_1289 = arith.index_cast %get3A_1288 : i32 to index
      %get3A_1290 = arith.constant 16 : index
      %get3A_1291 = tpu.vector_load %arg11[%get3A_1289, %get3A_1290] {strides = array<i32>} : memref<10x80xi32, #tpu.memory_space<vmem>>, vector<16xi32>,
      %add3A_1292 = arith.constant 10000 : i32
      %add3A_1293 = vector.broadcast %add3A_1292 : i32 to vector<16xi32>
      %add3A_1294 = arith.addi %get3A_1291, %add3A_1293 : vector<16xi32>
      tpu.vector_store_idx %arg15[%add3A_1294], %broadcast_in_dim3A_48 {add = true} : memref<10400xf32, #tpu.memory_space<vmem>>[vector<16xi32>], vector<16xf32>,
      %get3A_1295 = arith.constant 7 : i32
      %get3A_1296 = arith.index_cast %get3A_1295 : i32 to index
      %get3A_1297 = arith.constant 32 : index
      %get3A_1298 = tpu.vector_load %arg10[%get3A_1296, %get3A_1297] {strides = array<i32>} : memref<10x80xi32, #tpu.memory_space<vmem>>, vector<16xi32>,
      tpu.vector_store_idx %arg15[%get3A_1298], %broadcast_in_dim3A_48 {add = true} : memref<10400xf32, #tpu.memory_space<vmem>>[vector<16xi32>], vector<16xf32>,
      %get3A_1299 = arith.constant 7 : i32
      %get3A_1300 = arith.index_cast %get3A_1299 : i32 to index
      %get3A_1301 = arith.constant 32 : index
      %get3A_1302 = tpu.vector_load %arg11[%get3A_1300, %get3A_1301] {strides = array<i32>} : memref<10x80xi32, #tpu.memory_space<vmem>>, vector<16xi32>,
      %add3A_1303 = arith.constant 10000 : i32
      %add3A_1304 = vector.broadcast %add3A_1303 : i32 to vector<16xi32>
      %add3A_1305 = arith.addi %get3A_1302, %add3A_1304 : vector<16xi32>
      tpu.vector_store_idx %arg15[%add3A_1305], %broadcast_in_dim3A_48 {add = true} : memref<10400xf32, #tpu.memory_space<vmem>>[vector<16xi32>], vector<16xf32>,
      %get3A_1306 = arith.constant 7 : i32
      %get3A_1307 = arith.index_cast %get3A_1306 : i32 to index
      %get3A_1308 = arith.constant 48 : index
      %get3A_1309 = tpu.vector_load %arg10[%get3A_1307, %get3A_1308] {strides = array<i32>} : memref<10x80xi32, #tpu.memory_space<vmem>>, vector<16xi32>,
      tpu.vector_store_idx %arg15[%get3A_1309], %broadcast_in_dim3A_48 {add = true} : memref<10400xf32, #tpu.memory_space<vmem>>[vector<16xi32>], vector<16xf32>,
      %get3A_1310 = arith.constant 7 : i32
      %get3A_1311 = arith.index_cast %get3A_1310 : i32 to index
      %get3A_1312 = arith.constant 48 : index
      %get3A_1313 = tpu.vector_load %arg11[%get3A_1311, %get3A_1312] {strides = array<i32>} : memref<10x80xi32, #tpu.memory_space<vmem>>, vector<16xi32>,
      %add3A_1314 = arith.constant 10000 : i32
      %add3A_1315 = vector.broadcast %add3A_1314 : i32 to vector<16xi32>
      %add3A_1316 = arith.addi %get3A_1313, %add3A_1315 : vector<16xi32>
      tpu.vector_store_idx %arg15[%add3A_1316], %broadcast_in_dim3A_48 {add = true} : memref<10400xf32, #tpu.memory_space<vmem>>[vector<16xi32>], vector<16xf32>,
      %get3A_1317 = arith.constant 7 : i32
      %get3A_1318 = arith.index_cast %get3A_1317 : i32 to index
      %get3A_1319 = arith.constant 64 : index
      %get3A_1320 = tpu.vector_load %arg10[%get3A_1318, %get3A_1319] {strides = array<i32>} : memref<10x80xi32, #tpu.memory_space<vmem>>, vector<16xi32>,
      tpu.vector_store_idx %arg15[%get3A_1320], %broadcast_in_dim3A_48 {add = true} : memref<10400xf32, #tpu.memory_space<vmem>>[vector<16xi32>], vector<16xf32>,
      %get3A_1321 = arith.constant 7 : i32
      %get3A_1322 = arith.index_cast %get3A_1321 : i32 to index
      %get3A_1323 = arith.constant 64 : index
      %get3A_1324 = tpu.vector_load %arg11[%get3A_1322, %get3A_1323] {strides = array<i32>} : memref<10x80xi32, #tpu.memory_space<vmem>>, vector<16xi32>,
      %add3A_1325 = arith.constant 10000 : i32
      %add3A_1326 = vector.broadcast %add3A_1325 : i32 to vector<16xi32>
      %add3A_1327 = arith.addi %get3A_1324, %add3A_1326 : vector<16xi32>
      tpu.vector_store_idx %arg15[%add3A_1327], %broadcast_in_dim3A_48 {add = true} : memref<10400xf32, #tpu.memory_space<vmem>>[vector<16xi32>], vector<16xf32>,
      %dma_wait3A_1328 = arith.constant 8 : i32
      %dma_wait3A_1329 = arith.constant 0 : i32
      %dma_wait3A_1330 = tpu.memref_slice %arg9[%dma_wait3A_1328, %dma_wait3A_1329] : memref<10x80xi32, #tpu.memory_space<vmem>> -> memref<1x80xi32, #tpu.memory_space<vmem>>
      %dma_wait3A_1331 = tpu.memref_squeeze %dma_wait3A_1330 : memref<1x80xi32, #tpu.memory_space<vmem>> -> memref<80xi32, #tpu.memory_space<vmem>>
      %dma_wait3A_1332 = arith.constant 0 : i32
      %dma_wait3A_1333 = arith.constant 0 : i32
      %dma_wait3A_1334 = tpu.memref_slice %arg2[%dma_wait3A_1332, %dma_wait3A_1333] : memref<10000x128xf32, #tpu.memory_space<hbm>> -> memref<10000x128xf32, #tpu.memory_space<hbm>>
      tpu.wait_indirect_dma semaphore(%arg20 : memref<!tpu.dma_semaphore, #tpu.memory_space<semaphore_mem>>) src(%dma_wait3A_1334 : memref<10000x128xf32, #tpu.memory_space<hbm>>) dst(%arg14 : memref<80x128xf32, #tpu.memory_space<vmem>>)
      %dma_start3A_1335 = arith.constant 8 : i32
      %dma_start3A_1336 = arith.constant 0 : i32
      %dma_start3A_1337 = tpu.memref_slice %arg10[%dma_start3A_1335, %dma_start3A_1336] : memref<10x80xi32, #tpu.memory_space<vmem>> -> memref<1x80xi32, #tpu.memory_space<vmem>>
      %dma_start3A_1338 = tpu.memref_squeeze %dma_start3A_1337 : memref<1x80xi32, #tpu.memory_space<vmem>> -> memref<80xi32, #tpu.memory_space<vmem>>
      %dma_start3A_1339 = arith.constant 0 : i32
      %dma_start3A_1340 = arith.constant 0 : i32
      %dma_start3A_1341 = tpu.memref_slice %arg16[%dma_start3A_1339, %dma_start3A_1340] : memref<10240x128xf32, #tpu.memory_space<vmem_shared>> -> memref<10240x128xf32, #tpu.memory_space<vmem_shared>>
      tpu.enqueue_indirect_dma source(%arg14 : memref<80x128xf32, #tpu.memory_space<vmem>>) target(%dma_start3A_1341 : memref<10240x128xf32, #tpu.memory_space<vmem_shared>>) offsets(%dma_start3A_1338 : memref<80xi32, #tpu.memory_space<vmem>>) semaphore(%arg23 : memref<!tpu.dma_semaphore, #tpu.memory_space<semaphore_mem>>) {add = true}
      %dma_start3A_1342 = arith.constant 8 : i32
      %dma_start3A_1343 = arith.constant 0 : i32
      %dma_start3A_1344 = tpu.memref_slice %arg11[%dma_start3A_1342, %dma_start3A_1343] : memref<10x80xi32, #tpu.memory_space<vmem>> -> memref<1x80xi32, #tpu.memory_space<vmem>>
      %dma_start3A_1345 = tpu.memref_squeeze %dma_start3A_1344 : memref<1x80xi32, #tpu.memory_space<vmem>> -> memref<80xi32, #tpu.memory_space<vmem>>
      %dma_start3A_1346 = arith.constant 0 : i32
      %dma_start3A_1347 = arith.constant 0 : i32
      %dma_start3A_1348 = tpu.memref_slice %arg17[%dma_start3A_1346, %dma_start3A_1347] : memref<512x128xf32, #tpu.memory_space<vmem_shared>> -> memref<512x128xf32, #tpu.memory_space<vmem_shared>>
      tpu.enqueue_indirect_dma source(%arg14 : memref<80x128xf32, #tpu.memory_space<vmem>>) target(%dma_start3A_1348 : memref<512x128xf32, #tpu.memory_space<vmem_shared>>) offsets(%dma_start3A_1345 : memref<80xi32, #tpu.memory_space<vmem>>) semaphore(%arg23 : memref<!tpu.dma_semaphore, #tpu.memory_space<semaphore_mem>>) {add = true}
      %get3A_1349 = arith.constant 8 : i32
      %get3A_1350 = arith.index_cast %get3A_1349 : i32 to index
      %get3A_1351 = arith.constant 0 : index
      %get3A_1352 = tpu.vector_load %arg10[%get3A_1350, %get3A_1351] {strides = array<i32>} : memref<10x80xi32, #tpu.memory_space<vmem>>, vector<16xi32>,
      tpu.vector_store_idx %arg15[%get3A_1352], %broadcast_in_dim3A_48 {add = true} : memref<10400xf32, #tpu.memory_space<vmem>>[vector<16xi32>], vector<16xf32>,
      %get3A_1353 = arith.constant 8 : i32
      %get3A_1354 = arith.index_cast %get3A_1353 : i32 to index
      %get3A_1355 = arith.constant 0 : index
      %get3A_1356 = tpu.vector_load %arg11[%get3A_1354, %get3A_1355] {strides = array<i32>} : memref<10x80xi32, #tpu.memory_space<vmem>>, vector<16xi32>,
      %add3A_1357 = arith.constant 10000 : i32
      %add3A_1358 = vector.broadcast %add3A_1357 : i32 to vector<16xi32>
      %add3A_1359 = arith.addi %get3A_1356, %add3A_1358 : vector<16xi32>
      tpu.vector_store_idx %arg15[%add3A_1359], %broadcast_in_dim3A_48 {add = true} : memref<10400xf32, #tpu.memory_space<vmem>>[vector<16xi32>], vector<16xf32>,
      %get3A_1360 = arith.constant 8 : i32
      %get3A_1361 = arith.index_cast %get3A_1360 : i32 to index
      %get3A_1362 = arith.constant 16 : index
      %get3A_1363 = tpu.vector_load %arg10[%get3A_1361, %get3A_1362] {strides = array<i32>} : memref<10x80xi32, #tpu.memory_space<vmem>>, vector<16xi32>,
      tpu.vector_store_idx %arg15[%get3A_1363], %broadcast_in_dim3A_48 {add = true} : memref<10400xf32, #tpu.memory_space<vmem>>[vector<16xi32>], vector<16xf32>,
      %get3A_1364 = arith.constant 8 : i32
      %get3A_1365 = arith.index_cast %get3A_1364 : i32 to index
      %get3A_1366 = arith.constant 16 : index
      %get3A_1367 = tpu.vector_load %arg11[%get3A_1365, %get3A_1366] {strides = array<i32>} : memref<10x80xi32, #tpu.memory_space<vmem>>, vector<16xi32>,
      %add3A_1368 = arith.constant 10000 : i32
      %add3A_1369 = vector.broadcast %add3A_1368 : i32 to vector<16xi32>
      %add3A_1370 = arith.addi %get3A_1367, %add3A_1369 : vector<16xi32>
      tpu.vector_store_idx %arg15[%add3A_1370], %broadcast_in_dim3A_48 {add = true} : memref<10400xf32, #tpu.memory_space<vmem>>[vector<16xi32>], vector<16xf32>,
      %get3A_1371 = arith.constant 8 : i32
      %get3A_1372 = arith.index_cast %get3A_1371 : i32 to index
      %get3A_1373 = arith.constant 32 : index
      %get3A_1374 = tpu.vector_load %arg10[%get3A_1372, %get3A_1373] {strides = array<i32>} : memref<10x80xi32, #tpu.memory_space<vmem>>, vector<16xi32>,
      tpu.vector_store_idx %arg15[%get3A_1374], %broadcast_in_dim3A_48 {add = true} : memref<10400xf32, #tpu.memory_space<vmem>>[vector<16xi32>], vector<16xf32>,
      %get3A_1375 = arith.constant 8 : i32
      %get3A_1376 = arith.index_cast %get3A_1375 : i32 to index
      %get3A_1377 = arith.constant 32 : index
      %get3A_1378 = tpu.vector_load %arg11[%get3A_1376, %get3A_1377] {strides = array<i32>} : memref<10x80xi32, #tpu.memory_space<vmem>>, vector<16xi32>,
      %add3A_1379 = arith.constant 10000 : i32
      %add3A_1380 = vector.broadcast %add3A_1379 : i32 to vector<16xi32>
      %add3A_1381 = arith.addi %get3A_1378, %add3A_1380 : vector<16xi32>
      tpu.vector_store_idx %arg15[%add3A_1381], %broadcast_in_dim3A_48 {add = true} : memref<10400xf32, #tpu.memory_space<vmem>>[vector<16xi32>], vector<16xf32>,
      %get3A_1382 = arith.constant 8 : i32
      %get3A_1383 = arith.index_cast %get3A_1382 : i32 to index
      %get3A_1384 = arith.constant 48 : index
      %get3A_1385 = tpu.vector_load %arg10[%get3A_1383, %get3A_1384] {strides = array<i32>} : memref<10x80xi32, #tpu.memory_space<vmem>>, vector<16xi32>,
      tpu.vector_store_idx %arg15[%get3A_1385], %broadcast_in_dim3A_48 {add = true} : memref<10400xf32, #tpu.memory_space<vmem>>[vector<16xi32>], vector<16xf32>,
      %get3A_1386 = arith.constant 8 : i32
      %get3A_1387 = arith.index_cast %get3A_1386 : i32 to index
      %get3A_1388 = arith.constant 48 : index
      %get3A_1389 = tpu.vector_load %arg11[%get3A_1387, %get3A_1388] {strides = array<i32>} : memref<10x80xi32, #tpu.memory_space<vmem>>, vector<16xi32>,
      %add3A_1390 = arith.constant 10000 : i32
      %add3A_1391 = vector.broadcast %add3A_1390 : i32 to vector<16xi32>
      %add3A_1392 = arith.addi %get3A_1389, %add3A_1391 : vector<16xi32>
      tpu.vector_store_idx %arg15[%add3A_1392], %broadcast_in_dim3A_48 {add = true} : memref<10400xf32, #tpu.memory_space<vmem>>[vector<16xi32>], vector<16xf32>,
      %get3A_1393 = arith.constant 8 : i32
      %get3A_1394 = arith.index_cast %get3A_1393 : i32 to index
      %get3A_1395 = arith.constant 64 : index
      %get3A_1396 = tpu.vector_load %arg10[%get3A_1394, %get3A_1395] {strides = array<i32>} : memref<10x80xi32, #tpu.memory_space<vmem>>, vector<16xi32>,
      tpu.vector_store_idx %arg15[%get3A_1396], %broadcast_in_dim3A_48 {add = true} : memref<10400xf32, #tpu.memory_space<vmem>>[vector<16xi32>], vector<16xf32>,
      %get3A_1397 = arith.constant 8 : i32
      %get3A_1398 = arith.index_cast %get3A_1397 : i32 to index
      %get3A_1399 = arith.constant 64 : index
      %get3A_1400 = tpu.vector_load %arg11[%get3A_1398, %get3A_1399] {strides = array<i32>} : memref<10x80xi32, #tpu.memory_space<vmem>>, vector<16xi32>,
      %add3A_1401 = arith.constant 10000 : i32
      %add3A_1402 = vector.broadcast %add3A_1401 : i32 to vector<16xi32>
      %add3A_1403 = arith.addi %get3A_1400, %add3A_1402 : vector<16xi32>
      tpu.vector_store_idx %arg15[%add3A_1403], %broadcast_in_dim3A_48 {add = true} : memref<10400xf32, #tpu.memory_space<vmem>>[vector<16xi32>], vector<16xf32>,
      %dma_wait3A_1404 = arith.constant 9 : i32
      %dma_wait3A_1405 = arith.constant 0 : i32
      %dma_wait3A_1406 = tpu.memref_slice %arg9[%dma_wait3A_1404, %dma_wait3A_1405] : memref<10x80xi32, #tpu.memory_space<vmem>> -> memref<1x80xi32, #tpu.memory_space<vmem>>
      %dma_wait3A_1407 = tpu.memref_squeeze %dma_wait3A_1406 : memref<1x80xi32, #tpu.memory_space<vmem>> -> memref<80xi32, #tpu.memory_space<vmem>>
      %dma_wait3A_1408 = arith.constant 0 : i32
      %dma_wait3A_1409 = arith.constant 0 : i32
      %dma_wait3A_1410 = tpu.memref_slice %arg2[%dma_wait3A_1408, %dma_wait3A_1409] : memref<10000x128xf32, #tpu.memory_space<hbm>> -> memref<10000x128xf32, #tpu.memory_space<hbm>>
      tpu.wait_indirect_dma semaphore(%arg18 : memref<!tpu.dma_semaphore, #tpu.memory_space<semaphore_mem>>) src(%dma_wait3A_1410 : memref<10000x128xf32, #tpu.memory_space<hbm>>) dst(%arg12 : memref<80x128xf32, #tpu.memory_space<vmem>>)
      %dma_start3A_1411 = arith.constant 9 : i32
      %dma_start3A_1412 = arith.constant 0 : i32
      %dma_start3A_1413 = tpu.memref_slice %arg10[%dma_start3A_1411, %dma_start3A_1412] : memref<10x80xi32, #tpu.memory_space<vmem>> -> memref<1x80xi32, #tpu.memory_space<vmem>>
      %dma_start3A_1414 = tpu.memref_squeeze %dma_start3A_1413 : memref<1x80xi32, #tpu.memory_space<vmem>> -> memref<80xi32, #tpu.memory_space<vmem>>
      %dma_start3A_1415 = arith.constant 0 : i32
      %dma_start3A_1416 = arith.constant 0 : i32
      %dma_start3A_1417 = tpu.memref_slice %arg16[%dma_start3A_1415, %dma_start3A_1416] : memref<10240x128xf32, #tpu.memory_space<vmem_shared>> -> memref<10240x128xf32, #tpu.memory_space<vmem_shared>>
      tpu.enqueue_indirect_dma source(%arg12 : memref<80x128xf32, #tpu.memory_space<vmem>>) target(%dma_start3A_1417 : memref<10240x128xf32, #tpu.memory_space<vmem_shared>>) offsets(%dma_start3A_1414 : memref<80xi32, #tpu.memory_space<vmem>>) semaphore(%arg21 : memref<!tpu.dma_semaphore, #tpu.memory_space<semaphore_mem>>) {add = true}
      %dma_start3A_1418 = arith.constant 9 : i32
      %dma_start3A_1419 = arith.constant 0 : i32
      %dma_start3A_1420 = tpu.memref_slice %arg11[%dma_start3A_1418, %dma_start3A_1419] : memref<10x80xi32, #tpu.memory_space<vmem>> -> memref<1x80xi32, #tpu.memory_space<vmem>>
      %dma_start3A_1421 = tpu.memref_squeeze %dma_start3A_1420 : memref<1x80xi32, #tpu.memory_space<vmem>> -> memref<80xi32, #tpu.memory_space<vmem>>
      %dma_start3A_1422 = arith.constant 0 : i32
      %dma_start3A_1423 = arith.constant 0 : i32
      %dma_start3A_1424 = tpu.memref_slice %arg17[%dma_start3A_1422, %dma_start3A_1423] : memref<512x128xf32, #tpu.memory_space<vmem_shared>> -> memref<512x128xf32, #tpu.memory_space<vmem_shared>>
      tpu.enqueue_indirect_dma source(%arg12 : memref<80x128xf32, #tpu.memory_space<vmem>>) target(%dma_start3A_1424 : memref<512x128xf32, #tpu.memory_space<vmem_shared>>) offsets(%dma_start3A_1421 : memref<80xi32, #tpu.memory_space<vmem>>) semaphore(%arg21 : memref<!tpu.dma_semaphore, #tpu.memory_space<semaphore_mem>>) {add = true}
      %get3A_1425 = arith.constant 9 : i32
      %get3A_1426 = arith.index_cast %get3A_1425 : i32 to index
      %get3A_1427 = arith.constant 0 : index
      %get3A_1428 = tpu.vector_load %arg10[%get3A_1426, %get3A_1427] {strides = array<i32>} : memref<10x80xi32, #tpu.memory_space<vmem>>, vector<16xi32>,
      tpu.vector_store_idx %arg15[%get3A_1428], %broadcast_in_dim3A_48 {add = true} : memref<10400xf32, #tpu.memory_space<vmem>>[vector<16xi32>], vector<16xf32>,
      %get3A_1429 = arith.constant 9 : i32
      %get3A_1430 = arith.index_cast %get3A_1429 : i32 to index
      %get3A_1431 = arith.constant 0 : index
      %get3A_1432 = tpu.vector_load %arg11[%get3A_1430, %get3A_1431] {strides = array<i32>} : memref<10x80xi32, #tpu.memory_space<vmem>>, vector<16xi32>,
      %add3A_1433 = arith.constant 10000 : i32
      %add3A_1434 = vector.broadcast %add3A_1433 : i32 to vector<16xi32>
      %add3A_1435 = arith.addi %get3A_1432, %add3A_1434 : vector<16xi32>
      tpu.vector_store_idx %arg15[%add3A_1435], %broadcast_in_dim3A_48 {add = true} : memref<10400xf32, #tpu.memory_space<vmem>>[vector<16xi32>], vector<16xf32>,
      %get3A_1436 = arith.constant 9 : i32
      %get3A_1437 = arith.index_cast %get3A_1436 : i32 to index
      %get3A_1438 = arith.constant 16 : index
      %get3A_1439 = tpu.vector_load %arg10[%get3A_1437, %get3A_1438] {strides = array<i32>} : memref<10x80xi32, #tpu.memory_space<vmem>>, vector<16xi32>,
      tpu.vector_store_idx %arg15[%get3A_1439], %broadcast_in_dim3A_48 {add = true} : memref<10400xf32, #tpu.memory_space<vmem>>[vector<16xi32>], vector<16xf32>,
      %get3A_1440 = arith.constant 9 : i32
      %get3A_1441 = arith.index_cast %get3A_1440 : i32 to index
      %get3A_1442 = arith.constant 16 : index
      %get3A_1443 = tpu.vector_load %arg11[%get3A_1441, %get3A_1442] {strides = array<i32>} : memref<10x80xi32, #tpu.memory_space<vmem>>, vector<16xi32>,
      %add3A_1444 = arith.constant 10000 : i32
      %add3A_1445 = vector.broadcast %add3A_1444 : i32 to vector<16xi32>
      %add3A_1446 = arith.addi %get3A_1443, %add3A_1445 : vector<16xi32>
      tpu.vector_store_idx %arg15[%add3A_1446], %broadcast_in_dim3A_48 {add = true} : memref<10400xf32, #tpu.memory_space<vmem>>[vector<16xi32>], vector<16xf32>,
      %get3A_1447 = arith.constant 9 : i32
      %get3A_1448 = arith.index_cast %get3A_1447 : i32 to index
      %get3A_1449 = arith.constant 32 : index
      %get3A_1450 = tpu.vector_load %arg10[%get3A_1448, %get3A_1449] {strides = array<i32>} : memref<10x80xi32, #tpu.memory_space<vmem>>, vector<16xi32>,
      tpu.vector_store_idx %arg15[%get3A_1450], %broadcast_in_dim3A_48 {add = true} : memref<10400xf32, #tpu.memory_space<vmem>>[vector<16xi32>], vector<16xf32>,
      %get3A_1451 = arith.constant 9 : i32
      %get3A_1452 = arith.index_cast %get3A_1451 : i32 to index
      %get3A_1453 = arith.constant 32 : index
      %get3A_1454 = tpu.vector_load %arg11[%get3A_1452, %get3A_1453] {strides = array<i32>} : memref<10x80xi32, #tpu.memory_space<vmem>>, vector<16xi32>,
      %add3A_1455 = arith.constant 10000 : i32
      %add3A_1456 = vector.broadcast %add3A_1455 : i32 to vector<16xi32>
      %add3A_1457 = arith.addi %get3A_1454, %add3A_1456 : vector<16xi32>
      tpu.vector_store_idx %arg15[%add3A_1457], %broadcast_in_dim3A_48 {add = true} : memref<10400xf32, #tpu.memory_space<vmem>>[vector<16xi32>], vector<16xf32>,
      %get3A_1458 = arith.constant 9 : i32
      %get3A_1459 = arith.index_cast %get3A_1458 : i32 to index
      %get3A_1460 = arith.constant 48 : index
      %get3A_1461 = tpu.vector_load %arg10[%get3A_1459, %get3A_1460] {strides = array<i32>} : memref<10x80xi32, #tpu.memory_space<vmem>>, vector<16xi32>,
      tpu.vector_store_idx %arg15[%get3A_1461], %broadcast_in_dim3A_48 {add = true} : memref<10400xf32, #tpu.memory_space<vmem>>[vector<16xi32>], vector<16xf32>,
      %get3A_1462 = arith.constant 9 : i32
      %get3A_1463 = arith.index_cast %get3A_1462 : i32 to index
      %get3A_1464 = arith.constant 48 : index
      %get3A_1465 = tpu.vector_load %arg11[%get3A_1463, %get3A_1464] {strides = array<i32>} : memref<10x80xi32, #tpu.memory_space<vmem>>, vector<16xi32>,
      %add3A_1466 = arith.constant 10000 : i32
      %add3A_1467 = vector.broadcast %add3A_1466 : i32 to vector<16xi32>
      %add3A_1468 = arith.addi %get3A_1465, %add3A_1467 : vector<16xi32>
      tpu.vector_store_idx %arg15[%add3A_1468], %broadcast_in_dim3A_48 {add = true} : memref<10400xf32, #tpu.memory_space<vmem>>[vector<16xi32>], vector<16xf32>,
      %get3A_1469 = arith.constant 9 : i32
      %get3A_1470 = arith.index_cast %get3A_1469 : i32 to index
      %get3A_1471 = arith.constant 64 : index
      %get3A_1472 = tpu.vector_load %arg10[%get3A_1470, %get3A_1471] {strides = array<i32>} : memref<10x80xi32, #tpu.memory_space<vmem>>, vector<16xi32>,
      tpu.vector_store_idx %arg15[%get3A_1472], %broadcast_in_dim3A_48 {add = true} : memref<10400xf32, #tpu.memory_space<vmem>>[vector<16xi32>], vector<16xf32>,
      %get3A_1473 = arith.constant 9 : i32
      %get3A_1474 = arith.index_cast %get3A_1473 : i32 to index
      %get3A_1475 = arith.constant 64 : index
      %get3A_1476 = tpu.vector_load %arg11[%get3A_1474, %get3A_1475] {strides = array<i32>} : memref<10x80xi32, #tpu.memory_space<vmem>>, vector<16xi32>,
      %add3A_1477 = arith.constant 10000 : i32
      %add3A_1478 = vector.broadcast %add3A_1477 : i32 to vector<16xi32>
      %add3A_1479 = arith.addi %get3A_1476, %add3A_1478 : vector<16xi32>
      tpu.vector_store_idx %arg15[%add3A_1479], %broadcast_in_dim3A_48 {add = true} : memref<10400xf32, #tpu.memory_space<vmem>>[vector<16xi32>], vector<16xf32>,
      %dma_wait3A_1480 = arith.constant 7 : i32
      %dma_wait3A_1481 = arith.constant 0 : i32
      %dma_wait3A_1482 = tpu.memref_slice %arg10[%dma_wait3A_1480, %dma_wait3A_1481] : memref<10x80xi32, #tpu.memory_space<vmem>> -> memref<1x80xi32, #tpu.memory_space<vmem>>
      %dma_wait3A_1483 = tpu.memref_squeeze %dma_wait3A_1482 : memref<1x80xi32, #tpu.memory_space<vmem>> -> memref<80xi32, #tpu.memory_space<vmem>>
      %dma_wait3A_1484 = arith.constant 0 : i32
      %dma_wait3A_1485 = arith.constant 0 : i32
      %dma_wait3A_1486 = tpu.memref_slice %arg16[%dma_wait3A_1484, %dma_wait3A_1485] : memref<10240x128xf32, #tpu.memory_space<vmem_shared>> -> memref<10240x128xf32, #tpu.memory_space<vmem_shared>>
      tpu.wait_indirect_dma semaphore(%arg22 : memref<!tpu.dma_semaphore, #tpu.memory_space<semaphore_mem>>) src(%arg13 : memref<80x128xf32, #tpu.memory_space<vmem>>) dst(%dma_wait3A_1486 : memref<10240x128xf32, #tpu.memory_space<vmem_shared>>)
      %dma_wait3A_1487 = arith.constant 7 : i32
      %dma_wait3A_1488 = arith.constant 0 : i32
      %dma_wait3A_1489 = tpu.memref_slice %arg11[%dma_wait3A_1487, %dma_wait3A_1488] : memref<10x80xi32, #tpu.memory_space<vmem>> -> memref<1x80xi32, #tpu.memory_space<vmem>>
      %dma_wait3A_1490 = tpu.memref_squeeze %dma_wait3A_1489 : memref<1x80xi32, #tpu.memory_space<vmem>> -> memref<80xi32, #tpu.memory_space<vmem>>
      %dma_wait3A_1491 = arith.constant 0 : i32
      %dma_wait3A_1492 = arith.constant 0 : i32
      %dma_wait3A_1493 = tpu.memref_slice %arg17[%dma_wait3A_1491, %dma_wait3A_1492] : memref<512x128xf32, #tpu.memory_space<vmem_shared>> -> memref<512x128xf32, #tpu.memory_space<vmem_shared>>
      tpu.wait_indirect_dma semaphore(%arg22 : memref<!tpu.dma_semaphore, #tpu.memory_space<semaphore_mem>>) src(%arg13 : memref<80x128xf32, #tpu.memory_space<vmem>>) dst(%dma_wait3A_1493 : memref<512x128xf32, #tpu.memory_space<vmem_shared>>)
      %dma_wait3A_1494 = arith.constant 8 : i32
      %dma_wait3A_1495 = arith.constant 0 : i32
      %dma_wait3A_1496 = tpu.memref_slice %arg10[%dma_wait3A_1494, %dma_wait3A_1495] : memref<10x80xi32, #tpu.memory_space<vmem>> -> memref<1x80xi32, #tpu.memory_space<vmem>>
      %dma_wait3A_1497 = tpu.memref_squeeze %dma_wait3A_1496 : memref<1x80xi32, #tpu.memory_space<vmem>> -> memref<80xi32, #tpu.memory_space<vmem>>
      %dma_wait3A_1498 = arith.constant 0 : i32
      %dma_wait3A_1499 = arith.constant 0 : i32
      %dma_wait3A_1500 = tpu.memref_slice %arg16[%dma_wait3A_1498, %dma_wait3A_1499] : memref<10240x128xf32, #tpu.memory_space<vmem_shared>> -> memref<10240x128xf32, #tpu.memory_space<vmem_shared>>
      tpu.wait_indirect_dma semaphore(%arg23 : memref<!tpu.dma_semaphore, #tpu.memory_space<semaphore_mem>>) src(%arg14 : memref<80x128xf32, #tpu.memory_space<vmem>>) dst(%dma_wait3A_1500 : memref<10240x128xf32, #tpu.memory_space<vmem_shared>>)
      %dma_wait3A_1501 = arith.constant 8 : i32
      %dma_wait3A_1502 = arith.constant 0 : i32
      %dma_wait3A_1503 = tpu.memref_slice %arg11[%dma_wait3A_1501, %dma_wait3A_1502] : memref<10x80xi32, #tpu.memory_space<vmem>> -> memref<1x80xi32, #tpu.memory_space<vmem>>
      %dma_wait3A_1504 = tpu.memref_squeeze %dma_wait3A_1503 : memref<1x80xi32, #tpu.memory_space<vmem>> -> memref<80xi32, #tpu.memory_space<vmem>>
      %dma_wait3A_1505 = arith.constant 0 : i32
      %dma_wait3A_1506 = arith.constant 0 : i32
      %dma_wait3A_1507 = tpu.memref_slice %arg17[%dma_wait3A_1505, %dma_wait3A_1506] : memref<512x128xf32, #tpu.memory_space<vmem_shared>> -> memref<512x128xf32, #tpu.memory_space<vmem_shared>>
      tpu.wait_indirect_dma semaphore(%arg23 : memref<!tpu.dma_semaphore, #tpu.memory_space<semaphore_mem>>) src(%arg14 : memref<80x128xf32, #tpu.memory_space<vmem>>) dst(%dma_wait3A_1507 : memref<512x128xf32, #tpu.memory_space<vmem_shared>>)
      %dma_wait3A_1508 = arith.constant 9 : i32
      %dma_wait3A_1509 = arith.constant 0 : i32
      %dma_wait3A_1510 = tpu.memref_slice %arg10[%dma_wait3A_1508, %dma_wait3A_1509] : memref<10x80xi32, #tpu.memory_space<vmem>> -> memref<1x80xi32, #tpu.memory_space<vmem>>
      %dma_wait3A_1511 = tpu.memref_squeeze %dma_wait3A_1510 : memref<1x80xi32, #tpu.memory_space<vmem>> -> memref<80xi32, #tpu.memory_space<vmem>>
      %dma_wait3A_1512 = arith.constant 0 : i32
      %dma_wait3A_1513 = arith.constant 0 : i32
      %dma_wait3A_1514 = tpu.memref_slice %arg16[%dma_wait3A_1512, %dma_wait3A_1513] : memref<10240x128xf32, #tpu.memory_space<vmem_shared>> -> memref<10240x128xf32, #tpu.memory_space<vmem_shared>>
      tpu.wait_indirect_dma semaphore(%arg21 : memref<!tpu.dma_semaphore, #tpu.memory_space<semaphore_mem>>) src(%arg12 : memref<80x128xf32, #tpu.memory_space<vmem>>) dst(%dma_wait3A_1514 : memref<10240x128xf32, #tpu.memory_space<vmem_shared>>)
      %dma_wait3A_1515 = arith.constant 9 : i32
      %dma_wait3A_1516 = arith.constant 0 : i32
      %dma_wait3A_1517 = tpu.memref_slice %arg11[%dma_wait3A_1515, %dma_wait3A_1516] : memref<10x80xi32, #tpu.memory_space<vmem>> -> memref<1x80xi32, #tpu.memory_space<vmem>>
      %dma_wait3A_1518 = tpu.memref_squeeze %dma_wait3A_1517 : memref<1x80xi32, #tpu.memory_space<vmem>> -> memref<80xi32, #tpu.memory_space<vmem>>
      %dma_wait3A_1519 = arith.constant 0 : i32
      %dma_wait3A_1520 = arith.constant 0 : i32
      %dma_wait3A_1521 = tpu.memref_slice %arg17[%dma_wait3A_1519, %dma_wait3A_1520] : memref<512x128xf32, #tpu.memory_space<vmem_shared>> -> memref<512x128xf32, #tpu.memory_space<vmem_shared>>
      tpu.wait_indirect_dma semaphore(%arg21 : memref<!tpu.dma_semaphore, #tpu.memory_space<semaphore_mem>>) src(%arg12 : memref<80x128xf32, #tpu.memory_space<vmem>>) dst(%dma_wait3A_1521 : memref<512x128xf32, #tpu.memory_space<vmem_shared>>)
    }
    %scan3A_53 = arith.constant 12 : i32
    "tpu.region"() ({
      %run_scoped3A = tpu.sem_alloc : memref<!tpu.dma_semaphore, #tpu.memory_space<semaphore_mem>>
      %dma_start3A_545 = arith.constant 0 : i32
      %dma_start3A_546 = arith.constant 0 : i32
      %dma_start3A_547 = tpu.memref_slice %arg9[%dma_start3A_545, %dma_start3A_546] : memref<10x80xi32, #tpu.memory_space<vmem>> -> memref<5x80xi32, #tpu.memory_space<vmem>>
      %dma_start3A_548 = arith.constant 120 : i32
      %dma_start3A_549 = arith.constant 0 : i32
      %dma_start3A_550 = tpu.memref_slice %arg3[%add3A, %dma_start3A_548, %dma_start3A_549] : memref<32x125x80xi32, #tpu.memory_space<hbm>> -> memref<1x5x80xi32, #tpu.memory_space<hbm>>
      %dma_start3A_551 = tpu.memref_squeeze %dma_start3A_550 : memref<1x5x80xi32, #tpu.memory_space<hbm>> -> memref<5x80xi32, #tpu.memory_space<hbm>>
      %dma_start3A_552 = arith.constant 0 : i32
      %dma_start3A_553 = arith.constant 0 : i32
      %dma_start3A_554 = tpu.memref_slice %arg9[%dma_start3A_552, %dma_start3A_553] : memref<10x80xi32, #tpu.memory_space<vmem>> -> memref<5x80xi32, #tpu.memory_space<vmem>>
      %dma_start3A_555 = arith.constant 120 : i32
      %dma_start3A_556 = arith.constant 0 : i32
      %dma_start3A_557 = tpu.memref_slice %arg3[%add3A, %dma_start3A_555, %dma_start3A_556] : memref<32x125x80xi32, #tpu.memory_space<hbm>> -> memref<1x5x80xi32, #tpu.memory_space<hbm>>
      %dma_start3A_558 = tpu.memref_squeeze %dma_start3A_557 : memref<1x5x80xi32, #tpu.memory_space<hbm>> -> memref<5x80xi32, #tpu.memory_space<hbm>>
      tpu.enqueue_dma source(%dma_start3A_558 : memref<5x80xi32, #tpu.memory_space<hbm>>) target(%dma_start3A_554 : memref<5x80xi32, #tpu.memory_space<vmem>>) target_semaphore(%run_scoped3A : memref<!tpu.dma_semaphore, #tpu.memory_space<semaphore_mem>>)
      %dma_wait3A_559 = arith.constant 0 : i32
      %dma_wait3A_560 = arith.constant 0 : i32
      %dma_wait3A_561 = tpu.memref_slice %arg9[%dma_wait3A_559, %dma_wait3A_560] : memref<10x80xi32, #tpu.memory_space<vmem>> -> memref<5x80xi32, #tpu.memory_space<vmem>>
      %dma_wait3A_562 = arith.constant 120 : i32
      %dma_wait3A_563 = arith.constant 0 : i32
      %dma_wait3A_564 = tpu.memref_slice %arg3[%add3A, %dma_wait3A_562, %dma_wait3A_563] : memref<32x125x80xi32, #tpu.memory_space<hbm>> -> memref<1x5x80xi32, #tpu.memory_space<hbm>>
      %dma_wait3A_565 = tpu.memref_squeeze %dma_wait3A_564 : memref<1x5x80xi32, #tpu.memory_space<hbm>> -> memref<5x80xi32, #tpu.memory_space<hbm>>
      %dma_wait3A_566 = arith.constant 0 : i32
      %dma_wait3A_567 = arith.constant 0 : i32
      %dma_wait3A_568 = tpu.memref_slice %arg9[%dma_wait3A_566, %dma_wait3A_567] : memref<10x80xi32, #tpu.memory_space<vmem>> -> memref<5x80xi32, #tpu.memory_space<vmem>>
      %dma_wait3A_569 = arith.constant 120 : i32
      %dma_wait3A_570 = arith.constant 0 : i32
      %dma_wait3A_571 = tpu.memref_slice %arg3[%add3A, %dma_wait3A_569, %dma_wait3A_570] : memref<32x125x80xi32, #tpu.memory_space<hbm>> -> memref<1x5x80xi32, #tpu.memory_space<hbm>>
      %dma_wait3A_572 = tpu.memref_squeeze %dma_wait3A_571 : memref<1x5x80xi32, #tpu.memory_space<hbm>> -> memref<5x80xi32, #tpu.memory_space<hbm>>
      tpu.wait_dma2 semaphore(%run_scoped3A : memref<!tpu.dma_semaphore, #tpu.memory_space<semaphore_mem>>) src(%dma_wait3A_572 : memref<5x80xi32, #tpu.memory_space<hbm>>) dst(%dma_wait3A_568 : memref<5x80xi32, #tpu.memory_space<vmem>>)
      tpu.yield
    }) : () -> ()
    "tpu.region"() ({
      %run_scoped3A = tpu.sem_alloc : memref<!tpu.dma_semaphore, #tpu.memory_space<semaphore_mem>>
      %dma_start3A_545 = arith.constant 0 : i32
      %dma_start3A_546 = arith.constant 0 : i32
      %dma_start3A_547 = tpu.memref_slice %arg10[%dma_start3A_545, %dma_start3A_546] : memref<10x80xi32, #tpu.memory_space<vmem>> -> memref<5x80xi32, #tpu.memory_space<vmem>>
      %dma_start3A_548 = arith.constant 120 : i32
      %dma_start3A_549 = arith.constant 0 : i32
      %dma_start3A_550 = tpu.memref_slice %arg4[%add3A, %dma_start3A_548, %dma_start3A_549] : memref<32x125x80xi32, #tpu.memory_space<hbm>> -> memref<1x5x80xi32, #tpu.memory_space<hbm>>
      %dma_start3A_551 = tpu.memref_squeeze %dma_start3A_550 : memref<1x5x80xi32, #tpu.memory_space<hbm>> -> memref<5x80xi32, #tpu.memory_space<hbm>>
      %dma_start3A_552 = arith.constant 0 : i32
      %dma_start3A_553 = arith.constant 0 : i32
      %dma_start3A_554 = tpu.memref_slice %arg10[%dma_start3A_552, %dma_start3A_553] : memref<10x80xi32, #tpu.memory_space<vmem>> -> memref<5x80xi32, #tpu.memory_space<vmem>>
      %dma_start3A_555 = arith.constant 120 : i32
      %dma_start3A_556 = arith.constant 0 : i32
      %dma_start3A_557 = tpu.memref_slice %arg4[%add3A, %dma_start3A_555, %dma_start3A_556] : memref<32x125x80xi32, #tpu.memory_space<hbm>> -> memref<1x5x80xi32, #tpu.memory_space<hbm>>
      %dma_start3A_558 = tpu.memref_squeeze %dma_start3A_557 : memref<1x5x80xi32, #tpu.memory_space<hbm>> -> memref<5x80xi32, #tpu.memory_space<hbm>>
      tpu.enqueue_dma source(%dma_start3A_558 : memref<5x80xi32, #tpu.memory_space<hbm>>) target(%dma_start3A_554 : memref<5x80xi32, #tpu.memory_space<vmem>>) target_semaphore(%run_scoped3A : memref<!tpu.dma_semaphore, #tpu.memory_space<semaphore_mem>>)
      %dma_wait3A_559 = arith.constant 0 : i32
      %dma_wait3A_560 = arith.constant 0 : i32
      %dma_wait3A_561 = tpu.memref_slice %arg10[%dma_wait3A_559, %dma_wait3A_560] : memref<10x80xi32, #tpu.memory_space<vmem>> -> memref<5x80xi32, #tpu.memory_space<vmem>>
      %dma_wait3A_562 = arith.constant 120 : i32
      %dma_wait3A_563 = arith.constant 0 : i32
      %dma_wait3A_564 = tpu.memref_slice %arg4[%add3A, %dma_wait3A_562, %dma_wait3A_563] : memref<32x125x80xi32, #tpu.memory_space<hbm>> -> memref<1x5x80xi32, #tpu.memory_space<hbm>>
      %dma_wait3A_565 = tpu.memref_squeeze %dma_wait3A_564 : memref<1x5x80xi32, #tpu.memory_space<hbm>> -> memref<5x80xi32, #tpu.memory_space<hbm>>
      %dma_wait3A_566 = arith.constant 0 : i32
      %dma_wait3A_567 = arith.constant 0 : i32
      %dma_wait3A_568 = tpu.memref_slice %arg10[%dma_wait3A_566, %dma_wait3A_567] : memref<10x80xi32, #tpu.memory_space<vmem>> -> memref<5x80xi32, #tpu.memory_space<vmem>>
      %dma_wait3A_569 = arith.constant 120 : i32
      %dma_wait3A_570 = arith.constant 0 : i32
      %dma_wait3A_571 = tpu.memref_slice %arg4[%add3A, %dma_wait3A_569, %dma_wait3A_570] : memref<32x125x80xi32, #tpu.memory_space<hbm>> -> memref<1x5x80xi32, #tpu.memory_space<hbm>>
      %dma_wait3A_572 = tpu.memref_squeeze %dma_wait3A_571 : memref<1x5x80xi32, #tpu.memory_space<hbm>> -> memref<5x80xi32, #tpu.memory_space<hbm>>
      tpu.wait_dma2 semaphore(%run_scoped3A : memref<!tpu.dma_semaphore, #tpu.memory_space<semaphore_mem>>) src(%dma_wait3A_572 : memref<5x80xi32, #tpu.memory_space<hbm>>) dst(%dma_wait3A_568 : memref<5x80xi32, #tpu.memory_space<vmem>>)
      tpu.yield
    }) : () -> ()
    "tpu.region"() ({
      %run_scoped3A = tpu.sem_alloc : memref<!tpu.dma_semaphore, #tpu.memory_space<semaphore_mem>>
      %dma_start3A_545 = arith.constant 0 : i32
      %dma_start3A_546 = arith.constant 0 : i32
      %dma_start3A_547 = tpu.memref_slice %arg11[%dma_start3A_545, %dma_start3A_546] : memref<10x80xi32, #tpu.memory_space<vmem>> -> memref<5x80xi32, #tpu.memory_space<vmem>>
      %dma_start3A_548 = arith.constant 120 : i32
      %dma_start3A_549 = arith.constant 0 : i32
      %dma_start3A_550 = tpu.memref_slice %arg5[%add3A, %dma_start3A_548, %dma_start3A_549] : memref<32x125x80xi32, #tpu.memory_space<hbm>> -> memref<1x5x80xi32, #tpu.memory_space<hbm>>
      %dma_start3A_551 = tpu.memref_squeeze %dma_start3A_550 : memref<1x5x80xi32, #tpu.memory_space<hbm>> -> memref<5x80xi32, #tpu.memory_space<hbm>>
      %dma_start3A_552 = arith.constant 0 : i32
      %dma_start3A_553 = arith.constant 0 : i32
      %dma_start3A_554 = tpu.memref_slice %arg11[%dma_start3A_552, %dma_start3A_553] : memref<10x80xi32, #tpu.memory_space<vmem>> -> memref<5x80xi32, #tpu.memory_space<vmem>>
      %dma_start3A_555 = arith.constant 120 : i32
      %dma_start3A_556 = arith.constant 0 : i32
      %dma_start3A_557 = tpu.memref_slice %arg5[%add3A, %dma_start3A_555, %dma_start3A_556] : memref<32x125x80xi32, #tpu.memory_space<hbm>> -> memref<1x5x80xi32, #tpu.memory_space<hbm>>
      %dma_start3A_558 = tpu.memref_squeeze %dma_start3A_557 : memref<1x5x80xi32, #tpu.memory_space<hbm>> -> memref<5x80xi32, #tpu.memory_space<hbm>>
      tpu.enqueue_dma source(%dma_start3A_558 : memref<5x80xi32, #tpu.memory_space<hbm>>) target(%dma_start3A_554 : memref<5x80xi32, #tpu.memory_space<vmem>>) target_semaphore(%run_scoped3A : memref<!tpu.dma_semaphore, #tpu.memory_space<semaphore_mem>>)
      %dma_wait3A_559 = arith.constant 0 : i32
      %dma_wait3A_560 = arith.constant 0 : i32
      %dma_wait3A_561 = tpu.memref_slice %arg11[%dma_wait3A_559, %dma_wait3A_560] : memref<10x80xi32, #tpu.memory_space<vmem>> -> memref<5x80xi32, #tpu.memory_space<vmem>>
      %dma_wait3A_562 = arith.constant 120 : i32
      %dma_wait3A_563 = arith.constant 0 : i32
      %dma_wait3A_564 = tpu.memref_slice %arg5[%add3A, %dma_wait3A_562, %dma_wait3A_563] : memref<32x125x80xi32, #tpu.memory_space<hbm>> -> memref<1x5x80xi32, #tpu.memory_space<hbm>>
      %dma_wait3A_565 = tpu.memref_squeeze %dma_wait3A_564 : memref<1x5x80xi32, #tpu.memory_space<hbm>> -> memref<5x80xi32, #tpu.memory_space<hbm>>
      %dma_wait3A_566 = arith.constant 0 : i32
      %dma_wait3A_567 = arith.constant 0 : i32
      %dma_wait3A_568 = tpu.memref_slice %arg11[%dma_wait3A_566, %dma_wait3A_567] : memref<10x80xi32, #tpu.memory_space<vmem>> -> memref<5x80xi32, #tpu.memory_space<vmem>>
      %dma_wait3A_569 = arith.constant 120 : i32
      %dma_wait3A_570 = arith.constant 0 : i32
      %dma_wait3A_571 = tpu.memref_slice %arg5[%add3A, %dma_wait3A_569, %dma_wait3A_570] : memref<32x125x80xi32, #tpu.memory_space<hbm>> -> memref<1x5x80xi32, #tpu.memory_space<hbm>>
      %dma_wait3A_572 = tpu.memref_squeeze %dma_wait3A_571 : memref<1x5x80xi32, #tpu.memory_space<hbm>> -> memref<5x80xi32, #tpu.memory_space<hbm>>
      tpu.wait_dma2 semaphore(%run_scoped3A : memref<!tpu.dma_semaphore, #tpu.memory_space<semaphore_mem>>) src(%dma_wait3A_572 : memref<5x80xi32, #tpu.memory_space<hbm>>) dst(%dma_wait3A_568 : memref<5x80xi32, #tpu.memory_space<vmem>>)
      tpu.yield
    }) : () -> ()
    %dma_start3A = arith.constant 0 : i32
    %dma_start3A_54 = arith.constant 0 : i32
    %dma_start3A_55 = tpu.memref_slice %arg9[%dma_start3A, %dma_start3A_54] : memref<10x80xi32, #tpu.memory_space<vmem>> -> memref<1x80xi32, #tpu.memory_space<vmem>>
    %dma_start3A_56 = tpu.memref_squeeze %dma_start3A_55 : memref<1x80xi32, #tpu.memory_space<vmem>> -> memref<80xi32, #tpu.memory_space<vmem>>
    %dma_start3A_57 = arith.constant 0 : i32
    %dma_start3A_58 = arith.constant 0 : i32
    %dma_start3A_59 = tpu.memref_slice %arg2[%dma_start3A_57, %dma_start3A_58] : memref<10000x128xf32, #tpu.memory_space<hbm>> -> memref<10000x128xf32, #tpu.memory_space<hbm>>
    tpu.enqueue_indirect_dma source(%dma_start3A_59 : memref<10000x128xf32, #tpu.memory_space<hbm>>) target(%arg12 : memref<80x128xf32, #tpu.memory_space<vmem>>) offsets(%dma_start3A_56 : memref<80xi32, #tpu.memory_space<vmem>>) semaphore(%arg18 : memref<!tpu.dma_semaphore, #tpu.memory_space<semaphore_mem>>)
    %dma_start3A_60 = arith.constant 1 : i32
    %dma_start3A_61 = arith.constant 0 : i32
    %dma_start3A_62 = tpu.memref_slice %arg9[%dma_start3A_60, %dma_start3A_61] : memref<10x80xi32, #tpu.memory_space<vmem>> -> memref<1x80xi32, #tpu.memory_space<vmem>>
    %dma_start3A_63 = tpu.memref_squeeze %dma_start3A_62 : memref<1x80xi32, #tpu.memory_space<vmem>> -> memref<80xi32, #tpu.memory_space<vmem>>
    %dma_start3A_64 = arith.constant 0 : i32
    %dma_start3A_65 = arith.constant 0 : i32
    %dma_start3A_66 = tpu.memref_slice %arg2[%dma_start3A_64, %dma_start3A_65] : memref<10000x128xf32, #tpu.memory_space<hbm>> -> memref<10000x128xf32, #tpu.memory_space<hbm>>
    tpu.enqueue_indirect_dma source(%dma_start3A_66 : memref<10000x128xf32, #tpu.memory_space<hbm>>) target(%arg13 : memref<80x128xf32, #tpu.memory_space<vmem>>) offsets(%dma_start3A_63 : memref<80xi32, #tpu.memory_space<vmem>>) semaphore(%arg19 : memref<!tpu.dma_semaphore, #tpu.memory_space<semaphore_mem>>)
    %dma_start3A_67 = arith.constant 2 : i32
    %dma_start3A_68 = arith.constant 0 : i32
    %dma_start3A_69 = tpu.memref_slice %arg9[%dma_start3A_67, %dma_start3A_68] : memref<10x80xi32, #tpu.memory_space<vmem>> -> memref<1x80xi32, #tpu.memory_space<vmem>>
    %dma_start3A_70 = tpu.memref_squeeze %dma_start3A_69 : memref<1x80xi32, #tpu.memory_space<vmem>> -> memref<80xi32, #tpu.memory_space<vmem>>
    %dma_start3A_71 = arith.constant 0 : i32
    %dma_start3A_72 = arith.constant 0 : i32
    %dma_start3A_73 = tpu.memref_slice %arg2[%dma_start3A_71, %dma_start3A_72] : memref<10000x128xf32, #tpu.memory_space<hbm>> -> memref<10000x128xf32, #tpu.memory_space<hbm>>
    tpu.enqueue_indirect_dma source(%dma_start3A_73 : memref<10000x128xf32, #tpu.memory_space<hbm>>) target(%arg14 : memref<80x128xf32, #tpu.memory_space<vmem>>) offsets(%dma_start3A_70 : memref<80xi32, #tpu.memory_space<vmem>>) semaphore(%arg20 : memref<!tpu.dma_semaphore, #tpu.memory_space<semaphore_mem>>)
    %dma_wait3A = arith.constant 0 : i32
    %dma_wait3A_74 = arith.constant 0 : i32
    %dma_wait3A_75 = tpu.memref_slice %arg9[%dma_wait3A, %dma_wait3A_74] : memref<10x80xi32, #tpu.memory_space<vmem>> -> memref<1x80xi32, #tpu.memory_space<vmem>>
    %dma_wait3A_76 = tpu.memref_squeeze %dma_wait3A_75 : memref<1x80xi32, #tpu.memory_space<vmem>> -> memref<80xi32, #tpu.memory_space<vmem>>
    %dma_wait3A_77 = arith.constant 0 : i32
    %dma_wait3A_78 = arith.constant 0 : i32
    %dma_wait3A_79 = tpu.memref_slice %arg2[%dma_wait3A_77, %dma_wait3A_78] : memref<10000x128xf32, #tpu.memory_space<hbm>> -> memref<10000x128xf32, #tpu.memory_space<hbm>>
    tpu.wait_indirect_dma semaphore(%arg18 : memref<!tpu.dma_semaphore, #tpu.memory_space<semaphore_mem>>) src(%dma_wait3A_79 : memref<10000x128xf32, #tpu.memory_space<hbm>>) dst(%arg12 : memref<80x128xf32, #tpu.memory_space<vmem>>)
    %dma_start3A_80 = arith.constant 0 : i32
    %dma_start3A_81 = arith.constant 0 : i32
    %dma_start3A_82 = tpu.memref_slice %arg10[%dma_start3A_80, %dma_start3A_81] : memref<10x80xi32, #tpu.memory_space<vmem>> -> memref<1x80xi32, #tpu.memory_space<vmem>>
    %dma_start3A_83 = tpu.memref_squeeze %dma_start3A_82 : memref<1x80xi32, #tpu.memory_space<vmem>> -> memref<80xi32, #tpu.memory_space<vmem>>
    %dma_start3A_84 = arith.constant 0 : i32
    %dma_start3A_85 = arith.constant 0 : i32
    %dma_start3A_86 = tpu.memref_slice %arg16[%dma_start3A_84, %dma_start3A_85] : memref<10240x128xf32, #tpu.memory_space<vmem_shared>> -> memref<10240x128xf32, #tpu.memory_space<vmem_shared>>
    tpu.enqueue_indirect_dma source(%arg12 : memref<80x128xf32, #tpu.memory_space<vmem>>) target(%dma_start3A_86 : memref<10240x128xf32, #tpu.memory_space<vmem_shared>>) offsets(%dma_start3A_83 : memref<80xi32, #tpu.memory_space<vmem>>) semaphore(%arg21 : memref<!tpu.dma_semaphore, #tpu.memory_space<semaphore_mem>>) {add = true}
    %dma_start3A_87 = arith.constant 0 : i32
    %dma_start3A_88 = arith.constant 0 : i32
    %dma_start3A_89 = tpu.memref_slice %arg11[%dma_start3A_87, %dma_start3A_88] : memref<10x80xi32, #tpu.memory_space<vmem>> -> memref<1x80xi32, #tpu.memory_space<vmem>>
    %dma_start3A_90 = tpu.memref_squeeze %dma_start3A_89 : memref<1x80xi32, #tpu.memory_space<vmem>> -> memref<80xi32, #tpu.memory_space<vmem>>
    %dma_start3A_91 = arith.constant 0 : i32
    %dma_start3A_92 = arith.constant 0 : i32
    %dma_start3A_93 = tpu.memref_slice %arg17[%dma_start3A_91, %dma_start3A_92] : memref<512x128xf32, #tpu.memory_space<vmem_shared>> -> memref<512x128xf32, #tpu.memory_space<vmem_shared>>
    tpu.enqueue_indirect_dma source(%arg12 : memref<80x128xf32, #tpu.memory_space<vmem>>) target(%dma_start3A_93 : memref<512x128xf32, #tpu.memory_space<vmem_shared>>) offsets(%dma_start3A_90 : memref<80xi32, #tpu.memory_space<vmem>>) semaphore(%arg21 : memref<!tpu.dma_semaphore, #tpu.memory_space<semaphore_mem>>) {add = true}
    %get3A = arith.constant 0 : i32
    %get3A_94 = arith.index_cast %get3A : i32 to index
    %get3A_95 = arith.constant 0 : index
    %get3A_96 = tpu.vector_load %arg10[%get3A_94, %get3A_95] {strides = array<i32>} : memref<10x80xi32, #tpu.memory_space<vmem>>, vector<16xi32>,
    tpu.vector_store_idx %arg15[%get3A_96], %broadcast_in_dim3A_48 {add = true} : memref<10400xf32, #tpu.memory_space<vmem>>[vector<16xi32>], vector<16xf32>,
    %get3A_97 = arith.constant 0 : i32
    %get3A_98 = arith.index_cast %get3A_97 : i32 to index
    %get3A_99 = arith.constant 0 : index
    %get3A_100 = tpu.vector_load %arg11[%get3A_98, %get3A_99] {strides = array<i32>} : memref<10x80xi32, #tpu.memory_space<vmem>>, vector<16xi32>,
    %add3A_101 = arith.constant 10000 : i32
    %add3A_102 = vector.broadcast %add3A_101 : i32 to vector<16xi32>
    %add3A_103 = arith.addi %get3A_100, %add3A_102 : vector<16xi32>
    tpu.vector_store_idx %arg15[%add3A_103], %broadcast_in_dim3A_48 {add = true} : memref<10400xf32, #tpu.memory_space<vmem>>[vector<16xi32>], vector<16xf32>,
    %get3A_104 = arith.constant 0 : i32
    %get3A_105 = arith.index_cast %get3A_104 : i32 to index
    %get3A_106 = arith.constant 16 : index
    %get3A_107 = tpu.vector_load %arg10[%get3A_105, %get3A_106] {strides = array<i32>} : memref<10x80xi32, #tpu.memory_space<vmem>>, vector<16xi32>,
    tpu.vector_store_idx %arg15[%get3A_107], %broadcast_in_dim3A_48 {add = true} : memref<10400xf32, #tpu.memory_space<vmem>>[vector<16xi32>], vector<16xf32>,
    %get3A_108 = arith.constant 0 : i32
    %get3A_109 = arith.index_cast %get3A_108 : i32 to index
    %get3A_110 = arith.constant 16 : index
    %get3A_111 = tpu.vector_load %arg11[%get3A_109, %get3A_110] {strides = array<i32>} : memref<10x80xi32, #tpu.memory_space<vmem>>, vector<16xi32>,
    %add3A_112 = arith.constant 10000 : i32
    %add3A_113 = vector.broadcast %add3A_112 : i32 to vector<16xi32>
    %add3A_114 = arith.addi %get3A_111, %add3A_113 : vector<16xi32>
    tpu.vector_store_idx %arg15[%add3A_114], %broadcast_in_dim3A_48 {add = true} : memref<10400xf32, #tpu.memory_space<vmem>>[vector<16xi32>], vector<16xf32>,
    %get3A_115 = arith.constant 0 : i32
    %get3A_116 = arith.index_cast %get3A_115 : i32 to index
    %get3A_117 = arith.constant 32 : index
    %get3A_118 = tpu.vector_load %arg10[%get3A_116, %get3A_117] {strides = array<i32>} : memref<10x80xi32, #tpu.memory_space<vmem>>, vector<16xi32>,
    tpu.vector_store_idx %arg15[%get3A_118], %broadcast_in_dim3A_48 {add = true} : memref<10400xf32, #tpu.memory_space<vmem>>[vector<16xi32>], vector<16xf32>,
    %get3A_119 = arith.constant 0 : i32
    %get3A_120 = arith.index_cast %get3A_119 : i32 to index
    %get3A_121 = arith.constant 32 : index
    %get3A_122 = tpu.vector_load %arg11[%get3A_120, %get3A_121] {strides = array<i32>} : memref<10x80xi32, #tpu.memory_space<vmem>>, vector<16xi32>,
    %add3A_123 = arith.constant 10000 : i32
    %add3A_124 = vector.broadcast %add3A_123 : i32 to vector<16xi32>
    %add3A_125 = arith.addi %get3A_122, %add3A_124 : vector<16xi32>
    tpu.vector_store_idx %arg15[%add3A_125], %broadcast_in_dim3A_48 {add = true} : memref<10400xf32, #tpu.memory_space<vmem>>[vector<16xi32>], vector<16xf32>,
    %get3A_126 = arith.constant 0 : i32
    %get3A_127 = arith.index_cast %get3A_126 : i32 to index
    %get3A_128 = arith.constant 48 : index
    %get3A_129 = tpu.vector_load %arg10[%get3A_127, %get3A_128] {strides = array<i32>} : memref<10x80xi32, #tpu.memory_space<vmem>>, vector<16xi32>,
    tpu.vector_store_idx %arg15[%get3A_129], %broadcast_in_dim3A_48 {add = true} : memref<10400xf32, #tpu.memory_space<vmem>>[vector<16xi32>], vector<16xf32>,
    %get3A_130 = arith.constant 0 : i32
    %get3A_131 = arith.index_cast %get3A_130 : i32 to index
    %get3A_132 = arith.constant 48 : index
    %get3A_133 = tpu.vector_load %arg11[%get3A_131, %get3A_132] {strides = array<i32>} : memref<10x80xi32, #tpu.memory_space<vmem>>, vector<16xi32>,
    %add3A_134 = arith.constant 10000 : i32
    %add3A_135 = vector.broadcast %add3A_134 : i32 to vector<16xi32>
    %add3A_136 = arith.addi %get3A_133, %add3A_135 : vector<16xi32>
    tpu.vector_store_idx %arg15[%add3A_136], %broadcast_in_dim3A_48 {add = true} : memref<10400xf32, #tpu.memory_space<vmem>>[vector<16xi32>], vector<16xf32>,
    %get3A_137 = arith.constant 0 : i32
    %get3A_138 = arith.index_cast %get3A_137 : i32 to index
    %get3A_139 = arith.constant 64 : index
    %get3A_140 = tpu.vector_load %arg10[%get3A_138, %get3A_139] {strides = array<i32>} : memref<10x80xi32, #tpu.memory_space<vmem>>, vector<16xi32>,
    tpu.vector_store_idx %arg15[%get3A_140], %broadcast_in_dim3A_48 {add = true} : memref<10400xf32, #tpu.memory_space<vmem>>[vector<16xi32>], vector<16xf32>,
    %get3A_141 = arith.constant 0 : i32
    %get3A_142 = arith.index_cast %get3A_141 : i32 to index
    %get3A_143 = arith.constant 64 : index
    %get3A_144 = tpu.vector_load %arg11[%get3A_142, %get3A_143] {strides = array<i32>} : memref<10x80xi32, #tpu.memory_space<vmem>>, vector<16xi32>,
    %add3A_145 = arith.constant 10000 : i32
    %add3A_146 = vector.broadcast %add3A_145 : i32 to vector<16xi32>
    %add3A_147 = arith.addi %get3A_144, %add3A_146 : vector<16xi32>
    tpu.vector_store_idx %arg15[%add3A_147], %broadcast_in_dim3A_48 {add = true} : memref<10400xf32, #tpu.memory_space<vmem>>[vector<16xi32>], vector<16xf32>,
    %dma_wait3A_148 = arith.constant 0 : i32
    %dma_wait3A_149 = arith.constant 0 : i32
    %dma_wait3A_150 = tpu.memref_slice %arg10[%dma_wait3A_148, %dma_wait3A_149] : memref<10x80xi32, #tpu.memory_space<vmem>> -> memref<1x80xi32, #tpu.memory_space<vmem>>
    %dma_wait3A_151 = tpu.memref_squeeze %dma_wait3A_150 : memref<1x80xi32, #tpu.memory_space<vmem>> -> memref<80xi32, #tpu.memory_space<vmem>>
    %dma_wait3A_152 = arith.constant 0 : i32
    %dma_wait3A_153 = arith.constant 0 : i32
    %dma_wait3A_154 = tpu.memref_slice %arg16[%dma_wait3A_152, %dma_wait3A_153] : memref<10240x128xf32, #tpu.memory_space<vmem_shared>> -> memref<10240x128xf32, #tpu.memory_space<vmem_shared>>
    tpu.wait_indirect_dma semaphore(%arg21 : memref<!tpu.dma_semaphore, #tpu.memory_space<semaphore_mem>>) src(%arg12 : memref<80x128xf32, #tpu.memory_space<vmem>>) dst(%dma_wait3A_154 : memref<10240x128xf32, #tpu.memory_space<vmem_shared>>)
    %dma_wait3A_155 = arith.constant 0 : i32
    %dma_wait3A_156 = arith.constant 0 : i32
    %dma_wait3A_157 = tpu.memref_slice %arg11[%dma_wait3A_155, %dma_wait3A_156] : memref<10x80xi32, #tpu.memory_space<vmem>> -> memref<1x80xi32, #tpu.memory_space<vmem>>
    %dma_wait3A_158 = tpu.memref_squeeze %dma_wait3A_157 : memref<1x80xi32, #tpu.memory_space<vmem>> -> memref<80xi32, #tpu.memory_space<vmem>>
    %dma_wait3A_159 = arith.constant 0 : i32
    %dma_wait3A_160 = arith.constant 0 : i32
    %dma_wait3A_161 = tpu.memref_slice %arg17[%dma_wait3A_159, %dma_wait3A_160] : memref<512x128xf32, #tpu.memory_space<vmem_shared>> -> memref<512x128xf32, #tpu.memory_space<vmem_shared>>
    tpu.wait_indirect_dma semaphore(%arg21 : memref<!tpu.dma_semaphore, #tpu.memory_space<semaphore_mem>>) src(%arg12 : memref<80x128xf32, #tpu.memory_space<vmem>>) dst(%dma_wait3A_161 : memref<512x128xf32, #tpu.memory_space<vmem_shared>>)
    %dma_start3A_162 = arith.constant 3 : i32
    %dma_start3A_163 = arith.constant 0 : i32
    %dma_start3A_164 = tpu.memref_slice %arg9[%dma_start3A_162, %dma_start3A_163] : memref<10x80xi32, #tpu.memory_space<vmem>> -> memref<1x80xi32, #tpu.memory_space<vmem>>
    %dma_start3A_165 = tpu.memref_squeeze %dma_start3A_164 : memref<1x80xi32, #tpu.memory_space<vmem>> -> memref<80xi32, #tpu.memory_space<vmem>>
    %dma_start3A_166 = arith.constant 0 : i32
    %dma_start3A_167 = arith.constant 0 : i32
    %dma_start3A_168 = tpu.memref_slice %arg2[%dma_start3A_166, %dma_start3A_167] : memref<10000x128xf32, #tpu.memory_space<hbm>> -> memref<10000x128xf32, #tpu.memory_space<hbm>>
    tpu.enqueue_indirect_dma source(%dma_start3A_168 : memref<10000x128xf32, #tpu.memory_space<hbm>>) target(%arg12 : memref<80x128xf32, #tpu.memory_space<vmem>>) offsets(%dma_start3A_165 : memref<80xi32, #tpu.memory_space<vmem>>) semaphore(%arg18 : memref<!tpu.dma_semaphore, #tpu.memory_space<semaphore_mem>>)
    %dma_wait3A_169 = arith.constant 1 : i32
    %dma_wait3A_170 = arith.constant 0 : i32
    %dma_wait3A_171 = tpu.memref_slice %arg9[%dma_wait3A_169, %dma_wait3A_170] : memref<10x80xi32, #tpu.memory_space<vmem>> -> memref<1x80xi32, #tpu.memory_space<vmem>>
    %dma_wait3A_172 = tpu.memref_squeeze %dma_wait3A_171 : memref<1x80xi32, #tpu.memory_space<vmem>> -> memref<80xi32, #tpu.memory_space<vmem>>
    %dma_wait3A_173 = arith.constant 0 : i32
    %dma_wait3A_174 = arith.constant 0 : i32
    %dma_wait3A_175 = tpu.memref_slice %arg2[%dma_wait3A_173, %dma_wait3A_174] : memref<10000x128xf32, #tpu.memory_space<hbm>> -> memref<10000x128xf32, #tpu.memory_space<hbm>>
    tpu.wait_indirect_dma semaphore(%arg19 : memref<!tpu.dma_semaphore, #tpu.memory_space<semaphore_mem>>) src(%dma_wait3A_175 : memref<10000x128xf32, #tpu.memory_space<hbm>>) dst(%arg13 : memref<80x128xf32, #tpu.memory_space<vmem>>)
    %dma_start3A_176 = arith.constant 1 : i32
    %dma_start3A_177 = arith.constant 0 : i32
    %dma_start3A_178 = tpu.memref_slice %arg10[%dma_start3A_176, %dma_start3A_177] : memref<10x80xi32, #tpu.memory_space<vmem>> -> memref<1x80xi32, #tpu.memory_space<vmem>>
    %dma_start3A_179 = tpu.memref_squeeze %dma_start3A_178 : memref<1x80xi32, #tpu.memory_space<vmem>> -> memref<80xi32, #tpu.memory_space<vmem>>
    %dma_start3A_180 = arith.constant 0 : i32
    %dma_start3A_181 = arith.constant 0 : i32
    %dma_start3A_182 = tpu.memref_slice %arg16[%dma_start3A_180, %dma_start3A_181] : memref<10240x128xf32, #tpu.memory_space<vmem_shared>> -> memref<10240x128xf32, #tpu.memory_space<vmem_shared>>
    tpu.enqueue_indirect_dma source(%arg13 : memref<80x128xf32, #tpu.memory_space<vmem>>) target(%dma_start3A_182 : memref<10240x128xf32, #tpu.memory_space<vmem_shared>>) offsets(%dma_start3A_179 : memref<80xi32, #tpu.memory_space<vmem>>) semaphore(%arg22 : memref<!tpu.dma_semaphore, #tpu.memory_space<semaphore_mem>>) {add = true}
    %dma_start3A_183 = arith.constant 1 : i32
    %dma_start3A_184 = arith.constant 0 : i32
    %dma_start3A_185 = tpu.memref_slice %arg11[%dma_start3A_183, %dma_start3A_184] : memref<10x80xi32, #tpu.memory_space<vmem>> -> memref<1x80xi32, #tpu.memory_space<vmem>>
    %dma_start3A_186 = tpu.memref_squeeze %dma_start3A_185 : memref<1x80xi32, #tpu.memory_space<vmem>> -> memref<80xi32, #tpu.memory_space<vmem>>
    %dma_start3A_187 = arith.constant 0 : i32
    %dma_start3A_188 = arith.constant 0 : i32
    %dma_start3A_189 = tpu.memref_slice %arg17[%dma_start3A_187, %dma_start3A_188] : memref<512x128xf32, #tpu.memory_space<vmem_shared>> -> memref<512x128xf32, #tpu.memory_space<vmem_shared>>
    tpu.enqueue_indirect_dma source(%arg13 : memref<80x128xf32, #tpu.memory_space<vmem>>) target(%dma_start3A_189 : memref<512x128xf32, #tpu.memory_space<vmem_shared>>) offsets(%dma_start3A_186 : memref<80xi32, #tpu.memory_space<vmem>>) semaphore(%arg22 : memref<!tpu.dma_semaphore, #tpu.memory_space<semaphore_mem>>) {add = true}
    %get3A_190 = arith.constant 1 : i32
    %get3A_191 = arith.index_cast %get3A_190 : i32 to index
    %get3A_192 = arith.constant 0 : index
    %get3A_193 = tpu.vector_load %arg10[%get3A_191, %get3A_192] {strides = array<i32>} : memref<10x80xi32, #tpu.memory_space<vmem>>, vector<16xi32>,
    tpu.vector_store_idx %arg15[%get3A_193], %broadcast_in_dim3A_48 {add = true} : memref<10400xf32, #tpu.memory_space<vmem>>[vector<16xi32>], vector<16xf32>,
    %get3A_194 = arith.constant 1 : i32
    %get3A_195 = arith.index_cast %get3A_194 : i32 to index
    %get3A_196 = arith.constant 0 : index
    %get3A_197 = tpu.vector_load %arg11[%get3A_195, %get3A_196] {strides = array<i32>} : memref<10x80xi32, #tpu.memory_space<vmem>>, vector<16xi32>,
    %add3A_198 = arith.constant 10000 : i32
    %add3A_199 = vector.broadcast %add3A_198 : i32 to vector<16xi32>
    %add3A_200 = arith.addi %get3A_197, %add3A_199 : vector<16xi32>
    tpu.vector_store_idx %arg15[%add3A_200], %broadcast_in_dim3A_48 {add = true} : memref<10400xf32, #tpu.memory_space<vmem>>[vector<16xi32>], vector<16xf32>,
    %get3A_201 = arith.constant 1 : i32
    %get3A_202 = arith.index_cast %get3A_201 : i32 to index
    %get3A_203 = arith.constant 16 : index
    %get3A_204 = tpu.vector_load %arg10[%get3A_202, %get3A_203] {strides = array<i32>} : memref<10x80xi32, #tpu.memory_space<vmem>>, vector<16xi32>,
    tpu.vector_store_idx %arg15[%get3A_204], %broadcast_in_dim3A_48 {add = true} : memref<10400xf32, #tpu.memory_space<vmem>>[vector<16xi32>], vector<16xf32>,
    %get3A_205 = arith.constant 1 : i32
    %get3A_206 = arith.index_cast %get3A_205 : i32 to index
    %get3A_207 = arith.constant 16 : index
    %get3A_208 = tpu.vector_load %arg11[%get3A_206, %get3A_207] {strides = array<i32>} : memref<10x80xi32, #tpu.memory_space<vmem>>, vector<16xi32>,
    %add3A_209 = arith.constant 10000 : i32
    %add3A_210 = vector.broadcast %add3A_209 : i32 to vector<16xi32>
    %add3A_211 = arith.addi %get3A_208, %add3A_210 : vector<16xi32>
    tpu.vector_store_idx %arg15[%add3A_211], %broadcast_in_dim3A_48 {add = true} : memref<10400xf32, #tpu.memory_space<vmem>>[vector<16xi32>], vector<16xf32>,
    %get3A_212 = arith.constant 1 : i32
    %get3A_213 = arith.index_cast %get3A_212 : i32 to index
    %get3A_214 = arith.constant 32 : index
    %get3A_215 = tpu.vector_load %arg10[%get3A_213, %get3A_214] {strides = array<i32>} : memref<10x80xi32, #tpu.memory_space<vmem>>, vector<16xi32>,
    tpu.vector_store_idx %arg15[%get3A_215], %broadcast_in_dim3A_48 {add = true} : memref<10400xf32, #tpu.memory_space<vmem>>[vector<16xi32>], vector<16xf32>,
    %get3A_216 = arith.constant 1 : i32
    %get3A_217 = arith.index_cast %get3A_216 : i32 to index
    %get3A_218 = arith.constant 32 : index
    %get3A_219 = tpu.vector_load %arg11[%get3A_217, %get3A_218] {strides = array<i32>} : memref<10x80xi32, #tpu.memory_space<vmem>>, vector<16xi32>,
    %add3A_220 = arith.constant 10000 : i32
    %add3A_221 = vector.broadcast %add3A_220 : i32 to vector<16xi32>
    %add3A_222 = arith.addi %get3A_219, %add3A_221 : vector<16xi32>
    tpu.vector_store_idx %arg15[%add3A_222], %broadcast_in_dim3A_48 {add = true} : memref<10400xf32, #tpu.memory_space<vmem>>[vector<16xi32>], vector<16xf32>,
    %get3A_223 = arith.constant 1 : i32
    %get3A_224 = arith.index_cast %get3A_223 : i32 to index
    %get3A_225 = arith.constant 48 : index
    %get3A_226 = tpu.vector_load %arg10[%get3A_224, %get3A_225] {strides = array<i32>} : memref<10x80xi32, #tpu.memory_space<vmem>>, vector<16xi32>,
    tpu.vector_store_idx %arg15[%get3A_226], %broadcast_in_dim3A_48 {add = true} : memref<10400xf32, #tpu.memory_space<vmem>>[vector<16xi32>], vector<16xf32>,
    %get3A_227 = arith.constant 1 : i32
    %get3A_228 = arith.index_cast %get3A_227 : i32 to index
    %get3A_229 = arith.constant 48 : index
    %get3A_230 = tpu.vector_load %arg11[%get3A_228, %get3A_229] {strides = array<i32>} : memref<10x80xi32, #tpu.memory_space<vmem>>, vector<16xi32>,
    %add3A_231 = arith.constant 10000 : i32
    %add3A_232 = vector.broadcast %add3A_231 : i32 to vector<16xi32>
    %add3A_233 = arith.addi %get3A_230, %add3A_232 : vector<16xi32>
    tpu.vector_store_idx %arg15[%add3A_233], %broadcast_in_dim3A_48 {add = true} : memref<10400xf32, #tpu.memory_space<vmem>>[vector<16xi32>], vector<16xf32>,
    %get3A_234 = arith.constant 1 : i32
    %get3A_235 = arith.index_cast %get3A_234 : i32 to index
    %get3A_236 = arith.constant 64 : index
    %get3A_237 = tpu.vector_load %arg10[%get3A_235, %get3A_236] {strides = array<i32>} : memref<10x80xi32, #tpu.memory_space<vmem>>, vector<16xi32>,
    tpu.vector_store_idx %arg15[%get3A_237], %broadcast_in_dim3A_48 {add = true} : memref<10400xf32, #tpu.memory_space<vmem>>[vector<16xi32>], vector<16xf32>,
    %get3A_238 = arith.constant 1 : i32
    %get3A_239 = arith.index_cast %get3A_238 : i32 to index
    %get3A_240 = arith.constant 64 : index
    %get3A_241 = tpu.vector_load %arg11[%get3A_239, %get3A_240] {strides = array<i32>} : memref<10x80xi32, #tpu.memory_space<vmem>>, vector<16xi32>,
    %add3A_242 = arith.constant 10000 : i32
    %add3A_243 = vector.broadcast %add3A_242 : i32 to vector<16xi32>
    %add3A_244 = arith.addi %get3A_241, %add3A_243 : vector<16xi32>
    tpu.vector_store_idx %arg15[%add3A_244], %broadcast_in_dim3A_48 {add = true} : memref<10400xf32, #tpu.memory_space<vmem>>[vector<16xi32>], vector<16xf32>,
    %dma_wait3A_245 = arith.constant 1 : i32
    %dma_wait3A_246 = arith.constant 0 : i32
    %dma_wait3A_247 = tpu.memref_slice %arg10[%dma_wait3A_245, %dma_wait3A_246] : memref<10x80xi32, #tpu.memory_space<vmem>> -> memref<1x80xi32, #tpu.memory_space<vmem>>
    %dma_wait3A_248 = tpu.memref_squeeze %dma_wait3A_247 : memref<1x80xi32, #tpu.memory_space<vmem>> -> memref<80xi32, #tpu.memory_space<vmem>>
    %dma_wait3A_249 = arith.constant 0 : i32
    %dma_wait3A_250 = arith.constant 0 : i32
    %dma_wait3A_251 = tpu.memref_slice %arg16[%dma_wait3A_249, %dma_wait3A_250] : memref<10240x128xf32, #tpu.memory_space<vmem_shared>> -> memref<10240x128xf32, #tpu.memory_space<vmem_shared>>
    tpu.wait_indirect_dma semaphore(%arg22 : memref<!tpu.dma_semaphore, #tpu.memory_space<semaphore_mem>>) src(%arg13 : memref<80x128xf32, #tpu.memory_space<vmem>>) dst(%dma_wait3A_251 : memref<10240x128xf32, #tpu.memory_space<vmem_shared>>)
    %dma_wait3A_252 = arith.constant 1 : i32
    %dma_wait3A_253 = arith.constant 0 : i32
    %dma_wait3A_254 = tpu.memref_slice %arg11[%dma_wait3A_252, %dma_wait3A_253] : memref<10x80xi32, #tpu.memory_space<vmem>> -> memref<1x80xi32, #tpu.memory_space<vmem>>
    %dma_wait3A_255 = tpu.memref_squeeze %dma_wait3A_254 : memref<1x80xi32, #tpu.memory_space<vmem>> -> memref<80xi32, #tpu.memory_space<vmem>>
    %dma_wait3A_256 = arith.constant 0 : i32
    %dma_wait3A_257 = arith.constant 0 : i32
    %dma_wait3A_258 = tpu.memref_slice %arg17[%dma_wait3A_256, %dma_wait3A_257] : memref<512x128xf32, #tpu.memory_space<vmem_shared>> -> memref<512x128xf32, #tpu.memory_space<vmem_shared>>
    tpu.wait_indirect_dma semaphore(%arg22 : memref<!tpu.dma_semaphore, #tpu.memory_space<semaphore_mem>>) src(%arg13 : memref<80x128xf32, #tpu.memory_space<vmem>>) dst(%dma_wait3A_258 : memref<512x128xf32, #tpu.memory_space<vmem_shared>>)
    %dma_start3A_259 = arith.constant 4 : i32
    %dma_start3A_260 = arith.constant 0 : i32
    %dma_start3A_261 = tpu.memref_slice %arg9[%dma_start3A_259, %dma_start3A_260] : memref<10x80xi32, #tpu.memory_space<vmem>> -> memref<1x80xi32, #tpu.memory_space<vmem>>
    %dma_start3A_262 = tpu.memref_squeeze %dma_start3A_261 : memref<1x80xi32, #tpu.memory_space<vmem>> -> memref<80xi32, #tpu.memory_space<vmem>>
    %dma_start3A_263 = arith.constant 0 : i32
    %dma_start3A_264 = arith.constant 0 : i32
    %dma_start3A_265 = tpu.memref_slice %arg2[%dma_start3A_263, %dma_start3A_264] : memref<10000x128xf32, #tpu.memory_space<hbm>> -> memref<10000x128xf32, #tpu.memory_space<hbm>>
    tpu.enqueue_indirect_dma source(%dma_start3A_265 : memref<10000x128xf32, #tpu.memory_space<hbm>>) target(%arg13 : memref<80x128xf32, #tpu.memory_space<vmem>>) offsets(%dma_start3A_262 : memref<80xi32, #tpu.memory_space<vmem>>) semaphore(%arg19 : memref<!tpu.dma_semaphore, #tpu.memory_space<semaphore_mem>>)
    %dma_wait3A_266 = arith.constant 2 : i32
    %dma_wait3A_267 = arith.constant 0 : i32
    %dma_wait3A_268 = tpu.memref_slice %arg9[%dma_wait3A_266, %dma_wait3A_267] : memref<10x80xi32, #tpu.memory_space<vmem>> -> memref<1x80xi32, #tpu.memory_space<vmem>>
    %dma_wait3A_269 = tpu.memref_squeeze %dma_wait3A_268 : memref<1x80xi32, #tpu.memory_space<vmem>> -> memref<80xi32, #tpu.memory_space<vmem>>
    %dma_wait3A_270 = arith.constant 0 : i32
    %dma_wait3A_271 = arith.constant 0 : i32
    %dma_wait3A_272 = tpu.memref_slice %arg2[%dma_wait3A_270, %dma_wait3A_271] : memref<10000x128xf32, #tpu.memory_space<hbm>> -> memref<10000x128xf32, #tpu.memory_space<hbm>>
    tpu.wait_indirect_dma semaphore(%arg20 : memref<!tpu.dma_semaphore, #tpu.memory_space<semaphore_mem>>) src(%dma_wait3A_272 : memref<10000x128xf32, #tpu.memory_space<hbm>>) dst(%arg14 : memref<80x128xf32, #tpu.memory_space<vmem>>)
    %dma_start3A_273 = arith.constant 2 : i32
    %dma_start3A_274 = arith.constant 0 : i32
    %dma_start3A_275 = tpu.memref_slice %arg10[%dma_start3A_273, %dma_start3A_274] : memref<10x80xi32, #tpu.memory_space<vmem>> -> memref<1x80xi32, #tpu.memory_space<vmem>>
    %dma_start3A_276 = tpu.memref_squeeze %dma_start3A_275 : memref<1x80xi32, #tpu.memory_space<vmem>> -> memref<80xi32, #tpu.memory_space<vmem>>
    %dma_start3A_277 = arith.constant 0 : i32
    %dma_start3A_278 = arith.constant 0 : i32
    %dma_start3A_279 = tpu.memref_slice %arg16[%dma_start3A_277, %dma_start3A_278] : memref<10240x128xf32, #tpu.memory_space<vmem_shared>> -> memref<10240x128xf32, #tpu.memory_space<vmem_shared>>
    tpu.enqueue_indirect_dma source(%arg14 : memref<80x128xf32, #tpu.memory_space<vmem>>) target(%dma_start3A_279 : memref<10240x128xf32, #tpu.memory_space<vmem_shared>>) offsets(%dma_start3A_276 : memref<80xi32, #tpu.memory_space<vmem>>) semaphore(%arg23 : memref<!tpu.dma_semaphore, #tpu.memory_space<semaphore_mem>>) {add = true}
    %dma_start3A_280 = arith.constant 2 : i32
    %dma_start3A_281 = arith.constant 0 : i32
    %dma_start3A_282 = tpu.memref_slice %arg11[%dma_start3A_280, %dma_start3A_281] : memref<10x80xi32, #tpu.memory_space<vmem>> -> memref<1x80xi32, #tpu.memory_space<vmem>>
    %dma_start3A_283 = tpu.memref_squeeze %dma_start3A_282 : memref<1x80xi32, #tpu.memory_space<vmem>> -> memref<80xi32, #tpu.memory_space<vmem>>
    %dma_start3A_284 = arith.constant 0 : i32
    %dma_start3A_285 = arith.constant 0 : i32
    %dma_start3A_286 = tpu.memref_slice %arg17[%dma_start3A_284, %dma_start3A_285] : memref<512x128xf32, #tpu.memory_space<vmem_shared>> -> memref<512x128xf32, #tpu.memory_space<vmem_shared>>
    tpu.enqueue_indirect_dma source(%arg14 : memref<80x128xf32, #tpu.memory_space<vmem>>) target(%dma_start3A_286 : memref<512x128xf32, #tpu.memory_space<vmem_shared>>) offsets(%dma_start3A_283 : memref<80xi32, #tpu.memory_space<vmem>>) semaphore(%arg23 : memref<!tpu.dma_semaphore, #tpu.memory_space<semaphore_mem>>) {add = true}
    %get3A_287 = arith.constant 2 : i32
    %get3A_288 = arith.index_cast %get3A_287 : i32 to index
    %get3A_289 = arith.constant 0 : index
    %get3A_290 = tpu.vector_load %arg10[%get3A_288, %get3A_289] {strides = array<i32>} : memref<10x80xi32, #tpu.memory_space<vmem>>, vector<16xi32>,
    tpu.vector_store_idx %arg15[%get3A_290], %broadcast_in_dim3A_48 {add = true} : memref<10400xf32, #tpu.memory_space<vmem>>[vector<16xi32>], vector<16xf32>,
    %get3A_291 = arith.constant 2 : i32
    %get3A_292 = arith.index_cast %get3A_291 : i32 to index
    %get3A_293 = arith.constant 0 : index
    %get3A_294 = tpu.vector_load %arg11[%get3A_292, %get3A_293] {strides = array<i32>} : memref<10x80xi32, #tpu.memory_space<vmem>>, vector<16xi32>,
    %add3A_295 = arith.constant 10000 : i32
    %add3A_296 = vector.broadcast %add3A_295 : i32 to vector<16xi32>
    %add3A_297 = arith.addi %get3A_294, %add3A_296 : vector<16xi32>
    tpu.vector_store_idx %arg15[%add3A_297], %broadcast_in_dim3A_48 {add = true} : memref<10400xf32, #tpu.memory_space<vmem>>[vector<16xi32>], vector<16xf32>,
    %get3A_298 = arith.constant 2 : i32
    %get3A_299 = arith.index_cast %get3A_298 : i32 to index
    %get3A_300 = arith.constant 16 : index
    %get3A_301 = tpu.vector_load %arg10[%get3A_299, %get3A_300] {strides = array<i32>} : memref<10x80xi32, #tpu.memory_space<vmem>>, vector<16xi32>,
    tpu.vector_store_idx %arg15[%get3A_301], %broadcast_in_dim3A_48 {add = true} : memref<10400xf32, #tpu.memory_space<vmem>>[vector<16xi32>], vector<16xf32>,
    %get3A_302 = arith.constant 2 : i32
    %get3A_303 = arith.index_cast %get3A_302 : i32 to index
    %get3A_304 = arith.constant 16 : index
    %get3A_305 = tpu.vector_load %arg11[%get3A_303, %get3A_304] {strides = array<i32>} : memref<10x80xi32, #tpu.memory_space<vmem>>, vector<16xi32>,
    %add3A_306 = arith.constant 10000 : i32
    %add3A_307 = vector.broadcast %add3A_306 : i32 to vector<16xi32>
    %add3A_308 = arith.addi %get3A_305, %add3A_307 : vector<16xi32>
    tpu.vector_store_idx %arg15[%add3A_308], %broadcast_in_dim3A_48 {add = true} : memref<10400xf32, #tpu.memory_space<vmem>>[vector<16xi32>], vector<16xf32>,
    %get3A_309 = arith.constant 2 : i32
    %get3A_310 = arith.index_cast %get3A_309 : i32 to index
    %get3A_311 = arith.constant 32 : index
    %get3A_312 = tpu.vector_load %arg10[%get3A_310, %get3A_311] {strides = array<i32>} : memref<10x80xi32, #tpu.memory_space<vmem>>, vector<16xi32>,
    tpu.vector_store_idx %arg15[%get3A_312], %broadcast_in_dim3A_48 {add = true} : memref<10400xf32, #tpu.memory_space<vmem>>[vector<16xi32>], vector<16xf32>,
    %get3A_313 = arith.constant 2 : i32
    %get3A_314 = arith.index_cast %get3A_313 : i32 to index
    %get3A_315 = arith.constant 32 : index
    %get3A_316 = tpu.vector_load %arg11[%get3A_314, %get3A_315] {strides = array<i32>} : memref<10x80xi32, #tpu.memory_space<vmem>>, vector<16xi32>,
    %add3A_317 = arith.constant 10000 : i32
    %add3A_318 = vector.broadcast %add3A_317 : i32 to vector<16xi32>
    %add3A_319 = arith.addi %get3A_316, %add3A_318 : vector<16xi32>
    tpu.vector_store_idx %arg15[%add3A_319], %broadcast_in_dim3A_48 {add = true} : memref<10400xf32, #tpu.memory_space<vmem>>[vector<16xi32>], vector<16xf32>,
    %get3A_320 = arith.constant 2 : i32
    %get3A_321 = arith.index_cast %get3A_320 : i32 to index
    %get3A_322 = arith.constant 48 : index
    %get3A_323 = tpu.vector_load %arg10[%get3A_321, %get3A_322] {strides = array<i32>} : memref<10x80xi32, #tpu.memory_space<vmem>>, vector<16xi32>,
    tpu.vector_store_idx %arg15[%get3A_323], %broadcast_in_dim3A_48 {add = true} : memref<10400xf32, #tpu.memory_space<vmem>>[vector<16xi32>], vector<16xf32>,
    %get3A_324 = arith.constant 2 : i32
    %get3A_325 = arith.index_cast %get3A_324 : i32 to index
    %get3A_326 = arith.constant 48 : index
    %get3A_327 = tpu.vector_load %arg11[%get3A_325, %get3A_326] {strides = array<i32>} : memref<10x80xi32, #tpu.memory_space<vmem>>, vector<16xi32>,
    %add3A_328 = arith.constant 10000 : i32
    %add3A_329 = vector.broadcast %add3A_328 : i32 to vector<16xi32>
    %add3A_330 = arith.addi %get3A_327, %add3A_329 : vector<16xi32>
    tpu.vector_store_idx %arg15[%add3A_330], %broadcast_in_dim3A_48 {add = true} : memref<10400xf32, #tpu.memory_space<vmem>>[vector<16xi32>], vector<16xf32>,
    %get3A_331 = arith.constant 2 : i32
    %get3A_332 = arith.index_cast %get3A_331 : i32 to index
    %get3A_333 = arith.constant 64 : index
    %get3A_334 = tpu.vector_load %arg10[%get3A_332, %get3A_333] {strides = array<i32>} : memref<10x80xi32, #tpu.memory_space<vmem>>, vector<16xi32>,
    tpu.vector_store_idx %arg15[%get3A_334], %broadcast_in_dim3A_48 {add = true} : memref<10400xf32, #tpu.memory_space<vmem>>[vector<16xi32>], vector<16xf32>,
    %get3A_335 = arith.constant 2 : i32
    %get3A_336 = arith.index_cast %get3A_335 : i32 to index
    %get3A_337 = arith.constant 64 : index
    %get3A_338 = tpu.vector_load %arg11[%get3A_336, %get3A_337] {strides = array<i32>} : memref<10x80xi32, #tpu.memory_space<vmem>>, vector<16xi32>,
    %add3A_339 = arith.constant 10000 : i32
    %add3A_340 = vector.broadcast %add3A_339 : i32 to vector<16xi32>
    %add3A_341 = arith.addi %get3A_338, %add3A_340 : vector<16xi32>
    tpu.vector_store_idx %arg15[%add3A_341], %broadcast_in_dim3A_48 {add = true} : memref<10400xf32, #tpu.memory_space<vmem>>[vector<16xi32>], vector<16xf32>,
    %dma_wait3A_342 = arith.constant 3 : i32
    %dma_wait3A_343 = arith.constant 0 : i32
    %dma_wait3A_344 = tpu.memref_slice %arg9[%dma_wait3A_342, %dma_wait3A_343] : memref<10x80xi32, #tpu.memory_space<vmem>> -> memref<1x80xi32, #tpu.memory_space<vmem>>
    %dma_wait3A_345 = tpu.memref_squeeze %dma_wait3A_344 : memref<1x80xi32, #tpu.memory_space<vmem>> -> memref<80xi32, #tpu.memory_space<vmem>>
    %dma_wait3A_346 = arith.constant 0 : i32
    %dma_wait3A_347 = arith.constant 0 : i32
    %dma_wait3A_348 = tpu.memref_slice %arg2[%dma_wait3A_346, %dma_wait3A_347] : memref<10000x128xf32, #tpu.memory_space<hbm>> -> memref<10000x128xf32, #tpu.memory_space<hbm>>
    tpu.wait_indirect_dma semaphore(%arg18 : memref<!tpu.dma_semaphore, #tpu.memory_space<semaphore_mem>>) src(%dma_wait3A_348 : memref<10000x128xf32, #tpu.memory_space<hbm>>) dst(%arg12 : memref<80x128xf32, #tpu.memory_space<vmem>>)
    %dma_start3A_349 = arith.constant 3 : i32
    %dma_start3A_350 = arith.constant 0 : i32
    %dma_start3A_351 = tpu.memref_slice %arg10[%dma_start3A_349, %dma_start3A_350] : memref<10x80xi32, #tpu.memory_space<vmem>> -> memref<1x80xi32, #tpu.memory_space<vmem>>
    %dma_start3A_352 = tpu.memref_squeeze %dma_start3A_351 : memref<1x80xi32, #tpu.memory_space<vmem>> -> memref<80xi32, #tpu.memory_space<vmem>>
    %dma_start3A_353 = arith.constant 0 : i32
    %dma_start3A_354 = arith.constant 0 : i32
    %dma_start3A_355 = tpu.memref_slice %arg16[%dma_start3A_353, %dma_start3A_354] : memref<10240x128xf32, #tpu.memory_space<vmem_shared>> -> memref<10240x128xf32, #tpu.memory_space<vmem_shared>>
    tpu.enqueue_indirect_dma source(%arg12 : memref<80x128xf32, #tpu.memory_space<vmem>>) target(%dma_start3A_355 : memref<10240x128xf32, #tpu.memory_space<vmem_shared>>) offsets(%dma_start3A_352 : memref<80xi32, #tpu.memory_space<vmem>>) semaphore(%arg21 : memref<!tpu.dma_semaphore, #tpu.memory_space<semaphore_mem>>) {add = true}
    %dma_start3A_356 = arith.constant 3 : i32
    %dma_start3A_357 = arith.constant 0 : i32
    %dma_start3A_358 = tpu.memref_slice %arg11[%dma_start3A_356, %dma_start3A_357] : memref<10x80xi32, #tpu.memory_space<vmem>> -> memref<1x80xi32, #tpu.memory_space<vmem>>
    %dma_start3A_359 = tpu.memref_squeeze %dma_start3A_358 : memref<1x80xi32, #tpu.memory_space<vmem>> -> memref<80xi32, #tpu.memory_space<vmem>>
    %dma_start3A_360 = arith.constant 0 : i32
    %dma_start3A_361 = arith.constant 0 : i32
    %dma_start3A_362 = tpu.memref_slice %arg17[%dma_start3A_360, %dma_start3A_361] : memref<512x128xf32, #tpu.memory_space<vmem_shared>> -> memref<512x128xf32, #tpu.memory_space<vmem_shared>>
    tpu.enqueue_indirect_dma source(%arg12 : memref<80x128xf32, #tpu.memory_space<vmem>>) target(%dma_start3A_362 : memref<512x128xf32, #tpu.memory_space<vmem_shared>>) offsets(%dma_start3A_359 : memref<80xi32, #tpu.memory_space<vmem>>) semaphore(%arg21 : memref<!tpu.dma_semaphore, #tpu.memory_space<semaphore_mem>>) {add = true}
    %get3A_363 = arith.constant 3 : i32
    %get3A_364 = arith.index_cast %get3A_363 : i32 to index
    %get3A_365 = arith.constant 0 : index
    %get3A_366 = tpu.vector_load %arg10[%get3A_364, %get3A_365] {strides = array<i32>} : memref<10x80xi32, #tpu.memory_space<vmem>>, vector<16xi32>,
    tpu.vector_store_idx %arg15[%get3A_366], %broadcast_in_dim3A_48 {add = true} : memref<10400xf32, #tpu.memory_space<vmem>>[vector<16xi32>], vector<16xf32>,
    %get3A_367 = arith.constant 3 : i32
    %get3A_368 = arith.index_cast %get3A_367 : i32 to index
    %get3A_369 = arith.constant 0 : index
    %get3A_370 = tpu.vector_load %arg11[%get3A_368, %get3A_369] {strides = array<i32>} : memref<10x80xi32, #tpu.memory_space<vmem>>, vector<16xi32>,
    %add3A_371 = arith.constant 10000 : i32
    %add3A_372 = vector.broadcast %add3A_371 : i32 to vector<16xi32>
    %add3A_373 = arith.addi %get3A_370, %add3A_372 : vector<16xi32>
    tpu.vector_store_idx %arg15[%add3A_373], %broadcast_in_dim3A_48 {add = true} : memref<10400xf32, #tpu.memory_space<vmem>>[vector<16xi32>], vector<16xf32>,
    %get3A_374 = arith.constant 3 : i32
    %get3A_375 = arith.index_cast %get3A_374 : i32 to index
    %get3A_376 = arith.constant 16 : index
    %get3A_377 = tpu.vector_load %arg10[%get3A_375, %get3A_376] {strides = array<i32>} : memref<10x80xi32, #tpu.memory_space<vmem>>, vector<16xi32>,
    tpu.vector_store_idx %arg15[%get3A_377], %broadcast_in_dim3A_48 {add = true} : memref<10400xf32, #tpu.memory_space<vmem>>[vector<16xi32>], vector<16xf32>,
    %get3A_378 = arith.constant 3 : i32
    %get3A_379 = arith.index_cast %get3A_378 : i32 to index
    %get3A_380 = arith.constant 16 : index
    %get3A_381 = tpu.vector_load %arg11[%get3A_379, %get3A_380] {strides = array<i32>} : memref<10x80xi32, #tpu.memory_space<vmem>>, vector<16xi32>,
    %add3A_382 = arith.constant 10000 : i32
    %add3A_383 = vector.broadcast %add3A_382 : i32 to vector<16xi32>
    %add3A_384 = arith.addi %get3A_381, %add3A_383 : vector<16xi32>
    tpu.vector_store_idx %arg15[%add3A_384], %broadcast_in_dim3A_48 {add = true} : memref<10400xf32, #tpu.memory_space<vmem>>[vector<16xi32>], vector<16xf32>,
    %get3A_385 = arith.constant 3 : i32
    %get3A_386 = arith.index_cast %get3A_385 : i32 to index
    %get3A_387 = arith.constant 32 : index
    %get3A_388 = tpu.vector_load %arg10[%get3A_386, %get3A_387] {strides = array<i32>} : memref<10x80xi32, #tpu.memory_space<vmem>>, vector<16xi32>,
    tpu.vector_store_idx %arg15[%get3A_388], %broadcast_in_dim3A_48 {add = true} : memref<10400xf32, #tpu.memory_space<vmem>>[vector<16xi32>], vector<16xf32>,
    %get3A_389 = arith.constant 3 : i32
    %get3A_390 = arith.index_cast %get3A_389 : i32 to index
    %get3A_391 = arith.constant 32 : index
    %get3A_392 = tpu.vector_load %arg11[%get3A_390, %get3A_391] {strides = array<i32>} : memref<10x80xi32, #tpu.memory_space<vmem>>, vector<16xi32>,
    %add3A_393 = arith.constant 10000 : i32
    %add3A_394 = vector.broadcast %add3A_393 : i32 to vector<16xi32>
    %add3A_395 = arith.addi %get3A_392, %add3A_394 : vector<16xi32>
    tpu.vector_store_idx %arg15[%add3A_395], %broadcast_in_dim3A_48 {add = true} : memref<10400xf32, #tpu.memory_space<vmem>>[vector<16xi32>], vector<16xf32>,
    %get3A_396 = arith.constant 3 : i32
    %get3A_397 = arith.index_cast %get3A_396 : i32 to index
    %get3A_398 = arith.constant 48 : index
    %get3A_399 = tpu.vector_load %arg10[%get3A_397, %get3A_398] {strides = array<i32>} : memref<10x80xi32, #tpu.memory_space<vmem>>, vector<16xi32>,
    tpu.vector_store_idx %arg15[%get3A_399], %broadcast_in_dim3A_48 {add = true} : memref<10400xf32, #tpu.memory_space<vmem>>[vector<16xi32>], vector<16xf32>,
    %get3A_400 = arith.constant 3 : i32
    %get3A_401 = arith.index_cast %get3A_400 : i32 to index
    %get3A_402 = arith.constant 48 : index
    %get3A_403 = tpu.vector_load %arg11[%get3A_401, %get3A_402] {strides = array<i32>} : memref<10x80xi32, #tpu.memory_space<vmem>>, vector<16xi32>,
    %add3A_404 = arith.constant 10000 : i32
    %add3A_405 = vector.broadcast %add3A_404 : i32 to vector<16xi32>
    %add3A_406 = arith.addi %get3A_403, %add3A_405 : vector<16xi32>
    tpu.vector_store_idx %arg15[%add3A_406], %broadcast_in_dim3A_48 {add = true} : memref<10400xf32, #tpu.memory_space<vmem>>[vector<16xi32>], vector<16xf32>,
    %get3A_407 = arith.constant 3 : i32
    %get3A_408 = arith.index_cast %get3A_407 : i32 to index
    %get3A_409 = arith.constant 64 : index
    %get3A_410 = tpu.vector_load %arg10[%get3A_408, %get3A_409] {strides = array<i32>} : memref<10x80xi32, #tpu.memory_space<vmem>>, vector<16xi32>,
    tpu.vector_store_idx %arg15[%get3A_410], %broadcast_in_dim3A_48 {add = true} : memref<10400xf32, #tpu.memory_space<vmem>>[vector<16xi32>], vector<16xf32>,
    %get3A_411 = arith.constant 3 : i32
    %get3A_412 = arith.index_cast %get3A_411 : i32 to index
    %get3A_413 = arith.constant 64 : index
    %get3A_414 = tpu.vector_load %arg11[%get3A_412, %get3A_413] {strides = array<i32>} : memref<10x80xi32, #tpu.memory_space<vmem>>, vector<16xi32>,
    %add3A_415 = arith.constant 10000 : i32
    %add3A_416 = vector.broadcast %add3A_415 : i32 to vector<16xi32>
    %add3A_417 = arith.addi %get3A_414, %add3A_416 : vector<16xi32>
    tpu.vector_store_idx %arg15[%add3A_417], %broadcast_in_dim3A_48 {add = true} : memref<10400xf32, #tpu.memory_space<vmem>>[vector<16xi32>], vector<16xf32>,
    %dma_wait3A_418 = arith.constant 4 : i32
    %dma_wait3A_419 = arith.constant 0 : i32
    %dma_wait3A_420 = tpu.memref_slice %arg9[%dma_wait3A_418, %dma_wait3A_419] : memref<10x80xi32, #tpu.memory_space<vmem>> -> memref<1x80xi32, #tpu.memory_space<vmem>>
    %dma_wait3A_421 = tpu.memref_squeeze %dma_wait3A_420 : memref<1x80xi32, #tpu.memory_space<vmem>> -> memref<80xi32, #tpu.memory_space<vmem>>
    %dma_wait3A_422 = arith.constant 0 : i32
    %dma_wait3A_423 = arith.constant 0 : i32
    %dma_wait3A_424 = tpu.memref_slice %arg2[%dma_wait3A_422, %dma_wait3A_423] : memref<10000x128xf32, #tpu.memory_space<hbm>> -> memref<10000x128xf32, #tpu.memory_space<hbm>>
    tpu.wait_indirect_dma semaphore(%arg19 : memref<!tpu.dma_semaphore, #tpu.memory_space<semaphore_mem>>) src(%dma_wait3A_424 : memref<10000x128xf32, #tpu.memory_space<hbm>>) dst(%arg13 : memref<80x128xf32, #tpu.memory_space<vmem>>)
    %dma_start3A_425 = arith.constant 4 : i32
    %dma_start3A_426 = arith.constant 0 : i32
    %dma_start3A_427 = tpu.memref_slice %arg10[%dma_start3A_425, %dma_start3A_426] : memref<10x80xi32, #tpu.memory_space<vmem>> -> memref<1x80xi32, #tpu.memory_space<vmem>>
    %dma_start3A_428 = tpu.memref_squeeze %dma_start3A_427 : memref<1x80xi32, #tpu.memory_space<vmem>> -> memref<80xi32, #tpu.memory_space<vmem>>
    %dma_start3A_429 = arith.constant 0 : i32
    %dma_start3A_430 = arith.constant 0 : i32
    %dma_start3A_431 = tpu.memref_slice %arg16[%dma_start3A_429, %dma_start3A_430] : memref<10240x128xf32, #tpu.memory_space<vmem_shared>> -> memref<10240x128xf32, #tpu.memory_space<vmem_shared>>
    tpu.enqueue_indirect_dma source(%arg13 : memref<80x128xf32, #tpu.memory_space<vmem>>) target(%dma_start3A_431 : memref<10240x128xf32, #tpu.memory_space<vmem_shared>>) offsets(%dma_start3A_428 : memref<80xi32, #tpu.memory_space<vmem>>) semaphore(%arg22 : memref<!tpu.dma_semaphore, #tpu.memory_space<semaphore_mem>>) {add = true}
    %dma_start3A_432 = arith.constant 4 : i32
    %dma_start3A_433 = arith.constant 0 : i32
    %dma_start3A_434 = tpu.memref_slice %arg11[%dma_start3A_432, %dma_start3A_433] : memref<10x80xi32, #tpu.memory_space<vmem>> -> memref<1x80xi32, #tpu.memory_space<vmem>>
    %dma_start3A_435 = tpu.memref_squeeze %dma_start3A_434 : memref<1x80xi32, #tpu.memory_space<vmem>> -> memref<80xi32, #tpu.memory_space<vmem>>
    %dma_start3A_436 = arith.constant 0 : i32
    %dma_start3A_437 = arith.constant 0 : i32
    %dma_start3A_438 = tpu.memref_slice %arg17[%dma_start3A_436, %dma_start3A_437] : memref<512x128xf32, #tpu.memory_space<vmem_shared>> -> memref<512x128xf32, #tpu.memory_space<vmem_shared>>
    tpu.enqueue_indirect_dma source(%arg13 : memref<80x128xf32, #tpu.memory_space<vmem>>) target(%dma_start3A_438 : memref<512x128xf32, #tpu.memory_space<vmem_shared>>) offsets(%dma_start3A_435 : memref<80xi32, #tpu.memory_space<vmem>>) semaphore(%arg22 : memref<!tpu.dma_semaphore, #tpu.memory_space<semaphore_mem>>) {add = true}
    %get3A_439 = arith.constant 4 : i32
    %get3A_440 = arith.index_cast %get3A_439 : i32 to index
    %get3A_441 = arith.constant 0 : index
    %get3A_442 = tpu.vector_load %arg10[%get3A_440, %get3A_441] {strides = array<i32>} : memref<10x80xi32, #tpu.memory_space<vmem>>, vector<16xi32>,
    tpu.vector_store_idx %arg15[%get3A_442], %broadcast_in_dim3A_48 {add = true} : memref<10400xf32, #tpu.memory_space<vmem>>[vector<16xi32>], vector<16xf32>,
    %get3A_443 = arith.constant 4 : i32
    %get3A_444 = arith.index_cast %get3A_443 : i32 to index
    %get3A_445 = arith.constant 0 : index
    %get3A_446 = tpu.vector_load %arg11[%get3A_444, %get3A_445] {strides = array<i32>} : memref<10x80xi32, #tpu.memory_space<vmem>>, vector<16xi32>,
    %add3A_447 = arith.constant 10000 : i32
    %add3A_448 = vector.broadcast %add3A_447 : i32 to vector<16xi32>
    %add3A_449 = arith.addi %get3A_446, %add3A_448 : vector<16xi32>
    tpu.vector_store_idx %arg15[%add3A_449], %broadcast_in_dim3A_48 {add = true} : memref<10400xf32, #tpu.memory_space<vmem>>[vector<16xi32>], vector<16xf32>,
    %get3A_450 = arith.constant 4 : i32
    %get3A_451 = arith.index_cast %get3A_450 : i32 to index
    %get3A_452 = arith.constant 16 : index
    %get3A_453 = tpu.vector_load %arg10[%get3A_451, %get3A_452] {strides = array<i32>} : memref<10x80xi32, #tpu.memory_space<vmem>>, vector<16xi32>,
    tpu.vector_store_idx %arg15[%get3A_453], %broadcast_in_dim3A_48 {add = true} : memref<10400xf32, #tpu.memory_space<vmem>>[vector<16xi32>], vector<16xf32>,
    %get3A_454 = arith.constant 4 : i32
    %get3A_455 = arith.index_cast %get3A_454 : i32 to index
    %get3A_456 = arith.constant 16 : index
    %get3A_457 = tpu.vector_load %arg11[%get3A_455, %get3A_456] {strides = array<i32>} : memref<10x80xi32, #tpu.memory_space<vmem>>, vector<16xi32>,
    %add3A_458 = arith.constant 10000 : i32
    %add3A_459 = vector.broadcast %add3A_458 : i32 to vector<16xi32>
    %add3A_460 = arith.addi %get3A_457, %add3A_459 : vector<16xi32>
    tpu.vector_store_idx %arg15[%add3A_460], %broadcast_in_dim3A_48 {add = true} : memref<10400xf32, #tpu.memory_space<vmem>>[vector<16xi32>], vector<16xf32>,
    %get3A_461 = arith.constant 4 : i32
    %get3A_462 = arith.index_cast %get3A_461 : i32 to index
    %get3A_463 = arith.constant 32 : index
    %get3A_464 = tpu.vector_load %arg10[%get3A_462, %get3A_463] {strides = array<i32>} : memref<10x80xi32, #tpu.memory_space<vmem>>, vector<16xi32>,
    tpu.vector_store_idx %arg15[%get3A_464], %broadcast_in_dim3A_48 {add = true} : memref<10400xf32, #tpu.memory_space<vmem>>[vector<16xi32>], vector<16xf32>,
    %get3A_465 = arith.constant 4 : i32
    %get3A_466 = arith.index_cast %get3A_465 : i32 to index
    %get3A_467 = arith.constant 32 : index
    %get3A_468 = tpu.vector_load %arg11[%get3A_466, %get3A_467] {strides = array<i32>} : memref<10x80xi32, #tpu.memory_space<vmem>>, vector<16xi32>,
    %add3A_469 = arith.constant 10000 : i32
    %add3A_470 = vector.broadcast %add3A_469 : i32 to vector<16xi32>
    %add3A_471 = arith.addi %get3A_468, %add3A_470 : vector<16xi32>
    tpu.vector_store_idx %arg15[%add3A_471], %broadcast_in_dim3A_48 {add = true} : memref<10400xf32, #tpu.memory_space<vmem>>[vector<16xi32>], vector<16xf32>,
    %get3A_472 = arith.constant 4 : i32
    %get3A_473 = arith.index_cast %get3A_472 : i32 to index
    %get3A_474 = arith.constant 48 : index
    %get3A_475 = tpu.vector_load %arg10[%get3A_473, %get3A_474] {strides = array<i32>} : memref<10x80xi32, #tpu.memory_space<vmem>>, vector<16xi32>,
    tpu.vector_store_idx %arg15[%get3A_475], %broadcast_in_dim3A_48 {add = true} : memref<10400xf32, #tpu.memory_space<vmem>>[vector<16xi32>], vector<16xf32>,
    %get3A_476 = arith.constant 4 : i32
    %get3A_477 = arith.index_cast %get3A_476 : i32 to index
    %get3A_478 = arith.constant 48 : index
    %get3A_479 = tpu.vector_load %arg11[%get3A_477, %get3A_478] {strides = array<i32>} : memref<10x80xi32, #tpu.memory_space<vmem>>, vector<16xi32>,
    %add3A_480 = arith.constant 10000 : i32
    %add3A_481 = vector.broadcast %add3A_480 : i32 to vector<16xi32>
    %add3A_482 = arith.addi %get3A_479, %add3A_481 : vector<16xi32>
    tpu.vector_store_idx %arg15[%add3A_482], %broadcast_in_dim3A_48 {add = true} : memref<10400xf32, #tpu.memory_space<vmem>>[vector<16xi32>], vector<16xf32>,
    %get3A_483 = arith.constant 4 : i32
    %get3A_484 = arith.index_cast %get3A_483 : i32 to index
    %get3A_485 = arith.constant 64 : index
    %get3A_486 = tpu.vector_load %arg10[%get3A_484, %get3A_485] {strides = array<i32>} : memref<10x80xi32, #tpu.memory_space<vmem>>, vector<16xi32>,
    tpu.vector_store_idx %arg15[%get3A_486], %broadcast_in_dim3A_48 {add = true} : memref<10400xf32, #tpu.memory_space<vmem>>[vector<16xi32>], vector<16xf32>,
    %get3A_487 = arith.constant 4 : i32
    %get3A_488 = arith.index_cast %get3A_487 : i32 to index
    %get3A_489 = arith.constant 64 : index
    %get3A_490 = tpu.vector_load %arg11[%get3A_488, %get3A_489] {strides = array<i32>} : memref<10x80xi32, #tpu.memory_space<vmem>>, vector<16xi32>,
    %add3A_491 = arith.constant 10000 : i32
    %add3A_492 = vector.broadcast %add3A_491 : i32 to vector<16xi32>
    %add3A_493 = arith.addi %get3A_490, %add3A_492 : vector<16xi32>
    tpu.vector_store_idx %arg15[%add3A_493], %broadcast_in_dim3A_48 {add = true} : memref<10400xf32, #tpu.memory_space<vmem>>[vector<16xi32>], vector<16xf32>,
    %dma_wait3A_494 = arith.constant 2 : i32
    %dma_wait3A_495 = arith.constant 0 : i32
    %dma_wait3A_496 = tpu.memref_slice %arg10[%dma_wait3A_494, %dma_wait3A_495] : memref<10x80xi32, #tpu.memory_space<vmem>> -> memref<1x80xi32, #tpu.memory_space<vmem>>
    %dma_wait3A_497 = tpu.memref_squeeze %dma_wait3A_496 : memref<1x80xi32, #tpu.memory_space<vmem>> -> memref<80xi32, #tpu.memory_space<vmem>>
    %dma_wait3A_498 = arith.constant 0 : i32
    %dma_wait3A_499 = arith.constant 0 : i32
    %dma_wait3A_500 = tpu.memref_slice %arg16[%dma_wait3A_498, %dma_wait3A_499] : memref<10240x128xf32, #tpu.memory_space<vmem_shared>> -> memref<10240x128xf32, #tpu.memory_space<vmem_shared>>
    tpu.wait_indirect_dma semaphore(%arg23 : memref<!tpu.dma_semaphore, #tpu.memory_space<semaphore_mem>>) src(%arg14 : memref<80x128xf32, #tpu.memory_space<vmem>>) dst(%dma_wait3A_500 : memref<10240x128xf32, #tpu.memory_space<vmem_shared>>)
    %dma_wait3A_501 = arith.constant 2 : i32
    %dma_wait3A_502 = arith.constant 0 : i32
    %dma_wait3A_503 = tpu.memref_slice %arg11[%dma_wait3A_501, %dma_wait3A_502] : memref<10x80xi32, #tpu.memory_space<vmem>> -> memref<1x80xi32, #tpu.memory_space<vmem>>
    %dma_wait3A_504 = tpu.memref_squeeze %dma_wait3A_503 : memref<1x80xi32, #tpu.memory_space<vmem>> -> memref<80xi32, #tpu.memory_space<vmem>>
    %dma_wait3A_505 = arith.constant 0 : i32
    %dma_wait3A_506 = arith.constant 0 : i32
    %dma_wait3A_507 = tpu.memref_slice %arg17[%dma_wait3A_505, %dma_wait3A_506] : memref<512x128xf32, #tpu.memory_space<vmem_shared>> -> memref<512x128xf32, #tpu.memory_space<vmem_shared>>
    tpu.wait_indirect_dma semaphore(%arg23 : memref<!tpu.dma_semaphore, #tpu.memory_space<semaphore_mem>>) src(%arg14 : memref<80x128xf32, #tpu.memory_space<vmem>>) dst(%dma_wait3A_507 : memref<512x128xf32, #tpu.memory_space<vmem_shared>>)
    %dma_wait3A_508 = arith.constant 3 : i32
    %dma_wait3A_509 = arith.constant 0 : i32
    %dma_wait3A_510 = tpu.memref_slice %arg10[%dma_wait3A_508, %dma_wait3A_509] : memref<10x80xi32, #tpu.memory_space<vmem>> -> memref<1x80xi32, #tpu.memory_space<vmem>>
    %dma_wait3A_511 = tpu.memref_squeeze %dma_wait3A_510 : memref<1x80xi32, #tpu.memory_space<vmem>> -> memref<80xi32, #tpu.memory_space<vmem>>
    %dma_wait3A_512 = arith.constant 0 : i32
    %dma_wait3A_513 = arith.constant 0 : i32
    %dma_wait3A_514 = tpu.memref_slice %arg16[%dma_wait3A_512, %dma_wait3A_513] : memref<10240x128xf32, #tpu.memory_space<vmem_shared>> -> memref<10240x128xf32, #tpu.memory_space<vmem_shared>>
    tpu.wait_indirect_dma semaphore(%arg21 : memref<!tpu.dma_semaphore, #tpu.memory_space<semaphore_mem>>) src(%arg12 : memref<80x128xf32, #tpu.memory_space<vmem>>) dst(%dma_wait3A_514 : memref<10240x128xf32, #tpu.memory_space<vmem_shared>>)
    %dma_wait3A_515 = arith.constant 3 : i32
    %dma_wait3A_516 = arith.constant 0 : i32
    %dma_wait3A_517 = tpu.memref_slice %arg11[%dma_wait3A_515, %dma_wait3A_516] : memref<10x80xi32, #tpu.memory_space<vmem>> -> memref<1x80xi32, #tpu.memory_space<vmem>>
    %dma_wait3A_518 = tpu.memref_squeeze %dma_wait3A_517 : memref<1x80xi32, #tpu.memory_space<vmem>> -> memref<80xi32, #tpu.memory_space<vmem>>
    %dma_wait3A_519 = arith.constant 0 : i32
    %dma_wait3A_520 = arith.constant 0 : i32
    %dma_wait3A_521 = tpu.memref_slice %arg17[%dma_wait3A_519, %dma_wait3A_520] : memref<512x128xf32, #tpu.memory_space<vmem_shared>> -> memref<512x128xf32, #tpu.memory_space<vmem_shared>>
    tpu.wait_indirect_dma semaphore(%arg21 : memref<!tpu.dma_semaphore, #tpu.memory_space<semaphore_mem>>) src(%arg12 : memref<80x128xf32, #tpu.memory_space<vmem>>) dst(%dma_wait3A_521 : memref<512x128xf32, #tpu.memory_space<vmem_shared>>)
    %dma_wait3A_522 = arith.constant 4 : i32
    %dma_wait3A_523 = arith.constant 0 : i32
    %dma_wait3A_524 = tpu.memref_slice %arg10[%dma_wait3A_522, %dma_wait3A_523] : memref<10x80xi32, #tpu.memory_space<vmem>> -> memref<1x80xi32, #tpu.memory_space<vmem>>
    %dma_wait3A_525 = tpu.memref_squeeze %dma_wait3A_524 : memref<1x80xi32, #tpu.memory_space<vmem>> -> memref<80xi32, #tpu.memory_space<vmem>>
    %dma_wait3A_526 = arith.constant 0 : i32
    %dma_wait3A_527 = arith.constant 0 : i32
    %dma_wait3A_528 = tpu.memref_slice %arg16[%dma_wait3A_526, %dma_wait3A_527] : memref<10240x128xf32, #tpu.memory_space<vmem_shared>> -> memref<10240x128xf32, #tpu.memory_space<vmem_shared>>
    tpu.wait_indirect_dma semaphore(%arg22 : memref<!tpu.dma_semaphore, #tpu.memory_space<semaphore_mem>>) src(%arg13 : memref<80x128xf32, #tpu.memory_space<vmem>>) dst(%dma_wait3A_528 : memref<10240x128xf32, #tpu.memory_space<vmem_shared>>)
    %dma_wait3A_529 = arith.constant 4 : i32
    %dma_wait3A_530 = arith.constant 0 : i32
    %dma_wait3A_531 = tpu.memref_slice %arg11[%dma_wait3A_529, %dma_wait3A_530] : memref<10x80xi32, #tpu.memory_space<vmem>> -> memref<1x80xi32, #tpu.memory_space<vmem>>
    %dma_wait3A_532 = tpu.memref_squeeze %dma_wait3A_531 : memref<1x80xi32, #tpu.memory_space<vmem>> -> memref<80xi32, #tpu.memory_space<vmem>>
    %dma_wait3A_533 = arith.constant 0 : i32
    %dma_wait3A_534 = arith.constant 0 : i32
    %dma_wait3A_535 = tpu.memref_slice %arg17[%dma_wait3A_533, %dma_wait3A_534] : memref<512x128xf32, #tpu.memory_space<vmem_shared>> -> memref<512x128xf32, #tpu.memory_space<vmem_shared>>
    tpu.wait_indirect_dma semaphore(%arg22 : memref<!tpu.dma_semaphore, #tpu.memory_space<semaphore_mem>>) src(%arg13 : memref<80x128xf32, #tpu.memory_space<vmem>>) dst(%dma_wait3A_535 : memref<512x128xf32, #tpu.memory_space<vmem_shared>>)
    %barrier3A_536 = arith.constant 0 : index
    tpu.barrier barrier_id(%barrier3A_536)
    %mul3A_537 = arith.constant 640 : i32
    %mul3A_538 = arith.muli %arg1, %mul3A_537 : i32
    %mul3A_539 = arith.constant 640 : i32
    %mul3A_540 = arith.muli %arg1, %mul3A_539 : i32
    "tpu.region"() ({
      %run_scoped3A = tpu.sem_alloc : memref<!tpu.dma_semaphore, #tpu.memory_space<semaphore_mem>>
      %dma_start3A_545 = arith.constant 0 : i32
      %dma_start3A_546 = tpu.memref_slice %arg6[%arg0, %mul3A_540, %dma_start3A_545] : memref<2x10240x128xf32, #tpu.memory_space<hbm>> -> memref<1x640x128xf32, #tpu.memory_space<hbm>>
      %dma_start3A_547 = tpu.memref_squeeze %dma_start3A_546 : memref<1x640x128xf32, #tpu.memory_space<hbm>> -> memref<640x128xf32, #tpu.memory_space<hbm>>
      %dma_start3A_548 = arith.constant 0 : i32
      %dma_start3A_549 = tpu.memref_slice %arg16[%mul3A_538, %dma_start3A_548] : memref<10240x128xf32, #tpu.memory_space<vmem_shared>> -> memref<640x128xf32, #tpu.memory_space<vmem_shared>>
      tpu.enqueue_dma source(%dma_start3A_549 : memref<640x128xf32, #tpu.memory_space<vmem_shared>>) target(%dma_start3A_547 : memref<640x128xf32, #tpu.memory_space<hbm>>) target_semaphore(%run_scoped3A : memref<!tpu.dma_semaphore, #tpu.memory_space<semaphore_mem>>)
      %dma_wait3A_550 = arith.constant 0 : i32
      %dma_wait3A_551 = tpu.memref_slice %arg6[%arg0, %mul3A_540, %dma_wait3A_550] : memref<2x10240x128xf32, #tpu.memory_space<hbm>> -> memref<1x640x128xf32, #tpu.memory_space<hbm>>
      %dma_wait3A_552 = tpu.memref_squeeze %dma_wait3A_551 : memref<1x640x128xf32, #tpu.memory_space<hbm>> -> memref<640x128xf32, #tpu.memory_space<hbm>>
      %dma_wait3A_553 = arith.constant 0 : i32
      %dma_wait3A_554 = tpu.memref_slice %arg16[%mul3A_538, %dma_wait3A_553] : memref<10240x128xf32, #tpu.memory_space<vmem_shared>> -> memref<640x128xf32, #tpu.memory_space<vmem_shared>>
      tpu.wait_dma2 semaphore(%run_scoped3A : memref<!tpu.dma_semaphore, #tpu.memory_space<semaphore_mem>>) src(%dma_wait3A_554 : memref<640x128xf32, #tpu.memory_space<vmem_shared>>) dst(%dma_wait3A_552 : memref<640x128xf32, #tpu.memory_space<hbm>>)
      tpu.yield
    }) : () -> ()
    %mul3A_541 = arith.constant 32 : i32
    %mul3A_542 = arith.muli %arg1, %mul3A_541 : i32
    %mul3A_543 = arith.constant 32 : i32
    %mul3A_544 = arith.muli %arg1, %mul3A_543 : i32
    "tpu.region"() ({
      %run_scoped3A = tpu.sem_alloc : memref<!tpu.dma_semaphore, #tpu.memory_space<semaphore_mem>>
      %dma_start3A_545 = arith.constant 0 : i32
      %dma_start3A_546 = tpu.memref_slice %arg7[%arg0, %mul3A_544, %dma_start3A_545] : memref<2x512x128xf32, #tpu.memory_space<hbm>> -> memref<1x32x128xf32, #tpu.memory_space<hbm>>
      %dma_start3A_547 = tpu.memref_squeeze %dma_start3A_546 : memref<1x32x128xf32, #tpu.memory_space<hbm>> -> memref<32x128xf32, #tpu.memory_space<hbm>>
      %dma_start3A_548 = arith.constant 0 : i32
      %dma_start3A_549 = tpu.memref_slice %arg17[%mul3A_542, %dma_start3A_548] : memref<512x128xf32, #tpu.memory_space<vmem_shared>> -> memref<32x128xf32, #tpu.memory_space<vmem_shared>>
      tpu.enqueue_dma source(%dma_start3A_549 : memref<32x128xf32, #tpu.memory_space<vmem_shared>>) target(%dma_start3A_547 : memref<32x128xf32, #tpu.memory_space<hbm>>) target_semaphore(%run_scoped3A : memref<!tpu.dma_semaphore, #tpu.memory_space<semaphore_mem>>)
      %dma_wait3A_550 = arith.constant 0 : i32
      %dma_wait3A_551 = tpu.memref_slice %arg7[%arg0, %mul3A_544, %dma_wait3A_550] : memref<2x512x128xf32, #tpu.memory_space<hbm>> -> memref<1x32x128xf32, #tpu.memory_space<hbm>>
      %dma_wait3A_552 = tpu.memref_squeeze %dma_wait3A_551 : memref<1x32x128xf32, #tpu.memory_space<hbm>> -> memref<32x128xf32, #tpu.memory_space<hbm>>
      %dma_wait3A_553 = arith.constant 0 : i32
      %dma_wait3A_554 = tpu.memref_slice %arg17[%mul3A_542, %dma_wait3A_553] : memref<512x128xf32, #tpu.memory_space<vmem_shared>> -> memref<32x128xf32, #tpu.memory_space<vmem_shared>>
      tpu.wait_dma2 semaphore(%run_scoped3A : memref<!tpu.dma_semaphore, #tpu.memory_space<semaphore_mem>>) src(%dma_wait3A_554 : memref<32x128xf32, #tpu.memory_space<vmem_shared>>) dst(%dma_wait3A_552 : memref<32x128xf32, #tpu.memory_space<hbm>>)
      tpu.yield
    }) : () -> ()
    "tpu.region"() ({
      %run_scoped3A = tpu.sem_alloc : memref<!tpu.dma_semaphore, #tpu.memory_space<semaphore_mem>>
      %dma_start3A_545 = arith.constant 0 : i32
      %dma_start3A_546 = tpu.memref_slice %arg8[%arg0, %arg1, %dma_start3A_545] : memref<2x16x10400xf32, #tpu.memory_space<hbm>> -> memref<1x1x10400xf32, #tpu.memory_space<hbm>>
      %dma_start3A_547 = tpu.memref_squeeze %dma_start3A_546 : memref<1x1x10400xf32, #tpu.memory_space<hbm>> -> memref<10400xf32, #tpu.memory_space<hbm>>
      %dma_start3A_548 = arith.constant 0 : i32
      %dma_start3A_549 = tpu.memref_slice %arg8[%arg0, %arg1, %dma_start3A_548] : memref<2x16x10400xf32, #tpu.memory_space<hbm>> -> memref<1x1x10400xf32, #tpu.memory_space<hbm>>
      %dma_start3A_550 = tpu.memref_squeeze %dma_start3A_549 : memref<1x1x10400xf32, #tpu.memory_space<hbm>> -> memref<10400xf32, #tpu.memory_space<hbm>>
      tpu.enqueue_dma source(%arg15 : memref<10400xf32, #tpu.memory_space<vmem>>) target(%dma_start3A_550 : memref<10400xf32, #tpu.memory_space<hbm>>) target_semaphore(%run_scoped3A : memref<!tpu.dma_semaphore, #tpu.memory_space<semaphore_mem>>)
      %dma_wait3A_551 = arith.constant 0 : i32
      %dma_wait3A_552 = tpu.memref_slice %arg8[%arg0, %arg1, %dma_wait3A_551] : memref<2x16x10400xf32, #tpu.memory_space<hbm>> -> memref<1x1x10400xf32, #tpu.memory_space<hbm>>
      %dma_wait3A_553 = tpu.memref_squeeze %dma_wait3A_552 : memref<1x1x10400xf32, #tpu.memory_space<hbm>> -> memref<10400xf32, #tpu.memory_space<hbm>>
      %dma_wait3A_554 = arith.constant 0 : i32
      %dma_wait3A_555 = tpu.memref_slice %arg8[%arg0, %arg1, %dma_wait3A_554] : memref<2x16x10400xf32, #tpu.memory_space<hbm>> -> memref<1x1x10400xf32, #tpu.memory_space<hbm>>
      %dma_wait3A_556 = tpu.memref_squeeze %dma_wait3A_555 : memref<1x1x10400xf32, #tpu.memory_space<hbm>> -> memref<10400xf32, #tpu.memory_space<hbm>>
      tpu.wait_dma2 semaphore(%run_scoped3A : memref<!tpu.dma_semaphore, #tpu.memory_space<semaphore_mem>>) src(%arg15 : memref<10400xf32, #tpu.memory_space<vmem>>) dst(%dma_wait3A_556 : memref<10400xf32, #tpu.memory_space<hbm>>)
      tpu.yield
    }) : () -> ()
    return
  }
}

#map = affine_map<(d0, d1) -> (0, 0)>
#map1 = affine_map<(d0, d1) -> (0, 0, 0)>
module attributes {stable_mosaic.version = 14 : i64} {
  func.func @_stage_c(%arg0: i32, %arg1: i32, %arg2: memref<400x128xf32, #tpu.memory_space<hbm>>, %arg3: memref<32x125x80xi32, #tpu.memory_space<hbm>>, %arg4: memref<32x125x80xi32, #tpu.memory_space<hbm>>, %arg5: memref<2x10240x128xf32, #tpu.memory_space<hbm>>, %arg6: memref<2x10240x128xf32, #tpu.memory_space<hbm>>, %arg7: memref<10x80xi32, #tpu.memory_space<vmem>>, %arg8: memref<10x80xi32, #tpu.memory_space<vmem>>, %arg9: memref<80x128xf32, #tpu.memory_space<vmem>>, %arg10: memref<80x128xf32, #tpu.memory_space<vmem>>, %arg11: memref<80x128xf32, #tpu.memory_space<vmem>>, %arg12: memref<80x128xf32, #tpu.memory_space<vmem>>, %arg13: memref<10240x128xf32, #tpu.memory_space<vmem_shared>>, %arg14: memref<400x128xf32, #tpu.memory_space<vmem_shared>>, %arg15: memref<!tpu.dma_semaphore, #tpu.memory_space<semaphore_mem>>, %arg16: memref<!tpu.dma_semaphore, #tpu.memory_space<semaphore_mem>>, %arg17: memref<!tpu.dma_semaphore, #tpu.memory_space<semaphore_mem>>, %arg18: memref<!tpu.dma_semaphore, #tpu.memory_space<semaphore_mem>>, %arg19: memref<!tpu.dma_semaphore, #tpu.memory_space<semaphore_mem>>, %arg20: memref<!tpu.dma_semaphore, #tpu.memory_space<semaphore_mem>>, %arg21: memref<!tpu.dma_semaphore, #tpu.memory_space<semaphore_mem>>, %arg22: memref<!tpu.dma_semaphore, #tpu.memory_space<semaphore_mem>>) attributes {dimension_semantics = [#tpu.dimension_semantics<core_parallel>, #tpu.dimension_semantics<subcore_parallel>], iteration_bounds = array<i64: 2, 16>, scalar_prefetch = 0 : i64, scratch_operands = 16 : i64, tpu.core_type = #tpu.core_type<sc_vector_subcore>, window_params = [{transform_indices = #map}, {transform_indices = #map1}, {transform_indices = #map1}, {transform_indices = #map1}, {transform_indices = #map1}]} {
    %mul3A = arith.constant 2 : i32
    %mul3A_0 = arith.muli %arg1, %mul3A : i32
    %add3A = arith.addi %mul3A_0, %arg0 : i32
    %mul3A_1 = arith.constant 640 : i32
    %mul3A_2 = arith.muli %arg1, %mul3A_1 : i32
    %mul3A_3 = arith.constant 640 : i32
    %mul3A_4 = arith.muli %arg1, %mul3A_3 : i32
    "tpu.region"() ({
      %run_scoped3A = tpu.sem_alloc : memref<!tpu.dma_semaphore, #tpu.memory_space<semaphore_mem>>
      %dma_start3A_156 = arith.constant 0 : i32
      %dma_start3A_157 = tpu.memref_slice %arg13[%mul3A_4, %dma_start3A_156] : memref<10240x128xf32, #tpu.memory_space<vmem_shared>> -> memref<640x128xf32, #tpu.memory_space<vmem_shared>>
      %dma_start3A_158 = arith.constant 0 : i32
      %dma_start3A_159 = tpu.memref_slice %arg5[%arg0, %mul3A_2, %dma_start3A_158] : memref<2x10240x128xf32, #tpu.memory_space<hbm>> -> memref<1x640x128xf32, #tpu.memory_space<hbm>>
      %dma_start3A_160 = tpu.memref_squeeze %dma_start3A_159 : memref<1x640x128xf32, #tpu.memory_space<hbm>> -> memref<640x128xf32, #tpu.memory_space<hbm>>
      tpu.enqueue_dma source(%dma_start3A_160 : memref<640x128xf32, #tpu.memory_space<hbm>>) target(%dma_start3A_157 : memref<640x128xf32, #tpu.memory_space<vmem_shared>>) target_semaphore(%run_scoped3A : memref<!tpu.dma_semaphore, #tpu.memory_space<semaphore_mem>>)
      %dma_wait3A_161 = arith.constant 0 : i32
      %dma_wait3A_162 = tpu.memref_slice %arg13[%mul3A_4, %dma_wait3A_161] : memref<10240x128xf32, #tpu.memory_space<vmem_shared>> -> memref<640x128xf32, #tpu.memory_space<vmem_shared>>
      %dma_wait3A_163 = arith.constant 0 : i32
      %dma_wait3A_164 = tpu.memref_slice %arg5[%arg0, %mul3A_2, %dma_wait3A_163] : memref<2x10240x128xf32, #tpu.memory_space<hbm>> -> memref<1x640x128xf32, #tpu.memory_space<hbm>>
      %dma_wait3A_165 = tpu.memref_squeeze %dma_wait3A_164 : memref<1x640x128xf32, #tpu.memory_space<hbm>> -> memref<640x128xf32, #tpu.memory_space<hbm>>
      tpu.wait_dma2 semaphore(%run_scoped3A : memref<!tpu.dma_semaphore, #tpu.memory_space<semaphore_mem>>) src(%dma_wait3A_165 : memref<640x128xf32, #tpu.memory_space<hbm>>) dst(%dma_wait3A_162 : memref<640x128xf32, #tpu.memory_space<vmem_shared>>)
      tpu.yield
    }) : () -> ()
    %mul3A_5 = arith.constant 25 : i32
    %mul3A_6 = arith.muli %arg1, %mul3A_5 : i32
    %mul3A_7 = arith.constant 25 : i32
    %mul3A_8 = arith.muli %arg1, %mul3A_7 : i32
    "tpu.region"() ({
      %run_scoped3A = tpu.sem_alloc : memref<!tpu.dma_semaphore, #tpu.memory_space<semaphore_mem>>
      %dma_start3A_156 = arith.constant 0 : i32
      %dma_start3A_157 = tpu.memref_slice %arg14[%mul3A_8, %dma_start3A_156] : memref<400x128xf32, #tpu.memory_space<vmem_shared>> -> memref<25x128xf32, #tpu.memory_space<vmem_shared>>
      %dma_start3A_158 = arith.constant 0 : i32
      %dma_start3A_159 = tpu.memref_slice %arg2[%mul3A_6, %dma_start3A_158] : memref<400x128xf32, #tpu.memory_space<hbm>> -> memref<25x128xf32, #tpu.memory_space<hbm>>
      tpu.enqueue_dma source(%dma_start3A_159 : memref<25x128xf32, #tpu.memory_space<hbm>>) target(%dma_start3A_157 : memref<25x128xf32, #tpu.memory_space<vmem_shared>>) target_semaphore(%run_scoped3A : memref<!tpu.dma_semaphore, #tpu.memory_space<semaphore_mem>>)
      %dma_wait3A_160 = arith.constant 0 : i32
      %dma_wait3A_161 = tpu.memref_slice %arg14[%mul3A_8, %dma_wait3A_160] : memref<400x128xf32, #tpu.memory_space<vmem_shared>> -> memref<25x128xf32, #tpu.memory_space<vmem_shared>>
      %dma_wait3A_162 = arith.constant 0 : i32
      %dma_wait3A_163 = tpu.memref_slice %arg2[%mul3A_6, %dma_wait3A_162] : memref<400x128xf32, #tpu.memory_space<hbm>> -> memref<25x128xf32, #tpu.memory_space<hbm>>
      tpu.wait_dma2 semaphore(%run_scoped3A : memref<!tpu.dma_semaphore, #tpu.memory_space<semaphore_mem>>) src(%dma_wait3A_163 : memref<25x128xf32, #tpu.memory_space<hbm>>) dst(%dma_wait3A_161 : memref<25x128xf32, #tpu.memory_space<vmem_shared>>)
      tpu.yield
    }) : () -> ()
    %barrier3A = arith.constant 0 : index
    tpu.barrier barrier_id(%barrier3A)
    %scan3A = arith.constant 0 : i32
    %scan3A_9 = arith.constant 12 : i32
    %scan3A_10 = arith.addi %scan3A, %scan3A_9 : i32
    %scan3A_11 = arith.constant 1 : i32
    scf.for %scan3A_156 = %scan3A to %scan3A_10 step %scan3A_11  : i32 {
      %mul3A_157 = arith.constant 1 : i32
      %mul3A_158 = arith.muli %scan3A_156, %mul3A_157 : i32
      %add3A_159 = arith.constant 0 : i32
      %add3A_160 = arith.addi %add3A_159, %mul3A_158 : i32
      %mul3A_161 = arith.constant 10 : i32
      %mul3A_162 = arith.muli %add3A_160, %mul3A_161 : i32
      "tpu.region"() ({
        %run_scoped3A = tpu.sem_alloc : memref<!tpu.dma_semaphore, #tpu.memory_space<semaphore_mem>>
        %dma_start3A_443 = arith.constant 0 : i32
        %dma_start3A_444 = tpu.memref_slice %arg3[%add3A, %mul3A_162, %dma_start3A_443] : memref<32x125x80xi32, #tpu.memory_space<hbm>> -> memref<1x10x80xi32, #tpu.memory_space<hbm>>
        %dma_start3A_445 = tpu.memref_squeeze %dma_start3A_444 : memref<1x10x80xi32, #tpu.memory_space<hbm>> -> memref<10x80xi32, #tpu.memory_space<hbm>>
        %dma_start3A_446 = arith.constant 0 : i32
        %dma_start3A_447 = tpu.memref_slice %arg3[%add3A, %mul3A_162, %dma_start3A_446] : memref<32x125x80xi32, #tpu.memory_space<hbm>> -> memref<1x10x80xi32, #tpu.memory_space<hbm>>
        %dma_start3A_448 = tpu.memref_squeeze %dma_start3A_447 : memref<1x10x80xi32, #tpu.memory_space<hbm>> -> memref<10x80xi32, #tpu.memory_space<hbm>>
        tpu.enqueue_dma source(%dma_start3A_448 : memref<10x80xi32, #tpu.memory_space<hbm>>) target(%arg7 : memref<10x80xi32, #tpu.memory_space<vmem>>) target_semaphore(%run_scoped3A : memref<!tpu.dma_semaphore, #tpu.memory_space<semaphore_mem>>)
        %dma_wait3A_449 = arith.constant 0 : i32
        %dma_wait3A_450 = tpu.memref_slice %arg3[%add3A, %mul3A_162, %dma_wait3A_449] : memref<32x125x80xi32, #tpu.memory_space<hbm>> -> memref<1x10x80xi32, #tpu.memory_space<hbm>>
        %dma_wait3A_451 = tpu.memref_squeeze %dma_wait3A_450 : memref<1x10x80xi32, #tpu.memory_space<hbm>> -> memref<10x80xi32, #tpu.memory_space<hbm>>
        %dma_wait3A_452 = arith.constant 0 : i32
        %dma_wait3A_453 = tpu.memref_slice %arg3[%add3A, %mul3A_162, %dma_wait3A_452] : memref<32x125x80xi32, #tpu.memory_space<hbm>> -> memref<1x10x80xi32, #tpu.memory_space<hbm>>
        %dma_wait3A_454 = tpu.memref_squeeze %dma_wait3A_453 : memref<1x10x80xi32, #tpu.memory_space<hbm>> -> memref<10x80xi32, #tpu.memory_space<hbm>>
        tpu.wait_dma2 semaphore(%run_scoped3A : memref<!tpu.dma_semaphore, #tpu.memory_space<semaphore_mem>>) src(%dma_wait3A_454 : memref<10x80xi32, #tpu.memory_space<hbm>>) dst(%arg7 : memref<10x80xi32, #tpu.memory_space<vmem>>)
        tpu.yield
      }) : () -> ()
      "tpu.region"() ({
        %run_scoped3A = tpu.sem_alloc : memref<!tpu.dma_semaphore, #tpu.memory_space<semaphore_mem>>
        %dma_start3A_443 = arith.constant 0 : i32
        %dma_start3A_444 = tpu.memref_slice %arg4[%add3A, %mul3A_162, %dma_start3A_443] : memref<32x125x80xi32, #tpu.memory_space<hbm>> -> memref<1x10x80xi32, #tpu.memory_space<hbm>>
        %dma_start3A_445 = tpu.memref_squeeze %dma_start3A_444 : memref<1x10x80xi32, #tpu.memory_space<hbm>> -> memref<10x80xi32, #tpu.memory_space<hbm>>
        %dma_start3A_446 = arith.constant 0 : i32
        %dma_start3A_447 = tpu.memref_slice %arg4[%add3A, %mul3A_162, %dma_start3A_446] : memref<32x125x80xi32, #tpu.memory_space<hbm>> -> memref<1x10x80xi32, #tpu.memory_space<hbm>>
        %dma_start3A_448 = tpu.memref_squeeze %dma_start3A_447 : memref<1x10x80xi32, #tpu.memory_space<hbm>> -> memref<10x80xi32, #tpu.memory_space<hbm>>
        tpu.enqueue_dma source(%dma_start3A_448 : memref<10x80xi32, #tpu.memory_space<hbm>>) target(%arg8 : memref<10x80xi32, #tpu.memory_space<vmem>>) target_semaphore(%run_scoped3A : memref<!tpu.dma_semaphore, #tpu.memory_space<semaphore_mem>>)
        %dma_wait3A_449 = arith.constant 0 : i32
        %dma_wait3A_450 = tpu.memref_slice %arg4[%add3A, %mul3A_162, %dma_wait3A_449] : memref<32x125x80xi32, #tpu.memory_space<hbm>> -> memref<1x10x80xi32, #tpu.memory_space<hbm>>
        %dma_wait3A_451 = tpu.memref_squeeze %dma_wait3A_450 : memref<1x10x80xi32, #tpu.memory_space<hbm>> -> memref<10x80xi32, #tpu.memory_space<hbm>>
        %dma_wait3A_452 = arith.constant 0 : i32
        %dma_wait3A_453 = tpu.memref_slice %arg4[%add3A, %mul3A_162, %dma_wait3A_452] : memref<32x125x80xi32, #tpu.memory_space<hbm>> -> memref<1x10x80xi32, #tpu.memory_space<hbm>>
        %dma_wait3A_454 = tpu.memref_squeeze %dma_wait3A_453 : memref<1x10x80xi32, #tpu.memory_space<hbm>> -> memref<10x80xi32, #tpu.memory_space<hbm>>
        tpu.wait_dma2 semaphore(%run_scoped3A : memref<!tpu.dma_semaphore, #tpu.memory_space<semaphore_mem>>) src(%dma_wait3A_454 : memref<10x80xi32, #tpu.memory_space<hbm>>) dst(%arg8 : memref<10x80xi32, #tpu.memory_space<vmem>>)
        tpu.yield
      }) : () -> ()
      %dma_start3A_163 = arith.constant 0 : i32
      %dma_start3A_164 = arith.constant 0 : i32
      %dma_start3A_165 = tpu.memref_slice %arg8[%dma_start3A_163, %dma_start3A_164] : memref<10x80xi32, #tpu.memory_space<vmem>> -> memref<1x80xi32, #tpu.memory_space<vmem>>
      %dma_start3A_166 = tpu.memref_squeeze %dma_start3A_165 : memref<1x80xi32, #tpu.memory_space<vmem>> -> memref<80xi32, #tpu.memory_space<vmem>>
      %dma_start3A_167 = arith.constant 0 : i32
      %dma_start3A_168 = arith.constant 0 : i32
      %dma_start3A_169 = tpu.memref_slice %arg14[%dma_start3A_167, %dma_start3A_168] : memref<400x128xf32, #tpu.memory_space<vmem_shared>> -> memref<400x128xf32, #tpu.memory_space<vmem_shared>>
      tpu.enqueue_indirect_dma source(%dma_start3A_169 : memref<400x128xf32, #tpu.memory_space<vmem_shared>>) target(%arg9 : memref<80x128xf32, #tpu.memory_space<vmem>>) offsets(%dma_start3A_166 : memref<80xi32, #tpu.memory_space<vmem>>) semaphore(%arg15 : memref<!tpu.dma_semaphore, #tpu.memory_space<semaphore_mem>>)
      %dma_start3A_170 = arith.constant 1 : i32
      %dma_start3A_171 = arith.constant 0 : i32
      %dma_start3A_172 = tpu.memref_slice %arg8[%dma_start3A_170, %dma_start3A_171] : memref<10x80xi32, #tpu.memory_space<vmem>> -> memref<1x80xi32, #tpu.memory_space<vmem>>
      %dma_start3A_173 = tpu.memref_squeeze %dma_start3A_172 : memref<1x80xi32, #tpu.memory_space<vmem>> -> memref<80xi32, #tpu.memory_space<vmem>>
      %dma_start3A_174 = arith.constant 0 : i32
      %dma_start3A_175 = arith.constant 0 : i32
      %dma_start3A_176 = tpu.memref_slice %arg14[%dma_start3A_174, %dma_start3A_175] : memref<400x128xf32, #tpu.memory_space<vmem_shared>> -> memref<400x128xf32, #tpu.memory_space<vmem_shared>>
      tpu.enqueue_indirect_dma source(%dma_start3A_176 : memref<400x128xf32, #tpu.memory_space<vmem_shared>>) target(%arg10 : memref<80x128xf32, #tpu.memory_space<vmem>>) offsets(%dma_start3A_173 : memref<80xi32, #tpu.memory_space<vmem>>) semaphore(%arg16 : memref<!tpu.dma_semaphore, #tpu.memory_space<semaphore_mem>>)
      %dma_start3A_177 = arith.constant 2 : i32
      %dma_start3A_178 = arith.constant 0 : i32
      %dma_start3A_179 = tpu.memref_slice %arg8[%dma_start3A_177, %dma_start3A_178] : memref<10x80xi32, #tpu.memory_space<vmem>> -> memref<1x80xi32, #tpu.memory_space<vmem>>
      %dma_start3A_180 = tpu.memref_squeeze %dma_start3A_179 : memref<1x80xi32, #tpu.memory_space<vmem>> -> memref<80xi32, #tpu.memory_space<vmem>>
      %dma_start3A_181 = arith.constant 0 : i32
      %dma_start3A_182 = arith.constant 0 : i32
      %dma_start3A_183 = tpu.memref_slice %arg14[%dma_start3A_181, %dma_start3A_182] : memref<400x128xf32, #tpu.memory_space<vmem_shared>> -> memref<400x128xf32, #tpu.memory_space<vmem_shared>>
      tpu.enqueue_indirect_dma source(%dma_start3A_183 : memref<400x128xf32, #tpu.memory_space<vmem_shared>>) target(%arg11 : memref<80x128xf32, #tpu.memory_space<vmem>>) offsets(%dma_start3A_180 : memref<80xi32, #tpu.memory_space<vmem>>) semaphore(%arg17 : memref<!tpu.dma_semaphore, #tpu.memory_space<semaphore_mem>>)
      %dma_wait3A_184 = arith.constant 0 : i32
      %dma_wait3A_185 = arith.constant 0 : i32
      %dma_wait3A_186 = tpu.memref_slice %arg8[%dma_wait3A_184, %dma_wait3A_185] : memref<10x80xi32, #tpu.memory_space<vmem>> -> memref<1x80xi32, #tpu.memory_space<vmem>>
      %dma_wait3A_187 = tpu.memref_squeeze %dma_wait3A_186 : memref<1x80xi32, #tpu.memory_space<vmem>> -> memref<80xi32, #tpu.memory_space<vmem>>
      %dma_wait3A_188 = arith.constant 0 : i32
      %dma_wait3A_189 = arith.constant 0 : i32
      %dma_wait3A_190 = tpu.memref_slice %arg14[%dma_wait3A_188, %dma_wait3A_189] : memref<400x128xf32, #tpu.memory_space<vmem_shared>> -> memref<400x128xf32, #tpu.memory_space<vmem_shared>>
      tpu.wait_indirect_dma semaphore(%arg15 : memref<!tpu.dma_semaphore, #tpu.memory_space<semaphore_mem>>) src(%dma_wait3A_190 : memref<400x128xf32, #tpu.memory_space<vmem_shared>>) dst(%arg9 : memref<80x128xf32, #tpu.memory_space<vmem>>)
      %dma_start3A_191 = arith.constant 0 : i32
      %dma_start3A_192 = arith.constant 0 : i32
      %dma_start3A_193 = tpu.memref_slice %arg7[%dma_start3A_191, %dma_start3A_192] : memref<10x80xi32, #tpu.memory_space<vmem>> -> memref<1x80xi32, #tpu.memory_space<vmem>>
      %dma_start3A_194 = tpu.memref_squeeze %dma_start3A_193 : memref<1x80xi32, #tpu.memory_space<vmem>> -> memref<80xi32, #tpu.memory_space<vmem>>
      %dma_start3A_195 = arith.constant 0 : i32
      %dma_start3A_196 = arith.constant 0 : i32
      %dma_start3A_197 = tpu.memref_slice %arg13[%dma_start3A_195, %dma_start3A_196] : memref<10240x128xf32, #tpu.memory_space<vmem_shared>> -> memref<10240x128xf32, #tpu.memory_space<vmem_shared>>
      tpu.enqueue_indirect_dma source(%arg9 : memref<80x128xf32, #tpu.memory_space<vmem>>) target(%dma_start3A_197 : memref<10240x128xf32, #tpu.memory_space<vmem_shared>>) offsets(%dma_start3A_194 : memref<80xi32, #tpu.memory_space<vmem>>) semaphore(%arg19 : memref<!tpu.dma_semaphore, #tpu.memory_space<semaphore_mem>>) {add = true}
      %dma_start3A_198 = arith.constant 3 : i32
      %dma_start3A_199 = arith.constant 0 : i32
      %dma_start3A_200 = tpu.memref_slice %arg8[%dma_start3A_198, %dma_start3A_199] : memref<10x80xi32, #tpu.memory_space<vmem>> -> memref<1x80xi32, #tpu.memory_space<vmem>>
      %dma_start3A_201 = tpu.memref_squeeze %dma_start3A_200 : memref<1x80xi32, #tpu.memory_space<vmem>> -> memref<80xi32, #tpu.memory_space<vmem>>
      %dma_start3A_202 = arith.constant 0 : i32
      %dma_start3A_203 = arith.constant 0 : i32
      %dma_start3A_204 = tpu.memref_slice %arg14[%dma_start3A_202, %dma_start3A_203] : memref<400x128xf32, #tpu.memory_space<vmem_shared>> -> memref<400x128xf32, #tpu.memory_space<vmem_shared>>
      tpu.enqueue_indirect_dma source(%dma_start3A_204 : memref<400x128xf32, #tpu.memory_space<vmem_shared>>) target(%arg12 : memref<80x128xf32, #tpu.memory_space<vmem>>) offsets(%dma_start3A_201 : memref<80xi32, #tpu.memory_space<vmem>>) semaphore(%arg18 : memref<!tpu.dma_semaphore, #tpu.memory_space<semaphore_mem>>)
      %dma_wait3A_205 = arith.constant 1 : i32
      %dma_wait3A_206 = arith.constant 0 : i32
      %dma_wait3A_207 = tpu.memref_slice %arg8[%dma_wait3A_205, %dma_wait3A_206] : memref<10x80xi32, #tpu.memory_space<vmem>> -> memref<1x80xi32, #tpu.memory_space<vmem>>
      %dma_wait3A_208 = tpu.memref_squeeze %dma_wait3A_207 : memref<1x80xi32, #tpu.memory_space<vmem>> -> memref<80xi32, #tpu.memory_space<vmem>>
      %dma_wait3A_209 = arith.constant 0 : i32
      %dma_wait3A_210 = arith.constant 0 : i32
      %dma_wait3A_211 = tpu.memref_slice %arg14[%dma_wait3A_209, %dma_wait3A_210] : memref<400x128xf32, #tpu.memory_space<vmem_shared>> -> memref<400x128xf32, #tpu.memory_space<vmem_shared>>
      tpu.wait_indirect_dma semaphore(%arg16 : memref<!tpu.dma_semaphore, #tpu.memory_space<semaphore_mem>>) src(%dma_wait3A_211 : memref<400x128xf32, #tpu.memory_space<vmem_shared>>) dst(%arg10 : memref<80x128xf32, #tpu.memory_space<vmem>>)
      %dma_start3A_212 = arith.constant 1 : i32
      %dma_start3A_213 = arith.constant 0 : i32
      %dma_start3A_214 = tpu.memref_slice %arg7[%dma_start3A_212, %dma_start3A_213] : memref<10x80xi32, #tpu.memory_space<vmem>> -> memref<1x80xi32, #tpu.memory_space<vmem>>
      %dma_start3A_215 = tpu.memref_squeeze %dma_start3A_214 : memref<1x80xi32, #tpu.memory_space<vmem>> -> memref<80xi32, #tpu.memory_space<vmem>>
      %dma_start3A_216 = arith.constant 0 : i32
      %dma_start3A_217 = arith.constant 0 : i32
      %dma_start3A_218 = tpu.memref_slice %arg13[%dma_start3A_216, %dma_start3A_217] : memref<10240x128xf32, #tpu.memory_space<vmem_shared>> -> memref<10240x128xf32, #tpu.memory_space<vmem_shared>>
      tpu.enqueue_indirect_dma source(%arg10 : memref<80x128xf32, #tpu.memory_space<vmem>>) target(%dma_start3A_218 : memref<10240x128xf32, #tpu.memory_space<vmem_shared>>) offsets(%dma_start3A_215 : memref<80xi32, #tpu.memory_space<vmem>>) semaphore(%arg20 : memref<!tpu.dma_semaphore, #tpu.memory_space<semaphore_mem>>) {add = true}
      %dma_wait3A_219 = arith.constant 0 : i32
      %dma_wait3A_220 = arith.constant 0 : i32
      %dma_wait3A_221 = tpu.memref_slice %arg7[%dma_wait3A_219, %dma_wait3A_220] : memref<10x80xi32, #tpu.memory_space<vmem>> -> memref<1x80xi32, #tpu.memory_space<vmem>>
      %dma_wait3A_222 = tpu.memref_squeeze %dma_wait3A_221 : memref<1x80xi32, #tpu.memory_space<vmem>> -> memref<80xi32, #tpu.memory_space<vmem>>
      %dma_wait3A_223 = arith.constant 0 : i32
      %dma_wait3A_224 = arith.constant 0 : i32
      %dma_wait3A_225 = tpu.memref_slice %arg13[%dma_wait3A_223, %dma_wait3A_224] : memref<10240x128xf32, #tpu.memory_space<vmem_shared>> -> memref<10240x128xf32, #tpu.memory_space<vmem_shared>>
      tpu.wait_indirect_dma semaphore(%arg19 : memref<!tpu.dma_semaphore, #tpu.memory_space<semaphore_mem>>) src(%arg9 : memref<80x128xf32, #tpu.memory_space<vmem>>) dst(%dma_wait3A_225 : memref<10240x128xf32, #tpu.memory_space<vmem_shared>>)
      %dma_start3A_226 = arith.constant 4 : i32
      %dma_start3A_227 = arith.constant 0 : i32
      %dma_start3A_228 = tpu.memref_slice %arg8[%dma_start3A_226, %dma_start3A_227] : memref<10x80xi32, #tpu.memory_space<vmem>> -> memref<1x80xi32, #tpu.memory_space<vmem>>
      %dma_start3A_229 = tpu.memref_squeeze %dma_start3A_228 : memref<1x80xi32, #tpu.memory_space<vmem>> -> memref<80xi32, #tpu.memory_space<vmem>>
      %dma_start3A_230 = arith.constant 0 : i32
      %dma_start3A_231 = arith.constant 0 : i32
      %dma_start3A_232 = tpu.memref_slice %arg14[%dma_start3A_230, %dma_start3A_231] : memref<400x128xf32, #tpu.memory_space<vmem_shared>> -> memref<400x128xf32, #tpu.memory_space<vmem_shared>>
      tpu.enqueue_indirect_dma source(%dma_start3A_232 : memref<400x128xf32, #tpu.memory_space<vmem_shared>>) target(%arg9 : memref<80x128xf32, #tpu.memory_space<vmem>>) offsets(%dma_start3A_229 : memref<80xi32, #tpu.memory_space<vmem>>) semaphore(%arg15 : memref<!tpu.dma_semaphore, #tpu.memory_space<semaphore_mem>>)
      %dma_wait3A_233 = arith.constant 2 : i32
      %dma_wait3A_234 = arith.constant 0 : i32
      %dma_wait3A_235 = tpu.memref_slice %arg8[%dma_wait3A_233, %dma_wait3A_234] : memref<10x80xi32, #tpu.memory_space<vmem>> -> memref<1x80xi32, #tpu.memory_space<vmem>>
      %dma_wait3A_236 = tpu.memref_squeeze %dma_wait3A_235 : memref<1x80xi32, #tpu.memory_space<vmem>> -> memref<80xi32, #tpu.memory_space<vmem>>
      %dma_wait3A_237 = arith.constant 0 : i32
      %dma_wait3A_238 = arith.constant 0 : i32
      %dma_wait3A_239 = tpu.memref_slice %arg14[%dma_wait3A_237, %dma_wait3A_238] : memref<400x128xf32, #tpu.memory_space<vmem_shared>> -> memref<400x128xf32, #tpu.memory_space<vmem_shared>>
      tpu.wait_indirect_dma semaphore(%arg17 : memref<!tpu.dma_semaphore, #tpu.memory_space<semaphore_mem>>) src(%dma_wait3A_239 : memref<400x128xf32, #tpu.memory_space<vmem_shared>>) dst(%arg11 : memref<80x128xf32, #tpu.memory_space<vmem>>)
      %dma_start3A_240 = arith.constant 2 : i32
      %dma_start3A_241 = arith.constant 0 : i32
      %dma_start3A_242 = tpu.memref_slice %arg7[%dma_start3A_240, %dma_start3A_241] : memref<10x80xi32, #tpu.memory_space<vmem>> -> memref<1x80xi32, #tpu.memory_space<vmem>>
      %dma_start3A_243 = tpu.memref_squeeze %dma_start3A_242 : memref<1x80xi32, #tpu.memory_space<vmem>> -> memref<80xi32, #tpu.memory_space<vmem>>
      %dma_start3A_244 = arith.constant 0 : i32
      %dma_start3A_245 = arith.constant 0 : i32
      %dma_start3A_246 = tpu.memref_slice %arg13[%dma_start3A_244, %dma_start3A_245] : memref<10240x128xf32, #tpu.memory_space<vmem_shared>> -> memref<10240x128xf32, #tpu.memory_space<vmem_shared>>
      tpu.enqueue_indirect_dma source(%arg11 : memref<80x128xf32, #tpu.memory_space<vmem>>) target(%dma_start3A_246 : memref<10240x128xf32, #tpu.memory_space<vmem_shared>>) offsets(%dma_start3A_243 : memref<80xi32, #tpu.memory_space<vmem>>) semaphore(%arg21 : memref<!tpu.dma_semaphore, #tpu.memory_space<semaphore_mem>>) {add = true}
      %dma_wait3A_247 = arith.constant 1 : i32
      %dma_wait3A_248 = arith.constant 0 : i32
      %dma_wait3A_249 = tpu.memref_slice %arg7[%dma_wait3A_247, %dma_wait3A_248] : memref<10x80xi32, #tpu.memory_space<vmem>> -> memref<1x80xi32, #tpu.memory_space<vmem>>
      %dma_wait3A_250 = tpu.memref_squeeze %dma_wait3A_249 : memref<1x80xi32, #tpu.memory_space<vmem>> -> memref<80xi32, #tpu.memory_space<vmem>>
      %dma_wait3A_251 = arith.constant 0 : i32
      %dma_wait3A_252 = arith.constant 0 : i32
      %dma_wait3A_253 = tpu.memref_slice %arg13[%dma_wait3A_251, %dma_wait3A_252] : memref<10240x128xf32, #tpu.memory_space<vmem_shared>> -> memref<10240x128xf32, #tpu.memory_space<vmem_shared>>
      tpu.wait_indirect_dma semaphore(%arg20 : memref<!tpu.dma_semaphore, #tpu.memory_space<semaphore_mem>>) src(%arg10 : memref<80x128xf32, #tpu.memory_space<vmem>>) dst(%dma_wait3A_253 : memref<10240x128xf32, #tpu.memory_space<vmem_shared>>)
      %dma_start3A_254 = arith.constant 5 : i32
      %dma_start3A_255 = arith.constant 0 : i32
      %dma_start3A_256 = tpu.memref_slice %arg8[%dma_start3A_254, %dma_start3A_255] : memref<10x80xi32, #tpu.memory_space<vmem>> -> memref<1x80xi32, #tpu.memory_space<vmem>>
      %dma_start3A_257 = tpu.memref_squeeze %dma_start3A_256 : memref<1x80xi32, #tpu.memory_space<vmem>> -> memref<80xi32, #tpu.memory_space<vmem>>
      %dma_start3A_258 = arith.constant 0 : i32
      %dma_start3A_259 = arith.constant 0 : i32
      %dma_start3A_260 = tpu.memref_slice %arg14[%dma_start3A_258, %dma_start3A_259] : memref<400x128xf32, #tpu.memory_space<vmem_shared>> -> memref<400x128xf32, #tpu.memory_space<vmem_shared>>
      tpu.enqueue_indirect_dma source(%dma_start3A_260 : memref<400x128xf32, #tpu.memory_space<vmem_shared>>) target(%arg10 : memref<80x128xf32, #tpu.memory_space<vmem>>) offsets(%dma_start3A_257 : memref<80xi32, #tpu.memory_space<vmem>>) semaphore(%arg16 : memref<!tpu.dma_semaphore, #tpu.memory_space<semaphore_mem>>)
      %dma_wait3A_261 = arith.constant 3 : i32
      %dma_wait3A_262 = arith.constant 0 : i32
      %dma_wait3A_263 = tpu.memref_slice %arg8[%dma_wait3A_261, %dma_wait3A_262] : memref<10x80xi32, #tpu.memory_space<vmem>> -> memref<1x80xi32, #tpu.memory_space<vmem>>
      %dma_wait3A_264 = tpu.memref_squeeze %dma_wait3A_263 : memref<1x80xi32, #tpu.memory_space<vmem>> -> memref<80xi32, #tpu.memory_space<vmem>>
      %dma_wait3A_265 = arith.constant 0 : i32
      %dma_wait3A_266 = arith.constant 0 : i32
      %dma_wait3A_267 = tpu.memref_slice %arg14[%dma_wait3A_265, %dma_wait3A_266] : memref<400x128xf32, #tpu.memory_space<vmem_shared>> -> memref<400x128xf32, #tpu.memory_space<vmem_shared>>
      tpu.wait_indirect_dma semaphore(%arg18 : memref<!tpu.dma_semaphore, #tpu.memory_space<semaphore_mem>>) src(%dma_wait3A_267 : memref<400x128xf32, #tpu.memory_space<vmem_shared>>) dst(%arg12 : memref<80x128xf32, #tpu.memory_space<vmem>>)
      %dma_start3A_268 = arith.constant 3 : i32
      %dma_start3A_269 = arith.constant 0 : i32
      %dma_start3A_270 = tpu.memref_slice %arg7[%dma_start3A_268, %dma_start3A_269] : memref<10x80xi32, #tpu.memory_space<vmem>> -> memref<1x80xi32, #tpu.memory_space<vmem>>
      %dma_start3A_271 = tpu.memref_squeeze %dma_start3A_270 : memref<1x80xi32, #tpu.memory_space<vmem>> -> memref<80xi32, #tpu.memory_space<vmem>>
      %dma_start3A_272 = arith.constant 0 : i32
      %dma_start3A_273 = arith.constant 0 : i32
      %dma_start3A_274 = tpu.memref_slice %arg13[%dma_start3A_272, %dma_start3A_273] : memref<10240x128xf32, #tpu.memory_space<vmem_shared>> -> memref<10240x128xf32, #tpu.memory_space<vmem_shared>>
      tpu.enqueue_indirect_dma source(%arg12 : memref<80x128xf32, #tpu.memory_space<vmem>>) target(%dma_start3A_274 : memref<10240x128xf32, #tpu.memory_space<vmem_shared>>) offsets(%dma_start3A_271 : memref<80xi32, #tpu.memory_space<vmem>>) semaphore(%arg22 : memref<!tpu.dma_semaphore, #tpu.memory_space<semaphore_mem>>) {add = true}
      %dma_wait3A_275 = arith.constant 2 : i32
      %dma_wait3A_276 = arith.constant 0 : i32
      %dma_wait3A_277 = tpu.memref_slice %arg7[%dma_wait3A_275, %dma_wait3A_276] : memref<10x80xi32, #tpu.memory_space<vmem>> -> memref<1x80xi32, #tpu.memory_space<vmem>>
      %dma_wait3A_278 = tpu.memref_squeeze %dma_wait3A_277 : memref<1x80xi32, #tpu.memory_space<vmem>> -> memref<80xi32, #tpu.memory_space<vmem>>
      %dma_wait3A_279 = arith.constant 0 : i32
      %dma_wait3A_280 = arith.constant 0 : i32
      %dma_wait3A_281 = tpu.memref_slice %arg13[%dma_wait3A_279, %dma_wait3A_280] : memref<10240x128xf32, #tpu.memory_space<vmem_shared>> -> memref<10240x128xf32, #tpu.memory_space<vmem_shared>>
      tpu.wait_indirect_dma semaphore(%arg21 : memref<!tpu.dma_semaphore, #tpu.memory_space<semaphore_mem>>) src(%arg11 : memref<80x128xf32, #tpu.memory_space<vmem>>) dst(%dma_wait3A_281 : memref<10240x128xf32, #tpu.memory_space<vmem_shared>>)
      %dma_start3A_282 = arith.constant 6 : i32
      %dma_start3A_283 = arith.constant 0 : i32
      %dma_start3A_284 = tpu.memref_slice %arg8[%dma_start3A_282, %dma_start3A_283] : memref<10x80xi32, #tpu.memory_space<vmem>> -> memref<1x80xi32, #tpu.memory_space<vmem>>
      %dma_start3A_285 = tpu.memref_squeeze %dma_start3A_284 : memref<1x80xi32, #tpu.memory_space<vmem>> -> memref<80xi32, #tpu.memory_space<vmem>>
      %dma_start3A_286 = arith.constant 0 : i32
      %dma_start3A_287 = arith.constant 0 : i32
      %dma_start3A_288 = tpu.memref_slice %arg14[%dma_start3A_286, %dma_start3A_287] : memref<400x128xf32, #tpu.memory_space<vmem_shared>> -> memref<400x128xf32, #tpu.memory_space<vmem_shared>>
      tpu.enqueue_indirect_dma source(%dma_start3A_288 : memref<400x128xf32, #tpu.memory_space<vmem_shared>>) target(%arg11 : memref<80x128xf32, #tpu.memory_space<vmem>>) offsets(%dma_start3A_285 : memref<80xi32, #tpu.memory_space<vmem>>) semaphore(%arg17 : memref<!tpu.dma_semaphore, #tpu.memory_space<semaphore_mem>>)
      %dma_wait3A_289 = arith.constant 4 : i32
      %dma_wait3A_290 = arith.constant 0 : i32
      %dma_wait3A_291 = tpu.memref_slice %arg8[%dma_wait3A_289, %dma_wait3A_290] : memref<10x80xi32, #tpu.memory_space<vmem>> -> memref<1x80xi32, #tpu.memory_space<vmem>>
      %dma_wait3A_292 = tpu.memref_squeeze %dma_wait3A_291 : memref<1x80xi32, #tpu.memory_space<vmem>> -> memref<80xi32, #tpu.memory_space<vmem>>
      %dma_wait3A_293 = arith.constant 0 : i32
      %dma_wait3A_294 = arith.constant 0 : i32
      %dma_wait3A_295 = tpu.memref_slice %arg14[%dma_wait3A_293, %dma_wait3A_294] : memref<400x128xf32, #tpu.memory_space<vmem_shared>> -> memref<400x128xf32, #tpu.memory_space<vmem_shared>>
      tpu.wait_indirect_dma semaphore(%arg15 : memref<!tpu.dma_semaphore, #tpu.memory_space<semaphore_mem>>) src(%dma_wait3A_295 : memref<400x128xf32, #tpu.memory_space<vmem_shared>>) dst(%arg9 : memref<80x128xf32, #tpu.memory_space<vmem>>)
      %dma_start3A_296 = arith.constant 4 : i32
      %dma_start3A_297 = arith.constant 0 : i32
      %dma_start3A_298 = tpu.memref_slice %arg7[%dma_start3A_296, %dma_start3A_297] : memref<10x80xi32, #tpu.memory_space<vmem>> -> memref<1x80xi32, #tpu.memory_space<vmem>>
      %dma_start3A_299 = tpu.memref_squeeze %dma_start3A_298 : memref<1x80xi32, #tpu.memory_space<vmem>> -> memref<80xi32, #tpu.memory_space<vmem>>
      %dma_start3A_300 = arith.constant 0 : i32
      %dma_start3A_301 = arith.constant 0 : i32
      %dma_start3A_302 = tpu.memref_slice %arg13[%dma_start3A_300, %dma_start3A_301] : memref<10240x128xf32, #tpu.memory_space<vmem_shared>> -> memref<10240x128xf32, #tpu.memory_space<vmem_shared>>
      tpu.enqueue_indirect_dma source(%arg9 : memref<80x128xf32, #tpu.memory_space<vmem>>) target(%dma_start3A_302 : memref<10240x128xf32, #tpu.memory_space<vmem_shared>>) offsets(%dma_start3A_299 : memref<80xi32, #tpu.memory_space<vmem>>) semaphore(%arg19 : memref<!tpu.dma_semaphore, #tpu.memory_space<semaphore_mem>>) {add = true}
      %dma_wait3A_303 = arith.constant 3 : i32
      %dma_wait3A_304 = arith.constant 0 : i32
      %dma_wait3A_305 = tpu.memref_slice %arg7[%dma_wait3A_303, %dma_wait3A_304] : memref<10x80xi32, #tpu.memory_space<vmem>> -> memref<1x80xi32, #tpu.memory_space<vmem>>
      %dma_wait3A_306 = tpu.memref_squeeze %dma_wait3A_305 : memref<1x80xi32, #tpu.memory_space<vmem>> -> memref<80xi32, #tpu.memory_space<vmem>>
      %dma_wait3A_307 = arith.constant 0 : i32
      %dma_wait3A_308 = arith.constant 0 : i32
      %dma_wait3A_309 = tpu.memref_slice %arg13[%dma_wait3A_307, %dma_wait3A_308] : memref<10240x128xf32, #tpu.memory_space<vmem_shared>> -> memref<10240x128xf32, #tpu.memory_space<vmem_shared>>
      tpu.wait_indirect_dma semaphore(%arg22 : memref<!tpu.dma_semaphore, #tpu.memory_space<semaphore_mem>>) src(%arg12 : memref<80x128xf32, #tpu.memory_space<vmem>>) dst(%dma_wait3A_309 : memref<10240x128xf32, #tpu.memory_space<vmem_shared>>)
      %dma_start3A_310 = arith.constant 7 : i32
      %dma_start3A_311 = arith.constant 0 : i32
      %dma_start3A_312 = tpu.memref_slice %arg8[%dma_start3A_310, %dma_start3A_311] : memref<10x80xi32, #tpu.memory_space<vmem>> -> memref<1x80xi32, #tpu.memory_space<vmem>>
      %dma_start3A_313 = tpu.memref_squeeze %dma_start3A_312 : memref<1x80xi32, #tpu.memory_space<vmem>> -> memref<80xi32, #tpu.memory_space<vmem>>
      %dma_start3A_314 = arith.constant 0 : i32
      %dma_start3A_315 = arith.constant 0 : i32
      %dma_start3A_316 = tpu.memref_slice %arg14[%dma_start3A_314, %dma_start3A_315] : memref<400x128xf32, #tpu.memory_space<vmem_shared>> -> memref<400x128xf32, #tpu.memory_space<vmem_shared>>
      tpu.enqueue_indirect_dma source(%dma_start3A_316 : memref<400x128xf32, #tpu.memory_space<vmem_shared>>) target(%arg12 : memref<80x128xf32, #tpu.memory_space<vmem>>) offsets(%dma_start3A_313 : memref<80xi32, #tpu.memory_space<vmem>>) semaphore(%arg18 : memref<!tpu.dma_semaphore, #tpu.memory_space<semaphore_mem>>)
      %dma_wait3A_317 = arith.constant 5 : i32
      %dma_wait3A_318 = arith.constant 0 : i32
      %dma_wait3A_319 = tpu.memref_slice %arg8[%dma_wait3A_317, %dma_wait3A_318] : memref<10x80xi32, #tpu.memory_space<vmem>> -> memref<1x80xi32, #tpu.memory_space<vmem>>
      %dma_wait3A_320 = tpu.memref_squeeze %dma_wait3A_319 : memref<1x80xi32, #tpu.memory_space<vmem>> -> memref<80xi32, #tpu.memory_space<vmem>>
      %dma_wait3A_321 = arith.constant 0 : i32
      %dma_wait3A_322 = arith.constant 0 : i32
      %dma_wait3A_323 = tpu.memref_slice %arg14[%dma_wait3A_321, %dma_wait3A_322] : memref<400x128xf32, #tpu.memory_space<vmem_shared>> -> memref<400x128xf32, #tpu.memory_space<vmem_shared>>
      tpu.wait_indirect_dma semaphore(%arg16 : memref<!tpu.dma_semaphore, #tpu.memory_space<semaphore_mem>>) src(%dma_wait3A_323 : memref<400x128xf32, #tpu.memory_space<vmem_shared>>) dst(%arg10 : memref<80x128xf32, #tpu.memory_space<vmem>>)
      %dma_start3A_324 = arith.constant 5 : i32
      %dma_start3A_325 = arith.constant 0 : i32
      %dma_start3A_326 = tpu.memref_slice %arg7[%dma_start3A_324, %dma_start3A_325] : memref<10x80xi32, #tpu.memory_space<vmem>> -> memref<1x80xi32, #tpu.memory_space<vmem>>
      %dma_start3A_327 = tpu.memref_squeeze %dma_start3A_326 : memref<1x80xi32, #tpu.memory_space<vmem>> -> memref<80xi32, #tpu.memory_space<vmem>>
      %dma_start3A_328 = arith.constant 0 : i32
      %dma_start3A_329 = arith.constant 0 : i32
      %dma_start3A_330 = tpu.memref_slice %arg13[%dma_start3A_328, %dma_start3A_329] : memref<10240x128xf32, #tpu.memory_space<vmem_shared>> -> memref<10240x128xf32, #tpu.memory_space<vmem_shared>>
      tpu.enqueue_indirect_dma source(%arg10 : memref<80x128xf32, #tpu.memory_space<vmem>>) target(%dma_start3A_330 : memref<10240x128xf32, #tpu.memory_space<vmem_shared>>) offsets(%dma_start3A_327 : memref<80xi32, #tpu.memory_space<vmem>>) semaphore(%arg20 : memref<!tpu.dma_semaphore, #tpu.memory_space<semaphore_mem>>) {add = true}
      %dma_wait3A_331 = arith.constant 4 : i32
      %dma_wait3A_332 = arith.constant 0 : i32
      %dma_wait3A_333 = tpu.memref_slice %arg7[%dma_wait3A_331, %dma_wait3A_332] : memref<10x80xi32, #tpu.memory_space<vmem>> -> memref<1x80xi32, #tpu.memory_space<vmem>>
      %dma_wait3A_334 = tpu.memref_squeeze %dma_wait3A_333 : memref<1x80xi32, #tpu.memory_space<vmem>> -> memref<80xi32, #tpu.memory_space<vmem>>
      %dma_wait3A_335 = arith.constant 0 : i32
      %dma_wait3A_336 = arith.constant 0 : i32
      %dma_wait3A_337 = tpu.memref_slice %arg13[%dma_wait3A_335, %dma_wait3A_336] : memref<10240x128xf32, #tpu.memory_space<vmem_shared>> -> memref<10240x128xf32, #tpu.memory_space<vmem_shared>>
      tpu.wait_indirect_dma semaphore(%arg19 : memref<!tpu.dma_semaphore, #tpu.memory_space<semaphore_mem>>) src(%arg9 : memref<80x128xf32, #tpu.memory_space<vmem>>) dst(%dma_wait3A_337 : memref<10240x128xf32, #tpu.memory_space<vmem_shared>>)
      %dma_start3A_338 = arith.constant 8 : i32
      %dma_start3A_339 = arith.constant 0 : i32
      %dma_start3A_340 = tpu.memref_slice %arg8[%dma_start3A_338, %dma_start3A_339] : memref<10x80xi32, #tpu.memory_space<vmem>> -> memref<1x80xi32, #tpu.memory_space<vmem>>
      %dma_start3A_341 = tpu.memref_squeeze %dma_start3A_340 : memref<1x80xi32, #tpu.memory_space<vmem>> -> memref<80xi32, #tpu.memory_space<vmem>>
      %dma_start3A_342 = arith.constant 0 : i32
      %dma_start3A_343 = arith.constant 0 : i32
      %dma_start3A_344 = tpu.memref_slice %arg14[%dma_start3A_342, %dma_start3A_343] : memref<400x128xf32, #tpu.memory_space<vmem_shared>> -> memref<400x128xf32, #tpu.memory_space<vmem_shared>>
      tpu.enqueue_indirect_dma source(%dma_start3A_344 : memref<400x128xf32, #tpu.memory_space<vmem_shared>>) target(%arg9 : memref<80x128xf32, #tpu.memory_space<vmem>>) offsets(%dma_start3A_341 : memref<80xi32, #tpu.memory_space<vmem>>) semaphore(%arg15 : memref<!tpu.dma_semaphore, #tpu.memory_space<semaphore_mem>>)
      %dma_wait3A_345 = arith.constant 6 : i32
      %dma_wait3A_346 = arith.constant 0 : i32
      %dma_wait3A_347 = tpu.memref_slice %arg8[%dma_wait3A_345, %dma_wait3A_346] : memref<10x80xi32, #tpu.memory_space<vmem>> -> memref<1x80xi32, #tpu.memory_space<vmem>>
      %dma_wait3A_348 = tpu.memref_squeeze %dma_wait3A_347 : memref<1x80xi32, #tpu.memory_space<vmem>> -> memref<80xi32, #tpu.memory_space<vmem>>
      %dma_wait3A_349 = arith.constant 0 : i32
      %dma_wait3A_350 = arith.constant 0 : i32
      %dma_wait3A_351 = tpu.memref_slice %arg14[%dma_wait3A_349, %dma_wait3A_350] : memref<400x128xf32, #tpu.memory_space<vmem_shared>> -> memref<400x128xf32, #tpu.memory_space<vmem_shared>>
      tpu.wait_indirect_dma semaphore(%arg17 : memref<!tpu.dma_semaphore, #tpu.memory_space<semaphore_mem>>) src(%dma_wait3A_351 : memref<400x128xf32, #tpu.memory_space<vmem_shared>>) dst(%arg11 : memref<80x128xf32, #tpu.memory_space<vmem>>)
      %dma_start3A_352 = arith.constant 6 : i32
      %dma_start3A_353 = arith.constant 0 : i32
      %dma_start3A_354 = tpu.memref_slice %arg7[%dma_start3A_352, %dma_start3A_353] : memref<10x80xi32, #tpu.memory_space<vmem>> -> memref<1x80xi32, #tpu.memory_space<vmem>>
      %dma_start3A_355 = tpu.memref_squeeze %dma_start3A_354 : memref<1x80xi32, #tpu.memory_space<vmem>> -> memref<80xi32, #tpu.memory_space<vmem>>
      %dma_start3A_356 = arith.constant 0 : i32
      %dma_start3A_357 = arith.constant 0 : i32
      %dma_start3A_358 = tpu.memref_slice %arg13[%dma_start3A_356, %dma_start3A_357] : memref<10240x128xf32, #tpu.memory_space<vmem_shared>> -> memref<10240x128xf32, #tpu.memory_space<vmem_shared>>
      tpu.enqueue_indirect_dma source(%arg11 : memref<80x128xf32, #tpu.memory_space<vmem>>) target(%dma_start3A_358 : memref<10240x128xf32, #tpu.memory_space<vmem_shared>>) offsets(%dma_start3A_355 : memref<80xi32, #tpu.memory_space<vmem>>) semaphore(%arg21 : memref<!tpu.dma_semaphore, #tpu.memory_space<semaphore_mem>>) {add = true}
      %dma_wait3A_359 = arith.constant 5 : i32
      %dma_wait3A_360 = arith.constant 0 : i32
      %dma_wait3A_361 = tpu.memref_slice %arg7[%dma_wait3A_359, %dma_wait3A_360] : memref<10x80xi32, #tpu.memory_space<vmem>> -> memref<1x80xi32, #tpu.memory_space<vmem>>
      %dma_wait3A_362 = tpu.memref_squeeze %dma_wait3A_361 : memref<1x80xi32, #tpu.memory_space<vmem>> -> memref<80xi32, #tpu.memory_space<vmem>>
      %dma_wait3A_363 = arith.constant 0 : i32
      %dma_wait3A_364 = arith.constant 0 : i32
      %dma_wait3A_365 = tpu.memref_slice %arg13[%dma_wait3A_363, %dma_wait3A_364] : memref<10240x128xf32, #tpu.memory_space<vmem_shared>> -> memref<10240x128xf32, #tpu.memory_space<vmem_shared>>
      tpu.wait_indirect_dma semaphore(%arg20 : memref<!tpu.dma_semaphore, #tpu.memory_space<semaphore_mem>>) src(%arg10 : memref<80x128xf32, #tpu.memory_space<vmem>>) dst(%dma_wait3A_365 : memref<10240x128xf32, #tpu.memory_space<vmem_shared>>)
      %dma_start3A_366 = arith.constant 9 : i32
      %dma_start3A_367 = arith.constant 0 : i32
      %dma_start3A_368 = tpu.memref_slice %arg8[%dma_start3A_366, %dma_start3A_367] : memref<10x80xi32, #tpu.memory_space<vmem>> -> memref<1x80xi32, #tpu.memory_space<vmem>>
      %dma_start3A_369 = tpu.memref_squeeze %dma_start3A_368 : memref<1x80xi32, #tpu.memory_space<vmem>> -> memref<80xi32, #tpu.memory_space<vmem>>
      %dma_start3A_370 = arith.constant 0 : i32
      %dma_start3A_371 = arith.constant 0 : i32
      %dma_start3A_372 = tpu.memref_slice %arg14[%dma_start3A_370, %dma_start3A_371] : memref<400x128xf32, #tpu.memory_space<vmem_shared>> -> memref<400x128xf32, #tpu.memory_space<vmem_shared>>
      tpu.enqueue_indirect_dma source(%dma_start3A_372 : memref<400x128xf32, #tpu.memory_space<vmem_shared>>) target(%arg10 : memref<80x128xf32, #tpu.memory_space<vmem>>) offsets(%dma_start3A_369 : memref<80xi32, #tpu.memory_space<vmem>>) semaphore(%arg16 : memref<!tpu.dma_semaphore, #tpu.memory_space<semaphore_mem>>)
      %dma_wait3A_373 = arith.constant 7 : i32
      %dma_wait3A_374 = arith.constant 0 : i32
      %dma_wait3A_375 = tpu.memref_slice %arg8[%dma_wait3A_373, %dma_wait3A_374] : memref<10x80xi32, #tpu.memory_space<vmem>> -> memref<1x80xi32, #tpu.memory_space<vmem>>
      %dma_wait3A_376 = tpu.memref_squeeze %dma_wait3A_375 : memref<1x80xi32, #tpu.memory_space<vmem>> -> memref<80xi32, #tpu.memory_space<vmem>>
      %dma_wait3A_377 = arith.constant 0 : i32
      %dma_wait3A_378 = arith.constant 0 : i32
      %dma_wait3A_379 = tpu.memref_slice %arg14[%dma_wait3A_377, %dma_wait3A_378] : memref<400x128xf32, #tpu.memory_space<vmem_shared>> -> memref<400x128xf32, #tpu.memory_space<vmem_shared>>
      tpu.wait_indirect_dma semaphore(%arg18 : memref<!tpu.dma_semaphore, #tpu.memory_space<semaphore_mem>>) src(%dma_wait3A_379 : memref<400x128xf32, #tpu.memory_space<vmem_shared>>) dst(%arg12 : memref<80x128xf32, #tpu.memory_space<vmem>>)
      %dma_start3A_380 = arith.constant 7 : i32
      %dma_start3A_381 = arith.constant 0 : i32
      %dma_start3A_382 = tpu.memref_slice %arg7[%dma_start3A_380, %dma_start3A_381] : memref<10x80xi32, #tpu.memory_space<vmem>> -> memref<1x80xi32, #tpu.memory_space<vmem>>
      %dma_start3A_383 = tpu.memref_squeeze %dma_start3A_382 : memref<1x80xi32, #tpu.memory_space<vmem>> -> memref<80xi32, #tpu.memory_space<vmem>>
      %dma_start3A_384 = arith.constant 0 : i32
      %dma_start3A_385 = arith.constant 0 : i32
      %dma_start3A_386 = tpu.memref_slice %arg13[%dma_start3A_384, %dma_start3A_385] : memref<10240x128xf32, #tpu.memory_space<vmem_shared>> -> memref<10240x128xf32, #tpu.memory_space<vmem_shared>>
      tpu.enqueue_indirect_dma source(%arg12 : memref<80x128xf32, #tpu.memory_space<vmem>>) target(%dma_start3A_386 : memref<10240x128xf32, #tpu.memory_space<vmem_shared>>) offsets(%dma_start3A_383 : memref<80xi32, #tpu.memory_space<vmem>>) semaphore(%arg22 : memref<!tpu.dma_semaphore, #tpu.memory_space<semaphore_mem>>) {add = true}
      %dma_wait3A_387 = arith.constant 8 : i32
      %dma_wait3A_388 = arith.constant 0 : i32
      %dma_wait3A_389 = tpu.memref_slice %arg8[%dma_wait3A_387, %dma_wait3A_388] : memref<10x80xi32, #tpu.memory_space<vmem>> -> memref<1x80xi32, #tpu.memory_space<vmem>>
      %dma_wait3A_390 = tpu.memref_squeeze %dma_wait3A_389 : memref<1x80xi32, #tpu.memory_space<vmem>> -> memref<80xi32, #tpu.memory_space<vmem>>
      %dma_wait3A_391 = arith.constant 0 : i32
      %dma_wait3A_392 = arith.constant 0 : i32
      %dma_wait3A_393 = tpu.memref_slice %arg14[%dma_wait3A_391, %dma_wait3A_392] : memref<400x128xf32, #tpu.memory_space<vmem_shared>> -> memref<400x128xf32, #tpu.memory_space<vmem_shared>>
      tpu.wait_indirect_dma semaphore(%arg15 : memref<!tpu.dma_semaphore, #tpu.memory_space<semaphore_mem>>) src(%dma_wait3A_393 : memref<400x128xf32, #tpu.memory_space<vmem_shared>>) dst(%arg9 : memref<80x128xf32, #tpu.memory_space<vmem>>)
      %dma_start3A_394 = arith.constant 8 : i32
      %dma_start3A_395 = arith.constant 0 : i32
      %dma_start3A_396 = tpu.memref_slice %arg7[%dma_start3A_394, %dma_start3A_395] : memref<10x80xi32, #tpu.memory_space<vmem>> -> memref<1x80xi32, #tpu.memory_space<vmem>>
      %dma_start3A_397 = tpu.memref_squeeze %dma_start3A_396 : memref<1x80xi32, #tpu.memory_space<vmem>> -> memref<80xi32, #tpu.memory_space<vmem>>
      %dma_start3A_398 = arith.constant 0 : i32
      %dma_start3A_399 = arith.constant 0 : i32
      %dma_start3A_400 = tpu.memref_slice %arg13[%dma_start3A_398, %dma_start3A_399] : memref<10240x128xf32, #tpu.memory_space<vmem_shared>> -> memref<10240x128xf32, #tpu.memory_space<vmem_shared>>
      tpu.enqueue_indirect_dma source(%arg9 : memref<80x128xf32, #tpu.memory_space<vmem>>) target(%dma_start3A_400 : memref<10240x128xf32, #tpu.memory_space<vmem_shared>>) offsets(%dma_start3A_397 : memref<80xi32, #tpu.memory_space<vmem>>) semaphore(%arg19 : memref<!tpu.dma_semaphore, #tpu.memory_space<semaphore_mem>>) {add = true}
      %dma_wait3A_401 = arith.constant 9 : i32
      %dma_wait3A_402 = arith.constant 0 : i32
      %dma_wait3A_403 = tpu.memref_slice %arg8[%dma_wait3A_401, %dma_wait3A_402] : memref<10x80xi32, #tpu.memory_space<vmem>> -> memref<1x80xi32, #tpu.memory_space<vmem>>
      %dma_wait3A_404 = tpu.memref_squeeze %dma_wait3A_403 : memref<1x80xi32, #tpu.memory_space<vmem>> -> memref<80xi32, #tpu.memory_space<vmem>>
      %dma_wait3A_405 = arith.constant 0 : i32
      %dma_wait3A_406 = arith.constant 0 : i32
      %dma_wait3A_407 = tpu.memref_slice %arg14[%dma_wait3A_405, %dma_wait3A_406] : memref<400x128xf32, #tpu.memory_space<vmem_shared>> -> memref<400x128xf32, #tpu.memory_space<vmem_shared>>
      tpu.wait_indirect_dma semaphore(%arg16 : memref<!tpu.dma_semaphore, #tpu.memory_space<semaphore_mem>>) src(%dma_wait3A_407 : memref<400x128xf32, #tpu.memory_space<vmem_shared>>) dst(%arg10 : memref<80x128xf32, #tpu.memory_space<vmem>>)
      %dma_start3A_408 = arith.constant 9 : i32
      %dma_start3A_409 = arith.constant 0 : i32
      %dma_start3A_410 = tpu.memref_slice %arg7[%dma_start3A_408, %dma_start3A_409] : memref<10x80xi32, #tpu.memory_space<vmem>> -> memref<1x80xi32, #tpu.memory_space<vmem>>
      %dma_start3A_411 = tpu.memref_squeeze %dma_start3A_410 : memref<1x80xi32, #tpu.memory_space<vmem>> -> memref<80xi32, #tpu.memory_space<vmem>>
      %dma_start3A_412 = arith.constant 0 : i32
      %dma_start3A_413 = arith.constant 0 : i32
      %dma_start3A_414 = tpu.memref_slice %arg13[%dma_start3A_412, %dma_start3A_413] : memref<10240x128xf32, #tpu.memory_space<vmem_shared>> -> memref<10240x128xf32, #tpu.memory_space<vmem_shared>>
      tpu.enqueue_indirect_dma source(%arg10 : memref<80x128xf32, #tpu.memory_space<vmem>>) target(%dma_start3A_414 : memref<10240x128xf32, #tpu.memory_space<vmem_shared>>) offsets(%dma_start3A_411 : memref<80xi32, #tpu.memory_space<vmem>>) semaphore(%arg20 : memref<!tpu.dma_semaphore, #tpu.memory_space<semaphore_mem>>) {add = true}
      %dma_wait3A_415 = arith.constant 6 : i32
      %dma_wait3A_416 = arith.constant 0 : i32
      %dma_wait3A_417 = tpu.memref_slice %arg7[%dma_wait3A_415, %dma_wait3A_416] : memref<10x80xi32, #tpu.memory_space<vmem>> -> memref<1x80xi32, #tpu.memory_space<vmem>>
      %dma_wait3A_418 = tpu.memref_squeeze %dma_wait3A_417 : memref<1x80xi32, #tpu.memory_space<vmem>> -> memref<80xi32, #tpu.memory_space<vmem>>
      %dma_wait3A_419 = arith.constant 0 : i32
      %dma_wait3A_420 = arith.constant 0 : i32
      %dma_wait3A_421 = tpu.memref_slice %arg13[%dma_wait3A_419, %dma_wait3A_420] : memref<10240x128xf32, #tpu.memory_space<vmem_shared>> -> memref<10240x128xf32, #tpu.memory_space<vmem_shared>>
      tpu.wait_indirect_dma semaphore(%arg21 : memref<!tpu.dma_semaphore, #tpu.memory_space<semaphore_mem>>) src(%arg11 : memref<80x128xf32, #tpu.memory_space<vmem>>) dst(%dma_wait3A_421 : memref<10240x128xf32, #tpu.memory_space<vmem_shared>>)
      %dma_wait3A_422 = arith.constant 7 : i32
      %dma_wait3A_423 = arith.constant 0 : i32
      %dma_wait3A_424 = tpu.memref_slice %arg7[%dma_wait3A_422, %dma_wait3A_423] : memref<10x80xi32, #tpu.memory_space<vmem>> -> memref<1x80xi32, #tpu.memory_space<vmem>>
      %dma_wait3A_425 = tpu.memref_squeeze %dma_wait3A_424 : memref<1x80xi32, #tpu.memory_space<vmem>> -> memref<80xi32, #tpu.memory_space<vmem>>
      %dma_wait3A_426 = arith.constant 0 : i32
      %dma_wait3A_427 = arith.constant 0 : i32
      %dma_wait3A_428 = tpu.memref_slice %arg13[%dma_wait3A_426, %dma_wait3A_427] : memref<10240x128xf32, #tpu.memory_space<vmem_shared>> -> memref<10240x128xf32, #tpu.memory_space<vmem_shared>>
      tpu.wait_indirect_dma semaphore(%arg22 : memref<!tpu.dma_semaphore, #tpu.memory_space<semaphore_mem>>) src(%arg12 : memref<80x128xf32, #tpu.memory_space<vmem>>) dst(%dma_wait3A_428 : memref<10240x128xf32, #tpu.memory_space<vmem_shared>>)
      %dma_wait3A_429 = arith.constant 8 : i32
      %dma_wait3A_430 = arith.constant 0 : i32
      %dma_wait3A_431 = tpu.memref_slice %arg7[%dma_wait3A_429, %dma_wait3A_430] : memref<10x80xi32, #tpu.memory_space<vmem>> -> memref<1x80xi32, #tpu.memory_space<vmem>>
      %dma_wait3A_432 = tpu.memref_squeeze %dma_wait3A_431 : memref<1x80xi32, #tpu.memory_space<vmem>> -> memref<80xi32, #tpu.memory_space<vmem>>
      %dma_wait3A_433 = arith.constant 0 : i32
      %dma_wait3A_434 = arith.constant 0 : i32
      %dma_wait3A_435 = tpu.memref_slice %arg13[%dma_wait3A_433, %dma_wait3A_434] : memref<10240x128xf32, #tpu.memory_space<vmem_shared>> -> memref<10240x128xf32, #tpu.memory_space<vmem_shared>>
      tpu.wait_indirect_dma semaphore(%arg19 : memref<!tpu.dma_semaphore, #tpu.memory_space<semaphore_mem>>) src(%arg9 : memref<80x128xf32, #tpu.memory_space<vmem>>) dst(%dma_wait3A_435 : memref<10240x128xf32, #tpu.memory_space<vmem_shared>>)
      %dma_wait3A_436 = arith.constant 9 : i32
      %dma_wait3A_437 = arith.constant 0 : i32
      %dma_wait3A_438 = tpu.memref_slice %arg7[%dma_wait3A_436, %dma_wait3A_437] : memref<10x80xi32, #tpu.memory_space<vmem>> -> memref<1x80xi32, #tpu.memory_space<vmem>>
      %dma_wait3A_439 = tpu.memref_squeeze %dma_wait3A_438 : memref<1x80xi32, #tpu.memory_space<vmem>> -> memref<80xi32, #tpu.memory_space<vmem>>
      %dma_wait3A_440 = arith.constant 0 : i32
      %dma_wait3A_441 = arith.constant 0 : i32
      %dma_wait3A_442 = tpu.memref_slice %arg13[%dma_wait3A_440, %dma_wait3A_441] : memref<10240x128xf32, #tpu.memory_space<vmem_shared>> -> memref<10240x128xf32, #tpu.memory_space<vmem_shared>>
      tpu.wait_indirect_dma semaphore(%arg20 : memref<!tpu.dma_semaphore, #tpu.memory_space<semaphore_mem>>) src(%arg10 : memref<80x128xf32, #tpu.memory_space<vmem>>) dst(%dma_wait3A_442 : memref<10240x128xf32, #tpu.memory_space<vmem_shared>>)
    }
    %scan3A_12 = arith.constant 12 : i32
    "tpu.region"() ({
      %run_scoped3A = tpu.sem_alloc : memref<!tpu.dma_semaphore, #tpu.memory_space<semaphore_mem>>
      %dma_start3A_156 = arith.constant 0 : i32
      %dma_start3A_157 = arith.constant 0 : i32
      %dma_start3A_158 = tpu.memref_slice %arg7[%dma_start3A_156, %dma_start3A_157] : memref<10x80xi32, #tpu.memory_space<vmem>> -> memref<5x80xi32, #tpu.memory_space<vmem>>
      %dma_start3A_159 = arith.constant 120 : i32
      %dma_start3A_160 = arith.constant 0 : i32
      %dma_start3A_161 = tpu.memref_slice %arg3[%add3A, %dma_start3A_159, %dma_start3A_160] : memref<32x125x80xi32, #tpu.memory_space<hbm>> -> memref<1x5x80xi32, #tpu.memory_space<hbm>>
      %dma_start3A_162 = tpu.memref_squeeze %dma_start3A_161 : memref<1x5x80xi32, #tpu.memory_space<hbm>> -> memref<5x80xi32, #tpu.memory_space<hbm>>
      %dma_start3A_163 = arith.constant 0 : i32
      %dma_start3A_164 = arith.constant 0 : i32
      %dma_start3A_165 = tpu.memref_slice %arg7[%dma_start3A_163, %dma_start3A_164] : memref<10x80xi32, #tpu.memory_space<vmem>> -> memref<5x80xi32, #tpu.memory_space<vmem>>
      %dma_start3A_166 = arith.constant 120 : i32
      %dma_start3A_167 = arith.constant 0 : i32
      %dma_start3A_168 = tpu.memref_slice %arg3[%add3A, %dma_start3A_166, %dma_start3A_167] : memref<32x125x80xi32, #tpu.memory_space<hbm>> -> memref<1x5x80xi32, #tpu.memory_space<hbm>>
      %dma_start3A_169 = tpu.memref_squeeze %dma_start3A_168 : memref<1x5x80xi32, #tpu.memory_space<hbm>> -> memref<5x80xi32, #tpu.memory_space<hbm>>
      tpu.enqueue_dma source(%dma_start3A_169 : memref<5x80xi32, #tpu.memory_space<hbm>>) target(%dma_start3A_165 : memref<5x80xi32, #tpu.memory_space<vmem>>) target_semaphore(%run_scoped3A : memref<!tpu.dma_semaphore, #tpu.memory_space<semaphore_mem>>)
      %dma_wait3A_170 = arith.constant 0 : i32
      %dma_wait3A_171 = arith.constant 0 : i32
      %dma_wait3A_172 = tpu.memref_slice %arg7[%dma_wait3A_170, %dma_wait3A_171] : memref<10x80xi32, #tpu.memory_space<vmem>> -> memref<5x80xi32, #tpu.memory_space<vmem>>
      %dma_wait3A_173 = arith.constant 120 : i32
      %dma_wait3A_174 = arith.constant 0 : i32
      %dma_wait3A_175 = tpu.memref_slice %arg3[%add3A, %dma_wait3A_173, %dma_wait3A_174] : memref<32x125x80xi32, #tpu.memory_space<hbm>> -> memref<1x5x80xi32, #tpu.memory_space<hbm>>
      %dma_wait3A_176 = tpu.memref_squeeze %dma_wait3A_175 : memref<1x5x80xi32, #tpu.memory_space<hbm>> -> memref<5x80xi32, #tpu.memory_space<hbm>>
      %dma_wait3A_177 = arith.constant 0 : i32
      %dma_wait3A_178 = arith.constant 0 : i32
      %dma_wait3A_179 = tpu.memref_slice %arg7[%dma_wait3A_177, %dma_wait3A_178] : memref<10x80xi32, #tpu.memory_space<vmem>> -> memref<5x80xi32, #tpu.memory_space<vmem>>
      %dma_wait3A_180 = arith.constant 120 : i32
      %dma_wait3A_181 = arith.constant 0 : i32
      %dma_wait3A_182 = tpu.memref_slice %arg3[%add3A, %dma_wait3A_180, %dma_wait3A_181] : memref<32x125x80xi32, #tpu.memory_space<hbm>> -> memref<1x5x80xi32, #tpu.memory_space<hbm>>
      %dma_wait3A_183 = tpu.memref_squeeze %dma_wait3A_182 : memref<1x5x80xi32, #tpu.memory_space<hbm>> -> memref<5x80xi32, #tpu.memory_space<hbm>>
      tpu.wait_dma2 semaphore(%run_scoped3A : memref<!tpu.dma_semaphore, #tpu.memory_space<semaphore_mem>>) src(%dma_wait3A_183 : memref<5x80xi32, #tpu.memory_space<hbm>>) dst(%dma_wait3A_179 : memref<5x80xi32, #tpu.memory_space<vmem>>)
      tpu.yield
    }) : () -> ()
    "tpu.region"() ({
      %run_scoped3A = tpu.sem_alloc : memref<!tpu.dma_semaphore, #tpu.memory_space<semaphore_mem>>
      %dma_start3A_156 = arith.constant 0 : i32
      %dma_start3A_157 = arith.constant 0 : i32
      %dma_start3A_158 = tpu.memref_slice %arg8[%dma_start3A_156, %dma_start3A_157] : memref<10x80xi32, #tpu.memory_space<vmem>> -> memref<5x80xi32, #tpu.memory_space<vmem>>
      %dma_start3A_159 = arith.constant 120 : i32
      %dma_start3A_160 = arith.constant 0 : i32
      %dma_start3A_161 = tpu.memref_slice %arg4[%add3A, %dma_start3A_159, %dma_start3A_160] : memref<32x125x80xi32, #tpu.memory_space<hbm>> -> memref<1x5x80xi32, #tpu.memory_space<hbm>>
      %dma_start3A_162 = tpu.memref_squeeze %dma_start3A_161 : memref<1x5x80xi32, #tpu.memory_space<hbm>> -> memref<5x80xi32, #tpu.memory_space<hbm>>
      %dma_start3A_163 = arith.constant 0 : i32
      %dma_start3A_164 = arith.constant 0 : i32
      %dma_start3A_165 = tpu.memref_slice %arg8[%dma_start3A_163, %dma_start3A_164] : memref<10x80xi32, #tpu.memory_space<vmem>> -> memref<5x80xi32, #tpu.memory_space<vmem>>
      %dma_start3A_166 = arith.constant 120 : i32
      %dma_start3A_167 = arith.constant 0 : i32
      %dma_start3A_168 = tpu.memref_slice %arg4[%add3A, %dma_start3A_166, %dma_start3A_167] : memref<32x125x80xi32, #tpu.memory_space<hbm>> -> memref<1x5x80xi32, #tpu.memory_space<hbm>>
      %dma_start3A_169 = tpu.memref_squeeze %dma_start3A_168 : memref<1x5x80xi32, #tpu.memory_space<hbm>> -> memref<5x80xi32, #tpu.memory_space<hbm>>
      tpu.enqueue_dma source(%dma_start3A_169 : memref<5x80xi32, #tpu.memory_space<hbm>>) target(%dma_start3A_165 : memref<5x80xi32, #tpu.memory_space<vmem>>) target_semaphore(%run_scoped3A : memref<!tpu.dma_semaphore, #tpu.memory_space<semaphore_mem>>)
      %dma_wait3A_170 = arith.constant 0 : i32
      %dma_wait3A_171 = arith.constant 0 : i32
      %dma_wait3A_172 = tpu.memref_slice %arg8[%dma_wait3A_170, %dma_wait3A_171] : memref<10x80xi32, #tpu.memory_space<vmem>> -> memref<5x80xi32, #tpu.memory_space<vmem>>
      %dma_wait3A_173 = arith.constant 120 : i32
      %dma_wait3A_174 = arith.constant 0 : i32
      %dma_wait3A_175 = tpu.memref_slice %arg4[%add3A, %dma_wait3A_173, %dma_wait3A_174] : memref<32x125x80xi32, #tpu.memory_space<hbm>> -> memref<1x5x80xi32, #tpu.memory_space<hbm>>
      %dma_wait3A_176 = tpu.memref_squeeze %dma_wait3A_175 : memref<1x5x80xi32, #tpu.memory_space<hbm>> -> memref<5x80xi32, #tpu.memory_space<hbm>>
      %dma_wait3A_177 = arith.constant 0 : i32
      %dma_wait3A_178 = arith.constant 0 : i32
      %dma_wait3A_179 = tpu.memref_slice %arg8[%dma_wait3A_177, %dma_wait3A_178] : memref<10x80xi32, #tpu.memory_space<vmem>> -> memref<5x80xi32, #tpu.memory_space<vmem>>
      %dma_wait3A_180 = arith.constant 120 : i32
      %dma_wait3A_181 = arith.constant 0 : i32
      %dma_wait3A_182 = tpu.memref_slice %arg4[%add3A, %dma_wait3A_180, %dma_wait3A_181] : memref<32x125x80xi32, #tpu.memory_space<hbm>> -> memref<1x5x80xi32, #tpu.memory_space<hbm>>
      %dma_wait3A_183 = tpu.memref_squeeze %dma_wait3A_182 : memref<1x5x80xi32, #tpu.memory_space<hbm>> -> memref<5x80xi32, #tpu.memory_space<hbm>>
      tpu.wait_dma2 semaphore(%run_scoped3A : memref<!tpu.dma_semaphore, #tpu.memory_space<semaphore_mem>>) src(%dma_wait3A_183 : memref<5x80xi32, #tpu.memory_space<hbm>>) dst(%dma_wait3A_179 : memref<5x80xi32, #tpu.memory_space<vmem>>)
      tpu.yield
    }) : () -> ()
    %dma_start3A = arith.constant 0 : i32
    %dma_start3A_13 = arith.constant 0 : i32
    %dma_start3A_14 = tpu.memref_slice %arg8[%dma_start3A, %dma_start3A_13] : memref<10x80xi32, #tpu.memory_space<vmem>> -> memref<1x80xi32, #tpu.memory_space<vmem>>
    %dma_start3A_15 = tpu.memref_squeeze %dma_start3A_14 : memref<1x80xi32, #tpu.memory_space<vmem>> -> memref<80xi32, #tpu.memory_space<vmem>>
    %dma_start3A_16 = arith.constant 0 : i32
    %dma_start3A_17 = arith.constant 0 : i32
    %dma_start3A_18 = tpu.memref_slice %arg14[%dma_start3A_16, %dma_start3A_17] : memref<400x128xf32, #tpu.memory_space<vmem_shared>> -> memref<400x128xf32, #tpu.memory_space<vmem_shared>>
    tpu.enqueue_indirect_dma source(%dma_start3A_18 : memref<400x128xf32, #tpu.memory_space<vmem_shared>>) target(%arg9 : memref<80x128xf32, #tpu.memory_space<vmem>>) offsets(%dma_start3A_15 : memref<80xi32, #tpu.memory_space<vmem>>) semaphore(%arg15 : memref<!tpu.dma_semaphore, #tpu.memory_space<semaphore_mem>>)
    %dma_start3A_19 = arith.constant 1 : i32
    %dma_start3A_20 = arith.constant 0 : i32
    %dma_start3A_21 = tpu.memref_slice %arg8[%dma_start3A_19, %dma_start3A_20] : memref<10x80xi32, #tpu.memory_space<vmem>> -> memref<1x80xi32, #tpu.memory_space<vmem>>
    %dma_start3A_22 = tpu.memref_squeeze %dma_start3A_21 : memref<1x80xi32, #tpu.memory_space<vmem>> -> memref<80xi32, #tpu.memory_space<vmem>>
    %dma_start3A_23 = arith.constant 0 : i32
    %dma_start3A_24 = arith.constant 0 : i32
    %dma_start3A_25 = tpu.memref_slice %arg14[%dma_start3A_23, %dma_start3A_24] : memref<400x128xf32, #tpu.memory_space<vmem_shared>> -> memref<400x128xf32, #tpu.memory_space<vmem_shared>>
    tpu.enqueue_indirect_dma source(%dma_start3A_25 : memref<400x128xf32, #tpu.memory_space<vmem_shared>>) target(%arg10 : memref<80x128xf32, #tpu.memory_space<vmem>>) offsets(%dma_start3A_22 : memref<80xi32, #tpu.memory_space<vmem>>) semaphore(%arg16 : memref<!tpu.dma_semaphore, #tpu.memory_space<semaphore_mem>>)
    %dma_start3A_26 = arith.constant 2 : i32
    %dma_start3A_27 = arith.constant 0 : i32
    %dma_start3A_28 = tpu.memref_slice %arg8[%dma_start3A_26, %dma_start3A_27] : memref<10x80xi32, #tpu.memory_space<vmem>> -> memref<1x80xi32, #tpu.memory_space<vmem>>
    %dma_start3A_29 = tpu.memref_squeeze %dma_start3A_28 : memref<1x80xi32, #tpu.memory_space<vmem>> -> memref<80xi32, #tpu.memory_space<vmem>>
    %dma_start3A_30 = arith.constant 0 : i32
    %dma_start3A_31 = arith.constant 0 : i32
    %dma_start3A_32 = tpu.memref_slice %arg14[%dma_start3A_30, %dma_start3A_31] : memref<400x128xf32, #tpu.memory_space<vmem_shared>> -> memref<400x128xf32, #tpu.memory_space<vmem_shared>>
    tpu.enqueue_indirect_dma source(%dma_start3A_32 : memref<400x128xf32, #tpu.memory_space<vmem_shared>>) target(%arg11 : memref<80x128xf32, #tpu.memory_space<vmem>>) offsets(%dma_start3A_29 : memref<80xi32, #tpu.memory_space<vmem>>) semaphore(%arg17 : memref<!tpu.dma_semaphore, #tpu.memory_space<semaphore_mem>>)
    %dma_wait3A = arith.constant 0 : i32
    %dma_wait3A_33 = arith.constant 0 : i32
    %dma_wait3A_34 = tpu.memref_slice %arg8[%dma_wait3A, %dma_wait3A_33] : memref<10x80xi32, #tpu.memory_space<vmem>> -> memref<1x80xi32, #tpu.memory_space<vmem>>
    %dma_wait3A_35 = tpu.memref_squeeze %dma_wait3A_34 : memref<1x80xi32, #tpu.memory_space<vmem>> -> memref<80xi32, #tpu.memory_space<vmem>>
    %dma_wait3A_36 = arith.constant 0 : i32
    %dma_wait3A_37 = arith.constant 0 : i32
    %dma_wait3A_38 = tpu.memref_slice %arg14[%dma_wait3A_36, %dma_wait3A_37] : memref<400x128xf32, #tpu.memory_space<vmem_shared>> -> memref<400x128xf32, #tpu.memory_space<vmem_shared>>
    tpu.wait_indirect_dma semaphore(%arg15 : memref<!tpu.dma_semaphore, #tpu.memory_space<semaphore_mem>>) src(%dma_wait3A_38 : memref<400x128xf32, #tpu.memory_space<vmem_shared>>) dst(%arg9 : memref<80x128xf32, #tpu.memory_space<vmem>>)
    %dma_start3A_39 = arith.constant 0 : i32
    %dma_start3A_40 = arith.constant 0 : i32
    %dma_start3A_41 = tpu.memref_slice %arg7[%dma_start3A_39, %dma_start3A_40] : memref<10x80xi32, #tpu.memory_space<vmem>> -> memref<1x80xi32, #tpu.memory_space<vmem>>
    %dma_start3A_42 = tpu.memref_squeeze %dma_start3A_41 : memref<1x80xi32, #tpu.memory_space<vmem>> -> memref<80xi32, #tpu.memory_space<vmem>>
    %dma_start3A_43 = arith.constant 0 : i32
    %dma_start3A_44 = arith.constant 0 : i32
    %dma_start3A_45 = tpu.memref_slice %arg13[%dma_start3A_43, %dma_start3A_44] : memref<10240x128xf32, #tpu.memory_space<vmem_shared>> -> memref<10240x128xf32, #tpu.memory_space<vmem_shared>>
    tpu.enqueue_indirect_dma source(%arg9 : memref<80x128xf32, #tpu.memory_space<vmem>>) target(%dma_start3A_45 : memref<10240x128xf32, #tpu.memory_space<vmem_shared>>) offsets(%dma_start3A_42 : memref<80xi32, #tpu.memory_space<vmem>>) semaphore(%arg19 : memref<!tpu.dma_semaphore, #tpu.memory_space<semaphore_mem>>) {add = true}
    %dma_start3A_46 = arith.constant 3 : i32
    %dma_start3A_47 = arith.constant 0 : i32
    %dma_start3A_48 = tpu.memref_slice %arg8[%dma_start3A_46, %dma_start3A_47] : memref<10x80xi32, #tpu.memory_space<vmem>> -> memref<1x80xi32, #tpu.memory_space<vmem>>
    %dma_start3A_49 = tpu.memref_squeeze %dma_start3A_48 : memref<1x80xi32, #tpu.memory_space<vmem>> -> memref<80xi32, #tpu.memory_space<vmem>>
    %dma_start3A_50 = arith.constant 0 : i32
    %dma_start3A_51 = arith.constant 0 : i32
    %dma_start3A_52 = tpu.memref_slice %arg14[%dma_start3A_50, %dma_start3A_51] : memref<400x128xf32, #tpu.memory_space<vmem_shared>> -> memref<400x128xf32, #tpu.memory_space<vmem_shared>>
    tpu.enqueue_indirect_dma source(%dma_start3A_52 : memref<400x128xf32, #tpu.memory_space<vmem_shared>>) target(%arg12 : memref<80x128xf32, #tpu.memory_space<vmem>>) offsets(%dma_start3A_49 : memref<80xi32, #tpu.memory_space<vmem>>) semaphore(%arg18 : memref<!tpu.dma_semaphore, #tpu.memory_space<semaphore_mem>>)
    %dma_wait3A_53 = arith.constant 1 : i32
    %dma_wait3A_54 = arith.constant 0 : i32
    %dma_wait3A_55 = tpu.memref_slice %arg8[%dma_wait3A_53, %dma_wait3A_54] : memref<10x80xi32, #tpu.memory_space<vmem>> -> memref<1x80xi32, #tpu.memory_space<vmem>>
    %dma_wait3A_56 = tpu.memref_squeeze %dma_wait3A_55 : memref<1x80xi32, #tpu.memory_space<vmem>> -> memref<80xi32, #tpu.memory_space<vmem>>
    %dma_wait3A_57 = arith.constant 0 : i32
    %dma_wait3A_58 = arith.constant 0 : i32
    %dma_wait3A_59 = tpu.memref_slice %arg14[%dma_wait3A_57, %dma_wait3A_58] : memref<400x128xf32, #tpu.memory_space<vmem_shared>> -> memref<400x128xf32, #tpu.memory_space<vmem_shared>>
    tpu.wait_indirect_dma semaphore(%arg16 : memref<!tpu.dma_semaphore, #tpu.memory_space<semaphore_mem>>) src(%dma_wait3A_59 : memref<400x128xf32, #tpu.memory_space<vmem_shared>>) dst(%arg10 : memref<80x128xf32, #tpu.memory_space<vmem>>)
    %dma_start3A_60 = arith.constant 1 : i32
    %dma_start3A_61 = arith.constant 0 : i32
    %dma_start3A_62 = tpu.memref_slice %arg7[%dma_start3A_60, %dma_start3A_61] : memref<10x80xi32, #tpu.memory_space<vmem>> -> memref<1x80xi32, #tpu.memory_space<vmem>>
    %dma_start3A_63 = tpu.memref_squeeze %dma_start3A_62 : memref<1x80xi32, #tpu.memory_space<vmem>> -> memref<80xi32, #tpu.memory_space<vmem>>
    %dma_start3A_64 = arith.constant 0 : i32
    %dma_start3A_65 = arith.constant 0 : i32
    %dma_start3A_66 = tpu.memref_slice %arg13[%dma_start3A_64, %dma_start3A_65] : memref<10240x128xf32, #tpu.memory_space<vmem_shared>> -> memref<10240x128xf32, #tpu.memory_space<vmem_shared>>
    tpu.enqueue_indirect_dma source(%arg10 : memref<80x128xf32, #tpu.memory_space<vmem>>) target(%dma_start3A_66 : memref<10240x128xf32, #tpu.memory_space<vmem_shared>>) offsets(%dma_start3A_63 : memref<80xi32, #tpu.memory_space<vmem>>) semaphore(%arg20 : memref<!tpu.dma_semaphore, #tpu.memory_space<semaphore_mem>>) {add = true}
    %dma_wait3A_67 = arith.constant 0 : i32
    %dma_wait3A_68 = arith.constant 0 : i32
    %dma_wait3A_69 = tpu.memref_slice %arg7[%dma_wait3A_67, %dma_wait3A_68] : memref<10x80xi32, #tpu.memory_space<vmem>> -> memref<1x80xi32, #tpu.memory_space<vmem>>
    %dma_wait3A_70 = tpu.memref_squeeze %dma_wait3A_69 : memref<1x80xi32, #tpu.memory_space<vmem>> -> memref<80xi32, #tpu.memory_space<vmem>>
    %dma_wait3A_71 = arith.constant 0 : i32
    %dma_wait3A_72 = arith.constant 0 : i32
    %dma_wait3A_73 = tpu.memref_slice %arg13[%dma_wait3A_71, %dma_wait3A_72] : memref<10240x128xf32, #tpu.memory_space<vmem_shared>> -> memref<10240x128xf32, #tpu.memory_space<vmem_shared>>
    tpu.wait_indirect_dma semaphore(%arg19 : memref<!tpu.dma_semaphore, #tpu.memory_space<semaphore_mem>>) src(%arg9 : memref<80x128xf32, #tpu.memory_space<vmem>>) dst(%dma_wait3A_73 : memref<10240x128xf32, #tpu.memory_space<vmem_shared>>)
    %dma_start3A_74 = arith.constant 4 : i32
    %dma_start3A_75 = arith.constant 0 : i32
    %dma_start3A_76 = tpu.memref_slice %arg8[%dma_start3A_74, %dma_start3A_75] : memref<10x80xi32, #tpu.memory_space<vmem>> -> memref<1x80xi32, #tpu.memory_space<vmem>>
    %dma_start3A_77 = tpu.memref_squeeze %dma_start3A_76 : memref<1x80xi32, #tpu.memory_space<vmem>> -> memref<80xi32, #tpu.memory_space<vmem>>
    %dma_start3A_78 = arith.constant 0 : i32
    %dma_start3A_79 = arith.constant 0 : i32
    %dma_start3A_80 = tpu.memref_slice %arg14[%dma_start3A_78, %dma_start3A_79] : memref<400x128xf32, #tpu.memory_space<vmem_shared>> -> memref<400x128xf32, #tpu.memory_space<vmem_shared>>
    tpu.enqueue_indirect_dma source(%dma_start3A_80 : memref<400x128xf32, #tpu.memory_space<vmem_shared>>) target(%arg9 : memref<80x128xf32, #tpu.memory_space<vmem>>) offsets(%dma_start3A_77 : memref<80xi32, #tpu.memory_space<vmem>>) semaphore(%arg15 : memref<!tpu.dma_semaphore, #tpu.memory_space<semaphore_mem>>)
    %dma_wait3A_81 = arith.constant 2 : i32
    %dma_wait3A_82 = arith.constant 0 : i32
    %dma_wait3A_83 = tpu.memref_slice %arg8[%dma_wait3A_81, %dma_wait3A_82] : memref<10x80xi32, #tpu.memory_space<vmem>> -> memref<1x80xi32, #tpu.memory_space<vmem>>
    %dma_wait3A_84 = tpu.memref_squeeze %dma_wait3A_83 : memref<1x80xi32, #tpu.memory_space<vmem>> -> memref<80xi32, #tpu.memory_space<vmem>>
    %dma_wait3A_85 = arith.constant 0 : i32
    %dma_wait3A_86 = arith.constant 0 : i32
    %dma_wait3A_87 = tpu.memref_slice %arg14[%dma_wait3A_85, %dma_wait3A_86] : memref<400x128xf32, #tpu.memory_space<vmem_shared>> -> memref<400x128xf32, #tpu.memory_space<vmem_shared>>
    tpu.wait_indirect_dma semaphore(%arg17 : memref<!tpu.dma_semaphore, #tpu.memory_space<semaphore_mem>>) src(%dma_wait3A_87 : memref<400x128xf32, #tpu.memory_space<vmem_shared>>) dst(%arg11 : memref<80x128xf32, #tpu.memory_space<vmem>>)
    %dma_start3A_88 = arith.constant 2 : i32
    %dma_start3A_89 = arith.constant 0 : i32
    %dma_start3A_90 = tpu.memref_slice %arg7[%dma_start3A_88, %dma_start3A_89] : memref<10x80xi32, #tpu.memory_space<vmem>> -> memref<1x80xi32, #tpu.memory_space<vmem>>
    %dma_start3A_91 = tpu.memref_squeeze %dma_start3A_90 : memref<1x80xi32, #tpu.memory_space<vmem>> -> memref<80xi32, #tpu.memory_space<vmem>>
    %dma_start3A_92 = arith.constant 0 : i32
    %dma_start3A_93 = arith.constant 0 : i32
    %dma_start3A_94 = tpu.memref_slice %arg13[%dma_start3A_92, %dma_start3A_93] : memref<10240x128xf32, #tpu.memory_space<vmem_shared>> -> memref<10240x128xf32, #tpu.memory_space<vmem_shared>>
    tpu.enqueue_indirect_dma source(%arg11 : memref<80x128xf32, #tpu.memory_space<vmem>>) target(%dma_start3A_94 : memref<10240x128xf32, #tpu.memory_space<vmem_shared>>) offsets(%dma_start3A_91 : memref<80xi32, #tpu.memory_space<vmem>>) semaphore(%arg21 : memref<!tpu.dma_semaphore, #tpu.memory_space<semaphore_mem>>) {add = true}
    %dma_wait3A_95 = arith.constant 3 : i32
    %dma_wait3A_96 = arith.constant 0 : i32
    %dma_wait3A_97 = tpu.memref_slice %arg8[%dma_wait3A_95, %dma_wait3A_96] : memref<10x80xi32, #tpu.memory_space<vmem>> -> memref<1x80xi32, #tpu.memory_space<vmem>>
    %dma_wait3A_98 = tpu.memref_squeeze %dma_wait3A_97 : memref<1x80xi32, #tpu.memory_space<vmem>> -> memref<80xi32, #tpu.memory_space<vmem>>
    %dma_wait3A_99 = arith.constant 0 : i32
    %dma_wait3A_100 = arith.constant 0 : i32
    %dma_wait3A_101 = tpu.memref_slice %arg14[%dma_wait3A_99, %dma_wait3A_100] : memref<400x128xf32, #tpu.memory_space<vmem_shared>> -> memref<400x128xf32, #tpu.memory_space<vmem_shared>>
    tpu.wait_indirect_dma semaphore(%arg18 : memref<!tpu.dma_semaphore, #tpu.memory_space<semaphore_mem>>) src(%dma_wait3A_101 : memref<400x128xf32, #tpu.memory_space<vmem_shared>>) dst(%arg12 : memref<80x128xf32, #tpu.memory_space<vmem>>)
    %dma_start3A_102 = arith.constant 3 : i32
    %dma_start3A_103 = arith.constant 0 : i32
    %dma_start3A_104 = tpu.memref_slice %arg7[%dma_start3A_102, %dma_start3A_103] : memref<10x80xi32, #tpu.memory_space<vmem>> -> memref<1x80xi32, #tpu.memory_space<vmem>>
    %dma_start3A_105 = tpu.memref_squeeze %dma_start3A_104 : memref<1x80xi32, #tpu.memory_space<vmem>> -> memref<80xi32, #tpu.memory_space<vmem>>
    %dma_start3A_106 = arith.constant 0 : i32
    %dma_start3A_107 = arith.constant 0 : i32
    %dma_start3A_108 = tpu.memref_slice %arg13[%dma_start3A_106, %dma_start3A_107] : memref<10240x128xf32, #tpu.memory_space<vmem_shared>> -> memref<10240x128xf32, #tpu.memory_space<vmem_shared>>
    tpu.enqueue_indirect_dma source(%arg12 : memref<80x128xf32, #tpu.memory_space<vmem>>) target(%dma_start3A_108 : memref<10240x128xf32, #tpu.memory_space<vmem_shared>>) offsets(%dma_start3A_105 : memref<80xi32, #tpu.memory_space<vmem>>) semaphore(%arg22 : memref<!tpu.dma_semaphore, #tpu.memory_space<semaphore_mem>>) {add = true}
    %dma_wait3A_109 = arith.constant 4 : i32
    %dma_wait3A_110 = arith.constant 0 : i32
    %dma_wait3A_111 = tpu.memref_slice %arg8[%dma_wait3A_109, %dma_wait3A_110] : memref<10x80xi32, #tpu.memory_space<vmem>> -> memref<1x80xi32, #tpu.memory_space<vmem>>
    %dma_wait3A_112 = tpu.memref_squeeze %dma_wait3A_111 : memref<1x80xi32, #tpu.memory_space<vmem>> -> memref<80xi32, #tpu.memory_space<vmem>>
    %dma_wait3A_113 = arith.constant 0 : i32
    %dma_wait3A_114 = arith.constant 0 : i32
    %dma_wait3A_115 = tpu.memref_slice %arg14[%dma_wait3A_113, %dma_wait3A_114] : memref<400x128xf32, #tpu.memory_space<vmem_shared>> -> memref<400x128xf32, #tpu.memory_space<vmem_shared>>
    tpu.wait_indirect_dma semaphore(%arg15 : memref<!tpu.dma_semaphore, #tpu.memory_space<semaphore_mem>>) src(%dma_wait3A_115 : memref<400x128xf32, #tpu.memory_space<vmem_shared>>) dst(%arg9 : memref<80x128xf32, #tpu.memory_space<vmem>>)
    %dma_start3A_116 = arith.constant 4 : i32
    %dma_start3A_117 = arith.constant 0 : i32
    %dma_start3A_118 = tpu.memref_slice %arg7[%dma_start3A_116, %dma_start3A_117] : memref<10x80xi32, #tpu.memory_space<vmem>> -> memref<1x80xi32, #tpu.memory_space<vmem>>
    %dma_start3A_119 = tpu.memref_squeeze %dma_start3A_118 : memref<1x80xi32, #tpu.memory_space<vmem>> -> memref<80xi32, #tpu.memory_space<vmem>>
    %dma_start3A_120 = arith.constant 0 : i32
    %dma_start3A_121 = arith.constant 0 : i32
    %dma_start3A_122 = tpu.memref_slice %arg13[%dma_start3A_120, %dma_start3A_121] : memref<10240x128xf32, #tpu.memory_space<vmem_shared>> -> memref<10240x128xf32, #tpu.memory_space<vmem_shared>>
    tpu.enqueue_indirect_dma source(%arg9 : memref<80x128xf32, #tpu.memory_space<vmem>>) target(%dma_start3A_122 : memref<10240x128xf32, #tpu.memory_space<vmem_shared>>) offsets(%dma_start3A_119 : memref<80xi32, #tpu.memory_space<vmem>>) semaphore(%arg19 : memref<!tpu.dma_semaphore, #tpu.memory_space<semaphore_mem>>) {add = true}
    %dma_wait3A_123 = arith.constant 1 : i32
    %dma_wait3A_124 = arith.constant 0 : i32
    %dma_wait3A_125 = tpu.memref_slice %arg7[%dma_wait3A_123, %dma_wait3A_124] : memref<10x80xi32, #tpu.memory_space<vmem>> -> memref<1x80xi32, #tpu.memory_space<vmem>>
    %dma_wait3A_126 = tpu.memref_squeeze %dma_wait3A_125 : memref<1x80xi32, #tpu.memory_space<vmem>> -> memref<80xi32, #tpu.memory_space<vmem>>
    %dma_wait3A_127 = arith.constant 0 : i32
    %dma_wait3A_128 = arith.constant 0 : i32
    %dma_wait3A_129 = tpu.memref_slice %arg13[%dma_wait3A_127, %dma_wait3A_128] : memref<10240x128xf32, #tpu.memory_space<vmem_shared>> -> memref<10240x128xf32, #tpu.memory_space<vmem_shared>>
    tpu.wait_indirect_dma semaphore(%arg20 : memref<!tpu.dma_semaphore, #tpu.memory_space<semaphore_mem>>) src(%arg10 : memref<80x128xf32, #tpu.memory_space<vmem>>) dst(%dma_wait3A_129 : memref<10240x128xf32, #tpu.memory_space<vmem_shared>>)
    %dma_wait3A_130 = arith.constant 2 : i32
    %dma_wait3A_131 = arith.constant 0 : i32
    %dma_wait3A_132 = tpu.memref_slice %arg7[%dma_wait3A_130, %dma_wait3A_131] : memref<10x80xi32, #tpu.memory_space<vmem>> -> memref<1x80xi32, #tpu.memory_space<vmem>>
    %dma_wait3A_133 = tpu.memref_squeeze %dma_wait3A_132 : memref<1x80xi32, #tpu.memory_space<vmem>> -> memref<80xi32, #tpu.memory_space<vmem>>
    %dma_wait3A_134 = arith.constant 0 : i32
    %dma_wait3A_135 = arith.constant 0 : i32
    %dma_wait3A_136 = tpu.memref_slice %arg13[%dma_wait3A_134, %dma_wait3A_135] : memref<10240x128xf32, #tpu.memory_space<vmem_shared>> -> memref<10240x128xf32, #tpu.memory_space<vmem_shared>>
    tpu.wait_indirect_dma semaphore(%arg21 : memref<!tpu.dma_semaphore, #tpu.memory_space<semaphore_mem>>) src(%arg11 : memref<80x128xf32, #tpu.memory_space<vmem>>) dst(%dma_wait3A_136 : memref<10240x128xf32, #tpu.memory_space<vmem_shared>>)
    %dma_wait3A_137 = arith.constant 3 : i32
    %dma_wait3A_138 = arith.constant 0 : i32
    %dma_wait3A_139 = tpu.memref_slice %arg7[%dma_wait3A_137, %dma_wait3A_138] : memref<10x80xi32, #tpu.memory_space<vmem>> -> memref<1x80xi32, #tpu.memory_space<vmem>>
    %dma_wait3A_140 = tpu.memref_squeeze %dma_wait3A_139 : memref<1x80xi32, #tpu.memory_space<vmem>> -> memref<80xi32, #tpu.memory_space<vmem>>
    %dma_wait3A_141 = arith.constant 0 : i32
    %dma_wait3A_142 = arith.constant 0 : i32
    %dma_wait3A_143 = tpu.memref_slice %arg13[%dma_wait3A_141, %dma_wait3A_142] : memref<10240x128xf32, #tpu.memory_space<vmem_shared>> -> memref<10240x128xf32, #tpu.memory_space<vmem_shared>>
    tpu.wait_indirect_dma semaphore(%arg22 : memref<!tpu.dma_semaphore, #tpu.memory_space<semaphore_mem>>) src(%arg12 : memref<80x128xf32, #tpu.memory_space<vmem>>) dst(%dma_wait3A_143 : memref<10240x128xf32, #tpu.memory_space<vmem_shared>>)
    %dma_wait3A_144 = arith.constant 4 : i32
    %dma_wait3A_145 = arith.constant 0 : i32
    %dma_wait3A_146 = tpu.memref_slice %arg7[%dma_wait3A_144, %dma_wait3A_145] : memref<10x80xi32, #tpu.memory_space<vmem>> -> memref<1x80xi32, #tpu.memory_space<vmem>>
    %dma_wait3A_147 = tpu.memref_squeeze %dma_wait3A_146 : memref<1x80xi32, #tpu.memory_space<vmem>> -> memref<80xi32, #tpu.memory_space<vmem>>
    %dma_wait3A_148 = arith.constant 0 : i32
    %dma_wait3A_149 = arith.constant 0 : i32
    %dma_wait3A_150 = tpu.memref_slice %arg13[%dma_wait3A_148, %dma_wait3A_149] : memref<10240x128xf32, #tpu.memory_space<vmem_shared>> -> memref<10240x128xf32, #tpu.memory_space<vmem_shared>>
    tpu.wait_indirect_dma semaphore(%arg19 : memref<!tpu.dma_semaphore, #tpu.memory_space<semaphore_mem>>) src(%arg9 : memref<80x128xf32, #tpu.memory_space<vmem>>) dst(%dma_wait3A_150 : memref<10240x128xf32, #tpu.memory_space<vmem_shared>>)
    %barrier3A_151 = arith.constant 0 : index
    tpu.barrier barrier_id(%barrier3A_151)
    %mul3A_152 = arith.constant 640 : i32
    %mul3A_153 = arith.muli %arg1, %mul3A_152 : i32
    %mul3A_154 = arith.constant 640 : i32
    %mul3A_155 = arith.muli %arg1, %mul3A_154 : i32
    "tpu.region"() ({
      %run_scoped3A = tpu.sem_alloc : memref<!tpu.dma_semaphore, #tpu.memory_space<semaphore_mem>>
      %dma_start3A_156 = arith.constant 0 : i32
      %dma_start3A_157 = tpu.memref_slice %arg6[%arg0, %mul3A_155, %dma_start3A_156] : memref<2x10240x128xf32, #tpu.memory_space<hbm>> -> memref<1x640x128xf32, #tpu.memory_space<hbm>>
      %dma_start3A_158 = tpu.memref_squeeze %dma_start3A_157 : memref<1x640x128xf32, #tpu.memory_space<hbm>> -> memref<640x128xf32, #tpu.memory_space<hbm>>
      %dma_start3A_159 = arith.constant 0 : i32
      %dma_start3A_160 = tpu.memref_slice %arg13[%mul3A_153, %dma_start3A_159] : memref<10240x128xf32, #tpu.memory_space<vmem_shared>> -> memref<640x128xf32, #tpu.memory_space<vmem_shared>>
      tpu.enqueue_dma source(%dma_start3A_160 : memref<640x128xf32, #tpu.memory_space<vmem_shared>>) target(%dma_start3A_158 : memref<640x128xf32, #tpu.memory_space<hbm>>) target_semaphore(%run_scoped3A : memref<!tpu.dma_semaphore, #tpu.memory_space<semaphore_mem>>)
      %dma_wait3A_161 = arith.constant 0 : i32
      %dma_wait3A_162 = tpu.memref_slice %arg6[%arg0, %mul3A_155, %dma_wait3A_161] : memref<2x10240x128xf32, #tpu.memory_space<hbm>> -> memref<1x640x128xf32, #tpu.memory_space<hbm>>
      %dma_wait3A_163 = tpu.memref_squeeze %dma_wait3A_162 : memref<1x640x128xf32, #tpu.memory_space<hbm>> -> memref<640x128xf32, #tpu.memory_space<hbm>>
      %dma_wait3A_164 = arith.constant 0 : i32
      %dma_wait3A_165 = tpu.memref_slice %arg13[%mul3A_153, %dma_wait3A_164] : memref<10240x128xf32, #tpu.memory_space<vmem_shared>> -> memref<640x128xf32, #tpu.memory_space<vmem_shared>>
      tpu.wait_dma2 semaphore(%run_scoped3A : memref<!tpu.dma_semaphore, #tpu.memory_space<semaphore_mem>>) src(%dma_wait3A_165 : memref<640x128xf32, #tpu.memory_space<vmem_shared>>) dst(%dma_wait3A_163 : memref<640x128xf32, #tpu.memory_space<hbm>>)
      tpu.yield
    }) : () -> ()
    return
  }
}

module attributes {stable_mosaic.version = 14 : i64} {
  func.func @_gru_body(%arg0: memref<400x128xf32, #tpu.memory_space<vmem>>, %arg1: memref<2x400x128xf32, #tpu.memory_space<vmem>>, %arg2: memref<400x32xf32, #tpu.memory_space<vmem>>, %arg3: memref<384x256xf32, #tpu.memory_space<vmem>>, %arg4: memref<384x128xf32, #tpu.memory_space<vmem>>, %arg5: memref<1x384xf32, #tpu.memory_space<vmem>>, %arg6: memref<1x384xf32, #tpu.memory_space<vmem>>, %arg7: memref<400x128xf32, #tpu.memory_space<vmem>>) attributes {dimension_semantics = [], scalar_prefetch = 0 : i64, scratch_operands = 0 : i64, tpu.core_type = #tpu.core_type<tc>} {
    %get3A = arith.constant 0 : index
    %get3A_0 = arith.constant 0 : index
    %get3A_1 = vector.load %arg0[%get3A, %get3A_0] : memref<400x128xf32, #tpu.memory_space<vmem>>, vector<400x128xf32>
    %get3A_2 = arith.constant 0 : index
    %get3A_3 = arith.constant 0 : index
    %get3A_4 = arith.constant 0 : index
    %get3A_5 = vector.load %arg1[%get3A_2, %get3A_3, %get3A_4] : memref<2x400x128xf32, #tpu.memory_space<vmem>>, vector<1x400x128xf32>
    %get3A_6 = vector.shape_cast %get3A_5 : vector<1x400x128xf32> to vector<400x128xf32>
    %get3A_7 = arith.constant 1 : index
    %get3A_8 = arith.constant 0 : index
    %get3A_9 = arith.constant 0 : index
    %get3A_10 = vector.load %arg1[%get3A_7, %get3A_8, %get3A_9] : memref<2x400x128xf32, #tpu.memory_space<vmem>>, vector<1x400x128xf32>
    %get3A_11 = vector.shape_cast %get3A_10 : vector<1x400x128xf32> to vector<400x128xf32>
    %add3A = arith.addf %get3A_6, %get3A_11 : vector<400x128xf32>
    %get3A_12 = arith.constant 0 : index
    %get3A_13 = arith.constant 0 : index
    %get3A_14 = vector.load %arg2[%get3A_12, %get3A_13] : memref<400x32xf32, #tpu.memory_space<vmem>>, vector<400x32xf32>
    %reduce_sum3A = arith.constant dense<0.000000e+00> : vector<400xf32>
    %reduce_sum3A_15 = vector.multi_reduction <add>, %get3A_14, %reduce_sum3A [1] : vector<400x32xf32> to vector<400xf32>
    %max3A = arith.constant 1.000000e+00 : f32
    %max3A_16 = vector.broadcast %max3A : f32 to vector<400xf32>
    %max3A_17 = arith.maximumf %reduce_sum3A_15, %max3A_16 : vector<400xf32>
    %broadcast_in_dim3A = vector.shape_cast %max3A_17 : vector<400xf32> to vector<400x1xf32>
    %div3A = vector.broadcast %broadcast_in_dim3A : vector<400x1xf32> to vector<400x128xf32>
    %div3A_18 = arith.divf %add3A, %div3A : vector<400x128xf32>
    %concatenate3A = tpu.concatenate %get3A_1, %div3A_18 in 1 : vector<400x128xf32>, vector<400x128xf32> -> vector<400x256xf32>
    %get3A_19 = arith.constant 0 : index
    %get3A_20 = arith.constant 0 : index
    %get3A_21 = vector.load %arg3[%get3A_19, %get3A_20] : memref<384x256xf32, #tpu.memory_space<vmem>>, vector<384x256xf32>
    %dot_general3A = arith.constant dense<0.000000e+00> : vector<400x384xf32>
    %dot_general3A_22 = tpu.matmul %concatenate3A, %get3A_21, %dot_general3A {dimension_numbers = #tpu.dot_dimension_numbers<[1], [1], [0], [0], [0, 0, 1, 0], [], []>, transpose_lhs_hint = false} : vector<400x256xf32>, vector<384x256xf32>, vector<400x384xf32> -> vector<400x384xf32>
    %get3A_23 = arith.constant 0 : index
    %get3A_24 = arith.constant 0 : index
    %get3A_25 = vector.load %arg5[%get3A_23, %get3A_24] : memref<1x384xf32, #tpu.memory_space<vmem>>, vector<1x384xf32>
    %add3A_26 = vector.broadcast %get3A_25 : vector<1x384xf32> to vector<400x384xf32>
    %add3A_27 = arith.addf %dot_general3A_22, %add3A_26 : vector<400x384xf32>
    %get3A_28 = arith.constant 0 : index
    %get3A_29 = arith.constant 0 : index
    %get3A_30 = vector.load %arg4[%get3A_28, %get3A_29] : memref<384x128xf32, #tpu.memory_space<vmem>>, vector<384x128xf32>
    %dot_general3A_31 = arith.constant dense<0.000000e+00> : vector<400x384xf32>
    %dot_general3A_32 = tpu.matmul %get3A_1, %get3A_30, %dot_general3A_31 {dimension_numbers = #tpu.dot_dimension_numbers<[1], [1], [0], [0], [0, 0, 1, 0], [], []>, transpose_lhs_hint = false} : vector<400x128xf32>, vector<384x128xf32>, vector<400x384xf32> -> vector<400x384xf32>
    %get3A_33 = arith.constant 0 : index
    %get3A_34 = arith.constant 0 : index
    %get3A_35 = vector.load %arg6[%get3A_33, %get3A_34] : memref<1x384xf32, #tpu.memory_space<vmem>>, vector<1x384xf32>
    %add3A_36 = vector.broadcast %get3A_35 : vector<1x384xf32> to vector<400x384xf32>
    %add3A_37 = arith.addf %dot_general3A_32, %add3A_36 : vector<400x384xf32>
    %slice3A = vector.extract_strided_slice %add3A_27 {offsets = [0, 0], sizes = [400, 128], strides = [1, 1]} : vector<400x384xf32> to vector<400x128xf32>
    %slice3A_38 = vector.extract_strided_slice %add3A_37 {offsets = [0, 0], sizes = [400, 128], strides = [1, 1]} : vector<400x384xf32> to vector<400x128xf32>
    %add3A_39 = arith.addf %slice3A, %slice3A_38 : vector<400x128xf32>
    %logistic3A = arith.negf %add3A_39 : vector<400x128xf32>
    %logistic3A_40 = math.exp %logistic3A : vector<400x128xf32>
    %logistic3A_41 = arith.constant 1.000000e+00 : f32
    %logistic3A_42 = vector.broadcast %logistic3A_41 : f32 to vector<400x128xf32>
    %logistic3A_43 = arith.addf %logistic3A_42, %logistic3A_40 : vector<400x128xf32>
    %logistic3A_44 = arith.divf %logistic3A_42, %logistic3A_43 : vector<400x128xf32>
    %slice3A_45 = vector.extract_strided_slice %add3A_27 {offsets = [0, 128], sizes = [400, 128], strides = [1, 1]} : vector<400x384xf32> to vector<400x128xf32>
    %slice3A_46 = vector.extract_strided_slice %add3A_37 {offsets = [0, 128], sizes = [400, 128], strides = [1, 1]} : vector<400x384xf32> to vector<400x128xf32>
    %add3A_47 = arith.addf %slice3A_45, %slice3A_46 : vector<400x128xf32>
    %logistic3A_48 = arith.negf %add3A_47 : vector<400x128xf32>
    %logistic3A_49 = math.exp %logistic3A_48 : vector<400x128xf32>
    %logistic3A_50 = arith.constant 1.000000e+00 : f32
    %logistic3A_51 = vector.broadcast %logistic3A_50 : f32 to vector<400x128xf32>
    %logistic3A_52 = arith.addf %logistic3A_51, %logistic3A_49 : vector<400x128xf32>
    %logistic3A_53 = arith.divf %logistic3A_51, %logistic3A_52 : vector<400x128xf32>
    %slice3A_54 = vector.extract_strided_slice %add3A_27 {offsets = [0, 256], sizes = [400, 128], strides = [1, 1]} : vector<400x384xf32> to vector<400x128xf32>
    %slice3A_55 = vector.extract_strided_slice %add3A_37 {offsets = [0, 256], sizes = [400, 128], strides = [1, 1]} : vector<400x384xf32> to vector<400x128xf32>
    %mul3A = arith.mulf %logistic3A_44, %slice3A_55 : vector<400x128xf32>
    %add3A_56 = arith.addf %slice3A_54, %mul3A : vector<400x128xf32>
    %tanh3A = math.tanh %add3A_56 : vector<400x128xf32>
    %sub3A = arith.constant 1.000000e+00 : f32
    %sub3A_57 = vector.broadcast %sub3A : f32 to vector<400x128xf32>
    %sub3A_58 = arith.subf %sub3A_57, %logistic3A_53 : vector<400x128xf32>
    %mul3A_59 = arith.mulf %sub3A_58, %tanh3A : vector<400x128xf32>
    %mul3A_60 = arith.mulf %logistic3A_53, %get3A_1 : vector<400x128xf32>
    %add3A_61 = arith.addf %mul3A_59, %mul3A_60 : vector<400x128xf32>
    %swap3A = arith.constant 0 : index
    %swap3A_62 = arith.constant 0 : index
    %swap3A_63 = vector.load %arg7[%swap3A, %swap3A_62] : memref<400x128xf32, #tpu.memory_space<vmem>>, vector<400x128xf32>
    tpu.vector_store %arg7[%swap3A, %swap3A_62], %add3A_61 {strides = array<i32>} : memref<400x128xf32, #tpu.memory_space<vmem>>, vector<400x128xf32>,
    return
  }
}

module attributes {stable_mosaic.version = 14 : i64} {
  func.func @_final_body(%arg0: i32, %arg1: memref<2x1000x128xf32, #tpu.memory_space<vmem>>, %arg2: memref<1000x32xf32, #tpu.memory_space<vmem>>, %arg3: memref<1000x128xf32, #tpu.memory_space<vmem>>, %arg4: memref<128x128xf32, #tpu.memory_space<vmem>>, %arg5: memref<128x128xf32, #tpu.memory_space<vmem>>, %arg6: memref<1x128xf32, #tpu.memory_space<vmem>>, %arg7: memref<1000x128xf32, #tpu.memory_space<vmem>>) attributes {dimension_semantics = [#tpu.dimension_semantics<arbitrary>], iteration_bounds = array<i64: 10>, scalar_prefetch = 0 : i64, scratch_operands = 0 : i64, tpu.core_type = #tpu.core_type<tc>, window_params = [{transform_indices = @transform_0, window_bounds = array<i64: 2, 1000, 128>}, {transform_indices = @transform_1, window_bounds = array<i64: 1000, 32>}, {transform_indices = @transform_2, window_bounds = array<i64: 1000, 128>}, {pipeline_mode = #tpu.pipeline_mode<synchronous>, transform_indices = @transform_3, window_bounds = array<i64: 128, 128>}, {pipeline_mode = #tpu.pipeline_mode<synchronous>, transform_indices = @transform_4, window_bounds = array<i64: 128, 128>}, {pipeline_mode = #tpu.pipeline_mode<synchronous>, transform_indices = @transform_5, window_bounds = array<i64: 1, 128>}, {transform_indices = @transform_6, window_bounds = array<i64: 1000, 128>}]} {
    %get3A = arith.constant 0 : index
    %get3A_0 = arith.constant 0 : index
    %get3A_1 = vector.load %arg2[%get3A, %get3A_0] : memref<1000x32xf32, #tpu.memory_space<vmem>>, vector<1000x32xf32>
    %reduce_sum3A = arith.constant dense<0.000000e+00> : vector<1000xf32>
    %reduce_sum3A_2 = vector.multi_reduction <add>, %get3A_1, %reduce_sum3A [1] : vector<1000x32xf32> to vector<1000xf32>
    %get3A_3 = arith.constant 0 : index
    %get3A_4 = arith.constant 0 : index
    %get3A_5 = arith.constant 0 : index
    %get3A_6 = vector.load %arg1[%get3A_3, %get3A_4, %get3A_5] : memref<2x1000x128xf32, #tpu.memory_space<vmem>>, vector<1x1000x128xf32>
    %get3A_7 = vector.shape_cast %get3A_6 : vector<1x1000x128xf32> to vector<1000x128xf32>
    %get3A_8 = arith.constant 1 : index
    %get3A_9 = arith.constant 0 : index
    %get3A_10 = arith.constant 0 : index
    %get3A_11 = vector.load %arg1[%get3A_8, %get3A_9, %get3A_10] : memref<2x1000x128xf32, #tpu.memory_space<vmem>>, vector<1x1000x128xf32>
    %get3A_12 = vector.shape_cast %get3A_11 : vector<1x1000x128xf32> to vector<1000x128xf32>
    %add3A = arith.addf %get3A_7, %get3A_12 : vector<1000x128xf32>
    %max3A = arith.constant 1.000000e+00 : f32
    %max3A_13 = vector.broadcast %max3A : f32 to vector<1000xf32>
    %max3A_14 = arith.maximumf %reduce_sum3A_2, %max3A_13 : vector<1000xf32>
    %broadcast_in_dim3A = vector.shape_cast %max3A_14 : vector<1000xf32> to vector<1000x1xf32>
    %div3A = vector.broadcast %broadcast_in_dim3A : vector<1000x1xf32> to vector<1000x128xf32>
    %div3A_15 = arith.divf %add3A, %div3A : vector<1000x128xf32>
    %get3A_16 = arith.constant 0 : index
    %get3A_17 = arith.constant 0 : index
    %get3A_18 = vector.load %arg4[%get3A_16, %get3A_17] : memref<128x128xf32, #tpu.memory_space<vmem>>, vector<128x128xf32>
    %dot_general3A = arith.constant dense<0.000000e+00> : vector<1000x128xf32>
    %dot_general3A_19 = tpu.matmul %div3A_15, %get3A_18, %dot_general3A {dimension_numbers = #tpu.dot_dimension_numbers<[1], [0], [0], [1], [0, 0, 1, 1], [], []>, transpose_lhs_hint = false} : vector<1000x128xf32>, vector<128x128xf32>, vector<1000x128xf32> -> vector<1000x128xf32>
    %ge3A = arith.constant 0.000000e+00 : f32
    %ge3A_20 = vector.broadcast %ge3A : f32 to vector<1000x128xf32>
    %ge3A_21 = arith.cmpf oge, %dot_general3A_19, %ge3A_20 : vector<1000x128xf32>
    %mul3A = arith.constant 0.229166672 : f32
    %mul3A_22 = vector.broadcast %mul3A : f32 to vector<1000x128xf32>
    %mul3A_23 = arith.mulf %mul3A_22, %dot_general3A_19 : vector<1000x128xf32>
    %select_n3A = arith.select %ge3A_21, %dot_general3A_19, %mul3A_23 : vector<1000x128xi1>, vector<1000x128xf32>
    %get3A_24 = arith.constant 0 : index
    %get3A_25 = arith.constant 0 : index
    %get3A_26 = vector.load %arg5[%get3A_24, %get3A_25] : memref<128x128xf32, #tpu.memory_space<vmem>>, vector<128x128xf32>
    %dot_general3A_27 = arith.constant dense<0.000000e+00> : vector<1000x128xf32>
    %dot_general3A_28 = tpu.matmul %select_n3A, %get3A_26, %dot_general3A_27 {dimension_numbers = #tpu.dot_dimension_numbers<[1], [0], [0], [1], [0, 0, 1, 1], [], []>, transpose_lhs_hint = false} : vector<1000x128xf32>, vector<128x128xf32>, vector<1000x128xf32> -> vector<1000x128xf32>
    %get3A_29 = arith.constant 0 : index
    %get3A_30 = arith.constant 0 : index
    %get3A_31 = vector.load %arg6[%get3A_29, %get3A_30] : memref<1x128xf32, #tpu.memory_space<vmem>>, vector<1x128xf32>
    %add3A_32 = vector.broadcast %get3A_31 : vector<1x128xf32> to vector<1000x128xf32>
    %add3A_33 = arith.addf %dot_general3A_28, %add3A_32 : vector<1000x128xf32>
    %logistic3A = arith.negf %add3A_33 : vector<1000x128xf32>
    %logistic3A_34 = math.exp %logistic3A : vector<1000x128xf32>
    %logistic3A_35 = arith.constant 1.000000e+00 : f32
    %logistic3A_36 = vector.broadcast %logistic3A_35 : f32 to vector<1000x128xf32>
    %logistic3A_37 = arith.addf %logistic3A_36, %logistic3A_34 : vector<1000x128xf32>
    %logistic3A_38 = arith.divf %logistic3A_36, %logistic3A_37 : vector<1000x128xf32>
    %mul3A_39 = arith.mulf %logistic3A_38, %select_n3A : vector<1000x128xf32>
    %sub3A = arith.constant 1.000000e+00 : f32
    %sub3A_40 = vector.broadcast %sub3A : f32 to vector<1000x128xf32>
    %sub3A_41 = arith.subf %sub3A_40, %logistic3A_38 : vector<1000x128xf32>
    %get3A_42 = arith.constant 0 : index
    %get3A_43 = arith.constant 0 : index
    %get3A_44 = vector.load %arg3[%get3A_42, %get3A_43] : memref<1000x128xf32, #tpu.memory_space<vmem>>, vector<1000x128xf32>
    %mul3A_45 = arith.mulf %sub3A_41, %get3A_44 : vector<1000x128xf32>
    %add3A_46 = arith.addf %mul3A_39, %mul3A_45 : vector<1000x128xf32>
    %swap3A = arith.constant 0 : index
    %swap3A_47 = arith.constant 0 : index
    %swap3A_48 = vector.load %arg7[%swap3A, %swap3A_47] : memref<1000x128xf32, #tpu.memory_space<vmem>>, vector<1000x128xf32>
    tpu.vector_store %arg7[%swap3A, %swap3A_47], %add3A_46 {strides = array<i32>} : memref<1000x128xf32, #tpu.memory_space<vmem>>, vector<1000x128xf32>,
    return
  }
  func.func @transform_0(%arg0: i32) -> (i32, i32, i32) {
    %c0_i32 = arith.constant 0 : i32
    %c0_i32_0 = arith.constant 0 : i32
    %c0_i32_1 = arith.constant 0 : i32
    return %c0_i32, %arg0, %c0_i32_0 : i32, i32, i32
  }
  func.func @transform_1(%arg0: i32) -> (i32, i32) {
    %c0_i32 = arith.constant 0 : i32
    %c0_i32_0 = arith.constant 0 : i32
    return %arg0, %c0_i32 : i32, i32
  }
  func.func @transform_2(%arg0: i32) -> (i32, i32) {
    %c0_i32 = arith.constant 0 : i32
    %c0_i32_0 = arith.constant 0 : i32
    return %arg0, %c0_i32 : i32, i32
  }
  func.func @transform_3(%arg0: i32) -> (i32, i32) {
    %c0_i32 = arith.constant 0 : i32
    %c0_i32_0 = arith.constant 0 : i32
    %c0_i32_1 = arith.constant 0 : i32
    return %c0_i32, %c0_i32_0 : i32, i32
  }
  func.func @transform_4(%arg0: i32) -> (i32, i32) {
    %c0_i32 = arith.constant 0 : i32
    %c0_i32_0 = arith.constant 0 : i32
    %c0_i32_1 = arith.constant 0 : i32
    return %c0_i32, %c0_i32_0 : i32, i32
  }
  func.func @transform_5(%arg0: i32) -> (i32, i32) {
    %c0_i32 = arith.constant 0 : i32
    %c0_i32_0 = arith.constant 0 : i32
    %c0_i32_1 = arith.constant 0 : i32
    return %c0_i32, %c0_i32_0 : i32, i32
  }
  func.func @transform_6(%arg0: i32) -> (i32, i32) {
    %c0_i32 = arith.constant 0 : i32
    %c0_i32_0 = arith.constant 0 : i32
    return %arg0, %c0_i32 : i32, i32
  }
}

</mosaic_0001>

<sc_bundles>
// kernel: kernel.6.cloned.1.call-start
scs
__scs_entry_jumppad:
0x0: {  	(pc) =	sbr.rel $0x88, $3  }
0x1: {  	(tag) =	ssettag $0x0;
	lr =	simm.s32 $0x1  }
0x2: {  	[smem:$0x3F96] =	sst lr;
	_ =	strace $0xD0000000  }
0x3: {  	_ = 	snop  }
0x4: {  	_ = 	snop  }
0x5: {  	_ = 	snop  }
0x6: {  	_ = 	snop  }
0x7: {  	_ = 	snop  }
__scs_overlays_trampoline_lowered:
0x8: {  	[smem:$0x3FA5] =	sst s0  }
0x9: {  	[smem:$0x3FA6] =	sst s1  }
0xa: {  	[smem:$0x3FA7] =	sst s2  }
0xb: {  	[smem:$0x3FA8] =	sst s3  }
0xc: {  	[smem:$0x3FA9] =	sst s4  }
0xd: {  	[smem:$0x3FAA] =	sst s5  }
0xe: {  	[smem:$0x3FAB] =	sst s6  }
0xf: {  	[smem:$0x3FAC] =	sst s7  }
0x10: {  	[smem:$0x3FAD] =	sst s8  }
0x11: {  	[smem:$0x3FAE] =	sst s9;
	s0 =	simm.s32 @!p0 $0x0  }
0x12: {  	s1 =	sld [smem:$0x3F94];
	s0 =	simm.s32 @p0 $0x1  }
0x13: {  	[smem:$0x3FAF] =	sst s0;
	s0 =	simm.s32 @!p1 $0x0  }
0x14: {  	s2 =	sld [smem:$0x3F93];
	s0 =	simm.s32 @p1 $0x1  }
0x15: {  	[smem:$0x3FB0] =	sst s0;
	s0 =	simm.s32 @!p2 $0x0  }
0x16: {  	s3 =	sld [smem:$0x3FDB];
	s0 =	simm.s32 @p2 $0x1  }
0x17: {  	s4 =	simm.s32 $0x1BF5;
	[smem:$0x3FB2] =	sst s0  }
0x18: {  	s0 =	sld [smem:$0x3F95];
	_ =	swait.ge [sflag:s4], $0x0  }
0x19: {  	s7 =	sld [smem:$0x3F96]  }
0x1a: {  	s8 =	sadd.s32 $0xFFFFE003, lr  }
0x1b: {  	s9 =	sadd.s32 $0xFFFFFEF7, lr;
	s5 =	simm.s32 $0xFFFFFFFF;
	p2 =	slt.u32 s8, $0xFFFFF086  }
0x1c: {  	p1 =	slt.u32 s9, $0xF7A;
	s5 =	simm.s32 @!p2 $0x0  }
0x1d: {  	s5 =	simm.s32 @p1 $0x1;
	p0 =	seq.s32 s7, s2  }
0x1e: {  	s7 =	smul.u32 @!p0 $0xF7A, s2;
	p2 =	seq.s32 @!p0 s5, $0x0  }
0x1f: {  	s9 =	smul.u32 $0xF7A, s1;
	s8 =	simm.s32 @!p0 $0x1BF5;
	p2 =	por !p2, p0  }
0x20: {  	[sflag:s8] =	ssyncset.s32 @!p0 $0xFFFFF086;
	s6 =	sadd.s32 @!p0 s3, s7;
	s7 =	simm.s32 @!p0 $0x108  }
0x21: {  	s3 =	sadd.s32 s3, s9;
	s6 =	sadd.s32 @!p0 $0x88, s6;
	s7 =	simm.s32 @p2 $0x1082  }
0x22: {  	[simem:s7], [sflag:s8] =	dma.local @!p0 [hbm:s6], $0xF7A  }
0x23: {  	s9 =	sor.u32 $0xD0000000, s2;
	s6 =	simm.s32 $0x108;
	_ =	swait.ge @!p0 [sflag:s8], $0x0  }
0x24: {  	s3 =	sadd.s32 $0x88, s3;
	s6 =	simm.s32 @!p1 $0x1082;
	[sflag:s4] =	ssyncset.s32 $0xFFFFF086  }
0x25: {  	[simem:s6], [sflag:s4] =	dma.local [hbm:s3], $0xF7A  }
0x26: {  	[smem:$0x3F96] =	sst s1;
	(tag) =	ssettag s2;
	_ =	strace s9  }
0x27: {  	s1 =	sld [smem:$0x3FA6]  }
0x28: {  	s2 =	sld [smem:$0x3FA7]  }
0x29: {  	s4 =	sld [smem:$0x3FA9]  }
0x2a: {  	p0 =	seq.s32 s5, $0x0;
	s5 =	sld [smem:$0x3FAA]  }
0x2b: {  	s6 =	sld [smem:$0x3FAB]  }
0x2c: {  	s7 =	sld [smem:$0x3FAC]  }
0x2d: {  	s3 =	simm.s32 $0x108;
	s8 =	sld [smem:$0x3FAD]  }
0x2e: {  	s3 =	simm.s32 @!p0 $0x1082;
	s9 =	sld [smem:$0x3FAE]  }
0x2f: {  	lr =	sadd.s32 s0, s3;
	s0 =	sld [smem:$0x3FA5]  }
0x30: {  	s3 =	sld [smem:$0x3FA8]  }
0x31: {  	[smem:$0x3FB1] =	sst s10  }
0x32: {  	s10 =	sld [smem:$0x3FAF];
	_ =	sdelay $0x3  }
0x33: {  	p0 =	seq.s32 s10, $0x1;
	s10 =	sld [smem:$0x3FB1];
	_ =	sdelay $0x3  }
0x34: {  	[smem:$0x3FB1] =	sst s10  }
0x35: {  	s10 =	sld [smem:$0x3FB0];
	_ =	sdelay $0x3  }
0x36: {  	p1 =	seq.s32 s10, $0x1;
	s10 =	sld [smem:$0x3FB1];
	_ =	sdelay $0x3  }
0x37: {  	[smem:$0x3FB1] =	sst s10  }
0x38: {  	s10 =	sld [smem:$0x3FB2]  }
0x39: {  	_ = 	snop;
	(pc) =	sbr.ind lr, $3  }
0x3a: {  	_ = 	snop  }
0x3b: {  	_ = 	snop  }
0x3c: {  	p2 =	seq.s32 s10, $0x1;
	s10 =	sld [smem:$0x3FB1]  }
0x3d: {  	_ =	shalt  }
0x3e: {  	_ =	shalt  }
0x3f: {  	_ =	shalt  }
0x40: {  	_ =	shalt  }
0x41: {  	_ =	shalt  }
0x42: {  	_ =	shalt  }
0x43: {  	_ =	shalt  }
0x44: {  	_ =	shalt  }
0x45: {  	_ =	shalt  }
0x46: {  	_ =	shalt  }
0x47: {  	_ =	shalt  }
0x48: {  	_ =	shalt  }
0x49: {  	_ =	shalt  }
0x4a: {  	_ =	shalt  }
0x4b: {  	_ =	shalt  }
0x4c: {  	_ =	shalt  }
0x4d: {  	_ =	shalt  }
0x4e: {  	_ =	shalt  }
0x4f: {  	_ =	shalt  }
0x50: {  	_ =	shalt  }
0x51: {  	_ =	shalt  }
0x52: {  	_ =	shalt  }
0x53: {  	_ =	shalt  }
0x54: {  	_ =	shalt  }
0x55: {  	_ =	shalt  }
0x56: {  	_ =	shalt  }
0x57: {  	_ =	shalt  }
0x58: {  	_ =	shalt  }
0x59: {  	_ =	shalt  }
0x5a: {  	_ =	shalt  }
0x5b: {  	_ =	shalt  }
0x5c: {  	_ =	shalt  }
0x5d: {  	_ =	shalt  }
0x5e: {  	_ =	shalt  }
0x5f: {  	_ =	shalt  }
0x60: {  	_ =	shalt  }
0x61: {  	_ =	shalt  }
0x62: {  	_ =	shalt  }
0x63: {  	_ =	shalt  }
0x64: {  	_ =	shalt  }
0x65: {  	_ =	shalt  }
0x66: {  	_ =	shalt  }
0x67: {  	_ =	shalt  }
0x68: {  	_ =	shalt  }
0x69: {  	_ =	shalt  }
0x6a: {  	_ =	shalt  }
0x6b: {  	_ =	shalt  }
0x6c: {  	_ =	shalt  }
0x6d: {  	_ =	shalt  }
0x6e: {  	_ =	shalt  }
0x6f: {  	_ =	shalt  }
0x70: {  	_ =	shalt  }
0x71: {  	_ =	shalt  }
0x72: {  	_ =	shalt  }
0x73: {  	_ =	shalt  }
0x74: {  	_ =	shalt  }
0x75: {  	_ =	shalt  }
0x76: {  	_ =	shalt  }
0x77: {  	_ =	shalt  }
0x78: {  	_ =	shalt  }
0x79: {  	_ =	shalt  }
0x7a: {  	_ =	shalt  }
0x7b: {  	_ =	shalt  }
0x7c: {  	_ =	shalt  }
0x7d: {  	_ =	shalt  }
0x7e: {  	_ =	shalt  }
0x7f: {  	_ =	shalt  }
0x80: {  	_ =	shalt  }
0x81: {  	_ =	shalt  }
0x82: {  	_ =	shalt  }
0x83: {  	_ =	shalt  }
0x84: {  	_ =	shalt  }
0x85: {  	_ =	shalt  }
0x86: {  	_ =	shalt  }
0x87: {  	_ =	shalt  }
.Lfunc_end0:
.L_simem_size_0:
called_computation_lowered:
.L_overlay_start_0:
0x88: {  	s2 =	sld [smem:$0x3FD9]  }
0x89: {  	s3 =	sld [smem:$0x3FFE];
	_ =	sdelay $0x1  }
0x8a: {  	s1 =	srdreg.scid  }
0x8b: {  	s0 =	sand.u32 $0x1, s1  }
0x8c: {  	s17 =	sshll.u32 s0, $0xA;
	s2 =	sadd.s32 s3, s2  }
0x8d: {  	s2 =	sadd.s32 s2, s17  }
0x8e: {  	[smem:$0x3FBD] =	sst s2  }
0x8f: {  	_ = 	snop  }
0x90: {  	s2 =	sld [smem:$0x3FC8]  }
0x91: {  	s18 =	sld [smem:$0x3FC7]  }
0x92: {  	s4 =	sld [smem:$0x3FD0];
	(tm) =	ssettm $0x1  }
0x93: {  	s5 =	sld [smem:$0x3FFB];
	_ =	sdelay $0x3  }
0x94: {  	_ =	strace s5  }
0x95: {  	s5 =	sld [smem:$0x3FFC];
	_ =	sdelay $0x3  }
0x96: {  	_ =	strace s5  }
0x97: {  	s5 =	sld [smem:$0x3FFD];
	_ =	sdelay $0x3  }
0x98: {  	_ =	strace s5  }
0x99: {  	_ =	strace $0x8FFFFFFF  }
0x9a: {  	s19 =	sld [smem:$0x3FDB];
	_ =	sdelay $0x1  }
0x9b: {  	s6 =	simm.s32 $_scs_section_size  }
0x9c: {  	s7 =	simm.s32 $_size__tile_overlayer_lowered;
	s8 =	simm.s32 $_tile_overlayer_lowered  }
0x9d: {  	s22 =	simm.s32 $0x1BFF;
	s21 =	sshll.u32 s8, $0x1;
	s5 =	sadd.s32 s6, s19  }
0x9e: {  	s9 =	simm.s32 $0x0;
	s20 =	sshll.u32 s7, $0x1;
	s7 =	sadd.s32 s21, s5  }
0x9f: {  	[timem:s9], [sflag:s22] =	dma.local [hbm:s7], s20  }
0xa0: {  	_ =	swait.ge [sflag:s22], s20  }
0xa1: {  	s6 =	ssub.s32 $0x0, s20;
	[sflag:s22] =	ssyncset.done $0x0  }
0xa2: {  	[sflag:s22] =	ssyncadd.s32 s6;
	_ =	sdelay $0x1  }
0xa3: {  	s23 =	simm.s32 $0x1B8B  }
0xa4: {  	_ =	swait.ge [sflag:s23], $0x1  }
0xa5: {  	[sflag:s23] =	ssyncset.done $0x0  }
0xa6: {  	s25 =	simm.s32 $0x1B8E;
	s24 =	sld [smem:$0x3FFE];
	[sflag:s23] =	ssyncadd.s32 $0xFFFFFFFF  }
0xa7: {  	s26 =	simm.s32 $execute0_lowered;
	[smem:$0x3FD2] =	sst s25  }
0xa8: {  	s7 =	sshll.u32 s26, $0x1;
	_ =	strace $0x80000046;
	[dreg:$0x1] =	wrdreg $0xFFFFFFFF  }
0xa9: {  	s28 =	simm.s32 $_size_execute0_lowered;
	s5 =	sadd.s32 s5, s7;
	[dreg:$0x0] =	wrdreg $0x0  }
0xaa: {  	s7 =	sshll.u32 s28, $0x1;
	[dreg:$0x2] =	wrdreg s5  }
0xab: {  	[dreg:$0x3] =	wrdreg s7  }
0xac: {  	[dreg:$0x4] =	wrdreg $0xC0  }
0xad: {  	_ =	task [dreg:s9], $0x5FFFF  }
0xae: {  	[dreg:$0x1] =	wrdreg $0xFFFFFFFF  }
0xaf: {  	[dreg:$0x0] =	wrdreg $0x60  }
0xb0: {  	[dreg:$0x2] =	wrdreg s18  }
0xb1: {  	[dreg:$0x3] =	wrdreg s24  }
0xb2: {  	[dreg:$0x4] =	wrdreg s2  }
0xb3: {  	[dreg:$0x5] =	wrdreg s4  }
0xb4: {  	[dreg:$0x6] =	wrdreg $0xAA000  }
0xb5: {  	[dreg:$0x7] =	wrdreg $0x1EA000  }
0xb6: {  	[dreg:$0x8] =	wrdreg $0x9  }
0xb7: {  	_ =	task.clear_ibuf [dreg:s9], $0x9FFFF;
	_ =	strace $0x90000046  }
0xb8: {  	s29 =	simm.s32 $0x9;
	_ =	strace $0x80000048  }
0xb9: {  	_ =	swait.ge [sflag:s29], $0x1  }
0xba: {  	[sflag:s29] =	ssyncadd.s32 $0xFFFFFFFF  }
0xbb: {  	_ =	strace $0x90000048  }
0xbc: {  	_ =	sfence  }
0xbd: {  	s30 =	sld [smem:$0x0];
	_ =	sdelay $0x2  }
0xbe: {  	s31 =	sshll.u32 s1, $0xD;
	s1 =	sshrl.u32 s1, $0x2  }
0xbf: {  	s3 =	sand.u32 $0x4000, s31;
	s1 =	sadd.s32 s1, s30  }
0xc0: {  	s0 =	sor.u32 s3, s0;
	s1 =	sshll.u32 s1, $0x11  }
0xc1: {  	s0 =	sor.u32 s1, s0  }
0xc2: {  	s0 =	sadd.s32 $0x8F2B, s0  }
0xc3: {  	[sflag:s0] =	ssyncadd.remote.s32 $0x1  }
0xc4: {  	_ =	sfence.sel $0xFFFF  }
0xc5: {  	[dreg:$0x0] =	wrdreg $0xFFFFFFFF;
	(pc) =	sbr.abs _section_cstart, $3  }
0xc6: {  	[dreg:$0x1] =	wrdreg $0xFFFFFFFF  }
0xc7: {  	_ =	task.clear_ibuf [dreg:s9], $0x2FFFF;
	_ =	strace $0x9FFFFFFF  }
0xc8: {  	(tm) =	ssettm $0x7FFFFFFF  }
0xc9: {  	_ =	shalt  }
tec
execute0_lowered:
.L_overlay_start_1:
0x0: {  	(tag) =	ssettag $0x1  }
0x1: {  	s1 =	rddreg [dreg:$0x0]  }
0x2: {  	s2 =	rddreg [dreg:$0x1]  }
0x3: {  	s6 =	rddreg [dreg:$0x2]  }
0x4: {  	s0 =	rddreg [dreg:$0x3]  }
0x5: {  	s3 =	rddreg [dreg:$0x4]  }
0x6: {  	s4 =	rddreg [dreg:$0x5];
	s18 =	stileid.u32  }
0x7: {  	s7 =	srdreg.scid;
	s8 =	smul.u32 $0x14000, s18  }
0x8: {  	s5 =	simm.s32 $0x0;
	s7 =	sand.u32 $0x1, s7;
	s16 =	smul.u32 $0x50000, s18  }
0x9: {  	[smem:$0x7FF] =	sst s5;
	s10 =	sadd.s32 $0x2000, s2;
	s21 =	smul.u32 $0x4E20, s18  }
0xa: {  	s11 =	sadd.s32 $0xBE00, s2;
	s12 =	sshll.u32 s18, $0xC;
	s9 =	smul.u32 $0x140000, s7  }
0xb: {  	_ =	strace $0x80000047;
	s13 =	sshll.u32 s7, $0x10;
	s14 =	ssub.s32 $0x2, s7  }
0xc: {  	s17 =	smul.u32 $0x2710, s7;
	s13 =	sor.u32 s12, s13;
	s15 =	sshrl.u32 s14, $0x1  }
0xd: {  	s20 =	sshrl.u32 s16, $0x2;
	s29 =	sadd.s32 s8, s3;
	s12 =	sadd.s32 s12, s4  }
0xe: {  	s16 =	simm.s32 $0x500;
	s9 =	sadd.s32 s8, s9;
	[smem:$0x7F5] =	sst s12  }
0xf: {  	s13 =	sshrl.u32 s13, $0x3;
	s26 =	sadd.s32 s17, s21;
	[dreg:$0x10] =	wrdreg s16  }
0x10: {  	s12 =	simm.s32 $0x7D0;
	[smem:$0x7FD] =	sst s29;
	s9 =	sshrl.u32 s9, $0x3  }
0x11: {  	s8 =	sshrl.u32 s26, $0x3;
	s26 =	simm.s32 $0x230;
	[dreg:$0xe] =	wrdreg s12  }
0x12: {  	s9 =	sadd.s32 s9, s2;
	s2 =	sadd.s32 s13, s2;
	s13 =	ssub.s32 s14, s15  }
0x13: {  	s15 =	sadd.s32 s20, s3;
	s20 =	sadd.s32 s8, s6;
	[dreg:$0xc] =	wrdreg s26  }
0x14: {  	s21 =	sadd.s32 s8, s11;
	[dreg:$0x7] =	wrdreg s20  }
0x15: {  	s28 =	simm.s32 $0x3160;
	s8 =	sadd.s32 s8, s10;
	[dreg:$0x8] =	wrdreg s21  }
0x16: {  	s30 =	simm.s32 $0x5960;
	s26 =	simm.s32 $0x910;
	[dreg:$0x9] =	wrdreg s8  }
0x17: {  	s31 =	simm.s32 $0x1;
	s22 =	sadd.s32 $0x2800, s15;
	[dreg:$0x18] =	wrdreg s26  }
0x18: {  	s19 =	sshll.u32 s18, $0x1;
	s23 =	sadd.s32 $0x5000, s15;
	[dreg:$0x19] =	wrdreg s22  }
0x19: {  	s16 =	simm.s32 $0x3C0;
	s24 =	sadd.s32 $0x7800, s15;
	[dreg:$0x1a] =	wrdreg s23  }
0x1a: {  	s12 =	simm.s32 $0x690;
	s25 =	sadd.s32 $0xA000, s15;
	[dreg:$0x1b] =	wrdreg s24  }
0x1b: {  	s14 =	sor.u32 s7, s19;
	s17 =	sadd.s32 $0xC800, s15;
	[dreg:$0x1c] =	wrdreg s25  }
0x1c: {  	s7 =	smul.u32 $0x28A00, s7;
	s19 =	sadd.s32 $0xF000, s15;
	[dreg:$0x1d] =	wrdreg s17  }
0x1d: {  	s15 =	sadd.s32 $0x11800, s15;
	s14 =	smul.u32 $0x2710, s14;
	[dreg:$0x1e] =	wrdreg s19  }
0x1e: {  	s2 =	sadd.s32 $0x15C00, s2;
	s20 =	simm.s32 $0x550;
	[dreg:$0x1f] =	wrdreg s15  }
0x1f: {  	s21 =	simm.s32 $0x870;
	s26 =	simm.s32 $0x50;
	[smem:$0x7FA] =	sst s2  }
0x20: {  	s8 =	simm.s32 $0x2;
	s23 =	simm.s32 $0x190;
	[dreg:$0x13] =	wrdreg s20  }
0x21: {  	s24 =	simm.s32 $0x1E0;
	s15 =	smul.u32 $0x28A0, s18;
	[dreg:$0x14] =	wrdreg s21  }
0x22: {  	s17 =	simm.s32 $0x820;
	s19 =	simm.s32 $0x2D0;
	[dreg:$0xa] =	wrdreg s23  }
0x23: {  	s2 =	simm.s32 $0x4;
	s20 =	simm.s32 $0x730;
	[dreg:$0xb] =	wrdreg s24  }
0x24: {  	s21 =	simm.s32 $0x460;
	s14 =	sshrl.u32 s14, $0x3;
	[dreg:$0x11] =	wrdreg s17  }
0x25: {  	[dreg:$0x12] =	wrdreg s19;
	s23 =	simm.s32 $0x5A0;
	s24 =	simm.s32 $0x8C0  }
0x26: {  	s17 =	simm.s32 $0x6;
	s19 =	simm.s32 $0x410;
	s22 =	sadd.s32 $0x4B0, s14  }
0x27: {  	s14 =	simm.s32 $0x280;
	s18 =	sadd.s32 s15, s7;
	[dreg:$0x15] =	wrdreg s23  }
0x28: {  	s23 =	simm.s32 $0x7;
	[dreg:$0x16] =	wrdreg s24;
	s24 =	simm.s32 $0x320  }
0x29: {  	s7 =	simm.s32 $0x0;
	s10 =	sadd.s32 s10, s22;
	[dreg:$0xf] =	wrdreg s14  }
0x2a: {  	s15 =	simm.s32 $0x140;
	s25 =	sadd.s32 s11, s22;
	[smem:$0x7F6] =	sst s10  }
0x2b: {  	s6 =	sadd.s32 s6, s22;
	s11 =	sadd.s32 $0x19C00, s9;
	[smem:$0x7F7] =	sst s25  }
0x2c: {  	s22 =	smax.u32 s13, $0x1;
	s13 =	simm.s32 $0x3;
	[smem:$0x7F8] =	sst s6  }
0x2d: {  	s10 =	simm.s32 $0x4B0;
	[smem:$0x7F9] =	sst s11;
	s6 =	sshrl.u32 s18, $0x3  }
0x2e: {  	[smem:$0x7FC] =	sst s22;
	s22 =	simm.s32 $0x960;
	s25 =	simm.s32 $0x5F0  }
0x2f: {  	s11 =	simm.s32 $0x5;
	s18 =	simm.s32 $0x6E0;
	[dreg:$0xd] =	wrdreg s10  }
0x30: {  	s0 =	sadd.s32 s0, s6;
	[dreg:$0x17] =	wrdreg s25;
	s25 =	simm.s32 $0x640  }
0x31: {  	v0 =	vimm.f32 $0.0e+00;
	v1 =	vimm.f32 $1.000000000e+00;
	s10 =	simm.s32 $0x370;
	[smem:$0x7FB] =	sst s0;
	s0 =	simm.s32 $0x8160  }
.LBB2_1:
0x32: {  	[smem:$0x7F4] =	sst s7;
	s6 =	sand.u32 $0xFE00, s5  }
0x33: {  	s9 =	smov.u32 s29;
	s29 =	sand.u32 $0x70, s5;
	s6 =	sshrl.u32 s6, $0x2  }
0x34: {  	s14 =	simm.s32 $0x40;
	s29 =	sor.u32 s29, s6;
	s6 =	simm.s32 $0x0  }
.LBB2_2:
0x35: {  	p0 =	sne.s32 s14, $0x9FC0  }
0x36: {  	[tilespmem:s29+$0x960] =	vst v0;
	s6 =	sadd.s32 $0x10, s6;
	s29 =	smov.u32 s14;
	s14 =	sadd.s32 $0x40, s14  }
.Ltmp0:
0x37: {  	(pc) =	sbr.rel @p0 .LBB2_2-.Ltmp0, $4  }
0x38: {  	_ = 	snop  }
0x39: {  	s29 =	sand.u32 $0xFE00, s29  }
0x3a: {  	s7 =	sand.u32 $0x70, s6;
	s29 =	sshrl.u32 s29, $0x2  }
0x3b: {  	s29 =	sor.u32 s7, s29  }
0x3c: {  	[tilespmem:s29+$0x960] =	vst v0  }
0x3d: {  	[spmem:s9] =	stream.linear.scatter [tilespmem:s22], [sflag:$0x7], $0x2800, $0x38;
	[tilespmem:$0x1FA00] =	vst v63  }
0x3e: {  	_ =	swait.ge [sflag:s23], $0x2800  }
0x3f: {  	[sflag:s23] =	ssyncset.done $0x0  }
0x40: {  	s6 =	rddreg [dreg:$0x19];
	[sflag:s23] =	ssyncadd.s32 $0xFFFFD800  }
0x41: {  	[spmem:s6] =	stream.linear.scatter [tilespmem:s22], [sflag:$0x7], $0x2800, $0x38;
	[tilespmem:$0x1FA00] =	vst v63  }
0x42: {  	_ =	swait.ge [sflag:s23], $0x2800  }
0x43: {  	[sflag:s23] =	ssyncset.done $0x0  }
0x44: {  	s9 =	rddreg [dreg:$0x1a];
	[sflag:s23] =	ssyncadd.s32 $0xFFFFD800  }
0x45: {  	[spmem:s9] =	stream.linear.scatter [tilespmem:s22], [sflag:$0x7], $0x2800, $0x38;
	[tilespmem:$0x1FA00] =	vst v63  }
0x46: {  	_ =	swait.ge [sflag:s23], $0x2800  }
0x47: {  	[sflag:s23] =	ssyncset.done $0x0  }
0x48: {  	s14 =	rddreg [dreg:$0x1b];
	[sflag:s23] =	ssyncadd.s32 $0xFFFFD800  }
0x49: {  	[spmem:s14] =	stream.linear.scatter [tilespmem:s22], [sflag:$0x7], $0x2800, $0x38;
	[tilespmem:$0x1FA00] =	vst v63  }
0x4a: {  	_ =	swait.ge [sflag:s23], $0x2800  }
0x4b: {  	[sflag:s23] =	ssyncset.done $0x0  }
0x4c: {  	s29 =	rddreg [dreg:$0x1c];
	[sflag:s23] =	ssyncadd.s32 $0xFFFFD800  }
0x4d: {  	[spmem:s29] =	stream.linear.scatter [tilespmem:s22], [sflag:$0x7], $0x2800, $0x38;
	[tilespmem:$0x1FA00] =	vst v63  }
0x4e: {  	_ =	swait.ge [sflag:s23], $0x2800  }
0x4f: {  	[sflag:s23] =	ssyncset.done $0x0  }
0x50: {  	s7 =	rddreg [dreg:$0x1d];
	[sflag:s23] =	ssyncadd.s32 $0xFFFFD800  }
0x51: {  	[spmem:s7] =	stream.linear.scatter [tilespmem:s22], [sflag:$0x7], $0x2800, $0x38;
	[tilespmem:$0x1FA00] =	vst v63  }
0x52: {  	_ =	swait.ge [sflag:s23], $0x2800  }
0x53: {  	[sflag:s23] =	ssyncset.done $0x0  }
0x54: {  	s9 =	rddreg [dreg:$0x1e];
	[sflag:s23] =	ssyncadd.s32 $0xFFFFD800  }
0x55: {  	[spmem:s9] =	stream.linear.scatter [tilespmem:s22], [sflag:$0x7], $0x2800, $0x38;
	[tilespmem:$0x1FA00] =	vst v63  }
0x56: {  	_ =	swait.ge [sflag:s23], $0x2800  }
0x57: {  	[sflag:s23] =	ssyncset.done $0x0  }
0x58: {  	s14 =	rddreg [dreg:$0x1f];
	[sflag:s23] =	ssyncadd.s32 $0xFFFFD800  }
0x59: {  	[spmem:s14] =	stream.linear.scatter [tilespmem:s22], [sflag:$0x7], $0x2800, $0x38;
	[tilespmem:$0x1FA00] =	vst v63  }
0x5a: {  	_ =	swait.ge [sflag:s23], $0x2800  }
0x5b: {  	s29 =	sld [smem:$0x7F5]  }
0x5c: {  	[sflag:s23] =	ssyncset.done $0x0  }
0x5d: {  	[sflag:s23] =	ssyncadd.s32 $0xFFFFD800  }
0x5e: {  	[spmem:s29] =	stream.linear.scatter [tilespmem:s22], [sflag:$0x7], $0x1000, $0x38;
	[tilespmem:$0x1FA00] =	vst v63  }
0x5f: {  	_ =	swait.ge [sflag:s23], $0x1000  }
0x60: {  	[sflag:s23] =	ssyncset.done $0x0  }
0x61: {  	s6 =	simm.s32 $0x40;
	s14 =	simm.s32 $0x0;
	[sflag:s23] =	ssyncadd.s32 $0xFFFFF000  }
.LBB2_4:
0x62: {  	p0 =	sne.s32 s6, $0xA240;
	[tilespmem:s14+$0x8160] =	vst v0;
	s7 =	smov.u32 s6;
	s6 =	sadd.s32 $0x40, s6  }
.Ltmp1:
0x63: {  	(pc) =	sbr.rel @p0 .LBB2_4-.Ltmp1, $2  }
0x64: {  	_ =	sdelay $0x2  }
0x65: {  	s14 =	sshra.s32 s7, $0x2  }
0x66: {  	[tilespmem:s14+$0x8160] =	vst v0;
	s14 =	simm.s32 $0x0  }
0x67: {  	s9 =	simm.s32 $0xA0;
	s29 =	simm.s32 $0xF0;
	[bflag:$0x0] =	sbarrier.arrive $0xFFFF  }
.LBB2_6:
0x68: {  	s6 =	rddreg [dreg:$0x9]  }
0x69: {  	s6 =	sadd.s32 s14, s6  }
0x6a: {  	[tilespmem:s5], [sflag:$0x7] =	stream.linear.gather [hbm4b:s6+s5], $0x320, $0x38;
	[tilespmem:$0x1FA00] =	vst v63  }
0x6b: {  	_ =	swait.ge [sflag:s23], $0x320  }
0x6c: {  	s7 =	rddreg [dreg:$0x8];
	[sflag:s23] =	ssyncset.done $0x0  }
0x6d: {  	[sflag:s23] =	ssyncadd.s32 $0xFFFFFCE0;
	s6 =	sadd.s32 s14, s7  }
0x6e: {  	[tilespmem:s24], [sflag:$0x7] =	stream.linear.gather [hbm4b:s6+s5], $0x320, $0x38;
	[tilespmem:$0x1FA00] =	vst v63  }
0x6f: {  	_ =	swait.ge [sflag:s23], $0x320  }
0x70: {  	s7 =	rddreg [dreg:$0x7];
	[sflag:s23] =	ssyncset.done $0x0  }
0x71: {  	[sflag:s23] =	ssyncadd.s32 $0xFFFFFCE0;
	s6 =	sadd.s32 s14, s7  }
0x72: {  	[tilespmem:s25], [sflag:$0x7] =	stream.linear.gather [hbm4b:s6+s5], $0x320, $0x38;
	[tilespmem:$0x1FA00] =	vst v63  }
0x73: {  	_ =	swait.ge [sflag:s23], $0x320  }
0x74: {  	[sflag:s23] =	ssyncset.done $0x0  }
0x75: {  	[sflag:s23] =	ssyncadd.s32 $0xFFFFFCE0  }
0x76: {  	[tilespmem:s22], [sflag:$0x1] =	stream.indirect.gather [hbm4b:s1+s26], $0x80, s5, s26, $0xb8;
	[tilespmem:$0x1FA00] =	vst v63  }
0x77: {  	_ = 	snop  }
0x78: {  	[tilespmem:s28], [sflag:$0x2] =	stream.indirect.gather [hbm4b:s1+s26], $0x80, s26, s26, $0xb8;
	[tilespmem:$0x1FA00] =	vst v63  }
0x79: {  	_ = 	snop  }
0x7a: {  	[tilespmem:s30], [sflag:$0x3] =	stream.indirect.gather [hbm4b:s1+s26], $0x80, s9, s26, $0xb8;
	[tilespmem:$0x1FA00] =	vst v63  }
0x7b: {  	_ =	swait.ge [sflag:s31], $0x2800  }
0x7c: {  	[sflag:s31] =	ssyncset.done $0x0  }
0x7d: {  	[sflag:s31] =	ssyncadd.s32 $0xFFFFD800  }
0x7e: {  	[spmem:s3] =	stream.indirect.scatter.add.f32 [tilespmem:s22], [sflag:$0x4], $0x80, s24, s26, $0xb8;
	[tilespmem:$0x1FA00] =	vst v63  }
0x7f: {  	_ = 	snop  }
0x80: {  	[spmem:s4] =	stream.indirect.scatter.add.f32 [tilespmem:s22], [sflag:$0x4], $0x80, s25, s26, $0xb8;
	[tilespmem:$0x1FA00] =	vst v63  }
0x81: {  	v2 =	vld [tilespmem:$0x320];
	_ =	sdelay $0x7  }
0x82: {  	[tilespmem:v2+s0+$0x0] =	vst.idx.add.f32.msk $0xffff, v1  }
0x83: {  	v2 =	vld [tilespmem:$0x640];
	_ =	sdelay $0x4  }
0x84: {  	v2 =	vadd.s32 $0x2710, v2;
	_ =	sdelay $0x4  }
0x85: {  	[tilespmem:v2+s0+$0x0] =	vst.idx.add.f32.msk $0xffff, v1  }
0x86: {  	v2 =	vld [tilespmem:$0x330];
	_ =	sdelay $0x7  }
0x87: {  	[tilespmem:v2+s0+$0x0] =	vst.idx.add.f32.msk $0xffff, v1  }
0x88: {  	v2 =	vld [tilespmem:$0x650];
	_ =	sdelay $0x4  }
0x89: {  	v2 =	vadd.s32 $0x2710, v2;
	_ =	sdelay $0x4  }
0x8a: {  	[tilespmem:v2+s0+$0x0] =	vst.idx.add.f32.msk $0xffff, v1  }
0x8b: {  	v2 =	vld [tilespmem:$0x340];
	_ =	sdelay $0x7  }
0x8c: {  	[tilespmem:v2+s0+$0x0] =	vst.idx.add.f32.msk $0xffff, v1  }
0x8d: {  	v2 =	vld [tilespmem:$0x660];
	_ =	sdelay $0x4  }
0x8e: {  	v2 =	vadd.s32 $0x2710, v2;
	_ =	sdelay $0x4  }
0x8f: {  	[tilespmem:v2+s0+$0x0] =	vst.idx.add.f32.msk $0xffff, v1  }
0x90: {  	v2 =	vld [tilespmem:$0x350];
	_ =	sdelay $0x7  }
0x91: {  	[tilespmem:v2+s0+$0x0] =	vst.idx.add.f32.msk $0xffff, v1  }
0x92: {  	v2 =	vld [tilespmem:$0x670];
	_ =	sdelay $0x4  }
0x93: {  	v2 =	vadd.s32 $0x2710, v2;
	_ =	sdelay $0x4  }
0x94: {  	[tilespmem:v2+s0+$0x0] =	vst.idx.add.f32.msk $0xffff, v1  }
0x95: {  	v2 =	vld [tilespmem:$0x360];
	_ =	sdelay $0x7  }
0x96: {  	[tilespmem:v2+s0+$0x0] =	vst.idx.add.f32.msk $0xffff, v1  }
0x97: {  	v2 =	vld [tilespmem:$0x680];
	_ =	sdelay $0x4  }
0x98: {  	v2 =	vadd.s32 $0x2710, v2;
	_ =	sdelay $0x4  }
0x99: {  	[tilespmem:v2+s0+$0x0] =	vst.idx.add.f32.msk $0xffff, v1  }
0x9a: {  	_ =	swait.ge [sflag:s2], $0x2800  }
0x9b: {  	[sflag:s2] =	ssyncset.done $0x0  }
0x9c: {  	[sflag:s2] =	ssyncadd.s32 $0xFFFFD800  }
0x9d: {  	_ =	swait.ge [sflag:s2], $0x2800  }
0x9e: {  	[sflag:s2] =	ssyncset.done $0x0  }
0x9f: {  	[sflag:s2] =	ssyncadd.s32 $0xFFFFD800  }
0xa0: {  	[tilespmem:s22], [sflag:$0x1] =	stream.indirect.gather [hbm4b:s1+s26], $0x80, s29, s26, $0xb8;
	[tilespmem:$0x1FA00] =	vst v63  }
0xa1: {  	_ =	swait.ge [sflag:s8], $0x2800  }
0xa2: {  	[sflag:s8] =	ssyncset.done $0x0  }
0xa3: {  	[sflag:s8] =	ssyncadd.s32 $0xFFFFD800  }
0xa4: {  	[spmem:s3] =	stream.indirect.scatter.add.f32 [tilespmem:s28], [sflag:$0x5], $0x80, s10, s26, $0xb8;
	[tilespmem:$0x1FA00] =	vst v63  }
0xa5: {  	_ = 	snop  }
0xa6: {  	[spmem:s4] =	stream.indirect.scatter.add.f32 [tilespmem:s28], [sflag:$0x5], $0x80, s12, s26, $0xb8;
	[tilespmem:$0x1FA00] =	vst v63  }
0xa7: {  	v2 =	vld [tilespmem:$0x370];
	_ =	sdelay $0x7  }
0xa8: {  	[tilespmem:v2+s0+$0x0] =	vst.idx.add.f32.msk $0xffff, v1  }
0xa9: {  	v2 =	vld [tilespmem:$0x690];
	_ =	sdelay $0x4  }
0xaa: {  	v2 =	vadd.s32 $0x2710, v2;
	_ =	sdelay $0x4  }
0xab: {  	[tilespmem:v2+s0+$0x0] =	vst.idx.add.f32.msk $0xffff, v1  }
0xac: {  	v2 =	vld [tilespmem:$0x380];
	_ =	sdelay $0x7  }
0xad: {  	[tilespmem:v2+s0+$0x0] =	vst.idx.add.f32.msk $0xffff, v1  }
0xae: {  	v2 =	vld [tilespmem:$0x6A0];
	_ =	sdelay $0x4  }
0xaf: {  	v2 =	vadd.s32 $0x2710, v2;
	_ =	sdelay $0x4  }
0xb0: {  	[tilespmem:v2+s0+$0x0] =	vst.idx.add.f32.msk $0xffff, v1  }
0xb1: {  	v2 =	vld [tilespmem:$0x390];
	_ =	sdelay $0x7  }
0xb2: {  	[tilespmem:v2+s0+$0x0] =	vst.idx.add.f32.msk $0xffff, v1  }
0xb3: {  	v2 =	vld [tilespmem:$0x6B0];
	_ =	sdelay $0x4  }
0xb4: {  	v2 =	vadd.s32 $0x2710, v2;
	_ =	sdelay $0x4  }
0xb5: {  	[tilespmem:v2+s0+$0x0] =	vst.idx.add.f32.msk $0xffff, v1  }
0xb6: {  	v2 =	vld [tilespmem:$0x3A0];
	_ =	sdelay $0x7  }
0xb7: {  	[tilespmem:v2+s0+$0x0] =	vst.idx.add.f32.msk $0xffff, v1  }
0xb8: {  	v2 =	vld [tilespmem:$0x6C0];
	_ =	sdelay $0x4  }
0xb9: {  	v2 =	vadd.s32 $0x2710, v2;
	_ =	sdelay $0x4  }
0xba: {  	[tilespmem:v2+s0+$0x0] =	vst.idx.add.f32.msk $0xffff, v1  }
0xbb: {  	v2 =	vld [tilespmem:$0x3B0];
	_ =	sdelay $0x7  }
0xbc: {  	[tilespmem:v2+s0+$0x0] =	vst.idx.add.f32.msk $0xffff, v1  }
0xbd: {  	v2 =	vld [tilespmem:$0x6D0];
	_ =	sdelay $0x4  }
0xbe: {  	v2 =	vadd.s32 $0x2710, v2;
	_ =	sdelay $0x4  }
0xbf: {  	[tilespmem:v2+s0+$0x0] =	vst.idx.add.f32.msk $0xffff, v1  }
0xc0: {  	_ =	swait.ge [sflag:s11], $0x2800  }
0xc1: {  	[sflag:s11] =	ssyncset.done $0x0  }
0xc2: {  	[sflag:s11] =	ssyncadd.s32 $0xFFFFD800  }
0xc3: {  	_ =	swait.ge [sflag:s11], $0x2800  }
0xc4: {  	[sflag:s11] =	ssyncset.done $0x0  }
0xc5: {  	[sflag:s11] =	ssyncadd.s32 $0xFFFFD800  }
0xc6: {  	[tilespmem:s28], [sflag:$0x2] =	stream.indirect.gather [hbm4b:s1+s26], $0x80, s15, s26, $0xb8;
	[tilespmem:$0x1FA00] =	vst v63  }
0xc7: {  	_ =	swait.ge [sflag:s13], $0x2800  }
0xc8: {  	[sflag:s13] =	ssyncset.done $0x0  }
0xc9: {  	[sflag:s13] =	ssyncadd.s32 $0xFFFFD800  }
0xca: {  	[spmem:s3] =	stream.indirect.scatter.add.f32 [tilespmem:s30], [sflag:$0x6], $0x80, s16, s26, $0xb8;
	[tilespmem:$0x1FA00] =	vst v63  }
0xcb: {  	_ = 	snop  }
0xcc: {  	[spmem:s4] =	stream.indirect.scatter.add.f32 [tilespmem:s30], [sflag:$0x6], $0x80, s18, s26, $0xb8;
	[tilespmem:$0x1FA00] =	vst v63  }
0xcd: {  	v2 =	vld [tilespmem:$0x3C0];
	_ =	sdelay $0x7  }
0xce: {  	[tilespmem:v2+s0+$0x0] =	vst.idx.add.f32.msk $0xffff, v1  }
0xcf: {  	v2 =	vld [tilespmem:$0x6E0];
	_ =	sdelay $0x4  }
0xd0: {  	v2 =	vadd.s32 $0x2710, v2;
	_ =	sdelay $0x4  }
0xd1: {  	[tilespmem:v2+s0+$0x0] =	vst.idx.add.f32.msk $0xffff, v1  }
0xd2: {  	v2 =	vld [tilespmem:$0x3D0];
	_ =	sdelay $0x7  }
0xd3: {  	[tilespmem:v2+s0+$0x0] =	vst.idx.add.f32.msk $0xffff, v1  }
0xd4: {  	v2 =	vld [tilespmem:$0x6F0];
	_ =	sdelay $0x4  }
0xd5: {  	v2 =	vadd.s32 $0x2710, v2;
	_ =	sdelay $0x4  }
0xd6: {  	[tilespmem:v2+s0+$0x0] =	vst.idx.add.f32.msk $0xffff, v1  }
0xd7: {  	v2 =	vld [tilespmem:$0x3E0];
	_ =	sdelay $0x7  }
0xd8: {  	[tilespmem:v2+s0+$0x0] =	vst.idx.add.f32.msk $0xffff, v1  }
0xd9: {  	v2 =	vld [tilespmem:$0x700];
	_ =	sdelay $0x4  }
0xda: {  	v2 =	vadd.s32 $0x2710, v2;
	_ =	sdelay $0x4  }
0xdb: {  	[tilespmem:v2+s0+$0x0] =	vst.idx.add.f32.msk $0xffff, v1  }
0xdc: {  	v2 =	vld [tilespmem:$0x3F0];
	_ =	sdelay $0x7  }
0xdd: {  	[tilespmem:v2+s0+$0x0] =	vst.idx.add.f32.msk $0xffff, v1  }
0xde: {  	v2 =	vld [tilespmem:$0x710];
	_ =	sdelay $0x4  }
0xdf: {  	v2 =	vadd.s32 $0x2710, v2;
	_ =	sdelay $0x4  }
0xe0: {  	[tilespmem:v2+s0+$0x0] =	vst.idx.add.f32.msk $0xffff, v1  }
0xe1: {  	v2 =	vld [tilespmem:$0x400];
	_ =	sdelay $0x7  }
0xe2: {  	[tilespmem:v2+s0+$0x0] =	vst.idx.add.f32.msk $0xffff, v1  }
0xe3: {  	v2 =	vld [tilespmem:$0x720];
	_ =	sdelay $0x4  }
0xe4: {  	v2 =	vadd.s32 $0x2710, v2;
	_ =	sdelay $0x4  }
0xe5: {  	[tilespmem:v2+s0+$0x0] =	vst.idx.add.f32.msk $0xffff, v1  }
0xe6: {  	_ =	swait.ge [sflag:s17], $0x2800  }
0xe7: {  	[sflag:s17] =	ssyncset.done $0x0  }
0xe8: {  	[sflag:s17] =	ssyncadd.s32 $0xFFFFD800  }
0xe9: {  	_ =	swait.ge [sflag:s17], $0x2800  }
0xea: {  	[sflag:s17] =	ssyncset.done $0x0  }
0xeb: {  	s7 =	rddreg [dreg:$0xa];
	[sflag:s17] =	ssyncadd.s32 $0xFFFFD800  }
0xec: {  	[tilespmem:s30], [sflag:$0x3] =	stream.indirect.gather [hbm4b:s1+s26], $0x80, s7, s26, $0xb8;
	[tilespmem:$0x1FA00] =	vst v63  }
0xed: {  	_ =	swait.ge [sflag:s31], $0x2800  }
0xee: {  	[sflag:s31] =	ssyncset.done $0x0  }
0xef: {  	[sflag:s31] =	ssyncadd.s32 $0xFFFFD800  }
0xf0: {  	[spmem:s3] =	stream.indirect.scatter.add.f32 [tilespmem:s22], [sflag:$0x4], $0x80, s19, s26, $0xb8;
	[tilespmem:$0x1FA00] =	vst v63  }
0xf1: {  	_ = 	snop  }
0xf2: {  	[spmem:s4] =	stream.indirect.scatter.add.f32 [tilespmem:s22], [sflag:$0x4], $0x80, s20, s26, $0xb8;
	[tilespmem:$0x1FA00] =	vst v63  }
0xf3: {  	v2 =	vld [tilespmem:$0x410];
	_ =	sdelay $0x7  }
0xf4: {  	[tilespmem:v2+s0+$0x0] =	vst.idx.add.f32.msk $0xffff, v1  }
0xf5: {  	v2 =	vld [tilespmem:$0x730];
	_ =	sdelay $0x4  }
0xf6: {  	v2 =	vadd.s32 $0x2710, v2;
	_ =	sdelay $0x4  }
0xf7: {  	[tilespmem:v2+s0+$0x0] =	vst.idx.add.f32.msk $0xffff, v1  }
0xf8: {  	v2 =	vld [tilespmem:$0x420];
	_ =	sdelay $0x7  }
0xf9: {  	[tilespmem:v2+s0+$0x0] =	vst.idx.add.f32.msk $0xffff, v1  }
0xfa: {  	v2 =	vld [tilespmem:$0x740];
	_ =	sdelay $0x4  }
0xfb: {  	v2 =	vadd.s32 $0x2710, v2;
	_ =	sdelay $0x4  }
0xfc: {  	[tilespmem:v2+s0+$0x0] =	vst.idx.add.f32.msk $0xffff, v1  }
0xfd: {  	v2 =	vld [tilespmem:$0x430];
	_ =	sdelay $0x7  }
0xfe: {  	[tilespmem:v2+s0+$0x0] =	vst.idx.add.f32.msk $0xffff, v1  }
0xff: {  	v2 =	vld [tilespmem:$0x750];
	_ =	sdelay $0x4  }
0x100: {  	v2 =	vadd.s32 $0x2710, v2;
	_ =	sdelay $0x4  }
0x101: {  	[tilespmem:v2+s0+$0x0] =	vst.idx.add.f32.msk $0xffff, v1  }
0x102: {  	v2 =	vld [tilespmem:$0x440];
	_ =	sdelay $0x7  }
0x103: {  	[tilespmem:v2+s0+$0x0] =	vst.idx.add.f32.msk $0xffff, v1  }
0x104: {  	v2 =	vld [tilespmem:$0x760];
	_ =	sdelay $0x4  }
0x105: {  	v2 =	vadd.s32 $0x2710, v2;
	_ =	sdelay $0x4  }
0x106: {  	[tilespmem:v2+s0+$0x0] =	vst.idx.add.f32.msk $0xffff, v1  }
0x107: {  	v2 =	vld [tilespmem:$0x450];
	_ =	sdelay $0x7  }
0x108: {  	[tilespmem:v2+s0+$0x0] =	vst.idx.add.f32.msk $0xffff, v1  }
0x109: {  	v2 =	vld [tilespmem:$0x770];
	_ =	sdelay $0x4  }
0x10a: {  	v2 =	vadd.s32 $0x2710, v2;
	_ =	sdelay $0x4  }
0x10b: {  	[tilespmem:v2+s0+$0x0] =	vst.idx.add.f32.msk $0xffff, v1  }
0x10c: {  	_ =	swait.ge [sflag:s2], $0x2800  }
0x10d: {  	[sflag:s2] =	ssyncset.done $0x0  }
0x10e: {  	[sflag:s2] =	ssyncadd.s32 $0xFFFFD800  }
0x10f: {  	_ =	swait.ge [sflag:s2], $0x2800  }
0x110: {  	[sflag:s2] =	ssyncset.done $0x0  }
0x111: {  	s7 =	rddreg [dreg:$0xb];
	[sflag:s2] =	ssyncadd.s32 $0xFFFFD800  }
0x112: {  	[tilespmem:s22], [sflag:$0x1] =	stream.indirect.gather [hbm4b:s1+s26], $0x80, s7, s26, $0xb8;
	[tilespmem:$0x1FA00] =	vst v63  }
0x113: {  	_ =	swait.ge [sflag:s8], $0x2800  }
0x114: {  	[sflag:s8] =	ssyncset.done $0x0  }
0x115: {  	[sflag:s8] =	ssyncadd.s32 $0xFFFFD800  }
0x116: {  	[spmem:s3] =	stream.indirect.scatter.add.f32 [tilespmem:s28], [sflag:$0x5], $0x80, s21, s26, $0xb8;
	[tilespmem:$0x1FA00] =	vst v63  }
0x117: {  	s7 =	simm.s32 $0x780  }
0x118: {  	[spmem:s4] =	stream.indirect.scatter.add.f32 [tilespmem:s28], [sflag:$0x5], $0x80, s7, s26, $0xb8;
	[tilespmem:$0x1FA00] =	vst v63  }
0x119: {  	v2 =	vld [tilespmem:$0x460];
	_ =	sdelay $0x7  }
0x11a: {  	[tilespmem:v2+s0+$0x0] =	vst.idx.add.f32.msk $0xffff, v1  }
0x11b: {  	v2 =	vld [tilespmem:$0x780];
	_ =	sdelay $0x4  }
0x11c: {  	v2 =	vadd.s32 $0x2710, v2;
	_ =	sdelay $0x4  }
0x11d: {  	[tilespmem:v2+s0+$0x0] =	vst.idx.add.f32.msk $0xffff, v1  }
0x11e: {  	v2 =	vld [tilespmem:$0x470];
	_ =	sdelay $0x7  }
0x11f: {  	[tilespmem:v2+s0+$0x0] =	vst.idx.add.f32.msk $0xffff, v1  }
0x120: {  	v2 =	vld [tilespmem:$0x790];
	_ =	sdelay $0x4  }
0x121: {  	v2 =	vadd.s32 $0x2710, v2;
	_ =	sdelay $0x4  }
0x122: {  	[tilespmem:v2+s0+$0x0] =	vst.idx.add.f32.msk $0xffff, v1  }
0x123: {  	v2 =	vld [tilespmem:$0x480];
	_ =	sdelay $0x7  }
0x124: {  	[tilespmem:v2+s0+$0x0] =	vst.idx.add.f32.msk $0xffff, v1  }
0x125: {  	v2 =	vld [tilespmem:$0x7A0];
	_ =	sdelay $0x4  }
0x126: {  	v2 =	vadd.s32 $0x2710, v2;
	_ =	sdelay $0x4  }
0x127: {  	[tilespmem:v2+s0+$0x0] =	vst.idx.add.f32.msk $0xffff, v1  }
0x128: {  	v2 =	vld [tilespmem:$0x490];
	_ =	sdelay $0x7  }
0x129: {  	[tilespmem:v2+s0+$0x0] =	vst.idx.add.f32.msk $0xffff, v1  }
0x12a: {  	v2 =	vld [tilespmem:$0x7B0];
	_ =	sdelay $0x4  }
0x12b: {  	v2 =	vadd.s32 $0x2710, v2;
	_ =	sdelay $0x4  }
0x12c: {  	[tilespmem:v2+s0+$0x0] =	vst.idx.add.f32.msk $0xffff, v1  }
0x12d: {  	v2 =	vld [tilespmem:$0x4A0];
	_ =	sdelay $0x7  }
0x12e: {  	[tilespmem:v2+s0+$0x0] =	vst.idx.add.f32.msk $0xffff, v1  }
0x12f: {  	v2 =	vld [tilespmem:$0x7C0];
	_ =	sdelay $0x4  }
0x130: {  	v2 =	vadd.s32 $0x2710, v2;
	_ =	sdelay $0x4  }
0x131: {  	[tilespmem:v2+s0+$0x0] =	vst.idx.add.f32.msk $0xffff, v1  }
0x132: {  	_ =	swait.ge [sflag:s11], $0x2800  }
0x133: {  	[sflag:s11] =	ssyncset.done $0x0  }
0x134: {  	[sflag:s11] =	ssyncadd.s32 $0xFFFFD800  }
0x135: {  	_ =	swait.ge [sflag:s11], $0x2800  }
0x136: {  	[sflag:s11] =	ssyncset.done $0x0  }
0x137: {  	s7 =	rddreg [dreg:$0xc];
	[sflag:s11] =	ssyncadd.s32 $0xFFFFD800  }
0x138: {  	[tilespmem:s28], [sflag:$0x2] =	stream.indirect.gather [hbm4b:s1+s26], $0x80, s7, s26, $0xb8;
	[tilespmem:$0x1FA00] =	vst v63  }
0x139: {  	_ =	swait.ge [sflag:s13], $0x2800  }
0x13a: {  	[sflag:s13] =	ssyncset.done $0x0  }
0x13b: {  	s6 =	rddreg [dreg:$0xd];
	[sflag:s13] =	ssyncadd.s32 $0xFFFFD800  }
0x13c: {  	[spmem:s3] =	stream.indirect.scatter.add.f32 [tilespmem:s30], [sflag:$0x6], $0x80, s6, s26, $0xb8;
	[tilespmem:$0x1FA00] =	vst v63  }
0x13d: {  	s7 =	rddreg [dreg:$0xe]  }
0x13e: {  	[spmem:s4] =	stream.indirect.scatter.add.f32 [tilespmem:s30], [sflag:$0x6], $0x80, s7, s26, $0xb8;
	[tilespmem:$0x1FA00] =	vst v63  }
0x13f: {  	v2 =	vld [tilespmem:$0x4B0];
	_ =	sdelay $0x7  }
0x140: {  	[tilespmem:v2+s0+$0x0] =	vst.idx.add.f32.msk $0xffff, v1  }
0x141: {  	v2 =	vld [tilespmem:$0x7D0];
	_ =	sdelay $0x4  }
0x142: {  	v2 =	vadd.s32 $0x2710, v2;
	_ =	sdelay $0x4  }
0x143: {  	[tilespmem:v2+s0+$0x0] =	vst.idx.add.f32.msk $0xffff, v1  }
0x144: {  	v2 =	vld [tilespmem:$0x4C0];
	_ =	sdelay $0x7  }
0x145: {  	[tilespmem:v2+s0+$0x0] =	vst.idx.add.f32.msk $0xffff, v1  }
0x146: {  	v2 =	vld [tilespmem:$0x7E0];
	_ =	sdelay $0x4  }
0x147: {  	v2 =	vadd.s32 $0x2710, v2;
	_ =	sdelay $0x4  }
0x148: {  	[tilespmem:v2+s0+$0x0] =	vst.idx.add.f32.msk $0xffff, v1  }
0x149: {  	v2 =	vld [tilespmem:$0x4D0];
	_ =	sdelay $0x7  }
0x14a: {  	[tilespmem:v2+s0+$0x0] =	vst.idx.add.f32.msk $0xffff, v1  }
0x14b: {  	v2 =	vld [tilespmem:$0x7F0];
	_ =	sdelay $0x4  }
0x14c: {  	v2 =	vadd.s32 $0x2710, v2;
	_ =	sdelay $0x4  }
0x14d: {  	[tilespmem:v2+s0+$0x0] =	vst.idx.add.f32.msk $0xffff, v1  }
0x14e: {  	v2 =	vld [tilespmem:$0x4E0];
	_ =	sdelay $0x7  }
0x14f: {  	[tilespmem:v2+s0+$0x0] =	vst.idx.add.f32.msk $0xffff, v1  }
0x150: {  	v2 =	vld [tilespmem:$0x800];
	_ =	sdelay $0x4  }
0x151: {  	v2 =	vadd.s32 $0x2710, v2;
	_ =	sdelay $0x4  }
0x152: {  	[tilespmem:v2+s0+$0x0] =	vst.idx.add.f32.msk $0xffff, v1  }
0x153: {  	v2 =	vld [tilespmem:$0x4F0];
	_ =	sdelay $0x7  }
0x154: {  	[tilespmem:v2+s0+$0x0] =	vst.idx.add.f32.msk $0xffff, v1  }
0x155: {  	v2 =	vld [tilespmem:$0x810];
	_ =	sdelay $0x4  }
0x156: {  	v2 =	vadd.s32 $0x2710, v2;
	_ =	sdelay $0x4  }
0x157: {  	[tilespmem:v2+s0+$0x0] =	vst.idx.add.f32.msk $0xffff, v1  }
0x158: {  	_ =	swait.ge [sflag:s17], $0x2800  }
0x159: {  	[sflag:s17] =	ssyncset.done $0x0  }
0x15a: {  	[sflag:s17] =	ssyncadd.s32 $0xFFFFD800  }
0x15b: {  	_ =	swait.ge [sflag:s17], $0x2800  }
0x15c: {  	[sflag:s17] =	ssyncset.done $0x0  }
0x15d: {  	s7 =	rddreg [dreg:$0xf];
	[sflag:s17] =	ssyncadd.s32 $0xFFFFD800  }
0x15e: {  	[tilespmem:s30], [sflag:$0x3] =	stream.indirect.gather [hbm4b:s1+s26], $0x80, s7, s26, $0xb8;
	[tilespmem:$0x1FA00] =	vst v63  }
0x15f: {  	_ =	swait.ge [sflag:s31], $0x2800  }
0x160: {  	[sflag:s31] =	ssyncset.done $0x0  }
0x161: {  	s6 =	rddreg [dreg:$0x10];
	[sflag:s31] =	ssyncadd.s32 $0xFFFFD800  }
0x162: {  	[spmem:s3] =	stream.indirect.scatter.add.f32 [tilespmem:s22], [sflag:$0x4], $0x80, s6, s26, $0xb8;
	[tilespmem:$0x1FA00] =	vst v63  }
0x163: {  	s7 =	rddreg [dreg:$0x11]  }
0x164: {  	[spmem:s4] =	stream.indirect.scatter.add.f32 [tilespmem:s22], [sflag:$0x4], $0x80, s7, s26, $0xb8;
	[tilespmem:$0x1FA00] =	vst v63  }
0x165: {  	v2 =	vld [tilespmem:$0x500];
	_ =	sdelay $0x7  }
0x166: {  	[tilespmem:v2+s0+$0x0] =	vst.idx.add.f32.msk $0xffff, v1  }
0x167: {  	v2 =	vld [tilespmem:$0x820];
	_ =	sdelay $0x4  }
0x168: {  	v2 =	vadd.s32 $0x2710, v2;
	_ =	sdelay $0x4  }
0x169: {  	[tilespmem:v2+s0+$0x0] =	vst.idx.add.f32.msk $0xffff, v1  }
0x16a: {  	v2 =	vld [tilespmem:$0x510];
	_ =	sdelay $0x7  }
0x16b: {  	[tilespmem:v2+s0+$0x0] =	vst.idx.add.f32.msk $0xffff, v1  }
0x16c: {  	v2 =	vld [tilespmem:$0x830];
	_ =	sdelay $0x4  }
0x16d: {  	v2 =	vadd.s32 $0x2710, v2;
	_ =	sdelay $0x4  }
0x16e: {  	[tilespmem:v2+s0+$0x0] =	vst.idx.add.f32.msk $0xffff, v1  }
0x16f: {  	v2 =	vld [tilespmem:$0x520];
	_ =	sdelay $0x7  }
0x170: {  	[tilespmem:v2+s0+$0x0] =	vst.idx.add.f32.msk $0xffff, v1  }
0x171: {  	v2 =	vld [tilespmem:$0x840];
	_ =	sdelay $0x4  }
0x172: {  	v2 =	vadd.s32 $0x2710, v2;
	_ =	sdelay $0x4  }
0x173: {  	[tilespmem:v2+s0+$0x0] =	vst.idx.add.f32.msk $0xffff, v1  }
0x174: {  	v2 =	vld [tilespmem:$0x530];
	_ =	sdelay $0x7  }
0x175: {  	[tilespmem:v2+s0+$0x0] =	vst.idx.add.f32.msk $0xffff, v1  }
0x176: {  	v2 =	vld [tilespmem:$0x850];
	_ =	sdelay $0x4  }
0x177: {  	v2 =	vadd.s32 $0x2710, v2;
	_ =	sdelay $0x4  }
0x178: {  	[tilespmem:v2+s0+$0x0] =	vst.idx.add.f32.msk $0xffff, v1  }
0x179: {  	v2 =	vld [tilespmem:$0x540];
	_ =	sdelay $0x7  }
0x17a: {  	[tilespmem:v2+s0+$0x0] =	vst.idx.add.f32.msk $0xffff, v1  }
0x17b: {  	v2 =	vld [tilespmem:$0x860];
	_ =	sdelay $0x4  }
0x17c: {  	v2 =	vadd.s32 $0x2710, v2;
	_ =	sdelay $0x4  }
0x17d: {  	[tilespmem:v2+s0+$0x0] =	vst.idx.add.f32.msk $0xffff, v1  }
0x17e: {  	_ =	swait.ge [sflag:s2], $0x2800  }
0x17f: {  	[sflag:s2] =	ssyncset.done $0x0  }
0x180: {  	[sflag:s2] =	ssyncadd.s32 $0xFFFFD800  }
0x181: {  	_ =	swait.ge [sflag:s2], $0x2800  }
0x182: {  	[sflag:s2] =	ssyncset.done $0x0  }
0x183: {  	s7 =	rddreg [dreg:$0x12];
	[sflag:s2] =	ssyncadd.s32 $0xFFFFD800  }
0x184: {  	[tilespmem:s22], [sflag:$0x1] =	stream.indirect.gather [hbm4b:s1+s26], $0x80, s7, s26, $0xb8;
	[tilespmem:$0x1FA00] =	vst v63  }
0x185: {  	_ =	swait.ge [sflag:s8], $0x2800  }
0x186: {  	[sflag:s8] =	ssyncset.done $0x0  }
0x187: {  	s6 =	rddreg [dreg:$0x13];
	[sflag:s8] =	ssyncadd.s32 $0xFFFFD800  }
0x188: {  	[spmem:s3] =	stream.indirect.scatter.add.f32 [tilespmem:s28], [sflag:$0x5], $0x80, s6, s26, $0xb8;
	[tilespmem:$0x1FA00] =	vst v63  }
0x189: {  	s7 =	rddreg [dreg:$0x14]  }
0x18a: {  	[spmem:s4] =	stream.indirect.scatter.add.f32 [tilespmem:s28], [sflag:$0x5], $0x80, s7, s26, $0xb8;
	[tilespmem:$0x1FA00] =	vst v63  }
0x18b: {  	v2 =	vld [tilespmem:$0x550];
	_ =	sdelay $0x7  }
0x18c: {  	[tilespmem:v2+s0+$0x0] =	vst.idx.add.f32.msk $0xffff, v1  }
0x18d: {  	v2 =	vld [tilespmem:$0x870];
	_ =	sdelay $0x4  }
0x18e: {  	v2 =	vadd.s32 $0x2710, v2;
	_ =	sdelay $0x4  }
0x18f: {  	[tilespmem:v2+s0+$0x0] =	vst.idx.add.f32.msk $0xffff, v1  }
0x190: {  	v2 =	vld [tilespmem:$0x560];
	_ =	sdelay $0x7  }
0x191: {  	[tilespmem:v2+s0+$0x0] =	vst.idx.add.f32.msk $0xffff, v1  }
0x192: {  	v2 =	vld [tilespmem:$0x880];
	_ =	sdelay $0x4  }
0x193: {  	v2 =	vadd.s32 $0x2710, v2;
	_ =	sdelay $0x4  }
0x194: {  	[tilespmem:v2+s0+$0x0] =	vst.idx.add.f32.msk $0xffff, v1  }
0x195: {  	v2 =	vld [tilespmem:$0x570];
	_ =	sdelay $0x7  }
0x196: {  	[tilespmem:v2+s0+$0x0] =	vst.idx.add.f32.msk $0xffff, v1  }
0x197: {  	v2 =	vld [tilespmem:$0x890];
	_ =	sdelay $0x4  }
0x198: {  	v2 =	vadd.s32 $0x2710, v2;
	_ =	sdelay $0x4  }
0x199: {  	[tilespmem:v2+s0+$0x0] =	vst.idx.add.f32.msk $0xffff, v1  }
0x19a: {  	v2 =	vld [tilespmem:$0x580];
	_ =	sdelay $0x7  }
0x19b: {  	[tilespmem:v2+s0+$0x0] =	vst.idx.add.f32.msk $0xffff, v1  }
0x19c: {  	v2 =	vld [tilespmem:$0x8A0];
	_ =	sdelay $0x4  }
0x19d: {  	v2 =	vadd.s32 $0x2710, v2;
	_ =	sdelay $0x4  }
0x19e: {  	[tilespmem:v2+s0+$0x0] =	vst.idx.add.f32.msk $0xffff, v1  }
0x19f: {  	v2 =	vld [tilespmem:$0x590];
	_ =	sdelay $0x7  }
0x1a0: {  	[tilespmem:v2+s0+$0x0] =	vst.idx.add.f32.msk $0xffff, v1  }
0x1a1: {  	v2 =	vld [tilespmem:$0x8B0];
	_ =	sdelay $0x4  }
0x1a2: {  	v2 =	vadd.s32 $0x2710, v2;
	_ =	sdelay $0x4  }
0x1a3: {  	[tilespmem:v2+s0+$0x0] =	vst.idx.add.f32.msk $0xffff, v1  }
0x1a4: {  	_ =	swait.ge [sflag:s13], $0x2800  }
0x1a5: {  	[sflag:s13] =	ssyncset.done $0x0  }
0x1a6: {  	s6 =	rddreg [dreg:$0x15];
	[sflag:s13] =	ssyncadd.s32 $0xFFFFD800  }
0x1a7: {  	[spmem:s3] =	stream.indirect.scatter.add.f32 [tilespmem:s30], [sflag:$0x6], $0x80, s6, s26, $0xb8;
	[tilespmem:$0x1FA00] =	vst v63  }
0x1a8: {  	s7 =	rddreg [dreg:$0x16]  }
0x1a9: {  	[spmem:s4] =	stream.indirect.scatter.add.f32 [tilespmem:s30], [sflag:$0x6], $0x80, s7, s26, $0xb8;
	[tilespmem:$0x1FA00] =	vst v63  }
0x1aa: {  	v2 =	vld [tilespmem:$0x5A0];
	_ =	sdelay $0x7  }
0x1ab: {  	[tilespmem:v2+s0+$0x0] =	vst.idx.add.f32.msk $0xffff, v1  }
0x1ac: {  	v2 =	vld [tilespmem:$0x8C0];
	_ =	sdelay $0x4  }
0x1ad: {  	v2 =	vadd.s32 $0x2710, v2;
	_ =	sdelay $0x4  }
0x1ae: {  	[tilespmem:v2+s0+$0x0] =	vst.idx.add.f32.msk $0xffff, v1  }
0x1af: {  	v2 =	vld [tilespmem:$0x5B0];
	_ =	sdelay $0x7  }
0x1b0: {  	[tilespmem:v2+s0+$0x0] =	vst.idx.add.f32.msk $0xffff, v1  }
0x1b1: {  	v2 =	vld [tilespmem:$0x8D0];
	_ =	sdelay $0x4  }
0x1b2: {  	v2 =	vadd.s32 $0x2710, v2;
	_ =	sdelay $0x4  }
0x1b3: {  	[tilespmem:v2+s0+$0x0] =	vst.idx.add.f32.msk $0xffff, v1  }
0x1b4: {  	v2 =	vld [tilespmem:$0x5C0];
	_ =	sdelay $0x7  }
0x1b5: {  	[tilespmem:v2+s0+$0x0] =	vst.idx.add.f32.msk $0xffff, v1  }
0x1b6: {  	v2 =	vld [tilespmem:$0x8E0];
	_ =	sdelay $0x4  }
0x1b7: {  	v2 =	vadd.s32 $0x2710, v2;
	_ =	sdelay $0x4  }
0x1b8: {  	[tilespmem:v2+s0+$0x0] =	vst.idx.add.f32.msk $0xffff, v1  }
0x1b9: {  	v2 =	vld [tilespmem:$0x5D0];
	_ =	sdelay $0x7  }
0x1ba: {  	[tilespmem:v2+s0+$0x0] =	vst.idx.add.f32.msk $0xffff, v1  }
0x1bb: {  	v2 =	vld [tilespmem:$0x8F0];
	_ =	sdelay $0x4  }
0x1bc: {  	v2 =	vadd.s32 $0x2710, v2;
	_ =	sdelay $0x4  }
0x1bd: {  	[tilespmem:v2+s0+$0x0] =	vst.idx.add.f32.msk $0xffff, v1  }
0x1be: {  	v2 =	vld [tilespmem:$0x5E0];
	_ =	sdelay $0x7  }
0x1bf: {  	[tilespmem:v2+s0+$0x0] =	vst.idx.add.f32.msk $0xffff, v1  }
0x1c0: {  	v2 =	vld [tilespmem:$0x900];
	_ =	sdelay $0x4  }
0x1c1: {  	v2 =	vadd.s32 $0x2710, v2;
	_ =	sdelay $0x4  }
0x1c2: {  	[tilespmem:v2+s0+$0x0] =	vst.idx.add.f32.msk $0xffff, v1  }
0x1c3: {  	_ =	swait.ge [sflag:s31], $0x2800  }
0x1c4: {  	[sflag:s31] =	ssyncset.done $0x0  }
0x1c5: {  	s6 =	rddreg [dreg:$0x17];
	[sflag:s31] =	ssyncadd.s32 $0xFFFFD800  }
0x1c6: {  	[spmem:s3] =	stream.indirect.scatter.add.f32 [tilespmem:s22], [sflag:$0x4], $0x80, s6, s26, $0xb8;
	[tilespmem:$0x1FA00] =	vst v63  }
0x1c7: {  	s7 =	rddreg [dreg:$0x18]  }
0x1c8: {  	[spmem:s4] =	stream.indirect.scatter.add.f32 [tilespmem:s22], [sflag:$0x4], $0x80, s7, s26, $0xb8;
	[tilespmem:$0x1FA00] =	vst v63  }
0x1c9: {  	v2 =	vld [tilespmem:$0x5F0];
	_ =	sdelay $0x7  }
0x1ca: {  	[tilespmem:v2+s0+$0x0] =	vst.idx.add.f32.msk $0xffff, v1  }
0x1cb: {  	v2 =	vld [tilespmem:$0x910];
	_ =	sdelay $0x4  }
0x1cc: {  	v2 =	vadd.s32 $0x2710, v2;
	_ =	sdelay $0x4  }
0x1cd: {  	[tilespmem:v2+s0+$0x0] =	vst.idx.add.f32.msk $0xffff, v1  }
0x1ce: {  	v2 =	vld [tilespmem:$0x600];
	_ =	sdelay $0x7  }
0x1cf: {  	[tilespmem:v2+s0+$0x0] =	vst.idx.add.f32.msk $0xffff, v1  }
0x1d0: {  	v2 =	vld [tilespmem:$0x920];
	_ =	sdelay $0x4  }
0x1d1: {  	v2 =	vadd.s32 $0x2710, v2;
	_ =	sdelay $0x4  }
0x1d2: {  	[tilespmem:v2+s0+$0x0] =	vst.idx.add.f32.msk $0xffff, v1  }
0x1d3: {  	v2 =	vld [tilespmem:$0x610];
	_ =	sdelay $0x7  }
0x1d4: {  	[tilespmem:v2+s0+$0x0] =	vst.idx.add.f32.msk $0xffff, v1  }
0x1d5: {  	v2 =	vld [tilespmem:$0x930];
	_ =	sdelay $0x4  }
0x1d6: {  	v2 =	vadd.s32 $0x2710, v2;
	_ =	sdelay $0x4  }
0x1d7: {  	[tilespmem:v2+s0+$0x0] =	vst.idx.add.f32.msk $0xffff, v1  }
0x1d8: {  	v2 =	vld [tilespmem:$0x620];
	_ =	sdelay $0x7  }
0x1d9: {  	[tilespmem:v2+s0+$0x0] =	vst.idx.add.f32.msk $0xffff, v1  }
0x1da: {  	v2 =	vld [tilespmem:$0x940];
	_ =	sdelay $0x4  }
0x1db: {  	v2 =	vadd.s32 $0x2710, v2;
	_ =	sdelay $0x4  }
0x1dc: {  	[tilespmem:v2+s0+$0x0] =	vst.idx.add.f32.msk $0xffff, v1  }
0x1dd: {  	v2 =	vld [tilespmem:$0x630];
	_ =	sdelay $0x7  }
0x1de: {  	[tilespmem:v2+s0+$0x0] =	vst.idx.add.f32.msk $0xffff, v1  }
0x1df: {  	v2 =	vld [tilespmem:$0x950];
	_ =	sdelay $0x4  }
0x1e0: {  	v2 =	vadd.s32 $0x2710, v2;
	_ =	sdelay $0x4  }
0x1e1: {  	[tilespmem:v2+s0+$0x0] =	vst.idx.add.f32.msk $0xffff, v1  }
0x1e2: {  	_ =	swait.ge [sflag:s11], $0x2800  }
0x1e3: {  	[sflag:s11] =	ssyncset.done $0x0  }
0x1e4: {  	[sflag:s11] =	ssyncadd.s32 $0xFFFFD800  }
0x1e5: {  	_ =	swait.ge [sflag:s11], $0x2800  }
0x1e6: {  	[sflag:s11] =	ssyncset.done $0x0  }
0x1e7: {  	[sflag:s11] =	ssyncadd.s32 $0xFFFFD800  }
0x1e8: {  	_ =	swait.ge [sflag:s17], $0x2800  }
0x1e9: {  	[sflag:s17] =	ssyncset.done $0x0  }
0x1ea: {  	[sflag:s17] =	ssyncadd.s32 $0xFFFFD800  }
0x1eb: {  	_ =	swait.ge [sflag:s17], $0x2800  }
0x1ec: {  	[sflag:s17] =	ssyncset.done $0x0  }
0x1ed: {  	[sflag:s17] =	ssyncadd.s32 $0xFFFFD800  }
0x1ee: {  	p0 =	sne.s32 s14, $0x44C;
	_ =	swait.ge [sflag:s2], $0x2800  }
.Ltmp2:
0x1ef: {  	[sflag:s2] =	ssyncset.done $0x0;
	(pc) =	sbr.rel @p0 .LBB2_6-.Ltmp2, $4  }
0x1f0: {  	[sflag:s2] =	ssyncadd.s32 $0xFFFFD800  }
0x1f1: {  	_ =	swait.ge [sflag:s2], $0x2800  }
0x1f2: {  	[sflag:s2] =	ssyncset.done $0x0  }
0x1f3: {  	s14 =	sadd.s32 $0x64, s14;
	[sflag:s2] =	ssyncadd.s32 $0xFFFFD800  }
0x1f4: {  	s6 =	sld [smem:$0x7F6];
	_ =	sdelay $0x2  }
0x1f5: {  	[tilespmem:s5], [sflag:$0x7] =	stream.linear.gather [hbm4b:s6+s5], $0x190, $0x38;
	[tilespmem:$0x1FA00] =	vst v63  }
0x1f6: {  	_ =	swait.ge [sflag:s23], $0x190  }
0x1f7: {  	s7 =	sld [smem:$0x7F7]  }
0x1f8: {  	[sflag:s23] =	ssyncset.done $0x0  }
0x1f9: {  	[sflag:s23] =	ssyncadd.s32 $0xFFFFFE70  }
0x1fa: {  	[tilespmem:s24], [sflag:$0x7] =	stream.linear.gather [hbm4b:s7+s5], $0x190, $0x38;
	[tilespmem:$0x1FA00] =	vst v63  }
0x1fb: {  	_ =	swait.ge [sflag:s23], $0x190  }
0x1fc: {  	s14 =	sld [smem:$0x7F8]  }
0x1fd: {  	[sflag:s23] =	ssyncset.done $0x0  }
0x1fe: {  	[sflag:s23] =	ssyncadd.s32 $0xFFFFFE70  }
0x1ff: {  	[tilespmem:s25], [sflag:$0x7] =	stream.linear.gather [hbm4b:s14+s5], $0x190, $0x38;
	[tilespmem:$0x1FA00] =	vst v63  }
0x200: {  	_ =	swait.ge [sflag:s23], $0x190  }
0x201: {  	[sflag:s23] =	ssyncset.done $0x0  }
0x202: {  	[sflag:s23] =	ssyncadd.s32 $0xFFFFFE70  }
0x203: {  	[tilespmem:s22], [sflag:$0x1] =	stream.indirect.gather [hbm4b:s1+s26], $0x80, s5, s26, $0xb8;
	[tilespmem:$0x1FA00] =	vst v63  }
0x204: {  	_ = 	snop  }
0x205: {  	[tilespmem:s28], [sflag:$0x2] =	stream.indirect.gather [hbm4b:s1+s26], $0x80, s26, s26, $0xb8;
	[tilespmem:$0x1FA00] =	vst v63  }
0x206: {  	_ = 	snop  }
0x207: {  	[tilespmem:s30], [sflag:$0x3] =	stream.indirect.gather [hbm4b:s1+s26], $0x80, s9, s26, $0xb8;
	[tilespmem:$0x1FA00] =	vst v63  }
0x208: {  	_ =	swait.ge [sflag:s31], $0x2800  }
0x209: {  	[sflag:s31] =	ssyncset.done $0x0  }
0x20a: {  	[sflag:s31] =	ssyncadd.s32 $0xFFFFD800  }
0x20b: {  	[spmem:s3] =	stream.indirect.scatter.add.f32 [tilespmem:s22], [sflag:$0x4], $0x80, s24, s26, $0xb8;
	[tilespmem:$0x1FA00] =	vst v63  }
0x20c: {  	_ = 	snop  }
0x20d: {  	[spmem:s4] =	stream.indirect.scatter.add.f32 [tilespmem:s22], [sflag:$0x4], $0x80, s25, s26, $0xb8;
	[tilespmem:$0x1FA00] =	vst v63  }
0x20e: {  	v2 =	vld [tilespmem:$0x320];
	_ =	sdelay $0x7  }
0x20f: {  	[tilespmem:v2+s0+$0x0] =	vst.idx.add.f32.msk $0xffff, v1  }
0x210: {  	v2 =	vld [tilespmem:$0x640];
	_ =	sdelay $0x4  }
0x211: {  	v2 =	vadd.s32 $0x2710, v2;
	_ =	sdelay $0x4  }
0x212: {  	[tilespmem:v2+s0+$0x0] =	vst.idx.add.f32.msk $0xffff, v1  }
0x213: {  	v2 =	vld [tilespmem:$0x330];
	_ =	sdelay $0x7  }
0x214: {  	[tilespmem:v2+s0+$0x0] =	vst.idx.add.f32.msk $0xffff, v1  }
0x215: {  	v2 =	vld [tilespmem:$0x650];
	_ =	sdelay $0x4  }
0x216: {  	v2 =	vadd.s32 $0x2710, v2;
	_ =	sdelay $0x4  }
0x217: {  	[tilespmem:v2+s0+$0x0] =	vst.idx.add.f32.msk $0xffff, v1  }
0x218: {  	v2 =	vld [tilespmem:$0x340];
	_ =	sdelay $0x7  }
0x219: {  	[tilespmem:v2+s0+$0x0] =	vst.idx.add.f32.msk $0xffff, v1  }
0x21a: {  	v2 =	vld [tilespmem:$0x660];
	_ =	sdelay $0x4  }
0x21b: {  	v2 =	vadd.s32 $0x2710, v2;
	_ =	sdelay $0x4  }
0x21c: {  	[tilespmem:v2+s0+$0x0] =	vst.idx.add.f32.msk $0xffff, v1  }
0x21d: {  	v2 =	vld [tilespmem:$0x350];
	_ =	sdelay $0x7  }
0x21e: {  	[tilespmem:v2+s0+$0x0] =	vst.idx.add.f32.msk $0xffff, v1  }
0x21f: {  	v2 =	vld [tilespmem:$0x670];
	_ =	sdelay $0x4  }
0x220: {  	v2 =	vadd.s32 $0x2710, v2;
	_ =	sdelay $0x4  }
0x221: {  	[tilespmem:v2+s0+$0x0] =	vst.idx.add.f32.msk $0xffff, v1  }
0x222: {  	v2 =	vld [tilespmem:$0x360];
	_ =	sdelay $0x7  }
0x223: {  	[tilespmem:v2+s0+$0x0] =	vst.idx.add.f32.msk $0xffff, v1  }
0x224: {  	v2 =	vld [tilespmem:$0x680];
	_ =	sdelay $0x4  }
0x225: {  	v2 =	vadd.s32 $0x2710, v2;
	_ =	sdelay $0x4  }
0x226: {  	[tilespmem:v2+s0+$0x0] =	vst.idx.add.f32.msk $0xffff, v1  }
0x227: {  	_ =	swait.ge [sflag:s2], $0x2800  }
0x228: {  	[sflag:s2] =	ssyncset.done $0x0  }
0x229: {  	[sflag:s2] =	ssyncadd.s32 $0xFFFFD800  }
0x22a: {  	_ =	swait.ge [sflag:s2], $0x2800  }
0x22b: {  	[sflag:s2] =	ssyncset.done $0x0  }
0x22c: {  	[sflag:s2] =	ssyncadd.s32 $0xFFFFD800  }
0x22d: {  	[tilespmem:s22], [sflag:$0x1] =	stream.indirect.gather [hbm4b:s1+s26], $0x80, s29, s26, $0xb8;
	[tilespmem:$0x1FA00] =	vst v63  }
0x22e: {  	_ =	swait.ge [sflag:s8], $0x2800  }
0x22f: {  	[sflag:s8] =	ssyncset.done $0x0  }
0x230: {  	[sflag:s8] =	ssyncadd.s32 $0xFFFFD800  }
0x231: {  	[spmem:s3] =	stream.indirect.scatter.add.f32 [tilespmem:s28], [sflag:$0x5], $0x80, s10, s26, $0xb8;
	[tilespmem:$0x1FA00] =	vst v63  }
0x232: {  	_ = 	snop  }
0x233: {  	[spmem:s4] =	stream.indirect.scatter.add.f32 [tilespmem:s28], [sflag:$0x5], $0x80, s12, s26, $0xb8;
	[tilespmem:$0x1FA00] =	vst v63  }
0x234: {  	v2 =	vld [tilespmem:$0x370];
	_ =	sdelay $0x7  }
0x235: {  	[tilespmem:v2+s0+$0x0] =	vst.idx.add.f32.msk $0xffff, v1  }
0x236: {  	v2 =	vld [tilespmem:$0x690];
	_ =	sdelay $0x4  }
0x237: {  	v2 =	vadd.s32 $0x2710, v2;
	_ =	sdelay $0x4  }
0x238: {  	[tilespmem:v2+s0+$0x0] =	vst.idx.add.f32.msk $0xffff, v1  }
0x239: {  	v2 =	vld [tilespmem:$0x380];
	_ =	sdelay $0x7  }
0x23a: {  	[tilespmem:v2+s0+$0x0] =	vst.idx.add.f32.msk $0xffff, v1  }
0x23b: {  	v2 =	vld [tilespmem:$0x6A0];
	_ =	sdelay $0x4  }
0x23c: {  	v2 =	vadd.s32 $0x2710, v2;
	_ =	sdelay $0x4  }
0x23d: {  	[tilespmem:v2+s0+$0x0] =	vst.idx.add.f32.msk $0xffff, v1  }
0x23e: {  	v2 =	vld [tilespmem:$0x390];
	_ =	sdelay $0x7  }
0x23f: {  	[tilespmem:v2+s0+$0x0] =	vst.idx.add.f32.msk $0xffff, v1  }
0x240: {  	v2 =	vld [tilespmem:$0x6B0];
	_ =	sdelay $0x4  }
0x241: {  	v2 =	vadd.s32 $0x2710, v2;
	_ =	sdelay $0x4  }
0x242: {  	[tilespmem:v2+s0+$0x0] =	vst.idx.add.f32.msk $0xffff, v1  }
0x243: {  	v2 =	vld [tilespmem:$0x3A0];
	_ =	sdelay $0x7  }
0x244: {  	[tilespmem:v2+s0+$0x0] =	vst.idx.add.f32.msk $0xffff, v1  }
0x245: {  	v2 =	vld [tilespmem:$0x6C0];
	_ =	sdelay $0x4  }
0x246: {  	v2 =	vadd.s32 $0x2710, v2;
	_ =	sdelay $0x4  }
0x247: {  	[tilespmem:v2+s0+$0x0] =	vst.idx.add.f32.msk $0xffff, v1  }
0x248: {  	v2 =	vld [tilespmem:$0x3B0];
	_ =	sdelay $0x7  }
0x249: {  	[tilespmem:v2+s0+$0x0] =	vst.idx.add.f32.msk $0xffff, v1  }
0x24a: {  	v2 =	vld [tilespmem:$0x6D0];
	_ =	sdelay $0x4  }
0x24b: {  	v2 =	vadd.s32 $0x2710, v2;
	_ =	sdelay $0x4  }
0x24c: {  	[tilespmem:v2+s0+$0x0] =	vst.idx.add.f32.msk $0xffff, v1  }
0x24d: {  	_ =	swait.ge [sflag:s11], $0x2800  }
0x24e: {  	[sflag:s11] =	ssyncset.done $0x0  }
0x24f: {  	[sflag:s11] =	ssyncadd.s32 $0xFFFFD800  }
0x250: {  	_ =	swait.ge [sflag:s11], $0x2800  }
0x251: {  	[sflag:s11] =	ssyncset.done $0x0  }
0x252: {  	[sflag:s11] =	ssyncadd.s32 $0xFFFFD800  }
0x253: {  	[tilespmem:s28], [sflag:$0x2] =	stream.indirect.gather [hbm4b:s1+s26], $0x80, s15, s26, $0xb8;
	[tilespmem:$0x1FA00] =	vst v63  }
0x254: {  	_ =	swait.ge [sflag:s13], $0x2800  }
0x255: {  	[sflag:s13] =	ssyncset.done $0x0  }
0x256: {  	[sflag:s13] =	ssyncadd.s32 $0xFFFFD800  }
0x257: {  	[spmem:s3] =	stream.indirect.scatter.add.f32 [tilespmem:s30], [sflag:$0x6], $0x80, s16, s26, $0xb8;
	[tilespmem:$0x1FA00] =	vst v63  }
0x258: {  	_ = 	snop  }
0x259: {  	[spmem:s4] =	stream.indirect.scatter.add.f32 [tilespmem:s30], [sflag:$0x6], $0x80, s18, s26, $0xb8;
	[tilespmem:$0x1FA00] =	vst v63  }
0x25a: {  	v2 =	vld [tilespmem:$0x3C0];
	_ =	sdelay $0x7  }
0x25b: {  	[tilespmem:v2+s0+$0x0] =	vst.idx.add.f32.msk $0xffff, v1  }
0x25c: {  	v2 =	vld [tilespmem:$0x6E0];
	_ =	sdelay $0x4  }
0x25d: {  	v2 =	vadd.s32 $0x2710, v2;
	_ =	sdelay $0x4  }
0x25e: {  	[tilespmem:v2+s0+$0x0] =	vst.idx.add.f32.msk $0xffff, v1  }
0x25f: {  	v2 =	vld [tilespmem:$0x3D0];
	_ =	sdelay $0x7  }
0x260: {  	[tilespmem:v2+s0+$0x0] =	vst.idx.add.f32.msk $0xffff, v1  }
0x261: {  	v2 =	vld [tilespmem:$0x6F0];
	_ =	sdelay $0x4  }
0x262: {  	v2 =	vadd.s32 $0x2710, v2;
	_ =	sdelay $0x4  }
0x263: {  	[tilespmem:v2+s0+$0x0] =	vst.idx.add.f32.msk $0xffff, v1  }
0x264: {  	v2 =	vld [tilespmem:$0x3E0];
	_ =	sdelay $0x7  }
0x265: {  	[tilespmem:v2+s0+$0x0] =	vst.idx.add.f32.msk $0xffff, v1  }
0x266: {  	v2 =	vld [tilespmem:$0x700];
	_ =	sdelay $0x4  }
0x267: {  	v2 =	vadd.s32 $0x2710, v2;
	_ =	sdelay $0x4  }
0x268: {  	[tilespmem:v2+s0+$0x0] =	vst.idx.add.f32.msk $0xffff, v1  }
0x269: {  	v2 =	vld [tilespmem:$0x3F0];
	_ =	sdelay $0x7  }
0x26a: {  	[tilespmem:v2+s0+$0x0] =	vst.idx.add.f32.msk $0xffff, v1  }
0x26b: {  	v2 =	vld [tilespmem:$0x710];
	_ =	sdelay $0x4  }
0x26c: {  	v2 =	vadd.s32 $0x2710, v2;
	_ =	sdelay $0x4  }
0x26d: {  	[tilespmem:v2+s0+$0x0] =	vst.idx.add.f32.msk $0xffff, v1  }
0x26e: {  	v2 =	vld [tilespmem:$0x400];
	_ =	sdelay $0x7  }
0x26f: {  	[tilespmem:v2+s0+$0x0] =	vst.idx.add.f32.msk $0xffff, v1  }
0x270: {  	v2 =	vld [tilespmem:$0x720];
	_ =	sdelay $0x4  }
0x271: {  	v2 =	vadd.s32 $0x2710, v2;
	_ =	sdelay $0x4  }
0x272: {  	[tilespmem:v2+s0+$0x0] =	vst.idx.add.f32.msk $0xffff, v1  }
0x273: {  	_ =	swait.ge [sflag:s31], $0x2800  }
0x274: {  	[sflag:s31] =	ssyncset.done $0x0  }
0x275: {  	[sflag:s31] =	ssyncadd.s32 $0xFFFFD800  }
0x276: {  	[spmem:s3] =	stream.indirect.scatter.add.f32 [tilespmem:s22], [sflag:$0x4], $0x80, s19, s26, $0xb8;
	[tilespmem:$0x1FA00] =	vst v63  }
0x277: {  	_ = 	snop  }
0x278: {  	[spmem:s4] =	stream.indirect.scatter.add.f32 [tilespmem:s22], [sflag:$0x4], $0x80, s20, s26, $0xb8;
	[tilespmem:$0x1FA00] =	vst v63  }
0x279: {  	v2 =	vld [tilespmem:$0x410];
	_ =	sdelay $0x7  }
0x27a: {  	[tilespmem:v2+s0+$0x0] =	vst.idx.add.f32.msk $0xffff, v1  }
0x27b: {  	v2 =	vld [tilespmem:$0x730];
	_ =	sdelay $0x4  }
0x27c: {  	v2 =	vadd.s32 $0x2710, v2;
	_ =	sdelay $0x4  }
0x27d: {  	[tilespmem:v2+s0+$0x0] =	vst.idx.add.f32.msk $0xffff, v1  }
0x27e: {  	v2 =	vld [tilespmem:$0x420];
	_ =	sdelay $0x7  }
0x27f: {  	[tilespmem:v2+s0+$0x0] =	vst.idx.add.f32.msk $0xffff, v1  }
0x280: {  	v2 =	vld [tilespmem:$0x740];
	_ =	sdelay $0x4  }
0x281: {  	v2 =	vadd.s32 $0x2710, v2;
	_ =	sdelay $0x4  }
0x282: {  	[tilespmem:v2+s0+$0x0] =	vst.idx.add.f32.msk $0xffff, v1  }
0x283: {  	v2 =	vld [tilespmem:$0x430];
	_ =	sdelay $0x7  }
0x284: {  	[tilespmem:v2+s0+$0x0] =	vst.idx.add.f32.msk $0xffff, v1  }
0x285: {  	v2 =	vld [tilespmem:$0x750];
	_ =	sdelay $0x4  }
0x286: {  	v2 =	vadd.s32 $0x2710, v2;
	_ =	sdelay $0x4  }
0x287: {  	[tilespmem:v2+s0+$0x0] =	vst.idx.add.f32.msk $0xffff, v1  }
0x288: {  	v2 =	vld [tilespmem:$0x440];
	_ =	sdelay $0x7  }
0x289: {  	[tilespmem:v2+s0+$0x0] =	vst.idx.add.f32.msk $0xffff, v1  }
0x28a: {  	v2 =	vld [tilespmem:$0x760];
	_ =	sdelay $0x4  }
0x28b: {  	v2 =	vadd.s32 $0x2710, v2;
	_ =	sdelay $0x4  }
0x28c: {  	[tilespmem:v2+s0+$0x0] =	vst.idx.add.f32.msk $0xffff, v1  }
0x28d: {  	v2 =	vld [tilespmem:$0x450];
	_ =	sdelay $0x7  }
0x28e: {  	[tilespmem:v2+s0+$0x0] =	vst.idx.add.f32.msk $0xffff, v1  }
0x28f: {  	v2 =	vld [tilespmem:$0x770];
	_ =	sdelay $0x4  }
0x290: {  	v2 =	vadd.s32 $0x2710, v2;
	_ =	sdelay $0x4  }
0x291: {  	[tilespmem:v2+s0+$0x0] =	vst.idx.add.f32.msk $0xffff, v1  }
0x292: {  	_ =	swait.ge [sflag:s8], $0x2800  }
0x293: {  	[sflag:s8] =	ssyncset.done $0x0  }
0x294: {  	[sflag:s8] =	ssyncadd.s32 $0xFFFFD800  }
0x295: {  	[spmem:s3] =	stream.indirect.scatter.add.f32 [tilespmem:s28], [sflag:$0x5], $0x80, s21, s26, $0xb8;
	[tilespmem:$0x1FA00] =	vst v63  }
0x296: {  	s7 =	simm.s32 $0x780  }
0x297: {  	[spmem:s4] =	stream.indirect.scatter.add.f32 [tilespmem:s28], [sflag:$0x5], $0x80, s7, s26, $0xb8;
	[tilespmem:$0x1FA00] =	vst v63  }
0x298: {  	v2 =	vld [tilespmem:$0x460];
	_ =	sdelay $0x7  }
0x299: {  	[tilespmem:v2+s0+$0x0] =	vst.idx.add.f32.msk $0xffff, v1  }
0x29a: {  	v2 =	vld [tilespmem:$0x780];
	_ =	sdelay $0x4  }
0x29b: {  	v2 =	vadd.s32 $0x2710, v2;
	_ =	sdelay $0x4  }
0x29c: {  	[tilespmem:v2+s0+$0x0] =	vst.idx.add.f32.msk $0xffff, v1  }
0x29d: {  	v2 =	vld [tilespmem:$0x470];
	_ =	sdelay $0x7  }
0x29e: {  	[tilespmem:v2+s0+$0x0] =	vst.idx.add.f32.msk $0xffff, v1  }
0x29f: {  	v2 =	vld [tilespmem:$0x790];
	_ =	sdelay $0x4  }
0x2a0: {  	v2 =	vadd.s32 $0x2710, v2;
	_ =	sdelay $0x4  }
0x2a1: {  	[tilespmem:v2+s0+$0x0] =	vst.idx.add.f32.msk $0xffff, v1  }
0x2a2: {  	v2 =	vld [tilespmem:$0x480];
	_ =	sdelay $0x7  }
0x2a3: {  	[tilespmem:v2+s0+$0x0] =	vst.idx.add.f32.msk $0xffff, v1  }
0x2a4: {  	v2 =	vld [tilespmem:$0x7A0];
	_ =	sdelay $0x4  }
0x2a5: {  	v2 =	vadd.s32 $0x2710, v2;
	_ =	sdelay $0x4  }
0x2a6: {  	[tilespmem:v2+s0+$0x0] =	vst.idx.add.f32.msk $0xffff, v1  }
0x2a7: {  	v2 =	vld [tilespmem:$0x490];
	_ =	sdelay $0x7  }
0x2a8: {  	[tilespmem:v2+s0+$0x0] =	vst.idx.add.f32.msk $0xffff, v1  }
0x2a9: {  	v2 =	vld [tilespmem:$0x7B0];
	_ =	sdelay $0x4  }
0x2aa: {  	v2 =	vadd.s32 $0x2710, v2;
	_ =	sdelay $0x4  }
0x2ab: {  	[tilespmem:v2+s0+$0x0] =	vst.idx.add.f32.msk $0xffff, v1  }
0x2ac: {  	v2 =	vld [tilespmem:$0x4A0];
	_ =	sdelay $0x7  }
0x2ad: {  	[tilespmem:v2+s0+$0x0] =	vst.idx.add.f32.msk $0xffff, v1  }
0x2ae: {  	v2 =	vld [tilespmem:$0x7C0];
	_ =	sdelay $0x4  }
0x2af: {  	v2 =	vadd.s32 $0x2710, v2;
	_ =	sdelay $0x4  }
0x2b0: {  	[tilespmem:v2+s0+$0x0] =	vst.idx.add.f32.msk $0xffff, v1  }
0x2b1: {  	_ =	swait.ge [sflag:s17], $0x2800  }
0x2b2: {  	[sflag:s17] =	ssyncset.done $0x0  }
0x2b3: {  	[sflag:s17] =	ssyncadd.s32 $0xFFFFD800  }
0x2b4: {  	_ =	swait.ge [sflag:s17], $0x2800  }
0x2b5: {  	[sflag:s17] =	ssyncset.done $0x0  }
0x2b6: {  	[sflag:s17] =	ssyncadd.s32 $0xFFFFD800  }
0x2b7: {  	_ =	swait.ge [sflag:s2], $0x2800  }
0x2b8: {  	[sflag:s2] =	ssyncset.done $0x0  }
0x2b9: {  	[sflag:s2] =	ssyncadd.s32 $0xFFFFD800  }
0x2ba: {  	_ =	swait.ge [sflag:s2], $0x2800  }
0x2bb: {  	[sflag:s2] =	ssyncset.done $0x0  }
0x2bc: {  	[sflag:s2] =	ssyncadd.s32 $0xFFFFD800  }
0x2bd: {  	_ =	swait.ge [sflag:s11], $0x2800  }
0x2be: {  	[sflag:s11] =	ssyncset.done $0x0  }
0x2bf: {  	[sflag:s11] =	ssyncadd.s32 $0xFFFFD800  }
0x2c0: {  	_ =	swait.ge [sflag:s11], $0x2800  }
0x2c1: {  	[sflag:s11] =	ssyncset.done $0x0  }
0x2c2: {  	[sflag:s11] =	ssyncadd.s32 $0xFFFFD800  }
0x2c3: {  	[bflag:$0x0] =	sbarrier.arrive $0xFFFF  }
0x2c4: {  	s29 =	sld [smem:$0x7FD]  }
0x2c5: {  	s9 =	stileid.u32;
	s14 =	sld [smem:$0x7F9]  }
0x2c6: {  	s6 =	sshll.u32 s9, $0x6  }
0x2c7: {  	s6 =	sor.u32 $0x1C07, s6;
	s7 =	sshrl.u32 s29, $0x3  }
0x2c8: {  	[hbm:s14], [sflag:s6] =	dma.local [spmem:s7], $0x2800  }
0x2c9: {  	_ =	swait.ge [sflag:s23], $0x2800  }
0x2ca: {  	s9 =	sld [smem:$0x7F5]  }
0x2cb: {  	s14 =	sld [smem:$0x7FA]  }
0x2cc: {  	[sflag:s23] =	ssyncset.done $0x0  }
0x2cd: {  	[sflag:s23] =	ssyncadd.s32 $0xFFFFD800;
	s7 =	sshrl.u32 s9, $0x3  }
0x2ce: {  	[hbm:s14], [sflag:s6] =	dma.local [spmem:s7], $0x200  }
0x2cf: {  	_ =	swait.ge [sflag:s23], $0x200  }
0x2d0: {  	s7 =	sld [smem:$0x7FB]  }
0x2d1: {  	[sflag:s23] =	ssyncset.done $0x0  }
0x2d2: {  	[sflag:s23] =	ssyncadd.s32 $0xFFFFFE00  }
0x2d3: {  	[hbm4b:s7+s5] =	stream.linear.scatter [tilespmem:s0], [sflag:$0x7], $0x28A0, $0x38;
	[tilespmem:$0x1FA00] =	vst v63  }
0x2d4: {  	_ =	swait.ge [sflag:s23], $0x28A0  }
0x2d5: {  	s9 =	sld [smem:$0x7F4]  }
0x2d6: {  	s14 =	sld [smem:$0x7FC];
	_ =	sdelay $0x1  }
0x2d7: {  	s7 =	sadd.s32 $0x1, s9  }
0x2d8: {  	p0 =	sne.s32 s7, s14  }
.Ltmp3:
0x2d9: {  	_ = 	snop;
	(pc) =	sbr.rel @p0 .LBB2_1-.Ltmp3, $3  }
0x2da: {  	_ =	sdelay $0x1  }
0x2db: {  	[sflag:s23] =	ssyncset.done $0x0  }
0x2dc: {  	[sflag:s23] =	ssyncadd.s32 $0xFFFFD760  }
0x2dd: {  	_ =	sfence.sel $0x180000  }
0x2de: {  	[bflag:$0x0] =	sbarrier.arrive $0xFFFF  }
0x2df: {  	_ =	strace $0x90000047  }
0x2e0: {  	s0 =	stileid.u32;
	[bflag:$0x2] =	sbarrier.arrive $0xFFFF  }
0x2e1: {  	p0 =	sne.s32 s0, $0x0;
	s0 =	rddreg [dreg:$0x6]  }
0x2e2: {  	s0 =	sadd.s32 @!p0 $0x100000, s0  }
0x2e3: {  	[sflag:s0] =	ssyncadd.tile.s32 @!p0 $0x1;
	_ =	shalt  }
.Lfunc_end2:
_tile_overlayer_lowered:
.L_overlay_start_2:
0x2e4: {  	(tag) =	ssettag $0x2  }
0x2e5: {  	s0 =	rddreg [dreg:$0x0];
	s2 =	stileid.u32  }
0x2e6: {  	s1 =	rddreg [dreg:$0x1];
	p0 =	sne.s32 s2, $0x0  }
0x2e7: {  	s3 =	rddreg [dreg:$0x2];
	[bflag:$0x3] =	sbarrier.arrive $0xFFFF;
	s2 =	simm.s32 @!p0 $0x1C07  }
0x2e8: {  	[timem:s3], [sflag:s2] =	dma.local @!p0 [hbm:s0], s1  }
0x2e9: {  	s0 =	simm.s32 @!p0 $0x7  }
0x2ea: {  	_ =	swait.ge @!p0 [sflag:s0], s1  }
0x2eb: {  	s1 =	ssub.s32 @!p0 $0x0, s1;
	[sflag:s0] =	ssyncset.done @!p0 $0x0  }
0x2ec: {  	[sflag:s0] =	ssyncadd.s32 @!p0 s1  }
0x2ed: {  	[bflag:$0x3] =	sbarrier.arrive $0xFFFF  }
0x2ee: {  	_ =	shalt  }

// kernel: kernel.9.cloned.1.call-start
scs
__scs_entry_jumppad:
0x0: {  	(pc) =	sbr.rel $0x88, $3  }
0x1: {  	(tag) =	ssettag $0x0;
	lr =	simm.s32 $0x1  }
0x2: {  	[smem:$0x3F96] =	sst lr;
	_ =	strace $0xD0000000  }
0x3: {  	_ = 	snop  }
0x4: {  	_ = 	snop  }
0x5: {  	_ = 	snop  }
0x6: {  	_ = 	snop  }
0x7: {  	_ = 	snop  }
__scs_overlays_trampoline_lowered:
0x8: {  	[smem:$0x3FA5] =	sst s0  }
0x9: {  	[smem:$0x3FA6] =	sst s1  }
0xa: {  	[smem:$0x3FA7] =	sst s2  }
0xb: {  	[smem:$0x3FA8] =	sst s3  }
0xc: {  	[smem:$0x3FA9] =	sst s4  }
0xd: {  	[smem:$0x3FAA] =	sst s5  }
0xe: {  	[smem:$0x3FAB] =	sst s6  }
0xf: {  	[smem:$0x3FAC] =	sst s7  }
0x10: {  	[smem:$0x3FAD] =	sst s8  }
0x11: {  	[smem:$0x3FAE] =	sst s9;
	s0 =	simm.s32 @!p0 $0x0  }
0x12: {  	s1 =	sld [smem:$0x3F94];
	s0 =	simm.s32 @p0 $0x1  }
0x13: {  	[smem:$0x3FAF] =	sst s0;
	s0 =	simm.s32 @!p1 $0x0  }
0x14: {  	s2 =	sld [smem:$0x3F93];
	s0 =	simm.s32 @p1 $0x1  }
0x15: {  	[smem:$0x3FB0] =	sst s0;
	s0 =	simm.s32 @!p2 $0x0  }
0x16: {  	s3 =	sld [smem:$0x3FDB];
	s0 =	simm.s32 @p2 $0x1  }
0x17: {  	s4 =	simm.s32 $0x1BF5;
	[smem:$0x3FB2] =	sst s0  }
0x18: {  	s0 =	sld [smem:$0x3F95];
	_ =	swait.ge [sflag:s4], $0x0  }
0x19: {  	s7 =	sld [smem:$0x3F96]  }
0x1a: {  	s8 =	sadd.s32 $0xFFFFE003, lr  }
0x1b: {  	s9 =	sadd.s32 $0xFFFFFEF7, lr;
	s5 =	simm.s32 $0xFFFFFFFF;
	p2 =	slt.u32 s8, $0xFFFFF086  }
0x1c: {  	p1 =	slt.u32 s9, $0xF7A;
	s5 =	simm.s32 @!p2 $0x0  }
0x1d: {  	s5 =	simm.s32 @p1 $0x1;
	p0 =	seq.s32 s7, s2  }
0x1e: {  	s7 =	smul.u32 @!p0 $0xF7A, s2;
	p2 =	seq.s32 @!p0 s5, $0x0  }
0x1f: {  	s9 =	smul.u32 $0xF7A, s1;
	s8 =	simm.s32 @!p0 $0x1BF5;
	p2 =	por !p2, p0  }
0x20: {  	[sflag:s8] =	ssyncset.s32 @!p0 $0xFFFFF086;
	s6 =	sadd.s32 @!p0 s3, s7;
	s7 =	simm.s32 @!p0 $0x108  }
0x21: {  	s3 =	sadd.s32 s3, s9;
	s6 =	sadd.s32 @!p0 $0x88, s6;
	s7 =	simm.s32 @p2 $0x1082  }
0x22: {  	[simem:s7], [sflag:s8] =	dma.local @!p0 [hbm:s6], $0xF7A  }
0x23: {  	s9 =	sor.u32 $0xD0000000, s2;
	s6 =	simm.s32 $0x108;
	_ =	swait.ge @!p0 [sflag:s8], $0x0  }
0x24: {  	s3 =	sadd.s32 $0x88, s3;
	s6 =	simm.s32 @!p1 $0x1082;
	[sflag:s4] =	ssyncset.s32 $0xFFFFF086  }
0x25: {  	[simem:s6], [sflag:s4] =	dma.local [hbm:s3], $0xF7A  }
0x26: {  	[smem:$0x3F96] =	sst s1;
	(tag) =	ssettag s2;
	_ =	strace s9  }
0x27: {  	s1 =	sld [smem:$0x3FA6]  }
0x28: {  	s2 =	sld [smem:$0x3FA7]  }
0x29: {  	s4 =	sld [smem:$0x3FA9]  }
0x2a: {  	p0 =	seq.s32 s5, $0x0;
	s5 =	sld [smem:$0x3FAA]  }
0x2b: {  	s6 =	sld [smem:$0x3FAB]  }
0x2c: {  	s7 =	sld [smem:$0x3FAC]  }
0x2d: {  	s3 =	simm.s32 $0x108;
	s8 =	sld [smem:$0x3FAD]  }
0x2e: {  	s3 =	simm.s32 @!p0 $0x1082;
	s9 =	sld [smem:$0x3FAE]  }
0x2f: {  	lr =	sadd.s32 s0, s3;
	s0 =	sld [smem:$0x3FA5]  }
0x30: {  	s3 =	sld [smem:$0x3FA8]  }
0x31: {  	[smem:$0x3FB1] =	sst s10  }
0x32: {  	s10 =	sld [smem:$0x3FAF];
	_ =	sdelay $0x3  }
0x33: {  	p0 =	seq.s32 s10, $0x1;
	s10 =	sld [smem:$0x3FB1];
	_ =	sdelay $0x3  }
0x34: {  	[smem:$0x3FB1] =	sst s10  }
0x35: {  	s10 =	sld [smem:$0x3FB0];
	_ =	sdelay $0x3  }
0x36: {  	p1 =	seq.s32 s10, $0x1;
	s10 =	sld [smem:$0x3FB1];
	_ =	sdelay $0x3  }
0x37: {  	[smem:$0x3FB1] =	sst s10  }
0x38: {  	s10 =	sld [smem:$0x3FB2]  }
0x39: {  	_ = 	snop;
	(pc) =	sbr.ind lr, $3  }
0x3a: {  	_ = 	snop  }
0x3b: {  	_ = 	snop  }
0x3c: {  	p2 =	seq.s32 s10, $0x1;
	s10 =	sld [smem:$0x3FB1]  }
0x3d: {  	_ =	shalt  }
0x3e: {  	_ =	shalt  }
0x3f: {  	_ =	shalt  }
0x40: {  	_ =	shalt  }
0x41: {  	_ =	shalt  }
0x42: {  	_ =	shalt  }
0x43: {  	_ =	shalt  }
0x44: {  	_ =	shalt  }
0x45: {  	_ =	shalt  }
0x46: {  	_ =	shalt  }
0x47: {  	_ =	shalt  }
0x48: {  	_ =	shalt  }
0x49: {  	_ =	shalt  }
0x4a: {  	_ =	shalt  }
0x4b: {  	_ =	shalt  }
0x4c: {  	_ =	shalt  }
0x4d: {  	_ =	shalt  }
0x4e: {  	_ =	shalt  }
0x4f: {  	_ =	shalt  }
0x50: {  	_ =	shalt  }
0x51: {  	_ =	shalt  }
0x52: {  	_ =	shalt  }
0x53: {  	_ =	shalt  }
0x54: {  	_ =	shalt  }
0x55: {  	_ =	shalt  }
0x56: {  	_ =	shalt  }
0x57: {  	_ =	shalt  }
0x58: {  	_ =	shalt  }
0x59: {  	_ =	shalt  }
0x5a: {  	_ =	shalt  }
0x5b: {  	_ =	shalt  }
0x5c: {  	_ =	shalt  }
0x5d: {  	_ =	shalt  }
0x5e: {  	_ =	shalt  }
0x5f: {  	_ =	shalt  }
0x60: {  	_ =	shalt  }
0x61: {  	_ =	shalt  }
0x62: {  	_ =	shalt  }
0x63: {  	_ =	shalt  }
0x64: {  	_ =	shalt  }
0x65: {  	_ =	shalt  }
0x66: {  	_ =	shalt  }
0x67: {  	_ =	shalt  }
0x68: {  	_ =	shalt  }
0x69: {  	_ =	shalt  }
0x6a: {  	_ =	shalt  }
0x6b: {  	_ =	shalt  }
0x6c: {  	_ =	shalt  }
0x6d: {  	_ =	shalt  }
0x6e: {  	_ =	shalt  }
0x6f: {  	_ =	shalt  }
0x70: {  	_ =	shalt  }
0x71: {  	_ =	shalt  }
0x72: {  	_ =	shalt  }
0x73: {  	_ =	shalt  }
0x74: {  	_ =	shalt  }
0x75: {  	_ =	shalt  }
0x76: {  	_ =	shalt  }
0x77: {  	_ =	shalt  }
0x78: {  	_ =	shalt  }
0x79: {  	_ =	shalt  }
0x7a: {  	_ =	shalt  }
0x7b: {  	_ =	shalt  }
0x7c: {  	_ =	shalt  }
0x7d: {  	_ =	shalt  }
0x7e: {  	_ =	shalt  }
0x7f: {  	_ =	shalt  }
0x80: {  	_ =	shalt  }
0x81: {  	_ =	shalt  }
0x82: {  	_ =	shalt  }
0x83: {  	_ =	shalt  }
0x84: {  	_ =	shalt  }
0x85: {  	_ =	shalt  }
0x86: {  	_ =	shalt  }
0x87: {  	_ =	shalt  }
.Lfunc_end0:
.L_simem_size_0:
called_computation.1_lowered:
.L_overlay_start_0:
0x88: {  	s2 =	sld [smem:$0x3FD9]  }
0x89: {  	s3 =	sld [smem:$0x3FFE];
	_ =	sdelay $0x1  }
0x8a: {  	s1 =	srdreg.scid  }
0x8b: {  	s0 =	sand.u32 $0x1, s1  }
0x8c: {  	s17 =	sshll.u32 s0, $0xA;
	s2 =	sadd.s32 s3, s2  }
0x8d: {  	s2 =	sadd.s32 s2, s17  }
0x8e: {  	[smem:$0x3FBD] =	sst s2  }
0x8f: {  	_ = 	snop  }
0x90: {  	s2 =	sld [smem:$0x3FC8]  }
0x91: {  	s18 =	sld [smem:$0x3FD0];
	(tm) =	ssettm $0x1  }
0x92: {  	s4 =	sld [smem:$0x3FFB];
	_ =	sdelay $0x3  }
0x93: {  	_ =	strace s4  }
0x94: {  	s4 =	sld [smem:$0x3FFC];
	_ =	sdelay $0x3  }
0x95: {  	_ =	strace s4  }
0x96: {  	s4 =	sld [smem:$0x3FFD];
	_ =	sdelay $0x3  }
0x97: {  	_ =	strace s4  }
0x98: {  	_ =	strace $0x8FFFFFFF  }
0x99: {  	s19 =	sld [smem:$0x3FDB];
	_ =	sdelay $0x1  }
0x9a: {  	s5 =	simm.s32 $_scs_section_size  }
0x9b: {  	s6 =	simm.s32 $_size__tile_overlayer_lowered;
	s7 =	simm.s32 $_tile_overlayer_lowered  }
0x9c: {  	s22 =	simm.s32 $0x1BFF;
	s21 =	sshll.u32 s7, $0x1;
	s4 =	sadd.s32 s5, s19  }
0x9d: {  	s8 =	simm.s32 $0x0;
	s20 =	sshll.u32 s6, $0x1;
	s6 =	sadd.s32 s21, s4  }
0x9e: {  	[timem:s8], [sflag:s22] =	dma.local [hbm:s6], s20  }
0x9f: {  	_ =	swait.ge [sflag:s22], s20  }
0xa0: {  	s5 =	ssub.s32 $0x0, s20;
	[sflag:s22] =	ssyncset.done $0x0  }
0xa1: {  	[sflag:s22] =	ssyncadd.s32 s5;
	_ =	sdelay $0x1  }
0xa2: {  	s23 =	simm.s32 $0x1B8B  }
0xa3: {  	_ =	swait.ge [sflag:s23], $0x1  }
0xa4: {  	[sflag:s23] =	ssyncset.done $0x0  }
0xa5: {  	s25 =	simm.s32 $0x1B8E;
	s24 =	sld [smem:$0x3FFE];
	[sflag:s23] =	ssyncadd.s32 $0xFFFFFFFF  }
0xa6: {  	s26 =	simm.s32 $execute0_lowered;
	[smem:$0x3FD2] =	sst s25  }
0xa7: {  	s6 =	sshll.u32 s26, $0x1;
	_ =	strace $0x80000049;
	[dreg:$0x1] =	wrdreg $0xFFFFFFFF  }
0xa8: {  	s28 =	simm.s32 $_size_execute0_lowered;
	s4 =	sadd.s32 s4, s6;
	[dreg:$0x0] =	wrdreg $0x0  }
0xa9: {  	s6 =	sshll.u32 s28, $0x1;
	[dreg:$0x2] =	wrdreg s4  }
0xaa: {  	[dreg:$0x3] =	wrdreg s6  }
0xab: {  	[dreg:$0x4] =	wrdreg $0xC0  }
0xac: {  	_ =	task [dreg:s8], $0x5FFFF  }
0xad: {  	[dreg:$0x1] =	wrdreg $0xFFFFFFFF  }
0xae: {  	[dreg:$0x0] =	wrdreg $0x60  }
0xaf: {  	[dreg:$0x2] =	wrdreg s18  }
0xb0: {  	[dreg:$0x3] =	wrdreg s24  }
0xb1: {  	[dreg:$0x4] =	wrdreg s2  }
0xb2: {  	[dreg:$0x5] =	wrdreg $0xA6400  }
0xb3: {  	[dreg:$0x6] =	wrdreg $0x1E6400  }
0xb4: {  	[dreg:$0x7] =	wrdreg $0x9  }
0xb5: {  	_ =	task.clear_ibuf [dreg:s8], $0x8FFFF;
	_ =	strace $0x90000049  }
0xb6: {  	s29 =	simm.s32 $0x9;
	_ =	strace $0x8000004B  }
0xb7: {  	_ =	swait.ge [sflag:s29], $0x1  }
0xb8: {  	[sflag:s29] =	ssyncadd.s32 $0xFFFFFFFF  }
0xb9: {  	_ =	strace $0x9000004B  }
0xba: {  	_ =	sfence  }
0xbb: {  	s30 =	sld [smem:$0x0];
	_ =	sdelay $0x2  }
0xbc: {  	s31 =	sshll.u32 s1, $0xD;
	s1 =	sshrl.u32 s1, $0x2  }
0xbd: {  	s3 =	sand.u32 $0x4000, s31;
	s1 =	sadd.s32 s1, s30  }
0xbe: {  	s0 =	sor.u32 s3, s0;
	s1 =	sshll.u32 s1, $0x11  }
0xbf: {  	s0 =	sor.u32 s1, s0  }
0xc0: {  	s0 =	sadd.s32 $0x8F2B, s0  }
0xc1: {  	[sflag:s0] =	ssyncadd.remote.s32 $0x1  }
0xc2: {  	_ =	sfence.sel $0xFFFF  }
0xc3: {  	[dreg:$0x0] =	wrdreg $0xFFFFFFFF;
	(pc) =	sbr.abs _section_cstart, $3  }
0xc4: {  	[dreg:$0x1] =	wrdreg $0xFFFFFFFF  }
0xc5: {  	_ =	task.clear_ibuf [dreg:s8], $0x2FFFF;
	_ =	strace $0x9FFFFFFF  }
0xc6: {  	(tm) =	ssettm $0x7FFFFFFF  }
0xc7: {  	_ =	shalt  }
tec
execute0_lowered:
.L_overlay_start_1:
0x0: {  	(tag) =	ssettag $0x1  }
0x1: {  	s0 =	rddreg [dreg:$0x0]  }
0x2: {  	s1 =	rddreg [dreg:$0x1]  }
0x3: {  	s5 =	rddreg [dreg:$0x2]  }
0x4: {  	s2 =	rddreg [dreg:$0x3]  }
0x5: {  	s3 =	rddreg [dreg:$0x4]  }
0x6: {  	s6 =	srdreg.scid;
	s14 =	stileid.u32;
	s4 =	simm.s32 $0x0  }
0x7: {  	s19 =	simm.s32 $0x4B0;
	s20 =	simm.s32 $0x500;
	s21 =	simm.s32 $0x550  }
0x8: {  	s28 =	simm.s32 $0x460;
	s29 =	simm.s32 $0x3;
	s30 =	simm.s32 $0xA0  }
0x9: {  	s31 =	simm.s32 $0x6;
	s6 =	sand.u32 $0x1, s6;
	s7 =	smul.u32 $0x14000, s14  }
0xa: {  	[smem:$0x7FF] =	sst s4;
	s9 =	sadd.s32 $0xBE00, s1;
	s12 =	smul.u32 $0xC80, s14  }
0xb: {  	s10 =	sshll.u32 s14, $0x1;
	s23 =	smul.u32 $0x4E20, s14;
	s24 =	sshll.u32 s14, $0x6  }
0xc: {  	s14 =	simm.s32 $0x0;
	s8 =	smul.u32 $0x140000, s6;
	_ =	strace $0x8000004A  }
0xd: {  	s11 =	ssub.s32 $0x2, s6;
	s10 =	sor.u32 s6, s10;
	[dreg:$0x8] =	wrdreg s19  }
0xe: {  	s6 =	smul.u32 $0x2710, s6;
	s19 =	simm.s32 $0x2E40;
	[dreg:$0x9] =	wrdreg s20  }
0xf: {  	s20 =	simm.s32 $0x3C0;
	[dreg:$0xa] =	wrdreg s21;
	s21 =	simm.s32 $0x5640  }
0x10: {  	s13 =	sshrl.u32 s11, $0x1;
	s10 =	smul.u32 $0x2710, s10;
	s26 =	sadd.s32 s12, s3  }
0x11: {  	s12 =	sshrl.u32 s12, $0x3;
	s8 =	sadd.s32 s7, s8;
	s22 =	ssub.s32 s11, s13  }
0x12: {  	s7 =	sadd.s32 s7, s2;
	s13 =	sor.u32 $0x1C09, s24;
	s6 =	sadd.s32 s6, s23  }
0x13: {  	s0 =	sadd.s32 s0, s12;
	s18 =	sshrl.u32 s26, $0x3;
	s23 =	simm.s32 $0x5A0  }
0x14: {  	s24 =	simm.s32 $0x1E0;
	s26 =	simm.s32 $0x230;
	[dreg:$0x12] =	wrdreg s0  }
0x15: {  	s8 =	sshrl.u32 s8, $0x3;
	s10 =	sshrl.u32 s10, $0x3;
	[dreg:$0x18] =	wrdreg s18  }
0x16: {  	s11 =	smov.u32 s13;
	s6 =	sshrl.u32 s6, $0x3;
	[dreg:$0xc] =	wrdreg s23  }
0x17: {  	s17 =	smax.u32 s22, $0x1;
	s12 =	sshrl.u32 s7, $0x3;
	[dreg:$0xd] =	wrdreg s24  }
0x18: {  	s18 =	simm.s32 $0x370;
	s22 =	simm.s32 $0x190;
	[dreg:$0xf] =	wrdreg s26  }
0x19: {  	s23 =	simm.s32 $0x410;
	s24 =	simm.s32 $0x7E40;
	[dreg:$0x16] =	wrdreg s17  }
0x1a: {  	s26 =	simm.s32 $0x5;
	s7 =	simm.s32 $0x140;
	[dreg:$0xb] =	wrdreg s22  }
0x1b: {  	s1 =	sadd.s32 s8, s1;
	s13 =	sadd.s32 $0x4B0, s10;
	[dreg:$0x11] =	wrdreg s11  }
0x1c: {  	s15 =	sadd.s32 s6, s5;
	s16 =	sadd.s32 s6, s9;
	[dreg:$0x17] =	wrdreg s12  }
0x1d: {  	s17 =	simm.s32 $0x640;
	s22 =	simm.s32 $0x1;
	[dreg:$0x6] =	wrdreg s15  }
0x1e: {  	s8 =	simm.s32 $0x8;
	s25 =	sadd.s32 $0x19C00, s1;
	[dreg:$0x7] =	wrdreg s16  }
0x1f: {  	s10 =	sadd.s32 s9, s13;
	s0 =	sadd.s32 s5, s13;
	[dreg:$0x10] =	wrdreg s25  }
0x20: {  	s1 =	sadd.s32 $0x69C00, s1;
	s13 =	simm.s32 $0x9;
	[dreg:$0x13] =	wrdreg s10  }
0x21: {  	s15 =	simm.s32 $0x320;
	s16 =	simm.s32 $0x50;
	[dreg:$0x14] =	wrdreg s0  }
0x22: {  	s5 =	simm.s32 $0x7;
	s9 =	simm.s32 $0x280;
	[dreg:$0x15] =	wrdreg s1  }
0x23: {  	s25 =	simm.s32 $0x5F0;
	s0 =	simm.s32 $0x4;
	s1 =	simm.s32 $0xF0  }
0x24: {  	s10 =	simm.s32 $0x2D0;
	[dreg:$0xe] =	wrdreg s25;
	s25 =	simm.s32 $0x2  }
.LBB2_1:
0x25: {  	[dreg:$0x19] =	wrdreg s14  }
0x26: {  	s6 =	rddreg [dreg:$0x10]  }
0x27: {  	[spmem:s12], [sflag:s11] =	dma.local [hbm:s6], $0x2800  }
0x28: {  	_ =	swait.ge [sflag:s13], $0x2800  }
0x29: {  	[sflag:s13] =	ssyncset.done $0x0;
	s12 =	rddreg [dreg:$0x12]  }
0x2a: {  	s14 =	rddreg [dreg:$0x18];
	[sflag:s13] =	ssyncadd.s32 $0xFFFFD800  }
0x2b: {  	[spmem:s14], [sflag:s11] =	dma.local [hbm:s12], $0x190  }
0x2c: {  	_ =	swait.ge [sflag:s13], $0x190  }
0x2d: {  	[sflag:s13] =	ssyncset.done $0x0  }
0x2e: {  	[sflag:s13] =	ssyncadd.s32 $0xFFFFFE70  }
0x2f: {  	[bflag:$0x0] =	sbarrier.arrive $0xFFFF  }
0x30: {  	s14 =	rddreg [dreg:$0x7]  }
0x31: {  	s6 =	sadd.s32 $0x0, s14  }
0x32: {  	[tilespmem:s4], [sflag:$0x9] =	stream.linear.gather [hbm4b:s6+s4], $0x320, $0x38;
	[tilespmem:$0x1F2C0] =	vst v63  }
0x33: {  	_ =	swait.ge [sflag:s13], $0x320  }
0x34: {  	s11 =	rddreg [dreg:$0x6];
	[sflag:s13] =	ssyncset.done $0x0  }
0x35: {  	[sflag:s13] =	ssyncadd.s32 $0xFFFFFCE0;
	s6 =	sadd.s32 $0x0, s11  }
0x36: {  	[tilespmem:s15], [sflag:$0x9] =	stream.linear.gather [hbm4b:s6+s4], $0x320, $0x38;
	[tilespmem:$0x1F2C0] =	vst v63  }
0x37: {  	_ =	swait.ge [sflag:s13], $0x320  }
0x38: {  	[sflag:s13] =	ssyncset.done $0x0  }
0x39: {  	[sflag:s13] =	ssyncadd.s32 $0xFFFFFCE0  }
0x3a: {  	[tilespmem:s17], [sflag:$0x1] =	stream.indirect.gather [spmem:s3], $0x80, s15, s16, $0xb8;
	[tilespmem:$0x1F2C0] =	vst v63  }
0x3b: {  	_ = 	snop  }
0x3c: {  	[tilespmem:s19], [sflag:$0x2] =	stream.indirect.gather [spmem:s3], $0x80, s18, s16, $0xb8;
	[tilespmem:$0x1F2C0] =	vst v63  }
0x3d: {  	_ = 	snop  }
0x3e: {  	[tilespmem:s21], [sflag:$0x3] =	stream.indirect.gather [spmem:s3], $0x80, s20, s16, $0xb8;
	[tilespmem:$0x1F2C0] =	vst v63  }
0x3f: {  	_ =	swait.ge [sflag:s22], $0x2800  }
0x40: {  	[sflag:s22] =	ssyncset.done $0x0  }
0x41: {  	[sflag:s22] =	ssyncadd.s32 $0xFFFFD800  }
0x42: {  	[spmem:s2] =	stream.indirect.scatter.add.f32 [tilespmem:s17], [sflag:$0x5], $0x80, s4, s16, $0xb8;
	[tilespmem:$0x1F2C0] =	vst v63  }
0x43: {  	_ = 	snop  }
0x44: {  	[tilespmem:s24], [sflag:$0x4] =	stream.indirect.gather [spmem:s3], $0x80, s23, s16, $0xb8;
	[tilespmem:$0x1F2C0] =	vst v63  }
0x45: {  	_ =	swait.ge [sflag:s25], $0x2800  }
0x46: {  	[sflag:s25] =	ssyncset.done $0x0  }
0x47: {  	[sflag:s25] =	ssyncadd.s32 $0xFFFFD800  }
0x48: {  	[spmem:s2] =	stream.indirect.scatter.add.f32 [tilespmem:s19], [sflag:$0x6], $0x80, s16, s16, $0xb8;
	[tilespmem:$0x1F2C0] =	vst v63  }
0x49: {  	_ =	swait.ge [sflag:s26], $0x2800  }
0x4a: {  	[sflag:s26] =	ssyncset.done $0x0  }
0x4b: {  	[sflag:s26] =	ssyncadd.s32 $0xFFFFD800  }
0x4c: {  	[tilespmem:s17], [sflag:$0x1] =	stream.indirect.gather [spmem:s3], $0x80, s28, s16, $0xb8;
	[tilespmem:$0x1F2C0] =	vst v63  }
0x4d: {  	_ =	swait.ge [sflag:s29], $0x2800  }
0x4e: {  	[sflag:s29] =	ssyncset.done $0x0  }
0x4f: {  	[sflag:s29] =	ssyncadd.s32 $0xFFFFD800  }
0x50: {  	[spmem:s2] =	stream.indirect.scatter.add.f32 [tilespmem:s21], [sflag:$0x7], $0x80, s30, s16, $0xb8;
	[tilespmem:$0x1F2C0] =	vst v63  }
0x51: {  	_ =	swait.ge [sflag:s31], $0x2800  }
0x52: {  	[sflag:s31] =	ssyncset.done $0x0  }
0x53: {  	s12 =	rddreg [dreg:$0x8];
	[sflag:s31] =	ssyncadd.s32 $0xFFFFD800  }
0x54: {  	[tilespmem:s19], [sflag:$0x2] =	stream.indirect.gather [spmem:s3], $0x80, s12, s16, $0xb8;
	[tilespmem:$0x1F2C0] =	vst v63  }
0x55: {  	_ =	swait.ge [sflag:s0], $0x2800  }
0x56: {  	[sflag:s0] =	ssyncset.done $0x0  }
0x57: {  	[sflag:s0] =	ssyncadd.s32 $0xFFFFD800  }
0x58: {  	[spmem:s2] =	stream.indirect.scatter.add.f32 [tilespmem:s24], [sflag:$0x8], $0x80, s1, s16, $0xb8;
	[tilespmem:$0x1F2C0] =	vst v63  }
0x59: {  	_ =	swait.ge [sflag:s5], $0x2800  }
0x5a: {  	[sflag:s5] =	ssyncset.done $0x0  }
0x5b: {  	s14 =	rddreg [dreg:$0x9];
	[sflag:s5] =	ssyncadd.s32 $0xFFFFD800  }
0x5c: {  	[tilespmem:s21], [sflag:$0x3] =	stream.indirect.gather [spmem:s3], $0x80, s14, s16, $0xb8;
	[tilespmem:$0x1F2C0] =	vst v63  }
0x5d: {  	_ =	swait.ge [sflag:s22], $0x2800  }
0x5e: {  	[sflag:s22] =	ssyncset.done $0x0  }
0x5f: {  	[sflag:s22] =	ssyncadd.s32 $0xFFFFD800  }
0x60: {  	[spmem:s2] =	stream.indirect.scatter.add.f32 [tilespmem:s17], [sflag:$0x5], $0x80, s7, s16, $0xb8;
	[tilespmem:$0x1F2C0] =	vst v63  }
0x61: {  	_ =	swait.ge [sflag:s8], $0x2800  }
0x62: {  	[sflag:s8] =	ssyncset.done $0x0  }
0x63: {  	s11 =	rddreg [dreg:$0xa];
	[sflag:s8] =	ssyncadd.s32 $0xFFFFD800  }
0x64: {  	[tilespmem:s24], [sflag:$0x4] =	stream.indirect.gather [spmem:s3], $0x80, s11, s16, $0xb8;
	[tilespmem:$0x1F2C0] =	vst v63  }
0x65: {  	_ =	swait.ge [sflag:s25], $0x2800  }
0x66: {  	[sflag:s25] =	ssyncset.done $0x0  }
0x67: {  	s12 =	rddreg [dreg:$0xb];
	[sflag:s25] =	ssyncadd.s32 $0xFFFFD800  }
0x68: {  	[spmem:s2] =	stream.indirect.scatter.add.f32 [tilespmem:s19], [sflag:$0x6], $0x80, s12, s16, $0xb8;
	[tilespmem:$0x1F2C0] =	vst v63  }
0x69: {  	_ =	swait.ge [sflag:s26], $0x2800  }
0x6a: {  	[sflag:s26] =	ssyncset.done $0x0  }
0x6b: {  	s14 =	rddreg [dreg:$0xc];
	[sflag:s26] =	ssyncadd.s32 $0xFFFFD800  }
0x6c: {  	[tilespmem:s17], [sflag:$0x1] =	stream.indirect.gather [spmem:s3], $0x80, s14, s16, $0xb8;
	[tilespmem:$0x1F2C0] =	vst v63  }
0x6d: {  	_ =	swait.ge [sflag:s29], $0x2800  }
0x6e: {  	[sflag:s29] =	ssyncset.done $0x0  }
0x6f: {  	s11 =	rddreg [dreg:$0xd];
	[sflag:s29] =	ssyncadd.s32 $0xFFFFD800  }
0x70: {  	[spmem:s2] =	stream.indirect.scatter.add.f32 [tilespmem:s21], [sflag:$0x7], $0x80, s11, s16, $0xb8;
	[tilespmem:$0x1F2C0] =	vst v63  }
0x71: {  	_ =	swait.ge [sflag:s31], $0x2800  }
0x72: {  	[sflag:s31] =	ssyncset.done $0x0  }
0x73: {  	s12 =	rddreg [dreg:$0xe];
	[sflag:s31] =	ssyncadd.s32 $0xFFFFD800  }
0x74: {  	[tilespmem:s19], [sflag:$0x2] =	stream.indirect.gather [spmem:s3], $0x80, s12, s16, $0xb8;
	[tilespmem:$0x1F2C0] =	vst v63  }
0x75: {  	_ =	swait.ge [sflag:s0], $0x2800  }
0x76: {  	[sflag:s0] =	ssyncset.done $0x0  }
0x77: {  	s14 =	rddreg [dreg:$0xf];
	[sflag:s0] =	ssyncadd.s32 $0xFFFFD800  }
0x78: {  	[spmem:s2] =	stream.indirect.scatter.add.f32 [tilespmem:s24], [sflag:$0x8], $0x80, s14, s16, $0xb8;
	[tilespmem:$0x1F2C0] =	vst v63  }
0x79: {  	_ =	swait.ge [sflag:s22], $0x2800  }
0x7a: {  	[sflag:s22] =	ssyncset.done $0x0  }
0x7b: {  	[sflag:s22] =	ssyncadd.s32 $0xFFFFD800  }
0x7c: {  	[spmem:s2] =	stream.indirect.scatter.add.f32 [tilespmem:s17], [sflag:$0x5], $0x80, s9, s16, $0xb8;
	[tilespmem:$0x1F2C0] =	vst v63  }
0x7d: {  	_ =	swait.ge [sflag:s25], $0x2800  }
0x7e: {  	[sflag:s25] =	ssyncset.done $0x0  }
0x7f: {  	[sflag:s25] =	ssyncadd.s32 $0xFFFFD800  }
0x80: {  	[spmem:s2] =	stream.indirect.scatter.add.f32 [tilespmem:s19], [sflag:$0x6], $0x80, s10, s16, $0xb8;
	[tilespmem:$0x1F2C0] =	vst v63  }
0x81: {  	_ =	swait.ge [sflag:s5], $0x2800  }
0x82: {  	[sflag:s5] =	ssyncset.done $0x0  }
0x83: {  	[sflag:s5] =	ssyncadd.s32 $0xFFFFD800  }
0x84: {  	_ =	swait.ge [sflag:s8], $0x2800  }
0x85: {  	[sflag:s8] =	ssyncset.done $0x0  }
0x86: {  	[sflag:s8] =	ssyncadd.s32 $0xFFFFD800  }
0x87: {  	_ =	swait.ge [sflag:s26], $0x2800  }
0x88: {  	[sflag:s26] =	ssyncset.done $0x0  }
0x89: {  	[sflag:s26] =	ssyncadd.s32 $0xFFFFD800  }
0x8a: {  	s12 =	simm.s32 $0xC8;
	_ =	swait.ge [sflag:s31], $0x2800  }
0x8b: {  	s14 =	simm.s32 $0x64;
	s6 =	rddreg [dreg:$0x7];
	[sflag:s31] =	ssyncset.done $0x0  }
.LBB2_2:
0x8c: {  	[sflag:s31] =	ssyncadd.s32 $0xFFFFD800;
	s6 =	sadd.s32 s14, s6  }
0x8d: {  	[tilespmem:s4], [sflag:$0x9] =	stream.linear.gather [hbm4b:s6+s4], $0x320, $0x38;
	[tilespmem:$0x1F2C0] =	vst v63  }
0x8e: {  	_ =	swait.ge [sflag:s13], $0x320  }
0x8f: {  	s6 =	rddreg [dreg:$0x6];
	[sflag:s13] =	ssyncset.done $0x0  }
0x90: {  	[sflag:s13] =	ssyncadd.s32 $0xFFFFFCE0;
	s6 =	sadd.s32 s14, s6  }
0x91: {  	[tilespmem:s15], [sflag:$0x9] =	stream.linear.gather [hbm4b:s6+s4], $0x320, $0x38;
	[tilespmem:$0x1F2C0] =	vst v63  }
0x92: {  	_ =	swait.ge [sflag:s13], $0x320  }
0x93: {  	[sflag:s13] =	ssyncset.done $0x0  }
0x94: {  	[sflag:s13] =	ssyncadd.s32 $0xFFFFFCE0  }
0x95: {  	[tilespmem:s17], [sflag:$0x1] =	stream.indirect.gather [spmem:s3], $0x80, s15, s16, $0xb8;
	[tilespmem:$0x1F2C0] =	vst v63  }
0x96: {  	_ = 	snop  }
0x97: {  	[tilespmem:s19], [sflag:$0x2] =	stream.indirect.gather [spmem:s3], $0x80, s18, s16, $0xb8;
	[tilespmem:$0x1F2C0] =	vst v63  }
0x98: {  	_ = 	snop  }
0x99: {  	[tilespmem:s21], [sflag:$0x3] =	stream.indirect.gather [spmem:s3], $0x80, s20, s16, $0xb8;
	[tilespmem:$0x1F2C0] =	vst v63  }
0x9a: {  	_ =	swait.ge [sflag:s22], $0x2800  }
0x9b: {  	[sflag:s22] =	ssyncset.done $0x0  }
0x9c: {  	[sflag:s22] =	ssyncadd.s32 $0xFFFFD800  }
0x9d: {  	[spmem:s2] =	stream.indirect.scatter.add.f32 [tilespmem:s17], [sflag:$0x5], $0x80, s4, s16, $0xb8;
	[tilespmem:$0x1F2C0] =	vst v63  }
0x9e: {  	_ = 	snop  }
0x9f: {  	[tilespmem:s24], [sflag:$0x4] =	stream.indirect.gather [spmem:s3], $0x80, s23, s16, $0xb8;
	[tilespmem:$0x1F2C0] =	vst v63  }
0xa0: {  	_ =	swait.ge [sflag:s25], $0x2800  }
0xa1: {  	[sflag:s25] =	ssyncset.done $0x0  }
0xa2: {  	[sflag:s25] =	ssyncadd.s32 $0xFFFFD800  }
0xa3: {  	[spmem:s2] =	stream.indirect.scatter.add.f32 [tilespmem:s19], [sflag:$0x6], $0x80, s16, s16, $0xb8;
	[tilespmem:$0x1F2C0] =	vst v63  }
0xa4: {  	_ =	swait.ge [sflag:s26], $0x2800  }
0xa5: {  	[sflag:s26] =	ssyncset.done $0x0  }
0xa6: {  	[sflag:s26] =	ssyncadd.s32 $0xFFFFD800  }
0xa7: {  	[tilespmem:s17], [sflag:$0x1] =	stream.indirect.gather [spmem:s3], $0x80, s28, s16, $0xb8;
	[tilespmem:$0x1F2C0] =	vst v63  }
0xa8: {  	_ =	swait.ge [sflag:s29], $0x2800  }
0xa9: {  	[sflag:s29] =	ssyncset.done $0x0  }
0xaa: {  	[sflag:s29] =	ssyncadd.s32 $0xFFFFD800  }
0xab: {  	[spmem:s2] =	stream.indirect.scatter.add.f32 [tilespmem:s21], [sflag:$0x7], $0x80, s30, s16, $0xb8;
	[tilespmem:$0x1F2C0] =	vst v63  }
0xac: {  	_ =	swait.ge [sflag:s31], $0x2800  }
0xad: {  	s11 =	smov.u32 s12;
	[sflag:s31] =	ssyncset.done $0x0  }
0xae: {  	s14 =	smov.u32 s11;
	s11 =	rddreg [dreg:$0x8];
	[sflag:s31] =	ssyncadd.s32 $0xFFFFD800  }
0xaf: {  	[tilespmem:s19], [sflag:$0x2] =	stream.indirect.gather [spmem:s3], $0x80, s11, s16, $0xb8;
	[tilespmem:$0x1F2C0] =	vst v63  }
0xb0: {  	_ =	swait.ge [sflag:s0], $0x2800  }
0xb1: {  	[sflag:s0] =	ssyncset.done $0x0  }
0xb2: {  	[sflag:s0] =	ssyncadd.s32 $0xFFFFD800  }
0xb3: {  	[spmem:s2] =	stream.indirect.scatter.add.f32 [tilespmem:s24], [sflag:$0x8], $0x80, s1, s16, $0xb8;
	[tilespmem:$0x1F2C0] =	vst v63  }
0xb4: {  	_ =	swait.ge [sflag:s5], $0x2800  }
0xb5: {  	[sflag:s5] =	ssyncset.done $0x0  }
0xb6: {  	s11 =	rddreg [dreg:$0x9];
	[sflag:s5] =	ssyncadd.s32 $0xFFFFD800  }
0xb7: {  	[tilespmem:s21], [sflag:$0x3] =	stream.indirect.gather [spmem:s3], $0x80, s11, s16, $0xb8;
	[tilespmem:$0x1F2C0] =	vst v63  }
0xb8: {  	_ =	swait.ge [sflag:s22], $0x2800  }
0xb9: {  	[sflag:s22] =	ssyncset.done $0x0  }
0xba: {  	[sflag:s22] =	ssyncadd.s32 $0xFFFFD800  }
0xbb: {  	[spmem:s2] =	stream.indirect.scatter.add.f32 [tilespmem:s17], [sflag:$0x5], $0x80, s7, s16, $0xb8;
	[tilespmem:$0x1F2C0] =	vst v63  }
0xbc: {  	_ =	swait.ge [sflag:s8], $0x2800  }
0xbd: {  	[sflag:s8] =	ssyncset.done $0x0  }
0xbe: {  	s11 =	rddreg [dreg:$0xa];
	[sflag:s8] =	ssyncadd.s32 $0xFFFFD800  }
0xbf: {  	[tilespmem:s24], [sflag:$0x4] =	stream.indirect.gather [spmem:s3], $0x80, s11, s16, $0xb8;
	[tilespmem:$0x1F2C0] =	vst v63  }
0xc0: {  	_ =	swait.ge [sflag:s25], $0x2800  }
0xc1: {  	[sflag:s25] =	ssyncset.done $0x0  }
0xc2: {  	s11 =	rddreg [dreg:$0xb];
	[sflag:s25] =	ssyncadd.s32 $0xFFFFD800  }
0xc3: {  	[spmem:s2] =	stream.indirect.scatter.add.f32 [tilespmem:s19], [sflag:$0x6], $0x80, s11, s16, $0xb8;
	[tilespmem:$0x1F2C0] =	vst v63  }
0xc4: {  	_ =	swait.ge [sflag:s26], $0x2800  }
0xc5: {  	[sflag:s26] =	ssyncset.done $0x0  }
0xc6: {  	s11 =	rddreg [dreg:$0xc];
	[sflag:s26] =	ssyncadd.s32 $0xFFFFD800  }
0xc7: {  	[tilespmem:s17], [sflag:$0x1] =	stream.indirect.gather [spmem:s3], $0x80, s11, s16, $0xb8;
	[tilespmem:$0x1F2C0] =	vst v63  }
0xc8: {  	_ =	swait.ge [sflag:s29], $0x2800  }
0xc9: {  	[sflag:s29] =	ssyncset.done $0x0  }
0xca: {  	s11 =	rddreg [dreg:$0xd];
	[sflag:s29] =	ssyncadd.s32 $0xFFFFD800  }
0xcb: {  	[spmem:s2] =	stream.indirect.scatter.add.f32 [tilespmem:s21], [sflag:$0x7], $0x80, s11, s16, $0xb8;
	[tilespmem:$0x1F2C0] =	vst v63  }
0xcc: {  	_ =	swait.ge [sflag:s31], $0x2800  }
0xcd: {  	[sflag:s31] =	ssyncset.done $0x0  }
0xce: {  	s11 =	rddreg [dreg:$0xe];
	[sflag:s31] =	ssyncadd.s32 $0xFFFFD800  }
0xcf: {  	[tilespmem:s19], [sflag:$0x2] =	stream.indirect.gather [spmem:s3], $0x80, s11, s16, $0xb8;
	[tilespmem:$0x1F2C0] =	vst v63  }
0xd0: {  	_ =	swait.ge [sflag:s0], $0x2800  }
0xd1: {  	[sflag:s0] =	ssyncset.done $0x0  }
0xd2: {  	s11 =	rddreg [dreg:$0xf];
	[sflag:s0] =	ssyncadd.s32 $0xFFFFD800  }
0xd3: {  	[spmem:s2] =	stream.indirect.scatter.add.f32 [tilespmem:s24], [sflag:$0x8], $0x80, s11, s16, $0xb8;
	[tilespmem:$0x1F2C0] =	vst v63  }
0xd4: {  	_ =	swait.ge [sflag:s22], $0x2800  }
0xd5: {  	[sflag:s22] =	ssyncset.done $0x0  }
0xd6: {  	[sflag:s22] =	ssyncadd.s32 $0xFFFFD800  }
0xd7: {  	[spmem:s2] =	stream.indirect.scatter.add.f32 [tilespmem:s17], [sflag:$0x5], $0x80, s9, s16, $0xb8;
	[tilespmem:$0x1F2C0] =	vst v63  }
0xd8: {  	_ =	swait.ge [sflag:s25], $0x2800  }
0xd9: {  	[sflag:s25] =	ssyncset.done $0x0  }
0xda: {  	[sflag:s25] =	ssyncadd.s32 $0xFFFFD800  }
0xdb: {  	[spmem:s2] =	stream.indirect.scatter.add.f32 [tilespmem:s19], [sflag:$0x6], $0x80, s10, s16, $0xb8;
	[tilespmem:$0x1F2C0] =	vst v63  }
0xdc: {  	_ =	swait.ge [sflag:s5], $0x2800  }
0xdd: {  	[sflag:s5] =	ssyncset.done $0x0  }
0xde: {  	[sflag:s5] =	ssyncadd.s32 $0xFFFFD800  }
0xdf: {  	_ =	swait.ge [sflag:s8], $0x2800  }
0xe0: {  	[sflag:s8] =	ssyncset.done $0x0  }
0xe1: {  	p0 =	sne.s32 s12, $0x44C;
	[sflag:s8] =	ssyncadd.s32 $0xFFFFD800  }
.Ltmp0:
0xe2: {  	_ =	swait.ge [sflag:s26], $0x2800;
	(pc) =	sbr.rel @p0 .LBB2_2-.Ltmp0, $4  }
0xe3: {  	[sflag:s26] =	ssyncset.done $0x0  }
0xe4: {  	[sflag:s26] =	ssyncadd.s32 $0xFFFFD800  }
0xe5: {  	_ =	swait.ge [sflag:s31], $0x2800  }
0xe6: {  	s12 =	sadd.s32 $0x64, s12;
	s6 =	rddreg [dreg:$0x7];
	[sflag:s31] =	ssyncset.done $0x0  }
0xe7: {  	[sflag:s31] =	ssyncadd.s32 $0xFFFFD800;
	s6 =	sadd.s32 s14, s6  }
0xe8: {  	[tilespmem:s4], [sflag:$0x9] =	stream.linear.gather [hbm4b:s6+s4], $0x320, $0x38;
	[tilespmem:$0x1F2C0] =	vst v63  }
0xe9: {  	_ =	swait.ge [sflag:s13], $0x320  }
0xea: {  	s11 =	rddreg [dreg:$0x6];
	[sflag:s13] =	ssyncset.done $0x0  }
0xeb: {  	s6 =	sadd.s32 s14, s11;
	[sflag:s13] =	ssyncadd.s32 $0xFFFFFCE0  }
0xec: {  	[tilespmem:s15], [sflag:$0x9] =	stream.linear.gather [hbm4b:s6+s4], $0x320, $0x38;
	[tilespmem:$0x1F2C0] =	vst v63  }
0xed: {  	_ =	swait.ge [sflag:s13], $0x320  }
0xee: {  	[sflag:s13] =	ssyncset.done $0x0  }
0xef: {  	[sflag:s13] =	ssyncadd.s32 $0xFFFFFCE0  }
0xf0: {  	[tilespmem:s17], [sflag:$0x1] =	stream.indirect.gather [spmem:s3], $0x80, s15, s16, $0xb8;
	[tilespmem:$0x1F2C0] =	vst v63  }
0xf1: {  	_ = 	snop  }
0xf2: {  	[tilespmem:s19], [sflag:$0x2] =	stream.indirect.gather [spmem:s3], $0x80, s18, s16, $0xb8;
	[tilespmem:$0x1F2C0] =	vst v63  }
0xf3: {  	_ = 	snop  }
0xf4: {  	[tilespmem:s21], [sflag:$0x3] =	stream.indirect.gather [spmem:s3], $0x80, s20, s16, $0xb8;
	[tilespmem:$0x1F2C0] =	vst v63  }
0xf5: {  	_ =	swait.ge [sflag:s22], $0x2800  }
0xf6: {  	[sflag:s22] =	ssyncset.done $0x0  }
0xf7: {  	[sflag:s22] =	ssyncadd.s32 $0xFFFFD800  }
0xf8: {  	[spmem:s2] =	stream.indirect.scatter.add.f32 [tilespmem:s17], [sflag:$0x5], $0x80, s4, s16, $0xb8;
	[tilespmem:$0x1F2C0] =	vst v63  }
0xf9: {  	_ = 	snop  }
0xfa: {  	[tilespmem:s24], [sflag:$0x4] =	stream.indirect.gather [spmem:s3], $0x80, s23, s16, $0xb8;
	[tilespmem:$0x1F2C0] =	vst v63  }
0xfb: {  	_ =	swait.ge [sflag:s25], $0x2800  }
0xfc: {  	[sflag:s25] =	ssyncset.done $0x0  }
0xfd: {  	[sflag:s25] =	ssyncadd.s32 $0xFFFFD800  }
0xfe: {  	[spmem:s2] =	stream.indirect.scatter.add.f32 [tilespmem:s19], [sflag:$0x6], $0x80, s16, s16, $0xb8;
	[tilespmem:$0x1F2C0] =	vst v63  }
0xff: {  	_ =	swait.ge [sflag:s26], $0x2800  }
0x100: {  	[sflag:s26] =	ssyncset.done $0x0  }
0x101: {  	[sflag:s26] =	ssyncadd.s32 $0xFFFFD800  }
0x102: {  	[tilespmem:s17], [sflag:$0x1] =	stream.indirect.gather [spmem:s3], $0x80, s28, s16, $0xb8;
	[tilespmem:$0x1F2C0] =	vst v63  }
0x103: {  	_ =	swait.ge [sflag:s29], $0x2800  }
0x104: {  	[sflag:s29] =	ssyncset.done $0x0  }
0x105: {  	[sflag:s29] =	ssyncadd.s32 $0xFFFFD800  }
0x106: {  	[spmem:s2] =	stream.indirect.scatter.add.f32 [tilespmem:s21], [sflag:$0x7], $0x80, s30, s16, $0xb8;
	[tilespmem:$0x1F2C0] =	vst v63  }
0x107: {  	_ =	swait.ge [sflag:s31], $0x2800  }
0x108: {  	[sflag:s31] =	ssyncset.done $0x0  }
0x109: {  	s12 =	rddreg [dreg:$0x8];
	[sflag:s31] =	ssyncadd.s32 $0xFFFFD800  }
0x10a: {  	[tilespmem:s19], [sflag:$0x2] =	stream.indirect.gather [spmem:s3], $0x80, s12, s16, $0xb8;
	[tilespmem:$0x1F2C0] =	vst v63  }
0x10b: {  	_ =	swait.ge [sflag:s0], $0x2800  }
0x10c: {  	[sflag:s0] =	ssyncset.done $0x0  }
0x10d: {  	[sflag:s0] =	ssyncadd.s32 $0xFFFFD800  }
0x10e: {  	[spmem:s2] =	stream.indirect.scatter.add.f32 [tilespmem:s24], [sflag:$0x8], $0x80, s1, s16, $0xb8;
	[tilespmem:$0x1F2C0] =	vst v63  }
0x10f: {  	_ =	swait.ge [sflag:s5], $0x2800  }
0x110: {  	[sflag:s5] =	ssyncset.done $0x0  }
0x111: {  	s14 =	rddreg [dreg:$0x9];
	[sflag:s5] =	ssyncadd.s32 $0xFFFFD800  }
0x112: {  	[tilespmem:s21], [sflag:$0x3] =	stream.indirect.gather [spmem:s3], $0x80, s14, s16, $0xb8;
	[tilespmem:$0x1F2C0] =	vst v63  }
0x113: {  	_ =	swait.ge [sflag:s22], $0x2800  }
0x114: {  	[sflag:s22] =	ssyncset.done $0x0  }
0x115: {  	[sflag:s22] =	ssyncadd.s32 $0xFFFFD800  }
0x116: {  	[spmem:s2] =	stream.indirect.scatter.add.f32 [tilespmem:s17], [sflag:$0x5], $0x80, s7, s16, $0xb8;
	[tilespmem:$0x1F2C0] =	vst v63  }
0x117: {  	_ =	swait.ge [sflag:s8], $0x2800  }
0x118: {  	[sflag:s8] =	ssyncset.done $0x0  }
0x119: {  	s11 =	rddreg [dreg:$0xa];
	[sflag:s8] =	ssyncadd.s32 $0xFFFFD800  }
0x11a: {  	[tilespmem:s24], [sflag:$0x4] =	stream.indirect.gather [spmem:s3], $0x80, s11, s16, $0xb8;
	[tilespmem:$0x1F2C0] =	vst v63  }
0x11b: {  	_ =	swait.ge [sflag:s25], $0x2800  }
0x11c: {  	[sflag:s25] =	ssyncset.done $0x0  }
0x11d: {  	s12 =	rddreg [dreg:$0xb];
	[sflag:s25] =	ssyncadd.s32 $0xFFFFD800  }
0x11e: {  	[spmem:s2] =	stream.indirect.scatter.add.f32 [tilespmem:s19], [sflag:$0x6], $0x80, s12, s16, $0xb8;
	[tilespmem:$0x1F2C0] =	vst v63  }
0x11f: {  	_ =	swait.ge [sflag:s26], $0x2800  }
0x120: {  	[sflag:s26] =	ssyncset.done $0x0  }
0x121: {  	s14 =	rddreg [dreg:$0xc];
	[sflag:s26] =	ssyncadd.s32 $0xFFFFD800  }
0x122: {  	[tilespmem:s17], [sflag:$0x1] =	stream.indirect.gather [spmem:s3], $0x80, s14, s16, $0xb8;
	[tilespmem:$0x1F2C0] =	vst v63  }
0x123: {  	_ =	swait.ge [sflag:s29], $0x2800  }
0x124: {  	[sflag:s29] =	ssyncset.done $0x0  }
0x125: {  	s11 =	rddreg [dreg:$0xd];
	[sflag:s29] =	ssyncadd.s32 $0xFFFFD800  }
0x126: {  	[spmem:s2] =	stream.indirect.scatter.add.f32 [tilespmem:s21], [sflag:$0x7], $0x80, s11, s16, $0xb8;
	[tilespmem:$0x1F2C0] =	vst v63  }
0x127: {  	_ =	swait.ge [sflag:s31], $0x2800  }
0x128: {  	[sflag:s31] =	ssyncset.done $0x0  }
0x129: {  	s12 =	rddreg [dreg:$0xe];
	[sflag:s31] =	ssyncadd.s32 $0xFFFFD800  }
0x12a: {  	[tilespmem:s19], [sflag:$0x2] =	stream.indirect.gather [spmem:s3], $0x80, s12, s16, $0xb8;
	[tilespmem:$0x1F2C0] =	vst v63  }
0x12b: {  	_ =	swait.ge [sflag:s0], $0x2800  }
0x12c: {  	[sflag:s0] =	ssyncset.done $0x0  }
0x12d: {  	s14 =	rddreg [dreg:$0xf];
	[sflag:s0] =	ssyncadd.s32 $0xFFFFD800  }
0x12e: {  	[spmem:s2] =	stream.indirect.scatter.add.f32 [tilespmem:s24], [sflag:$0x8], $0x80, s14, s16, $0xb8;
	[tilespmem:$0x1F2C0] =	vst v63  }
0x12f: {  	_ =	swait.ge [sflag:s22], $0x2800  }
0x130: {  	[sflag:s22] =	ssyncset.done $0x0  }
0x131: {  	[sflag:s22] =	ssyncadd.s32 $0xFFFFD800  }
0x132: {  	[spmem:s2] =	stream.indirect.scatter.add.f32 [tilespmem:s17], [sflag:$0x5], $0x80, s9, s16, $0xb8;
	[tilespmem:$0x1F2C0] =	vst v63  }
0x133: {  	_ =	swait.ge [sflag:s25], $0x2800  }
0x134: {  	[sflag:s25] =	ssyncset.done $0x0  }
0x135: {  	[sflag:s25] =	ssyncadd.s32 $0xFFFFD800  }
0x136: {  	[spmem:s2] =	stream.indirect.scatter.add.f32 [tilespmem:s19], [sflag:$0x6], $0x80, s10, s16, $0xb8;
	[tilespmem:$0x1F2C0] =	vst v63  }
0x137: {  	_ =	swait.ge [sflag:s5], $0x2800  }
0x138: {  	[sflag:s5] =	ssyncset.done $0x0  }
0x139: {  	[sflag:s5] =	ssyncadd.s32 $0xFFFFD800  }
0x13a: {  	_ =	swait.ge [sflag:s8], $0x2800  }
0x13b: {  	[sflag:s8] =	ssyncset.done $0x0  }
0x13c: {  	[sflag:s8] =	ssyncadd.s32 $0xFFFFD800  }
0x13d: {  	_ =	swait.ge [sflag:s26], $0x2800  }
0x13e: {  	[sflag:s26] =	ssyncset.done $0x0  }
0x13f: {  	[sflag:s26] =	ssyncadd.s32 $0xFFFFD800  }
0x140: {  	_ =	swait.ge [sflag:s31], $0x2800  }
0x141: {  	[sflag:s31] =	ssyncset.done $0x0  }
0x142: {  	s11 =	rddreg [dreg:$0x13];
	[sflag:s31] =	ssyncadd.s32 $0xFFFFD800  }
0x143: {  	[tilespmem:s4], [sflag:$0x9] =	stream.linear.gather [hbm4b:s11+s4], $0x190, $0x38;
	[tilespmem:$0x1F2C0] =	vst v63  }
0x144: {  	_ =	swait.ge [sflag:s13], $0x190  }
0x145: {  	[sflag:s13] =	ssyncset.done $0x0  }
0x146: {  	s12 =	rddreg [dreg:$0x14];
	[sflag:s13] =	ssyncadd.s32 $0xFFFFFE70  }
0x147: {  	[tilespmem:s15], [sflag:$0x9] =	stream.linear.gather [hbm4b:s12+s4], $0x190, $0x38;
	[tilespmem:$0x1F2C0] =	vst v63  }
0x148: {  	_ =	swait.ge [sflag:s13], $0x190  }
0x149: {  	[sflag:s13] =	ssyncset.done $0x0  }
0x14a: {  	[sflag:s13] =	ssyncadd.s32 $0xFFFFFE70  }
0x14b: {  	[tilespmem:s17], [sflag:$0x1] =	stream.indirect.gather [spmem:s3], $0x80, s15, s16, $0xb8;
	[tilespmem:$0x1F2C0] =	vst v63  }
0x14c: {  	_ = 	snop  }
0x14d: {  	[tilespmem:s19], [sflag:$0x2] =	stream.indirect.gather [spmem:s3], $0x80, s18, s16, $0xb8;
	[tilespmem:$0x1F2C0] =	vst v63  }
0x14e: {  	_ = 	snop  }
0x14f: {  	[tilespmem:s21], [sflag:$0x3] =	stream.indirect.gather [spmem:s3], $0x80, s20, s16, $0xb8;
	[tilespmem:$0x1F2C0] =	vst v63  }
0x150: {  	_ =	swait.ge [sflag:s22], $0x2800  }
0x151: {  	[sflag:s22] =	ssyncset.done $0x0  }
0x152: {  	[sflag:s22] =	ssyncadd.s32 $0xFFFFD800  }
0x153: {  	[spmem:s2] =	stream.indirect.scatter.add.f32 [tilespmem:s17], [sflag:$0x5], $0x80, s4, s16, $0xb8;
	[tilespmem:$0x1F2C0] =	vst v63  }
0x154: {  	_ = 	snop  }
0x155: {  	[tilespmem:s24], [sflag:$0x4] =	stream.indirect.gather [spmem:s3], $0x80, s23, s16, $0xb8;
	[tilespmem:$0x1F2C0] =	vst v63  }
0x156: {  	_ =	swait.ge [sflag:s25], $0x2800  }
0x157: {  	[sflag:s25] =	ssyncset.done $0x0  }
0x158: {  	[sflag:s25] =	ssyncadd.s32 $0xFFFFD800  }
0x159: {  	[spmem:s2] =	stream.indirect.scatter.add.f32 [tilespmem:s19], [sflag:$0x6], $0x80, s16, s16, $0xb8;
	[tilespmem:$0x1F2C0] =	vst v63  }
0x15a: {  	_ =	swait.ge [sflag:s26], $0x2800  }
0x15b: {  	[sflag:s26] =	ssyncset.done $0x0  }
0x15c: {  	[sflag:s26] =	ssyncadd.s32 $0xFFFFD800  }
0x15d: {  	[tilespmem:s17], [sflag:$0x1] =	stream.indirect.gather [spmem:s3], $0x80, s28, s16, $0xb8;
	[tilespmem:$0x1F2C0] =	vst v63  }
0x15e: {  	_ =	swait.ge [sflag:s29], $0x2800  }
0x15f: {  	[sflag:s29] =	ssyncset.done $0x0  }
0x160: {  	[sflag:s29] =	ssyncadd.s32 $0xFFFFD800  }
0x161: {  	[spmem:s2] =	stream.indirect.scatter.add.f32 [tilespmem:s21], [sflag:$0x7], $0x80, s30, s16, $0xb8;
	[tilespmem:$0x1F2C0] =	vst v63  }
0x162: {  	_ =	swait.ge [sflag:s0], $0x2800  }
0x163: {  	[sflag:s0] =	ssyncset.done $0x0  }
0x164: {  	[sflag:s0] =	ssyncadd.s32 $0xFFFFD800  }
0x165: {  	[spmem:s2] =	stream.indirect.scatter.add.f32 [tilespmem:s24], [sflag:$0x8], $0x80, s1, s16, $0xb8;
	[tilespmem:$0x1F2C0] =	vst v63  }
0x166: {  	_ =	swait.ge [sflag:s22], $0x2800  }
0x167: {  	[sflag:s22] =	ssyncset.done $0x0  }
0x168: {  	[sflag:s22] =	ssyncadd.s32 $0xFFFFD800  }
0x169: {  	[spmem:s2] =	stream.indirect.scatter.add.f32 [tilespmem:s17], [sflag:$0x5], $0x80, s7, s16, $0xb8;
	[tilespmem:$0x1F2C0] =	vst v63  }
0x16a: {  	_ =	swait.ge [sflag:s31], $0x2800  }
0x16b: {  	[sflag:s31] =	ssyncset.done $0x0  }
0x16c: {  	[sflag:s31] =	ssyncadd.s32 $0xFFFFD800  }
0x16d: {  	_ =	swait.ge [sflag:s5], $0x2800  }
0x16e: {  	[sflag:s5] =	ssyncset.done $0x0  }
0x16f: {  	[sflag:s5] =	ssyncadd.s32 $0xFFFFD800  }
0x170: {  	_ =	swait.ge [sflag:s8], $0x2800  }
0x171: {  	[sflag:s8] =	ssyncset.done $0x0  }
0x172: {  	[sflag:s8] =	ssyncadd.s32 $0xFFFFD800  }
0x173: {  	_ =	swait.ge [sflag:s26], $0x2800  }
0x174: {  	[sflag:s26] =	ssyncset.done $0x0  }
0x175: {  	[sflag:s26] =	ssyncadd.s32 $0xFFFFD800  }
0x176: {  	[bflag:$0x0] =	sbarrier.arrive $0xFFFF  }
0x177: {  	s11 =	rddreg [dreg:$0x11]  }
0x178: {  	s14 =	rddreg [dreg:$0x15]  }
0x179: {  	s12 =	rddreg [dreg:$0x17]  }
0x17a: {  	[hbm:s14], [sflag:s11] =	dma.local [spmem:s12], $0x2800  }
0x17b: {  	_ =	swait.ge [sflag:s13], $0x2800  }
0x17c: {  	s6 =	rddreg [dreg:$0x19]  }
0x17d: {  	s14 =	sadd.s32 $0x1, s6;
	s6 =	rddreg [dreg:$0x16]  }
0x17e: {  	p0 =	sne.s32 s14, s6  }
.Ltmp1:
0x17f: {  	_ = 	snop;
	(pc) =	sbr.rel @p0 .LBB2_1-.Ltmp1, $3  }
0x180: {  	_ =	sdelay $0x1  }
0x181: {  	[sflag:s13] =	ssyncset.done $0x0  }
0x182: {  	[sflag:s13] =	ssyncadd.s32 $0xFFFFD800  }
0x183: {  	_ =	sfence.sel $0x180000  }
0x184: {  	[bflag:$0x0] =	sbarrier.arrive $0xFFFF  }
0x185: {  	_ =	strace $0x9000004A  }
0x186: {  	s0 =	stileid.u32;
	[bflag:$0x2] =	sbarrier.arrive $0xFFFF  }
0x187: {  	p0 =	sne.s32 s0, $0x0;
	s0 =	rddreg [dreg:$0x5]  }
0x188: {  	s0 =	sadd.s32 @!p0 $0x100000, s0  }
0x189: {  	[sflag:s0] =	ssyncadd.tile.s32 @!p0 $0x1;
	_ =	shalt  }
.Lfunc_end2:
_tile_overlayer_lowered:
.L_overlay_start_2:
0x18a: {  	(tag) =	ssettag $0x2  }
0x18b: {  	s0 =	rddreg [dreg:$0x0];
	s2 =	stileid.u32  }
0x18c: {  	s1 =	rddreg [dreg:$0x1];
	p0 =	sne.s32 s2, $0x0  }
0x18d: {  	s3 =	rddreg [dreg:$0x2];
	[bflag:$0x3] =	sbarrier.arrive $0xFFFF;
	s2 =	simm.s32 @!p0 $0x1C09  }
0x18e: {  	[timem:s3], [sflag:s2] =	dma.local @!p0 [hbm:s0], s1  }
0x18f: {  	s0 =	simm.s32 @!p0 $0x9  }
0x190: {  	_ =	swait.ge @!p0 [sflag:s0], s1  }
0x191: {  	s1 =	ssub.s32 @!p0 $0x0, s1;
	[sflag:s0] =	ssyncset.done @!p0 $0x0  }
0x192: {  	[sflag:s0] =	ssyncadd.s32 @!p0 s1  }
0x193: {  	[bflag:$0x3] =	sbarrier.arrive $0xFFFF  }
0x194: {  	_ =	shalt  }

</sc_bundles>
